<compile_context>
chip_gen: v7x
topology: tpu7x:2x2x1
jax: 0.10.2.dev20260603
libtpu: 0.0.44.dev20260713+nightly
codegen_flags: <defaults>
</compile_context>

<pallas_src>
import functools

import jax
import jax.numpy as jnp
from jax import lax
from jax.experimental import pallas as pl
from jax.experimental.pallas import tpu as pltpu
from jax.experimental.pallas import tpu_sc as plsc

N = 10000
D = 128
E = 320000
G = 64
C_OUT = 32

NC = 2
NS = 16
NW = NC * NS

NP = 10112
RPT = NP // NS

CH = 128
EPAD = 327680
EPT = EPAD // NW
EPC = EPAD // NC
NCHUNK = EPT // CH

_MESH = plsc.VectorSubcoreMesh(core_axis_name="c", subcore_axis_name="s",
                               num_cores=NC, num_subcores=NS)



NB = 2
SEG = 40
C0T = 160
C1T = 0
assert NS * (C0T + C1T) == EPAD // CH


@functools.partial(
    pl.kernel,
    out_type=jax.ShapeDtypeStruct((NC, NP, D), jnp.float32),
    mesh=_MESH,
    scratch_types=[
        pltpu.VMEM((NCHUNK, CH), jnp.int32),
        pltpu.VMEM((CH, D), jnp.float32),
        pltpu.VMEM_SHARED((NP, D), jnp.float32),
    ],
)
def _sc_degree(dst_hbm, ones_hbm, zeros_hbm, out_hbm, dstall, onesv, degsh):
    c = lax.axis_index("c")
    s = lax.axis_index("s")
    row0 = s * RPT
    pltpu.sync_copy(zeros_hbm.at[pl.ds(row0, RPT)], degsh.at[pl.ds(row0, RPT)])
    pltpu.sync_copy(ones_hbm, onesv)
    chunk0 = (c * NS + s) * NCHUNK
    pltpu.sync_copy(dst_hbm.at[pl.ds(chunk0, NCHUNK)], dstall)
    plsc.subcore_barrier()

    def body(ci, carry):
        pltpu.sync_copy(onesv, degsh.at[dstall.at[ci]], add=True)
        return carry

    lax.fori_loop(0, NCHUNK, body, 0)
    plsc.subcore_barrier()
    pltpu.sync_copy(degsh.at[pl.ds(row0, RPT)], out_hbm.at[c, pl.ds(row0, RPT)])


@functools.partial(
    pl.kernel,
    out_type=jax.ShapeDtypeStruct((NC, NP, D), jnp.float32),
    mesh=_MESH,
    scratch_types=[
        pltpu.VMEM((SEG, CH), jnp.int32),
        pltpu.VMEM((SEG, CH), jnp.int32),
        pltpu.VMEM((NB, CH, D), jnp.float32),
        pltpu.VMEM_SHARED((NP, D), jnp.float32),
    ] + [pltpu.SemaphoreType.DMA] * (2 * NB),
)
def _sc_agg(xt_hbm, src_hbm, dst_hbm, zeros_hbm, out_hbm,
            srch, dsth, rows, accsh, *sems):
    c = lax.axis_index("c")
    s = lax.axis_index("s")
    row0 = s * RPT
    pltpu.sync_copy(zeros_hbm.at[pl.ds(row0, RPT)], accsh.at[pl.ds(row0, RPT)])
    chunk0 = jnp.where(c == 0, s * C0T, NS * C0T + s * C1T)
    nseg = jnp.where(c == 0, C0T // SEG, C1T // SEG)
    plsc.subcore_barrier()

    def seg_body(si, carry):
        seg0 = chunk0 + si * SEG
        pltpu.sync_copy(src_hbm.at[pl.ds(seg0, SEG)], srch)
        pltpu.sync_copy(dst_hbm.at[pl.ds(seg0, SEG)], dsth)

        for b in range(NB):
            pltpu.async_copy(xt_hbm.at[srch.at[b]], rows.at[b], sems[b])

        def body(i, carry2):
            g0 = i * 2 * NB
            for b in range(2 * NB):
                g = g0 + b
                pltpu.make_async_copy(xt_hbm.at[srch.at[g]],
                                      rows.at[b % NB], sems[b]).wait()
                pltpu.sync_copy(rows.at[b % NB], accsh.at[dsth.at[g]],
                                add=True)

                @pl.when(g + NB < SEG)
                def _prefetch():
                    pltpu.async_copy(xt_hbm.at[srch.at[g + NB]],
                                     rows.at[b % NB], sems[(b + NB) % (2 * NB)])
            return carry2

        lax.fori_loop(0, SEG // (2 * NB), body, 0)
        return carry

    lax.fori_loop(0, nseg, seg_body, 0)

    plsc.subcore_barrier()
    pltpu.sync_copy(accsh.at[pl.ds(row0, RPT)], out_hbm.at[c, pl.ds(row0, RPT)])



def _row_spec(w):
    return pl.BlockSpec((RPT, w), lambda i: (i, 0))


def _full_spec(h, w):
    return pl.BlockSpec((h, w), lambda i: (0, 0))


def _tc_prep(xpad, deg0, deg1, W0):
    def body(x_ref, d0_ref, d1_ref, w_ref, dinv_ref, xtp_ref):
        deg = d0_ref[:, 0:1] + d1_ref[:, 0:1] + 1.0
        dinv = jnp.broadcast_to(lax.rsqrt(deg), (RPT, D))
        dinv_ref[...] = dinv
        xtp_ref[...] = dinv * jnp.dot(x_ref[...], w_ref[...],
                                      preferred_element_type=jnp.float32)

    return pl.pallas_call(
        body,
        grid=(NS,),
        in_specs=[_row_spec(D), _row_spec(D), _row_spec(D), _full_spec(D, D)],
        out_specs=[_row_spec(D), _row_spec(D)],
        out_shape=[jax.ShapeDtypeStruct((NP, D), jnp.float32)] * 2,
    )(xpad, deg0, deg1, W0)


def _tc_update(p0, p1, xtp, dinv, b, Wn):
    def body(p0_ref, p1_ref, xtp_ref, dinv_ref, b_ref, w_ref, out_ref):
        dv = dinv_ref[...]
        h = jnp.tanh(dv * (p0_ref[...] + p1_ref[...] + xtp_ref[...]) + b_ref[...])
        out_ref[...] = dv * jnp.dot(h, w_ref[...],
                                    preferred_element_type=jnp.float32)

    return pl.pallas_call(
        body,
        grid=(NS,),
        in_specs=[_row_spec(D), _row_spec(D), _row_spec(D), _row_spec(D),
                  _full_spec(1, D), _full_spec(D, D)],
        out_specs=_row_spec(D),
        out_shape=jax.ShapeDtypeStruct((NP, D), jnp.float32),
    )(p0, p1, xtp, dinv, b, Wn)


def _tc_last(p0, p1, xtp, dinv, b):
    def body(p0_ref, p1_ref, xtp_ref, dinv_ref, b_ref, out_ref):
        out_ref[...] = jnp.tanh(
            dinv_ref[...] * (p0_ref[...] + p1_ref[...] + xtp_ref[...])
            + b_ref[...])

    return pl.pallas_call(
        body,
        grid=(NS,),
        in_specs=[_row_spec(D), _row_spec(D), _row_spec(D), _row_spec(D),
                  _full_spec(1, D)],
        out_specs=_row_spec(D),
        out_shape=jax.ShapeDtypeStruct((NP, D), jnp.float32),
    )(p0, p1, xtp, dinv, b)


_PB = 1000
_PBLK = N // _PB


def _tc_pool(h, batch3, Wout, bout):
    def body(h_ref, b_ref, w_ref, bo_ref, out_ref, maxs, sums, cnts):
        i = pl.program_id(0)

        @pl.when(i == 0)
        def _init():
            maxs[...] = jnp.full((G, D), -jnp.inf, jnp.float32)
            sums[...] = jnp.zeros((G, D), jnp.float32)
            cnts[...] = jnp.zeros((G, D), jnp.float32)

        hv = h_ref[...]
        ids = b_ref[...].reshape(_PB, 1)
        gcols = lax.broadcasted_iota(jnp.int32, (_PB, G), 1)
        ohT = (ids == gcols).astype(jnp.float32)
        sums[...] += lax.dot_general(ohT, hv, (((0,), (0,)), ((), ())),
                                     preferred_element_type=jnp.float32)
        cnts[...] += lax.dot_general(ohT, jnp.ones((_PB, D), jnp.float32),
                                     (((0,), (0,)), ((), ())),
                                     preferred_element_type=jnp.float32)
        for g in range(G):
            msk = ids == g
            vmax = jnp.max(jnp.where(msk, hv, -jnp.inf), axis=0)
            maxs[g:g + 1, :] = jnp.maximum(maxs[g:g + 1, :], vmax[None, :])

        @pl.when(i == _PBLK - 1)
        def _finish():
            hmean = sums[...] / jnp.maximum(cnts[...], 1.0)
            pooled = jnp.concatenate([maxs[...], hmean], axis=1)
            out_ref[...] = (jnp.dot(pooled, w_ref[...],
                                    preferred_element_type=jnp.float32)
                            + bo_ref[...])

    return pl.pallas_call(
        body,
        grid=(_PBLK,),
        in_specs=[pl.BlockSpec((_PB, D), lambda i: (i, 0)),
                  pl.BlockSpec((1, _PB, 1), lambda i: (i, 0, 0)),
                  _full_spec(2 * D, C_OUT),
                  _full_spec(1, C_OUT)],
        out_specs=pl.BlockSpec((G, C_OUT), lambda i: (0, 0)),
        out_shape=jax.ShapeDtypeStruct((G, C_OUT), jnp.float32),
        scratch_shapes=[pltpu.VMEM((G, D), jnp.float32),
                        pltpu.VMEM((G, D), jnp.float32),
                        pltpu.VMEM((G, D), jnp.float32)],
    )(h, batch3, Wout, bout)



def kernel(x, edge_index, batch, W0, b0, W1, b1, W2, b2, W3, b3, Wout, bout):
    pad_idx = jnp.full((EPAD - E,), N, jnp.int32)
    srcp = jnp.concatenate([edge_index[0], pad_idx]).reshape(EPAD // CH, CH)
    dstp = jnp.concatenate([edge_index[1], pad_idx]).reshape(EPAD // CH, CH)

    onesr = jnp.ones((CH, D), jnp.float32)
    zrows = jnp.zeros((NP, D), jnp.float32)
    xpad = jnp.zeros((NP, D), jnp.float32).at[:N].set(x)

    degp = _sc_degree(dstp, onesr, zrows)
    dinv, xtp = _tc_prep(xpad, degp[0], degp[1], W0)

    for bl, Wn in ((b0, W1), (b1, W2), (b2, W3)):
        parts = _sc_agg(xtp, srcp, dstp, zrows)
        xtp = _tc_update(parts[0], parts[1], xtp, dinv,
                         bl.reshape(1, D), Wn)

    parts = _sc_agg(xtp, srcp, dstp, zrows)
    h4 = _tc_last(parts[0], parts[1], xtp, dinv, b3.reshape(1, D))

    out = _tc_pool(h4[:N], batch.reshape(_PBLK, _PB, 1),
                   Wout, bout.reshape(1, C_OUT))
    return out

# --- scband reference (transcript-rebuilt; emitter-appended) ---
"""Pipeline reference for scband-shallow-gcn-68358699483284 (READ-ONLY COPY).

The authoritative reference and input builder live on the scoring server;
editing this copy changes nothing except your own understanding.
"""

import jax, jax.numpy as jnp
import numpy as np

N_NODES = 10000
N_EDGES = 320000
D_FEAT = 128
D_HID = 128
N_CLASSES = 32
N_GRAPHS = 64


def setup_inputs(seed: int = 0) -> dict:
    key = jax.random.key(seed)
    ks = jax.random.split(key, 16)
    x = jax.random.normal(ks[0], (N_NODES, D_FEAT), dtype=jnp.float32)
    edge_index = jax.random.randint(ks[1], (2, N_EDGES), 0, N_NODES, dtype=jnp.int32)
    batch = jnp.sort(jax.random.randint(ks[2], (N_NODES,), 0, N_GRAPHS, dtype=jnp.int32))
    def glorot(k, fan_in, fan_out):
        s = (6.0 / (fan_in + fan_out)) ** 0.5
        return jax.random.uniform(k, (fan_in, fan_out), jnp.float32, -s, s)
    W0 = glorot(ks[3], D_FEAT, D_HID); b0 = jnp.zeros((D_HID,), jnp.float32)
    W1 = glorot(ks[4], D_HID, D_HID); b1 = jnp.zeros((D_HID,), jnp.float32)
    W2 = glorot(ks[5], D_HID, D_HID); b2 = jnp.zeros((D_HID,), jnp.float32)
    W3 = glorot(ks[6], D_HID, D_HID); b3 = jnp.zeros((D_HID,), jnp.float32)
    Wout = glorot(ks[7], 2 * D_HID, N_CLASSES); bout = jnp.zeros((N_CLASSES,), jnp.float32)
    return {"x": x, "edge_index": edge_index, "batch": batch,
            "W0": W0, "b0": b0, "W1": W1, "b1": b1, "W2": W2, "b2": b2,
            "W3": W3, "b3": b3, "Wout": Wout, "bout": bout}


def gcn_conv(x, edge_index, W, b):
    # PyG GCNConv: add self-loops, symmetric normalization D^-1/2 (A+I) D^-1/2 X W + b
    n = x.shape[0]
    loop = jnp.arange(n, dtype=edge_index.dtype)
    src = jnp.concatenate([edge_index[0], loop])
    dst = jnp.concatenate([edge_index[1], loop])
    deg = jax.ops.segment_sum(jnp.ones_like(src, dtype=x.dtype), dst, num_segments=n)
    dinv = jnp.where(deg > 0, deg ** -0.5, 0.0)
    norm = dinv[src] * dinv[dst]
    xt = x @ W
    msg = jnp.take(xt, src, axis=0) * norm[:, None]
    out = jax.ops.segment_sum(msg, dst, num_segments=n)
    return out + b


def reference(x, edge_index, batch, W0, b0, W1, b1, W2, b2, W3, b3, Wout, bout):
    h = jnp.tanh(gcn_conv(x, edge_index, W0, b0))
    h = jnp.tanh(gcn_conv(h, edge_index, W1, b1))
    h = jnp.tanh(gcn_conv(h, edge_index, W2, b2))
    h = jnp.tanh(gcn_conv(h, edge_index, W3, b3))
    hmax = jax.ops.segment_max(h, batch, num_segments=N_GRAPHS)
    hsum = jax.ops.segment_sum(h, batch, num_segments=N_GRAPHS)
    cnt = jax.ops.segment_sum(jnp.ones((h.shape[0],), h.dtype), batch, num_segments=N_GRAPHS)
    hmean = hsum / jnp.maximum(cnt, 1.0)[:, None]
    pooled = jnp.concatenate([hmax, hmean], axis=1)
    return pooled @ Wout + bout

if __name__ == "__main__":
    import jax
    _d = setup_inputs()
    print(jax.jit(kernel)(*tuple(_d.values())))

</pallas_src>

<mosaic_0001>
#map = affine_map<(d0, d1) -> (0, 0)>
#map1 = affine_map<(d0, d1) -> (0, 0, 0)>
module attributes {stable_mosaic.version = 14 : i64} {
  func.func @_sc_degree(%arg0: i32, %arg1: i32, %arg2: memref<2560x128xi32, #tpu.memory_space<hbm>>, %arg3: memref<128x128xf32, #tpu.memory_space<hbm>>, %arg4: memref<10112x128xf32, #tpu.memory_space<hbm>>, %arg5: memref<2x10112x128xf32, #tpu.memory_space<hbm>>, %arg6: memref<80x128xi32, #tpu.memory_space<vmem>>, %arg7: memref<128x128xf32, #tpu.memory_space<vmem>>, %arg8: memref<10112x128xf32, #tpu.memory_space<vmem_shared>>) attributes {dimension_semantics = [#tpu.dimension_semantics<core_parallel>, #tpu.dimension_semantics<subcore_parallel>], iteration_bounds = array<i64: 2, 16>, scalar_prefetch = 0 : i64, scratch_operands = 3 : i64, tpu.core_type = #tpu.core_type<sc_vector_subcore>, window_params = [{transform_indices = #map}, {transform_indices = #map}, {transform_indices = #map}, {transform_indices = #map1}]} {
    %mul3A = arith.constant 632 : i32
    %mul3A_0 = arith.muli %arg1, %mul3A : i32
    "tpu.region"() ({
      %run_scoped3A = tpu.sem_alloc : memref<!tpu.dma_semaphore, #tpu.memory_space<semaphore_mem>>
      %dma_start3A = arith.constant 0 : i32
      %dma_start3A_11 = tpu.memref_slice %arg8[%mul3A_0, %dma_start3A] : memref<10112x128xf32, #tpu.memory_space<vmem_shared>> -> memref<632x128xf32, #tpu.memory_space<vmem_shared>>
      %dma_start3A_12 = arith.constant 0 : i32
      %dma_start3A_13 = tpu.memref_slice %arg4[%mul3A_0, %dma_start3A_12] : memref<10112x128xf32, #tpu.memory_space<hbm>> -> memref<632x128xf32, #tpu.memory_space<hbm>>
      tpu.enqueue_dma source(%dma_start3A_13 : memref<632x128xf32, #tpu.memory_space<hbm>>) target(%dma_start3A_11 : memref<632x128xf32, #tpu.memory_space<vmem_shared>>) target_semaphore(%run_scoped3A : memref<!tpu.dma_semaphore, #tpu.memory_space<semaphore_mem>>)
      %dma_wait3A = arith.constant 0 : i32
      %dma_wait3A_14 = tpu.memref_slice %arg8[%mul3A_0, %dma_wait3A] : memref<10112x128xf32, #tpu.memory_space<vmem_shared>> -> memref<632x128xf32, #tpu.memory_space<vmem_shared>>
      %dma_wait3A_15 = arith.constant 0 : i32
      %dma_wait3A_16 = tpu.memref_slice %arg4[%mul3A_0, %dma_wait3A_15] : memref<10112x128xf32, #tpu.memory_space<hbm>> -> memref<632x128xf32, #tpu.memory_space<hbm>>
      tpu.wait_dma2 semaphore(%run_scoped3A : memref<!tpu.dma_semaphore, #tpu.memory_space<semaphore_mem>>) src(%dma_wait3A_16 : memref<632x128xf32, #tpu.memory_space<hbm>>) dst(%dma_wait3A_14 : memref<632x128xf32, #tpu.memory_space<vmem_shared>>)
      tpu.yield
    }) : () -> ()
    "tpu.region"() ({
      %run_scoped3A = tpu.sem_alloc : memref<!tpu.dma_semaphore, #tpu.memory_space<semaphore_mem>>
      tpu.enqueue_dma source(%arg3 : memref<128x128xf32, #tpu.memory_space<hbm>>) target(%arg7 : memref<128x128xf32, #tpu.memory_space<vmem>>) target_semaphore(%run_scoped3A : memref<!tpu.dma_semaphore, #tpu.memory_space<semaphore_mem>>)
      tpu.wait_dma2 semaphore(%run_scoped3A : memref<!tpu.dma_semaphore, #tpu.memory_space<semaphore_mem>>) src(%arg3 : memref<128x128xf32, #tpu.memory_space<hbm>>) dst(%arg7 : memref<128x128xf32, #tpu.memory_space<vmem>>)
      tpu.yield
    }) : () -> ()
    %mul3A_1 = arith.constant 16 : i32
    %mul3A_2 = arith.muli %arg0, %mul3A_1 : i32
    %add3A = arith.addi %mul3A_2, %arg1 : i32
    %mul3A_3 = arith.constant 80 : i32
    %mul3A_4 = arith.muli %add3A, %mul3A_3 : i32
    "tpu.region"() ({
      %run_scoped3A = tpu.sem_alloc : memref<!tpu.dma_semaphore, #tpu.memory_space<semaphore_mem>>
      %dma_start3A = arith.constant 0 : i32
      %dma_start3A_11 = tpu.memref_slice %arg2[%mul3A_4, %dma_start3A] : memref<2560x128xi32, #tpu.memory_space<hbm>> -> memref<80x128xi32, #tpu.memory_space<hbm>>
      %dma_start3A_12 = arith.constant 0 : i32
      %dma_start3A_13 = tpu.memref_slice %arg2[%mul3A_4, %dma_start3A_12] : memref<2560x128xi32, #tpu.memory_space<hbm>> -> memref<80x128xi32, #tpu.memory_space<hbm>>
      tpu.enqueue_dma source(%dma_start3A_13 : memref<80x128xi32, #tpu.memory_space<hbm>>) target(%arg6 : memref<80x128xi32, #tpu.memory_space<vmem>>) target_semaphore(%run_scoped3A : memref<!tpu.dma_semaphore, #tpu.memory_space<semaphore_mem>>)
      %dma_wait3A = arith.constant 0 : i32
      %dma_wait3A_14 = tpu.memref_slice %arg2[%mul3A_4, %dma_wait3A] : memref<2560x128xi32, #tpu.memory_space<hbm>> -> memref<80x128xi32, #tpu.memory_space<hbm>>
      %dma_wait3A_15 = arith.constant 0 : i32
      %dma_wait3A_16 = tpu.memref_slice %arg2[%mul3A_4, %dma_wait3A_15] : memref<2560x128xi32, #tpu.memory_space<hbm>> -> memref<80x128xi32, #tpu.memory_space<hbm>>
      tpu.wait_dma2 semaphore(%run_scoped3A : memref<!tpu.dma_semaphore, #tpu.memory_space<semaphore_mem>>) src(%dma_wait3A_16 : memref<80x128xi32, #tpu.memory_space<hbm>>) dst(%arg6 : memref<80x128xi32, #tpu.memory_space<vmem>>)
      tpu.yield
    }) : () -> ()
    %barrier3A = arith.constant 0 : index
    tpu.barrier barrier_id(%barrier3A)
    %scan3A = arith.constant 0 : i32
    %scan3A_5 = arith.constant 0 : i32
    %scan3A_6 = arith.constant 80 : i32
    %scan3A_7 = arith.addi %scan3A_5, %scan3A_6 : i32
    %scan3A_8 = arith.constant 1 : i32
    scf.for %scan3A_11 = %scan3A_5 to %scan3A_7 step %scan3A_8  : i32 {
      "tpu.region"() ({
        %run_scoped3A = tpu.sem_alloc : memref<!tpu.dma_semaphore, #tpu.memory_space<semaphore_mem>>
        %dma_start3A = arith.constant 0 : i32
        %dma_start3A_12 = tpu.memref_slice %arg6[%scan3A_11, %dma_start3A] : memref<80x128xi32, #tpu.memory_space<vmem>> -> memref<1x128xi32, #tpu.memory_space<vmem>>
        %dma_start3A_13 = tpu.memref_squeeze %dma_start3A_12 : memref<1x128xi32, #tpu.memory_space<vmem>> -> memref<128xi32, #tpu.memory_space<vmem>>
        %dma_start3A_14 = arith.constant 0 : i32
        %dma_start3A_15 = arith.constant 0 : i32
        %dma_start3A_16 = tpu.memref_slice %arg8[%dma_start3A_14, %dma_start3A_15] : memref<10112x128xf32, #tpu.memory_space<vmem_shared>> -> memref<10112x128xf32, #tpu.memory_space<vmem_shared>>
        tpu.enqueue_indirect_dma source(%arg7 : memref<128x128xf32, #tpu.memory_space<vmem>>) target(%dma_start3A_16 : memref<10112x128xf32, #tpu.memory_space<vmem_shared>>) offsets(%dma_start3A_13 : memref<128xi32, #tpu.memory_space<vmem>>) semaphore(%run_scoped3A : memref<!tpu.dma_semaphore, #tpu.memory_space<semaphore_mem>>) {add = true}
        %dma_wait3A = arith.constant 0 : i32
        %dma_wait3A_17 = tpu.memref_slice %arg6[%scan3A_11, %dma_wait3A] : memref<80x128xi32, #tpu.memory_space<vmem>> -> memref<1x128xi32, #tpu.memory_space<vmem>>
        %dma_wait3A_18 = tpu.memref_squeeze %dma_wait3A_17 : memref<1x128xi32, #tpu.memory_space<vmem>> -> memref<128xi32, #tpu.memory_space<vmem>>
        %dma_wait3A_19 = arith.constant 0 : i32
        %dma_wait3A_20 = arith.constant 0 : i32
        %dma_wait3A_21 = tpu.memref_slice %arg8[%dma_wait3A_19, %dma_wait3A_20] : memref<10112x128xf32, #tpu.memory_space<vmem_shared>> -> memref<10112x128xf32, #tpu.memory_space<vmem_shared>>
        tpu.wait_indirect_dma semaphore(%run_scoped3A : memref<!tpu.dma_semaphore, #tpu.memory_space<semaphore_mem>>) src(%arg7 : memref<128x128xf32, #tpu.memory_space<vmem>>) dst(%dma_wait3A_21 : memref<10112x128xf32, #tpu.memory_space<vmem_shared>>)
        tpu.yield
      }) : () -> ()
    }
    %scan3A_9 = arith.constant 80 : i32
    %barrier3A_10 = arith.constant 0 : index
    tpu.barrier barrier_id(%barrier3A_10)
    "tpu.region"() ({
      %run_scoped3A = tpu.sem_alloc : memref<!tpu.dma_semaphore, #tpu.memory_space<semaphore_mem>>
      %dma_start3A = arith.constant 0 : i32
      %dma_start3A_11 = tpu.memref_slice %arg5[%arg0, %mul3A_0, %dma_start3A] : memref<2x10112x128xf32, #tpu.memory_space<hbm>> -> memref<1x632x128xf32, #tpu.memory_space<hbm>>
      %dma_start3A_12 = tpu.memref_squeeze %dma_start3A_11 : memref<1x632x128xf32, #tpu.memory_space<hbm>> -> memref<632x128xf32, #tpu.memory_space<hbm>>
      %dma_start3A_13 = arith.constant 0 : i32
      %dma_start3A_14 = tpu.memref_slice %arg8[%mul3A_0, %dma_start3A_13] : memref<10112x128xf32, #tpu.memory_space<vmem_shared>> -> memref<632x128xf32, #tpu.memory_space<vmem_shared>>
      tpu.enqueue_dma source(%dma_start3A_14 : memref<632x128xf32, #tpu.memory_space<vmem_shared>>) target(%dma_start3A_12 : memref<632x128xf32, #tpu.memory_space<hbm>>) target_semaphore(%run_scoped3A : memref<!tpu.dma_semaphore, #tpu.memory_space<semaphore_mem>>)
      %dma_wait3A = arith.constant 0 : i32
      %dma_wait3A_15 = tpu.memref_slice %arg5[%arg0, %mul3A_0, %dma_wait3A] : memref<2x10112x128xf32, #tpu.memory_space<hbm>> -> memref<1x632x128xf32, #tpu.memory_space<hbm>>
      %dma_wait3A_16 = tpu.memref_squeeze %dma_wait3A_15 : memref<1x632x128xf32, #tpu.memory_space<hbm>> -> memref<632x128xf32, #tpu.memory_space<hbm>>
      %dma_wait3A_17 = arith.constant 0 : i32
      %dma_wait3A_18 = tpu.memref_slice %arg8[%mul3A_0, %dma_wait3A_17] : memref<10112x128xf32, #tpu.memory_space<vmem_shared>> -> memref<632x128xf32, #tpu.memory_space<vmem_shared>>
      tpu.wait_dma2 semaphore(%run_scoped3A : memref<!tpu.dma_semaphore, #tpu.memory_space<semaphore_mem>>) src(%dma_wait3A_18 : memref<632x128xf32, #tpu.memory_space<vmem_shared>>) dst(%dma_wait3A_16 : memref<632x128xf32, #tpu.memory_space<hbm>>)
      tpu.yield
    }) : () -> ()
    return
  }
}

#map = affine_map<(d0, d1) -> (0, 0)>
#map1 = affine_map<(d0, d1) -> (0, 0, 0)>
module attributes {stable_mosaic.version = 14 : i64} {
  func.func @_sc_agg(%arg0: i32, %arg1: i32, %arg2: memref<10112x128xf32, #tpu.memory_space<hbm>>, %arg3: memref<2560x128xi32, #tpu.memory_space<hbm>>, %arg4: memref<2560x128xi32, #tpu.memory_space<hbm>>, %arg5: memref<10112x128xf32, #tpu.memory_space<hbm>>, %arg6: memref<2x10112x128xf32, #tpu.memory_space<hbm>>, %arg7: memref<40x128xi32, #tpu.memory_space<vmem>>, %arg8: memref<40x128xi32, #tpu.memory_space<vmem>>, %arg9: memref<2x128x128xf32, #tpu.memory_space<vmem>>, %arg10: memref<10112x128xf32, #tpu.memory_space<vmem_shared>>, %arg11: memref<!tpu.dma_semaphore, #tpu.memory_space<semaphore_mem>>, %arg12: memref<!tpu.dma_semaphore, #tpu.memory_space<semaphore_mem>>, %arg13: memref<!tpu.dma_semaphore, #tpu.memory_space<semaphore_mem>>, %arg14: memref<!tpu.dma_semaphore, #tpu.memory_space<semaphore_mem>>) attributes {dimension_semantics = [#tpu.dimension_semantics<core_parallel>, #tpu.dimension_semantics<subcore_parallel>], iteration_bounds = array<i64: 2, 16>, scalar_prefetch = 0 : i64, scratch_operands = 8 : i64, tpu.core_type = #tpu.core_type<sc_vector_subcore>, window_params = [{transform_indices = #map}, {transform_indices = #map}, {transform_indices = #map}, {transform_indices = #map}, {transform_indices = #map1}]} {
    %mul3A = arith.constant 632 : i32
    %mul3A_0 = arith.muli %arg1, %mul3A : i32
    "tpu.region"() ({
      %run_scoped3A = tpu.sem_alloc : memref<!tpu.dma_semaphore, #tpu.memory_space<semaphore_mem>>
      %dma_start3A = arith.constant 0 : i32
      %dma_start3A_21 = tpu.memref_slice %arg10[%mul3A_0, %dma_start3A] : memref<10112x128xf32, #tpu.memory_space<vmem_shared>> -> memref<632x128xf32, #tpu.memory_space<vmem_shared>>
      %dma_start3A_22 = arith.constant 0 : i32
      %dma_start3A_23 = tpu.memref_slice %arg5[%mul3A_0, %dma_start3A_22] : memref<10112x128xf32, #tpu.memory_space<hbm>> -> memref<632x128xf32, #tpu.memory_space<hbm>>
      tpu.enqueue_dma source(%dma_start3A_23 : memref<632x128xf32, #tpu.memory_space<hbm>>) target(%dma_start3A_21 : memref<632x128xf32, #tpu.memory_space<vmem_shared>>) target_semaphore(%run_scoped3A : memref<!tpu.dma_semaphore, #tpu.memory_space<semaphore_mem>>)
      %dma_wait3A = arith.constant 0 : i32
      %dma_wait3A_24 = tpu.memref_slice %arg10[%mul3A_0, %dma_wait3A] : memref<10112x128xf32, #tpu.memory_space<vmem_shared>> -> memref<632x128xf32, #tpu.memory_space<vmem_shared>>
      %dma_wait3A_25 = arith.constant 0 : i32
      %dma_wait3A_26 = tpu.memref_slice %arg5[%mul3A_0, %dma_wait3A_25] : memref<10112x128xf32, #tpu.memory_space<hbm>> -> memref<632x128xf32, #tpu.memory_space<hbm>>
      tpu.wait_dma2 semaphore(%run_scoped3A : memref<!tpu.dma_semaphore, #tpu.memory_space<semaphore_mem>>) src(%dma_wait3A_26 : memref<632x128xf32, #tpu.memory_space<hbm>>) dst(%dma_wait3A_24 : memref<632x128xf32, #tpu.memory_space<vmem_shared>>)
      tpu.yield
    }) : () -> ()
    %eq3A = arith.constant 0 : i32
    %eq3A_1 = arith.cmpi eq, %arg0, %eq3A : i32
    %mul3A_2 = arith.constant 160 : i32
    %mul3A_3 = arith.muli %arg1, %mul3A_2 : i32
    %mul3A_4 = arith.constant 0 : i32
    %mul3A_5 = arith.muli %arg1, %mul3A_4 : i32
    %add3A = arith.constant 2560 : i32
    %add3A_6 = arith.addi %add3A, %mul3A_5 : i32
    %select_n3A = arith.select %eq3A_1, %mul3A_3, %add3A_6 : i32
    %eq3A_7 = arith.constant 0 : i32
    %eq3A_8 = arith.cmpi eq, %arg0, %eq3A_7 : i32
    %jit3A = arith.constant 4 : i32
    %jit3A_9 = arith.constant 0 : i32
    %select_n3A_10 = arith.select %eq3A_8, %jit3A, %jit3A_9 : i32
    %barrier3A = arith.constant 0 : index
    tpu.barrier barrier_id(%barrier3A)
    %while3A = arith.constant 0 : i32
    %while3A_11 = arith.constant 0 : i32
    %while3A_12 = arith.subi %select_n3A_10, %while3A_11 : i32
    %while3A_13 = arith.addi %while3A_11, %while3A_12 : i32
    %while3A_14 = arith.constant 1 : i32
    %while3A_15 = arith.divsi %while3A_12, %while3A_14 : i32
    %while3A_16 = arith.muli %while3A_15, %while3A_14 : i32
    %while3A_17 = arith.addi %while3A_11, %while3A_16 : i32
    %while3A_18 = arith.constant 1 : i32
    scf.for %while3A_21 = %while3A_11 to %while3A_17 step %while3A_18  : i32 {
      %mul3A_22 = arith.constant 40 : i32
      %mul3A_23 = arith.muli %while3A_21, %mul3A_22 : i32
      %add3A_24 = arith.addi %select_n3A, %mul3A_23 : i32
      "tpu.region"() ({
        %run_scoped3A = tpu.sem_alloc : memref<!tpu.dma_semaphore, #tpu.memory_space<semaphore_mem>>
        %dma_start3A_53 = arith.constant 0 : i32
        %dma_start3A_54 = tpu.memref_slice %arg3[%add3A_24, %dma_start3A_53] : memref<2560x128xi32, #tpu.memory_space<hbm>> -> memref<40x128xi32, #tpu.memory_space<hbm>>
        %dma_start3A_55 = arith.constant 0 : i32
        %dma_start3A_56 = tpu.memref_slice %arg3[%add3A_24, %dma_start3A_55] : memref<2560x128xi32, #tpu.memory_space<hbm>> -> memref<40x128xi32, #tpu.memory_space<hbm>>
        tpu.enqueue_dma source(%dma_start3A_56 : memref<40x128xi32, #tpu.memory_space<hbm>>) target(%arg7 : memref<40x128xi32, #tpu.memory_space<vmem>>) target_semaphore(%run_scoped3A : memref<!tpu.dma_semaphore, #tpu.memory_space<semaphore_mem>>)
        %dma_wait3A = arith.constant 0 : i32
        %dma_wait3A_57 = tpu.memref_slice %arg3[%add3A_24, %dma_wait3A] : memref<2560x128xi32, #tpu.memory_space<hbm>> -> memref<40x128xi32, #tpu.memory_space<hbm>>
        %dma_wait3A_58 = arith.constant 0 : i32
        %dma_wait3A_59 = tpu.memref_slice %arg3[%add3A_24, %dma_wait3A_58] : memref<2560x128xi32, #tpu.memory_space<hbm>> -> memref<40x128xi32, #tpu.memory_space<hbm>>
        tpu.wait_dma2 semaphore(%run_scoped3A : memref<!tpu.dma_semaphore, #tpu.memory_space<semaphore_mem>>) src(%dma_wait3A_59 : memref<40x128xi32, #tpu.memory_space<hbm>>) dst(%arg7 : memref<40x128xi32, #tpu.memory_space<vmem>>)
        tpu.yield
      }) : () -> ()
      "tpu.region"() ({
        %run_scoped3A = tpu.sem_alloc : memref<!tpu.dma_semaphore, #tpu.memory_space<semaphore_mem>>
        %dma_start3A_53 = arith.constant 0 : i32
        %dma_start3A_54 = tpu.memref_slice %arg4[%add3A_24, %dma_start3A_53] : memref<2560x128xi32, #tpu.memory_space<hbm>> -> memref<40x128xi32, #tpu.memory_space<hbm>>
        %dma_start3A_55 = arith.constant 0 : i32
        %dma_start3A_56 = tpu.memref_slice %arg4[%add3A_24, %dma_start3A_55] : memref<2560x128xi32, #tpu.memory_space<hbm>> -> memref<40x128xi32, #tpu.memory_space<hbm>>
        tpu.enqueue_dma source(%dma_start3A_56 : memref<40x128xi32, #tpu.memory_space<hbm>>) target(%arg8 : memref<40x128xi32, #tpu.memory_space<vmem>>) target_semaphore(%run_scoped3A : memref<!tpu.dma_semaphore, #tpu.memory_space<semaphore_mem>>)
        %dma_wait3A = arith.constant 0 : i32
        %dma_wait3A_57 = tpu.memref_slice %arg4[%add3A_24, %dma_wait3A] : memref<2560x128xi32, #tpu.memory_space<hbm>> -> memref<40x128xi32, #tpu.memory_space<hbm>>
        %dma_wait3A_58 = arith.constant 0 : i32
        %dma_wait3A_59 = tpu.memref_slice %arg4[%add3A_24, %dma_wait3A_58] : memref<2560x128xi32, #tpu.memory_space<hbm>> -> memref<40x128xi32, #tpu.memory_space<hbm>>
        tpu.wait_dma2 semaphore(%run_scoped3A : memref<!tpu.dma_semaphore, #tpu.memory_space<semaphore_mem>>) src(%dma_wait3A_59 : memref<40x128xi32, #tpu.memory_space<hbm>>) dst(%arg8 : memref<40x128xi32, #tpu.memory_space<vmem>>)
        tpu.yield
      }) : () -> ()
      %dma_start3A = arith.constant 0 : i32
      %dma_start3A_25 = arith.constant 0 : i32
      %dma_start3A_26 = arith.constant 0 : i32
      %dma_start3A_27 = arith.constant 0 : i32
      %dma_start3A_28 = tpu.memref_slice %arg9[%dma_start3A_25, %dma_start3A_26, %dma_start3A_27] : memref<2x128x128xf32, #tpu.memory_space<vmem>> -> memref<1x128x128xf32, #tpu.memory_space<vmem>>
      %dma_start3A_29 = tpu.memref_squeeze %dma_start3A_28 : memref<1x128x128xf32, #tpu.memory_space<vmem>> -> memref<128x128xf32, #tpu.memory_space<vmem>>
      %dma_start3A_30 = arith.constant 0 : i32
      %dma_start3A_31 = tpu.memref_slice %arg7[%dma_start3A, %dma_start3A_30] : memref<40x128xi32, #tpu.memory_space<vmem>> -> memref<1x128xi32, #tpu.memory_space<vmem>>
      %dma_start3A_32 = tpu.memref_squeeze %dma_start3A_31 : memref<1x128xi32, #tpu.memory_space<vmem>> -> memref<128xi32, #tpu.memory_space<vmem>>
      %dma_start3A_33 = arith.constant 0 : i32
      %dma_start3A_34 = arith.constant 0 : i32
      %dma_start3A_35 = tpu.memref_slice %arg2[%dma_start3A_33, %dma_start3A_34] : memref<10112x128xf32, #tpu.memory_space<hbm>> -> memref<10112x128xf32, #tpu.memory_space<hbm>>
      tpu.enqueue_indirect_dma source(%dma_start3A_35 : memref<10112x128xf32, #tpu.memory_space<hbm>>) target(%dma_start3A_29 : memref<128x128xf32, #tpu.memory_space<vmem>>) offsets(%dma_start3A_32 : memref<128xi32, #tpu.memory_space<vmem>>) semaphore(%arg11 : memref<!tpu.dma_semaphore, #tpu.memory_space<semaphore_mem>>)
      %dma_start3A_36 = arith.constant 1 : i32
      %dma_start3A_37 = arith.constant 1 : i32
      %dma_start3A_38 = arith.constant 0 : i32
      %dma_start3A_39 = arith.constant 0 : i32
      %dma_start3A_40 = tpu.memref_slice %arg9[%dma_start3A_37, %dma_start3A_38, %dma_start3A_39] : memref<2x128x128xf32, #tpu.memory_space<vmem>> -> memref<1x128x128xf32, #tpu.memory_space<vmem>>
      %dma_start3A_41 = tpu.memref_squeeze %dma_start3A_40 : memref<1x128x128xf32, #tpu.memory_space<vmem>> -> memref<128x128xf32, #tpu.memory_space<vmem>>
      %dma_start3A_42 = arith.constant 0 : i32
      %dma_start3A_43 = tpu.memref_slice %arg7[%dma_start3A_36, %dma_start3A_42] : memref<40x128xi32, #tpu.memory_space<vmem>> -> memref<1x128xi32, #tpu.memory_space<vmem>>
      %dma_start3A_44 = tpu.memref_squeeze %dma_start3A_43 : memref<1x128xi32, #tpu.memory_space<vmem>> -> memref<128xi32, #tpu.memory_space<vmem>>
      %dma_start3A_45 = arith.constant 0 : i32
      %dma_start3A_46 = arith.constant 0 : i32
      %dma_start3A_47 = tpu.memref_slice %arg2[%dma_start3A_45, %dma_start3A_46] : memref<10112x128xf32, #tpu.memory_space<hbm>> -> memref<10112x128xf32, #tpu.memory_space<hbm>>
      tpu.enqueue_indirect_dma source(%dma_start3A_47 : memref<10112x128xf32, #tpu.memory_space<hbm>>) target(%dma_start3A_41 : memref<128x128xf32, #tpu.memory_space<vmem>>) offsets(%dma_start3A_44 : memref<128xi32, #tpu.memory_space<vmem>>) semaphore(%arg12 : memref<!tpu.dma_semaphore, #tpu.memory_space<semaphore_mem>>)
      %scan3A = arith.constant 0 : i32
      %scan3A_48 = arith.constant 0 : i32
      %scan3A_49 = arith.constant 10 : i32
      %scan3A_50 = arith.addi %scan3A_48, %scan3A_49 : i32
      %scan3A_51 = arith.constant 1 : i32
      scf.for %scan3A_53 = %scan3A_48 to %scan3A_50 step %scan3A_51  : i32 {
        %mul3A_54 = arith.constant 2 : i32
        %mul3A_55 = arith.muli %scan3A_53, %mul3A_54 : i32
        %mul3A_56 = arith.constant 2 : i32
        %mul3A_57 = arith.muli %mul3A_55, %mul3A_56 : i32
        %add3A_58 = arith.constant 0 : i32
        %add3A_59 = arith.addi %mul3A_57, %add3A_58 : i32
        %dma_wait3A = arith.constant 0 : i32
        %dma_wait3A_60 = arith.constant 0 : i32
        %dma_wait3A_61 = arith.constant 0 : i32
        %dma_wait3A_62 = tpu.memref_slice %arg9[%dma_wait3A, %dma_wait3A_60, %dma_wait3A_61] : memref<2x128x128xf32, #tpu.memory_space<vmem>> -> memref<1x128x128xf32, #tpu.memory_space<vmem>>
        %dma_wait3A_63 = tpu.memref_squeeze %dma_wait3A_62 : memref<1x128x128xf32, #tpu.memory_space<vmem>> -> memref<128x128xf32, #tpu.memory_space<vmem>>
        %dma_wait3A_64 = arith.constant 0 : i32
        %dma_wait3A_65 = tpu.memref_slice %arg7[%add3A_59, %dma_wait3A_64] : memref<40x128xi32, #tpu.memory_space<vmem>> -> memref<1x128xi32, #tpu.memory_space<vmem>>
        %dma_wait3A_66 = tpu.memref_squeeze %dma_wait3A_65 : memref<1x128xi32, #tpu.memory_space<vmem>> -> memref<128xi32, #tpu.memory_space<vmem>>
        %dma_wait3A_67 = arith.constant 0 : i32
        %dma_wait3A_68 = arith.constant 0 : i32
        %dma_wait3A_69 = tpu.memref_slice %arg2[%dma_wait3A_67, %dma_wait3A_68] : memref<10112x128xf32, #tpu.memory_space<hbm>> -> memref<10112x128xf32, #tpu.memory_space<hbm>>
        tpu.wait_indirect_dma semaphore(%arg11 : memref<!tpu.dma_semaphore, #tpu.memory_space<semaphore_mem>>) src(%dma_wait3A_69 : memref<10112x128xf32, #tpu.memory_space<hbm>>) dst(%dma_wait3A_63 : memref<128x128xf32, #tpu.memory_space<vmem>>)
        %run_scoped3A = arith.constant 0 : i32
        "tpu.region"() ({
          %run_scoped3A_137 = tpu.sem_alloc : memref<!tpu.dma_semaphore, #tpu.memory_space<semaphore_mem>>
          %dma_start3A_138 = arith.constant 0 : i32
          %dma_start3A_139 = arith.constant 0 : i32
          %dma_start3A_140 = tpu.memref_slice %arg9[%run_scoped3A, %dma_start3A_138, %dma_start3A_139] : memref<2x128x128xf32, #tpu.memory_space<vmem>> -> memref<1x128x128xf32, #tpu.memory_space<vmem>>
          %dma_start3A_141 = tpu.memref_squeeze %dma_start3A_140 : memref<1x128x128xf32, #tpu.memory_space<vmem>> -> memref<128x128xf32, #tpu.memory_space<vmem>>
          %dma_start3A_142 = arith.constant 0 : i32
          %dma_start3A_143 = tpu.memref_slice %arg8[%add3A_59, %dma_start3A_142] : memref<40x128xi32, #tpu.memory_space<vmem>> -> memref<1x128xi32, #tpu.memory_space<vmem>>
          %dma_start3A_144 = tpu.memref_squeeze %dma_start3A_143 : memref<1x128xi32, #tpu.memory_space<vmem>> -> memref<128xi32, #tpu.memory_space<vmem>>
          %dma_start3A_145 = arith.constant 0 : i32
          %dma_start3A_146 = arith.constant 0 : i32
          %dma_start3A_147 = tpu.memref_slice %arg10[%dma_start3A_145, %dma_start3A_146] : memref<10112x128xf32, #tpu.memory_space<vmem_shared>> -> memref<10112x128xf32, #tpu.memory_space<vmem_shared>>
          tpu.enqueue_indirect_dma source(%dma_start3A_141 : memref<128x128xf32, #tpu.memory_space<vmem>>) target(%dma_start3A_147 : memref<10112x128xf32, #tpu.memory_space<vmem_shared>>) offsets(%dma_start3A_144 : memref<128xi32, #tpu.memory_space<vmem>>) semaphore(%run_scoped3A_137 : memref<!tpu.dma_semaphore, #tpu.memory_space<semaphore_mem>>) {add = true}
          %dma_wait3A_148 = arith.constant 0 : i32
          %dma_wait3A_149 = arith.constant 0 : i32
          %dma_wait3A_150 = tpu.memref_slice %arg9[%run_scoped3A, %dma_wait3A_148, %dma_wait3A_149] : memref<2x128x128xf32, #tpu.memory_space<vmem>> -> memref<1x128x128xf32, #tpu.memory_space<vmem>>
          %dma_wait3A_151 = tpu.memref_squeeze %dma_wait3A_150 : memref<1x128x128xf32, #tpu.memory_space<vmem>> -> memref<128x128xf32, #tpu.memory_space<vmem>>
          %dma_wait3A_152 = arith.constant 0 : i32
          %dma_wait3A_153 = tpu.memref_slice %arg8[%add3A_59, %dma_wait3A_152] : memref<40x128xi32, #tpu.memory_space<vmem>> -> memref<1x128xi32, #tpu.memory_space<vmem>>
          %dma_wait3A_154 = tpu.memref_squeeze %dma_wait3A_153 : memref<1x128xi32, #tpu.memory_space<vmem>> -> memref<128xi32, #tpu.memory_space<vmem>>
          %dma_wait3A_155 = arith.constant 0 : i32
          %dma_wait3A_156 = arith.constant 0 : i32
          %dma_wait3A_157 = tpu.memref_slice %arg10[%dma_wait3A_155, %dma_wait3A_156] : memref<10112x128xf32, #tpu.memory_space<vmem_shared>> -> memref<10112x128xf32, #tpu.memory_space<vmem_shared>>
          tpu.wait_indirect_dma semaphore(%run_scoped3A_137 : memref<!tpu.dma_semaphore, #tpu.memory_space<semaphore_mem>>) src(%dma_wait3A_151 : memref<128x128xf32, #tpu.memory_space<vmem>>) dst(%dma_wait3A_157 : memref<10112x128xf32, #tpu.memory_space<vmem_shared>>)
          tpu.yield
        }) : () -> ()
        %add3A_70 = arith.constant 2 : i32
        %add3A_71 = arith.addi %add3A_59, %add3A_70 : i32
        %lt3A = arith.constant 40 : i32
        %lt3A_72 = arith.cmpi slt, %add3A_71, %lt3A : i32
        %convert_element_type3A = arith.extui %lt3A_72 : i1 to i32
        %cond3A = arith.constant 0 : i32
        %cond3A_73 = arith.cmpi ne, %convert_element_type3A, %cond3A : i32
        scf.if %cond3A_73 {
          %add3A_137 = arith.constant 2 : i32
          %add3A_138 = arith.addi %add3A_59, %add3A_137 : i32
          %dma_start3A_139 = arith.constant 0 : i32
          %dma_start3A_140 = arith.constant 0 : i32
          %dma_start3A_141 = arith.constant 0 : i32
          %dma_start3A_142 = tpu.memref_slice %arg9[%dma_start3A_139, %dma_start3A_140, %dma_start3A_141] : memref<2x128x128xf32, #tpu.memory_space<vmem>> -> memref<1x128x128xf32, #tpu.memory_space<vmem>>
          %dma_start3A_143 = tpu.memref_squeeze %dma_start3A_142 : memref<1x128x128xf32, #tpu.memory_space<vmem>> -> memref<128x128xf32, #tpu.memory_space<vmem>>
          %dma_start3A_144 = arith.constant 0 : i32
          %dma_start3A_145 = tpu.memref_slice %arg7[%add3A_138, %dma_start3A_144] : memref<40x128xi32, #tpu.memory_space<vmem>> -> memref<1x128xi32, #tpu.memory_space<vmem>>
          %dma_start3A_146 = tpu.memref_squeeze %dma_start3A_145 : memref<1x128xi32, #tpu.memory_space<vmem>> -> memref<128xi32, #tpu.memory_space<vmem>>
          %dma_start3A_147 = arith.constant 0 : i32
          %dma_start3A_148 = arith.constant 0 : i32
          %dma_start3A_149 = tpu.memref_slice %arg2[%dma_start3A_147, %dma_start3A_148] : memref<10112x128xf32, #tpu.memory_space<hbm>> -> memref<10112x128xf32, #tpu.memory_space<hbm>>
          tpu.enqueue_indirect_dma source(%dma_start3A_149 : memref<10112x128xf32, #tpu.memory_space<hbm>>) target(%dma_start3A_143 : memref<128x128xf32, #tpu.memory_space<vmem>>) offsets(%dma_start3A_146 : memref<128xi32, #tpu.memory_space<vmem>>) semaphore(%arg13 : memref<!tpu.dma_semaphore, #tpu.memory_space<semaphore_mem>>)
        } else {
        }
        %add3A_74 = arith.constant 1 : i32
        %add3A_75 = arith.addi %mul3A_57, %add3A_74 : i32
        %dma_wait3A_76 = arith.constant 1 : i32
        %dma_wait3A_77 = arith.constant 0 : i32
        %dma_wait3A_78 = arith.constant 0 : i32
        %dma_wait3A_79 = tpu.memref_slice %arg9[%dma_wait3A_76, %dma_wait3A_77, %dma_wait3A_78] : memref<2x128x128xf32, #tpu.memory_space<vmem>> -> memref<1x128x128xf32, #tpu.memory_space<vmem>>
        %dma_wait3A_80 = tpu.memref_squeeze %dma_wait3A_79 : memref<1x128x128xf32, #tpu.memory_space<vmem>> -> memref<128x128xf32, #tpu.memory_space<vmem>>
        %dma_wait3A_81 = arith.constant 0 : i32
        %dma_wait3A_82 = tpu.memref_slice %arg7[%add3A_75, %dma_wait3A_81] : memref<40x128xi32, #tpu.memory_space<vmem>> -> memref<1x128xi32, #tpu.memory_space<vmem>>
        %dma_wait3A_83 = tpu.memref_squeeze %dma_wait3A_82 : memref<1x128xi32, #tpu.memory_space<vmem>> -> memref<128xi32, #tpu.memory_space<vmem>>
        %dma_wait3A_84 = arith.constant 0 : i32
        %dma_wait3A_85 = arith.constant 0 : i32
        %dma_wait3A_86 = tpu.memref_slice %arg2[%dma_wait3A_84, %dma_wait3A_85] : memref<10112x128xf32, #tpu.memory_space<hbm>> -> memref<10112x128xf32, #tpu.memory_space<hbm>>
        tpu.wait_indirect_dma semaphore(%arg12 : memref<!tpu.dma_semaphore, #tpu.memory_space<semaphore_mem>>) src(%dma_wait3A_86 : memref<10112x128xf32, #tpu.memory_space<hbm>>) dst(%dma_wait3A_80 : memref<128x128xf32, #tpu.memory_space<vmem>>)
        %run_scoped3A_87 = arith.constant 1 : i32
        "tpu.region"() ({
          %run_scoped3A_137 = tpu.sem_alloc : memref<!tpu.dma_semaphore, #tpu.memory_space<semaphore_mem>>
          %dma_start3A_138 = arith.constant 0 : i32
          %dma_start3A_139 = arith.constant 0 : i32
          %dma_start3A_140 = tpu.memref_slice %arg9[%run_scoped3A_87, %dma_start3A_138, %dma_start3A_139] : memref<2x128x128xf32, #tpu.memory_space<vmem>> -> memref<1x128x128xf32, #tpu.memory_space<vmem>>
          %dma_start3A_141 = tpu.memref_squeeze %dma_start3A_140 : memref<1x128x128xf32, #tpu.memory_space<vmem>> -> memref<128x128xf32, #tpu.memory_space<vmem>>
          %dma_start3A_142 = arith.constant 0 : i32
          %dma_start3A_143 = tpu.memref_slice %arg8[%add3A_75, %dma_start3A_142] : memref<40x128xi32, #tpu.memory_space<vmem>> -> memref<1x128xi32, #tpu.memory_space<vmem>>
          %dma_start3A_144 = tpu.memref_squeeze %dma_start3A_143 : memref<1x128xi32, #tpu.memory_space<vmem>> -> memref<128xi32, #tpu.memory_space<vmem>>
          %dma_start3A_145 = arith.constant 0 : i32
          %dma_start3A_146 = arith.constant 0 : i32
          %dma_start3A_147 = tpu.memref_slice %arg10[%dma_start3A_145, %dma_start3A_146] : memref<10112x128xf32, #tpu.memory_space<vmem_shared>> -> memref<10112x128xf32, #tpu.memory_space<vmem_shared>>
          tpu.enqueue_indirect_dma source(%dma_start3A_141 : memref<128x128xf32, #tpu.memory_space<vmem>>) target(%dma_start3A_147 : memref<10112x128xf32, #tpu.memory_space<vmem_shared>>) offsets(%dma_start3A_144 : memref<128xi32, #tpu.memory_space<vmem>>) semaphore(%run_scoped3A_137 : memref<!tpu.dma_semaphore, #tpu.memory_space<semaphore_mem>>) {add = true}
          %dma_wait3A_148 = arith.constant 0 : i32
          %dma_wait3A_149 = arith.constant 0 : i32
          %dma_wait3A_150 = tpu.memref_slice %arg9[%run_scoped3A_87, %dma_wait3A_148, %dma_wait3A_149] : memref<2x128x128xf32, #tpu.memory_space<vmem>> -> memref<1x128x128xf32, #tpu.memory_space<vmem>>
          %dma_wait3A_151 = tpu.memref_squeeze %dma_wait3A_150 : memref<1x128x128xf32, #tpu.memory_space<vmem>> -> memref<128x128xf32, #tpu.memory_space<vmem>>
          %dma_wait3A_152 = arith.constant 0 : i32
          %dma_wait3A_153 = tpu.memref_slice %arg8[%add3A_75, %dma_wait3A_152] : memref<40x128xi32, #tpu.memory_space<vmem>> -> memref<1x128xi32, #tpu.memory_space<vmem>>
          %dma_wait3A_154 = tpu.memref_squeeze %dma_wait3A_153 : memref<1x128xi32, #tpu.memory_space<vmem>> -> memref<128xi32, #tpu.memory_space<vmem>>
          %dma_wait3A_155 = arith.constant 0 : i32
          %dma_wait3A_156 = arith.constant 0 : i32
          %dma_wait3A_157 = tpu.memref_slice %arg10[%dma_wait3A_155, %dma_wait3A_156] : memref<10112x128xf32, #tpu.memory_space<vmem_shared>> -> memref<10112x128xf32, #tpu.memory_space<vmem_shared>>
          tpu.wait_indirect_dma semaphore(%run_scoped3A_137 : memref<!tpu.dma_semaphore, #tpu.memory_space<semaphore_mem>>) src(%dma_wait3A_151 : memref<128x128xf32, #tpu.memory_space<vmem>>) dst(%dma_wait3A_157 : memref<10112x128xf32, #tpu.memory_space<vmem_shared>>)
          tpu.yield
        }) : () -> ()
        %add3A_88 = arith.constant 2 : i32
        %add3A_89 = arith.addi %add3A_75, %add3A_88 : i32
        %lt3A_90 = arith.constant 40 : i32
        %lt3A_91 = arith.cmpi slt, %add3A_89, %lt3A_90 : i32
        %convert_element_type3A_92 = arith.extui %lt3A_91 : i1 to i32
        %cond3A_93 = arith.constant 0 : i32
        %cond3A_94 = arith.cmpi ne, %convert_element_type3A_92, %cond3A_93 : i32
        scf.if %cond3A_94 {
          %add3A_137 = arith.constant 2 : i32
          %add3A_138 = arith.addi %add3A_75, %add3A_137 : i32
          %dma_start3A_139 = arith.constant 1 : i32
          %dma_start3A_140 = arith.constant 0 : i32
          %dma_start3A_141 = arith.constant 0 : i32
          %dma_start3A_142 = tpu.memref_slice %arg9[%dma_start3A_139, %dma_start3A_140, %dma_start3A_141] : memref<2x128x128xf32, #tpu.memory_space<vmem>> -> memref<1x128x128xf32, #tpu.memory_space<vmem>>
          %dma_start3A_143 = tpu.memref_squeeze %dma_start3A_142 : memref<1x128x128xf32, #tpu.memory_space<vmem>> -> memref<128x128xf32, #tpu.memory_space<vmem>>
          %dma_start3A_144 = arith.constant 0 : i32
          %dma_start3A_145 = tpu.memref_slice %arg7[%add3A_138, %dma_start3A_144] : memref<40x128xi32, #tpu.memory_space<vmem>> -> memref<1x128xi32, #tpu.memory_space<vmem>>
          %dma_start3A_146 = tpu.memref_squeeze %dma_start3A_145 : memref<1x128xi32, #tpu.memory_space<vmem>> -> memref<128xi32, #tpu.memory_space<vmem>>
          %dma_start3A_147 = arith.constant 0 : i32
          %dma_start3A_148 = arith.constant 0 : i32
          %dma_start3A_149 = tpu.memref_slice %arg2[%dma_start3A_147, %dma_start3A_148] : memref<10112x128xf32, #tpu.memory_space<hbm>> -> memref<10112x128xf32, #tpu.memory_space<hbm>>
          tpu.enqueue_indirect_dma source(%dma_start3A_149 : memref<10112x128xf32, #tpu.memory_space<hbm>>) target(%dma_start3A_143 : memref<128x128xf32, #tpu.memory_space<vmem>>) offsets(%dma_start3A_146 : memref<128xi32, #tpu.memory_space<vmem>>) semaphore(%arg14 : memref<!tpu.dma_semaphore, #tpu.memory_space<semaphore_mem>>)
        } else {
        }
        %add3A_95 = arith.constant 2 : i32
        %add3A_96 = arith.addi %mul3A_57, %add3A_95 : i32
        %dma_wait3A_97 = arith.constant 0 : i32
        %dma_wait3A_98 = arith.constant 0 : i32
        %dma_wait3A_99 = arith.constant 0 : i32
        %dma_wait3A_100 = tpu.memref_slice %arg9[%dma_wait3A_97, %dma_wait3A_98, %dma_wait3A_99] : memref<2x128x128xf32, #tpu.memory_space<vmem>> -> memref<1x128x128xf32, #tpu.memory_space<vmem>>
        %dma_wait3A_101 = tpu.memref_squeeze %dma_wait3A_100 : memref<1x128x128xf32, #tpu.memory_space<vmem>> -> memref<128x128xf32, #tpu.memory_space<vmem>>
        %dma_wait3A_102 = arith.constant 0 : i32
        %dma_wait3A_103 = tpu.memref_slice %arg7[%add3A_96, %dma_wait3A_102] : memref<40x128xi32, #tpu.memory_space<vmem>> -> memref<1x128xi32, #tpu.memory_space<vmem>>
        %dma_wait3A_104 = tpu.memref_squeeze %dma_wait3A_103 : memref<1x128xi32, #tpu.memory_space<vmem>> -> memref<128xi32, #tpu.memory_space<vmem>>
        %dma_wait3A_105 = arith.constant 0 : i32
        %dma_wait3A_106 = arith.constant 0 : i32
        %dma_wait3A_107 = tpu.memref_slice %arg2[%dma_wait3A_105, %dma_wait3A_106] : memref<10112x128xf32, #tpu.memory_space<hbm>> -> memref<10112x128xf32, #tpu.memory_space<hbm>>
        tpu.wait_indirect_dma semaphore(%arg13 : memref<!tpu.dma_semaphore, #tpu.memory_space<semaphore_mem>>) src(%dma_wait3A_107 : memref<10112x128xf32, #tpu.memory_space<hbm>>) dst(%dma_wait3A_101 : memref<128x128xf32, #tpu.memory_space<vmem>>)
        %run_scoped3A_108 = arith.constant 0 : i32
        "tpu.region"() ({
          %run_scoped3A_137 = tpu.sem_alloc : memref<!tpu.dma_semaphore, #tpu.memory_space<semaphore_mem>>
          %dma_start3A_138 = arith.constant 0 : i32
          %dma_start3A_139 = arith.constant 0 : i32
          %dma_start3A_140 = tpu.memref_slice %arg9[%run_scoped3A_108, %dma_start3A_138, %dma_start3A_139] : memref<2x128x128xf32, #tpu.memory_space<vmem>> -> memref<1x128x128xf32, #tpu.memory_space<vmem>>
          %dma_start3A_141 = tpu.memref_squeeze %dma_start3A_140 : memref<1x128x128xf32, #tpu.memory_space<vmem>> -> memref<128x128xf32, #tpu.memory_space<vmem>>
          %dma_start3A_142 = arith.constant 0 : i32
          %dma_start3A_143 = tpu.memref_slice %arg8[%add3A_96, %dma_start3A_142] : memref<40x128xi32, #tpu.memory_space<vmem>> -> memref<1x128xi32, #tpu.memory_space<vmem>>
          %dma_start3A_144 = tpu.memref_squeeze %dma_start3A_143 : memref<1x128xi32, #tpu.memory_space<vmem>> -> memref<128xi32, #tpu.memory_space<vmem>>
          %dma_start3A_145 = arith.constant 0 : i32
          %dma_start3A_146 = arith.constant 0 : i32
          %dma_start3A_147 = tpu.memref_slice %arg10[%dma_start3A_145, %dma_start3A_146] : memref<10112x128xf32, #tpu.memory_space<vmem_shared>> -> memref<10112x128xf32, #tpu.memory_space<vmem_shared>>
          tpu.enqueue_indirect_dma source(%dma_start3A_141 : memref<128x128xf32, #tpu.memory_space<vmem>>) target(%dma_start3A_147 : memref<10112x128xf32, #tpu.memory_space<vmem_shared>>) offsets(%dma_start3A_144 : memref<128xi32, #tpu.memory_space<vmem>>) semaphore(%run_scoped3A_137 : memref<!tpu.dma_semaphore, #tpu.memory_space<semaphore_mem>>) {add = true}
          %dma_wait3A_148 = arith.constant 0 : i32
          %dma_wait3A_149 = arith.constant 0 : i32
          %dma_wait3A_150 = tpu.memref_slice %arg9[%run_scoped3A_108, %dma_wait3A_148, %dma_wait3A_149] : memref<2x128x128xf32, #tpu.memory_space<vmem>> -> memref<1x128x128xf32, #tpu.memory_space<vmem>>
          %dma_wait3A_151 = tpu.memref_squeeze %dma_wait3A_150 : memref<1x128x128xf32, #tpu.memory_space<vmem>> -> memref<128x128xf32, #tpu.memory_space<vmem>>
          %dma_wait3A_152 = arith.constant 0 : i32
          %dma_wait3A_153 = tpu.memref_slice %arg8[%add3A_96, %dma_wait3A_152] : memref<40x128xi32, #tpu.memory_space<vmem>> -> memref<1x128xi32, #tpu.memory_space<vmem>>
          %dma_wait3A_154 = tpu.memref_squeeze %dma_wait3A_153 : memref<1x128xi32, #tpu.memory_space<vmem>> -> memref<128xi32, #tpu.memory_space<vmem>>
          %dma_wait3A_155 = arith.constant 0 : i32
          %dma_wait3A_156 = arith.constant 0 : i32
          %dma_wait3A_157 = tpu.memref_slice %arg10[%dma_wait3A_155, %dma_wait3A_156] : memref<10112x128xf32, #tpu.memory_space<vmem_shared>> -> memref<10112x128xf32, #tpu.memory_space<vmem_shared>>
          tpu.wait_indirect_dma semaphore(%run_scoped3A_137 : memref<!tpu.dma_semaphore, #tpu.memory_space<semaphore_mem>>) src(%dma_wait3A_151 : memref<128x128xf32, #tpu.memory_space<vmem>>) dst(%dma_wait3A_157 : memref<10112x128xf32, #tpu.memory_space<vmem_shared>>)
          tpu.yield
        }) : () -> ()
        %add3A_109 = arith.constant 2 : i32
        %add3A_110 = arith.addi %add3A_96, %add3A_109 : i32
        %lt3A_111 = arith.constant 40 : i32
        %lt3A_112 = arith.cmpi slt, %add3A_110, %lt3A_111 : i32
        %convert_element_type3A_113 = arith.extui %lt3A_112 : i1 to i32
        %cond3A_114 = arith.constant 0 : i32
        %cond3A_115 = arith.cmpi ne, %convert_element_type3A_113, %cond3A_114 : i32
        scf.if %cond3A_115 {
          %add3A_137 = arith.constant 2 : i32
          %add3A_138 = arith.addi %add3A_96, %add3A_137 : i32
          %dma_start3A_139 = arith.constant 0 : i32
          %dma_start3A_140 = arith.constant 0 : i32
          %dma_start3A_141 = arith.constant 0 : i32
          %dma_start3A_142 = tpu.memref_slice %arg9[%dma_start3A_139, %dma_start3A_140, %dma_start3A_141] : memref<2x128x128xf32, #tpu.memory_space<vmem>> -> memref<1x128x128xf32, #tpu.memory_space<vmem>>
          %dma_start3A_143 = tpu.memref_squeeze %dma_start3A_142 : memref<1x128x128xf32, #tpu.memory_space<vmem>> -> memref<128x128xf32, #tpu.memory_space<vmem>>
          %dma_start3A_144 = arith.constant 0 : i32
          %dma_start3A_145 = tpu.memref_slice %arg7[%add3A_138, %dma_start3A_144] : memref<40x128xi32, #tpu.memory_space<vmem>> -> memref<1x128xi32, #tpu.memory_space<vmem>>
          %dma_start3A_146 = tpu.memref_squeeze %dma_start3A_145 : memref<1x128xi32, #tpu.memory_space<vmem>> -> memref<128xi32, #tpu.memory_space<vmem>>
          %dma_start3A_147 = arith.constant 0 : i32
          %dma_start3A_148 = arith.constant 0 : i32
          %dma_start3A_149 = tpu.memref_slice %arg2[%dma_start3A_147, %dma_start3A_148] : memref<10112x128xf32, #tpu.memory_space<hbm>> -> memref<10112x128xf32, #tpu.memory_space<hbm>>
          tpu.enqueue_indirect_dma source(%dma_start3A_149 : memref<10112x128xf32, #tpu.memory_space<hbm>>) target(%dma_start3A_143 : memref<128x128xf32, #tpu.memory_space<vmem>>) offsets(%dma_start3A_146 : memref<128xi32, #tpu.memory_space<vmem>>) semaphore(%arg11 : memref<!tpu.dma_semaphore, #tpu.memory_space<semaphore_mem>>)
        } else {
        }
        %add3A_116 = arith.constant 3 : i32
        %add3A_117 = arith.addi %mul3A_57, %add3A_116 : i32
        %dma_wait3A_118 = arith.constant 1 : i32
        %dma_wait3A_119 = arith.constant 0 : i32
        %dma_wait3A_120 = arith.constant 0 : i32
        %dma_wait3A_121 = tpu.memref_slice %arg9[%dma_wait3A_118, %dma_wait3A_119, %dma_wait3A_120] : memref<2x128x128xf32, #tpu.memory_space<vmem>> -> memref<1x128x128xf32, #tpu.memory_space<vmem>>
        %dma_wait3A_122 = tpu.memref_squeeze %dma_wait3A_121 : memref<1x128x128xf32, #tpu.memory_space<vmem>> -> memref<128x128xf32, #tpu.memory_space<vmem>>
        %dma_wait3A_123 = arith.constant 0 : i32
        %dma_wait3A_124 = tpu.memref_slice %arg7[%add3A_117, %dma_wait3A_123] : memref<40x128xi32, #tpu.memory_space<vmem>> -> memref<1x128xi32, #tpu.memory_space<vmem>>
        %dma_wait3A_125 = tpu.memref_squeeze %dma_wait3A_124 : memref<1x128xi32, #tpu.memory_space<vmem>> -> memref<128xi32, #tpu.memory_space<vmem>>
        %dma_wait3A_126 = arith.constant 0 : i32
        %dma_wait3A_127 = arith.constant 0 : i32
        %dma_wait3A_128 = tpu.memref_slice %arg2[%dma_wait3A_126, %dma_wait3A_127] : memref<10112x128xf32, #tpu.memory_space<hbm>> -> memref<10112x128xf32, #tpu.memory_space<hbm>>
        tpu.wait_indirect_dma semaphore(%arg14 : memref<!tpu.dma_semaphore, #tpu.memory_space<semaphore_mem>>) src(%dma_wait3A_128 : memref<10112x128xf32, #tpu.memory_space<hbm>>) dst(%dma_wait3A_122 : memref<128x128xf32, #tpu.memory_space<vmem>>)
        %run_scoped3A_129 = arith.constant 1 : i32
        "tpu.region"() ({
          %run_scoped3A_137 = tpu.sem_alloc : memref<!tpu.dma_semaphore, #tpu.memory_space<semaphore_mem>>
          %dma_start3A_138 = arith.constant 0 : i32
          %dma_start3A_139 = arith.constant 0 : i32
          %dma_start3A_140 = tpu.memref_slice %arg9[%run_scoped3A_129, %dma_start3A_138, %dma_start3A_139] : memref<2x128x128xf32, #tpu.memory_space<vmem>> -> memref<1x128x128xf32, #tpu.memory_space<vmem>>
          %dma_start3A_141 = tpu.memref_squeeze %dma_start3A_140 : memref<1x128x128xf32, #tpu.memory_space<vmem>> -> memref<128x128xf32, #tpu.memory_space<vmem>>
          %dma_start3A_142 = arith.constant 0 : i32
          %dma_start3A_143 = tpu.memref_slice %arg8[%add3A_117, %dma_start3A_142] : memref<40x128xi32, #tpu.memory_space<vmem>> -> memref<1x128xi32, #tpu.memory_space<vmem>>
          %dma_start3A_144 = tpu.memref_squeeze %dma_start3A_143 : memref<1x128xi32, #tpu.memory_space<vmem>> -> memref<128xi32, #tpu.memory_space<vmem>>
          %dma_start3A_145 = arith.constant 0 : i32
          %dma_start3A_146 = arith.constant 0 : i32
          %dma_start3A_147 = tpu.memref_slice %arg10[%dma_start3A_145, %dma_start3A_146] : memref<10112x128xf32, #tpu.memory_space<vmem_shared>> -> memref<10112x128xf32, #tpu.memory_space<vmem_shared>>
          tpu.enqueue_indirect_dma source(%dma_start3A_141 : memref<128x128xf32, #tpu.memory_space<vmem>>) target(%dma_start3A_147 : memref<10112x128xf32, #tpu.memory_space<vmem_shared>>) offsets(%dma_start3A_144 : memref<128xi32, #tpu.memory_space<vmem>>) semaphore(%run_scoped3A_137 : memref<!tpu.dma_semaphore, #tpu.memory_space<semaphore_mem>>) {add = true}
          %dma_wait3A_148 = arith.constant 0 : i32
          %dma_wait3A_149 = arith.constant 0 : i32
          %dma_wait3A_150 = tpu.memref_slice %arg9[%run_scoped3A_129, %dma_wait3A_148, %dma_wait3A_149] : memref<2x128x128xf32, #tpu.memory_space<vmem>> -> memref<1x128x128xf32, #tpu.memory_space<vmem>>
          %dma_wait3A_151 = tpu.memref_squeeze %dma_wait3A_150 : memref<1x128x128xf32, #tpu.memory_space<vmem>> -> memref<128x128xf32, #tpu.memory_space<vmem>>
          %dma_wait3A_152 = arith.constant 0 : i32
          %dma_wait3A_153 = tpu.memref_slice %arg8[%add3A_117, %dma_wait3A_152] : memref<40x128xi32, #tpu.memory_space<vmem>> -> memref<1x128xi32, #tpu.memory_space<vmem>>
          %dma_wait3A_154 = tpu.memref_squeeze %dma_wait3A_153 : memref<1x128xi32, #tpu.memory_space<vmem>> -> memref<128xi32, #tpu.memory_space<vmem>>
          %dma_wait3A_155 = arith.constant 0 : i32
          %dma_wait3A_156 = arith.constant 0 : i32
          %dma_wait3A_157 = tpu.memref_slice %arg10[%dma_wait3A_155, %dma_wait3A_156] : memref<10112x128xf32, #tpu.memory_space<vmem_shared>> -> memref<10112x128xf32, #tpu.memory_space<vmem_shared>>
          tpu.wait_indirect_dma semaphore(%run_scoped3A_137 : memref<!tpu.dma_semaphore, #tpu.memory_space<semaphore_mem>>) src(%dma_wait3A_151 : memref<128x128xf32, #tpu.memory_space<vmem>>) dst(%dma_wait3A_157 : memref<10112x128xf32, #tpu.memory_space<vmem_shared>>)
          tpu.yield
        }) : () -> ()
        %add3A_130 = arith.constant 2 : i32
        %add3A_131 = arith.addi %add3A_117, %add3A_130 : i32
        %lt3A_132 = arith.constant 40 : i32
        %lt3A_133 = arith.cmpi slt, %add3A_131, %lt3A_132 : i32
        %convert_element_type3A_134 = arith.extui %lt3A_133 : i1 to i32
        %cond3A_135 = arith.constant 0 : i32
        %cond3A_136 = arith.cmpi ne, %convert_element_type3A_134, %cond3A_135 : i32
        scf.if %cond3A_136 {
          %add3A_137 = arith.constant 2 : i32
          %add3A_138 = arith.addi %add3A_117, %add3A_137 : i32
          %dma_start3A_139 = arith.constant 1 : i32
          %dma_start3A_140 = arith.constant 0 : i32
          %dma_start3A_141 = arith.constant 0 : i32
          %dma_start3A_142 = tpu.memref_slice %arg9[%dma_start3A_139, %dma_start3A_140, %dma_start3A_141] : memref<2x128x128xf32, #tpu.memory_space<vmem>> -> memref<1x128x128xf32, #tpu.memory_space<vmem>>
          %dma_start3A_143 = tpu.memref_squeeze %dma_start3A_142 : memref<1x128x128xf32, #tpu.memory_space<vmem>> -> memref<128x128xf32, #tpu.memory_space<vmem>>
          %dma_start3A_144 = arith.constant 0 : i32
          %dma_start3A_145 = tpu.memref_slice %arg7[%add3A_138, %dma_start3A_144] : memref<40x128xi32, #tpu.memory_space<vmem>> -> memref<1x128xi32, #tpu.memory_space<vmem>>
          %dma_start3A_146 = tpu.memref_squeeze %dma_start3A_145 : memref<1x128xi32, #tpu.memory_space<vmem>> -> memref<128xi32, #tpu.memory_space<vmem>>
          %dma_start3A_147 = arith.constant 0 : i32
          %dma_start3A_148 = arith.constant 0 : i32
          %dma_start3A_149 = tpu.memref_slice %arg2[%dma_start3A_147, %dma_start3A_148] : memref<10112x128xf32, #tpu.memory_space<hbm>> -> memref<10112x128xf32, #tpu.memory_space<hbm>>
          tpu.enqueue_indirect_dma source(%dma_start3A_149 : memref<10112x128xf32, #tpu.memory_space<hbm>>) target(%dma_start3A_143 : memref<128x128xf32, #tpu.memory_space<vmem>>) offsets(%dma_start3A_146 : memref<128xi32, #tpu.memory_space<vmem>>) semaphore(%arg12 : memref<!tpu.dma_semaphore, #tpu.memory_space<semaphore_mem>>)
        } else {
        }
      }
      %scan3A_52 = arith.constant 10 : i32
    }
    %while3A_19 = arith.constant 1 : i32
    scf.for %while3A_21 = %while3A_17 to %while3A_13 step %while3A_19  : i32 {
      %mul3A_22 = arith.constant 40 : i32
      %mul3A_23 = arith.muli %while3A_21, %mul3A_22 : i32
      %add3A_24 = arith.addi %select_n3A, %mul3A_23 : i32
      "tpu.region"() ({
        %run_scoped3A = tpu.sem_alloc : memref<!tpu.dma_semaphore, #tpu.memory_space<semaphore_mem>>
        %dma_start3A_53 = arith.constant 0 : i32
        %dma_start3A_54 = tpu.memref_slice %arg3[%add3A_24, %dma_start3A_53] : memref<2560x128xi32, #tpu.memory_space<hbm>> -> memref<40x128xi32, #tpu.memory_space<hbm>>
        %dma_start3A_55 = arith.constant 0 : i32
        %dma_start3A_56 = tpu.memref_slice %arg3[%add3A_24, %dma_start3A_55] : memref<2560x128xi32, #tpu.memory_space<hbm>> -> memref<40x128xi32, #tpu.memory_space<hbm>>
        tpu.enqueue_dma source(%dma_start3A_56 : memref<40x128xi32, #tpu.memory_space<hbm>>) target(%arg7 : memref<40x128xi32, #tpu.memory_space<vmem>>) target_semaphore(%run_scoped3A : memref<!tpu.dma_semaphore, #tpu.memory_space<semaphore_mem>>)
        %dma_wait3A = arith.constant 0 : i32
        %dma_wait3A_57 = tpu.memref_slice %arg3[%add3A_24, %dma_wait3A] : memref<2560x128xi32, #tpu.memory_space<hbm>> -> memref<40x128xi32, #tpu.memory_space<hbm>>
        %dma_wait3A_58 = arith.constant 0 : i32
        %dma_wait3A_59 = tpu.memref_slice %arg3[%add3A_24, %dma_wait3A_58] : memref<2560x128xi32, #tpu.memory_space<hbm>> -> memref<40x128xi32, #tpu.memory_space<hbm>>
        tpu.wait_dma2 semaphore(%run_scoped3A : memref<!tpu.dma_semaphore, #tpu.memory_space<semaphore_mem>>) src(%dma_wait3A_59 : memref<40x128xi32, #tpu.memory_space<hbm>>) dst(%arg7 : memref<40x128xi32, #tpu.memory_space<vmem>>)
        tpu.yield
      }) : () -> ()
      "tpu.region"() ({
        %run_scoped3A = tpu.sem_alloc : memref<!tpu.dma_semaphore, #tpu.memory_space<semaphore_mem>>
        %dma_start3A_53 = arith.constant 0 : i32
        %dma_start3A_54 = tpu.memref_slice %arg4[%add3A_24, %dma_start3A_53] : memref<2560x128xi32, #tpu.memory_space<hbm>> -> memref<40x128xi32, #tpu.memory_space<hbm>>
        %dma_start3A_55 = arith.constant 0 : i32
        %dma_start3A_56 = tpu.memref_slice %arg4[%add3A_24, %dma_start3A_55] : memref<2560x128xi32, #tpu.memory_space<hbm>> -> memref<40x128xi32, #tpu.memory_space<hbm>>
        tpu.enqueue_dma source(%dma_start3A_56 : memref<40x128xi32, #tpu.memory_space<hbm>>) target(%arg8 : memref<40x128xi32, #tpu.memory_space<vmem>>) target_semaphore(%run_scoped3A : memref<!tpu.dma_semaphore, #tpu.memory_space<semaphore_mem>>)
        %dma_wait3A = arith.constant 0 : i32
        %dma_wait3A_57 = tpu.memref_slice %arg4[%add3A_24, %dma_wait3A] : memref<2560x128xi32, #tpu.memory_space<hbm>> -> memref<40x128xi32, #tpu.memory_space<hbm>>
        %dma_wait3A_58 = arith.constant 0 : i32
        %dma_wait3A_59 = tpu.memref_slice %arg4[%add3A_24, %dma_wait3A_58] : memref<2560x128xi32, #tpu.memory_space<hbm>> -> memref<40x128xi32, #tpu.memory_space<hbm>>
        tpu.wait_dma2 semaphore(%run_scoped3A : memref<!tpu.dma_semaphore, #tpu.memory_space<semaphore_mem>>) src(%dma_wait3A_59 : memref<40x128xi32, #tpu.memory_space<hbm>>) dst(%arg8 : memref<40x128xi32, #tpu.memory_space<vmem>>)
        tpu.yield
      }) : () -> ()
      %dma_start3A = arith.constant 0 : i32
      %dma_start3A_25 = arith.constant 0 : i32
      %dma_start3A_26 = arith.constant 0 : i32
      %dma_start3A_27 = arith.constant 0 : i32
      %dma_start3A_28 = tpu.memref_slice %arg9[%dma_start3A_25, %dma_start3A_26, %dma_start3A_27] : memref<2x128x128xf32, #tpu.memory_space<vmem>> -> memref<1x128x128xf32, #tpu.memory_space<vmem>>
      %dma_start3A_29 = tpu.memref_squeeze %dma_start3A_28 : memref<1x128x128xf32, #tpu.memory_space<vmem>> -> memref<128x128xf32, #tpu.memory_space<vmem>>
      %dma_start3A_30 = arith.constant 0 : i32
      %dma_start3A_31 = tpu.memref_slice %arg7[%dma_start3A, %dma_start3A_30] : memref<40x128xi32, #tpu.memory_space<vmem>> -> memref<1x128xi32, #tpu.memory_space<vmem>>
      %dma_start3A_32 = tpu.memref_squeeze %dma_start3A_31 : memref<1x128xi32, #tpu.memory_space<vmem>> -> memref<128xi32, #tpu.memory_space<vmem>>
      %dma_start3A_33 = arith.constant 0 : i32
      %dma_start3A_34 = arith.constant 0 : i32
      %dma_start3A_35 = tpu.memref_slice %arg2[%dma_start3A_33, %dma_start3A_34] : memref<10112x128xf32, #tpu.memory_space<hbm>> -> memref<10112x128xf32, #tpu.memory_space<hbm>>
      tpu.enqueue_indirect_dma source(%dma_start3A_35 : memref<10112x128xf32, #tpu.memory_space<hbm>>) target(%dma_start3A_29 : memref<128x128xf32, #tpu.memory_space<vmem>>) offsets(%dma_start3A_32 : memref<128xi32, #tpu.memory_space<vmem>>) semaphore(%arg11 : memref<!tpu.dma_semaphore, #tpu.memory_space<semaphore_mem>>)
      %dma_start3A_36 = arith.constant 1 : i32
      %dma_start3A_37 = arith.constant 1 : i32
      %dma_start3A_38 = arith.constant 0 : i32
      %dma_start3A_39 = arith.constant 0 : i32
      %dma_start3A_40 = tpu.memref_slice %arg9[%dma_start3A_37, %dma_start3A_38, %dma_start3A_39] : memref<2x128x128xf32, #tpu.memory_space<vmem>> -> memref<1x128x128xf32, #tpu.memory_space<vmem>>
      %dma_start3A_41 = tpu.memref_squeeze %dma_start3A_40 : memref<1x128x128xf32, #tpu.memory_space<vmem>> -> memref<128x128xf32, #tpu.memory_space<vmem>>
      %dma_start3A_42 = arith.constant 0 : i32
      %dma_start3A_43 = tpu.memref_slice %arg7[%dma_start3A_36, %dma_start3A_42] : memref<40x128xi32, #tpu.memory_space<vmem>> -> memref<1x128xi32, #tpu.memory_space<vmem>>
      %dma_start3A_44 = tpu.memref_squeeze %dma_start3A_43 : memref<1x128xi32, #tpu.memory_space<vmem>> -> memref<128xi32, #tpu.memory_space<vmem>>
      %dma_start3A_45 = arith.constant 0 : i32
      %dma_start3A_46 = arith.constant 0 : i32
      %dma_start3A_47 = tpu.memref_slice %arg2[%dma_start3A_45, %dma_start3A_46] : memref<10112x128xf32, #tpu.memory_space<hbm>> -> memref<10112x128xf32, #tpu.memory_space<hbm>>
      tpu.enqueue_indirect_dma source(%dma_start3A_47 : memref<10112x128xf32, #tpu.memory_space<hbm>>) target(%dma_start3A_41 : memref<128x128xf32, #tpu.memory_space<vmem>>) offsets(%dma_start3A_44 : memref<128xi32, #tpu.memory_space<vmem>>) semaphore(%arg12 : memref<!tpu.dma_semaphore, #tpu.memory_space<semaphore_mem>>)
      %scan3A = arith.constant 0 : i32
      %scan3A_48 = arith.constant 0 : i32
      %scan3A_49 = arith.constant 10 : i32
      %scan3A_50 = arith.addi %scan3A_48, %scan3A_49 : i32
      %scan3A_51 = arith.constant 1 : i32
      scf.for %scan3A_53 = %scan3A_48 to %scan3A_50 step %scan3A_51  : i32 {
        %mul3A_54 = arith.constant 2 : i32
        %mul3A_55 = arith.muli %scan3A_53, %mul3A_54 : i32
        %mul3A_56 = arith.constant 2 : i32
        %mul3A_57 = arith.muli %mul3A_55, %mul3A_56 : i32
        %add3A_58 = arith.constant 0 : i32
        %add3A_59 = arith.addi %mul3A_57, %add3A_58 : i32
        %dma_wait3A = arith.constant 0 : i32
        %dma_wait3A_60 = arith.constant 0 : i32
        %dma_wait3A_61 = arith.constant 0 : i32
        %dma_wait3A_62 = tpu.memref_slice %arg9[%dma_wait3A, %dma_wait3A_60, %dma_wait3A_61] : memref<2x128x128xf32, #tpu.memory_space<vmem>> -> memref<1x128x128xf32, #tpu.memory_space<vmem>>
        %dma_wait3A_63 = tpu.memref_squeeze %dma_wait3A_62 : memref<1x128x128xf32, #tpu.memory_space<vmem>> -> memref<128x128xf32, #tpu.memory_space<vmem>>
        %dma_wait3A_64 = arith.constant 0 : i32
        %dma_wait3A_65 = tpu.memref_slice %arg7[%add3A_59, %dma_wait3A_64] : memref<40x128xi32, #tpu.memory_space<vmem>> -> memref<1x128xi32, #tpu.memory_space<vmem>>
        %dma_wait3A_66 = tpu.memref_squeeze %dma_wait3A_65 : memref<1x128xi32, #tpu.memory_space<vmem>> -> memref<128xi32, #tpu.memory_space<vmem>>
        %dma_wait3A_67 = arith.constant 0 : i32
        %dma_wait3A_68 = arith.constant 0 : i32
        %dma_wait3A_69 = tpu.memref_slice %arg2[%dma_wait3A_67, %dma_wait3A_68] : memref<10112x128xf32, #tpu.memory_space<hbm>> -> memref<10112x128xf32, #tpu.memory_space<hbm>>
        tpu.wait_indirect_dma semaphore(%arg11 : memref<!tpu.dma_semaphore, #tpu.memory_space<semaphore_mem>>) src(%dma_wait3A_69 : memref<10112x128xf32, #tpu.memory_space<hbm>>) dst(%dma_wait3A_63 : memref<128x128xf32, #tpu.memory_space<vmem>>)
        %run_scoped3A = arith.constant 0 : i32
        "tpu.region"() ({
          %run_scoped3A_137 = tpu.sem_alloc : memref<!tpu.dma_semaphore, #tpu.memory_space<semaphore_mem>>
          %dma_start3A_138 = arith.constant 0 : i32
          %dma_start3A_139 = arith.constant 0 : i32
          %dma_start3A_140 = tpu.memref_slice %arg9[%run_scoped3A, %dma_start3A_138, %dma_start3A_139] : memref<2x128x128xf32, #tpu.memory_space<vmem>> -> memref<1x128x128xf32, #tpu.memory_space<vmem>>
          %dma_start3A_141 = tpu.memref_squeeze %dma_start3A_140 : memref<1x128x128xf32, #tpu.memory_space<vmem>> -> memref<128x128xf32, #tpu.memory_space<vmem>>
          %dma_start3A_142 = arith.constant 0 : i32
          %dma_start3A_143 = tpu.memref_slice %arg8[%add3A_59, %dma_start3A_142] : memref<40x128xi32, #tpu.memory_space<vmem>> -> memref<1x128xi32, #tpu.memory_space<vmem>>
          %dma_start3A_144 = tpu.memref_squeeze %dma_start3A_143 : memref<1x128xi32, #tpu.memory_space<vmem>> -> memref<128xi32, #tpu.memory_space<vmem>>
          %dma_start3A_145 = arith.constant 0 : i32
          %dma_start3A_146 = arith.constant 0 : i32
          %dma_start3A_147 = tpu.memref_slice %arg10[%dma_start3A_145, %dma_start3A_146] : memref<10112x128xf32, #tpu.memory_space<vmem_shared>> -> memref<10112x128xf32, #tpu.memory_space<vmem_shared>>
          tpu.enqueue_indirect_dma source(%dma_start3A_141 : memref<128x128xf32, #tpu.memory_space<vmem>>) target(%dma_start3A_147 : memref<10112x128xf32, #tpu.memory_space<vmem_shared>>) offsets(%dma_start3A_144 : memref<128xi32, #tpu.memory_space<vmem>>) semaphore(%run_scoped3A_137 : memref<!tpu.dma_semaphore, #tpu.memory_space<semaphore_mem>>) {add = true}
          %dma_wait3A_148 = arith.constant 0 : i32
          %dma_wait3A_149 = arith.constant 0 : i32
          %dma_wait3A_150 = tpu.memref_slice %arg9[%run_scoped3A, %dma_wait3A_148, %dma_wait3A_149] : memref<2x128x128xf32, #tpu.memory_space<vmem>> -> memref<1x128x128xf32, #tpu.memory_space<vmem>>
          %dma_wait3A_151 = tpu.memref_squeeze %dma_wait3A_150 : memref<1x128x128xf32, #tpu.memory_space<vmem>> -> memref<128x128xf32, #tpu.memory_space<vmem>>
          %dma_wait3A_152 = arith.constant 0 : i32
          %dma_wait3A_153 = tpu.memref_slice %arg8[%add3A_59, %dma_wait3A_152] : memref<40x128xi32, #tpu.memory_space<vmem>> -> memref<1x128xi32, #tpu.memory_space<vmem>>
          %dma_wait3A_154 = tpu.memref_squeeze %dma_wait3A_153 : memref<1x128xi32, #tpu.memory_space<vmem>> -> memref<128xi32, #tpu.memory_space<vmem>>
          %dma_wait3A_155 = arith.constant 0 : i32
          %dma_wait3A_156 = arith.constant 0 : i32
          %dma_wait3A_157 = tpu.memref_slice %arg10[%dma_wait3A_155, %dma_wait3A_156] : memref<10112x128xf32, #tpu.memory_space<vmem_shared>> -> memref<10112x128xf32, #tpu.memory_space<vmem_shared>>
          tpu.wait_indirect_dma semaphore(%run_scoped3A_137 : memref<!tpu.dma_semaphore, #tpu.memory_space<semaphore_mem>>) src(%dma_wait3A_151 : memref<128x128xf32, #tpu.memory_space<vmem>>) dst(%dma_wait3A_157 : memref<10112x128xf32, #tpu.memory_space<vmem_shared>>)
          tpu.yield
        }) : () -> ()
        %add3A_70 = arith.constant 2 : i32
        %add3A_71 = arith.addi %add3A_59, %add3A_70 : i32
        %lt3A = arith.constant 40 : i32
        %lt3A_72 = arith.cmpi slt, %add3A_71, %lt3A : i32
        %convert_element_type3A = arith.extui %lt3A_72 : i1 to i32
        %cond3A = arith.constant 0 : i32
        %cond3A_73 = arith.cmpi ne, %convert_element_type3A, %cond3A : i32
        scf.if %cond3A_73 {
          %add3A_137 = arith.constant 2 : i32
          %add3A_138 = arith.addi %add3A_59, %add3A_137 : i32
          %dma_start3A_139 = arith.constant 0 : i32
          %dma_start3A_140 = arith.constant 0 : i32
          %dma_start3A_141 = arith.constant 0 : i32
          %dma_start3A_142 = tpu.memref_slice %arg9[%dma_start3A_139, %dma_start3A_140, %dma_start3A_141] : memref<2x128x128xf32, #tpu.memory_space<vmem>> -> memref<1x128x128xf32, #tpu.memory_space<vmem>>
          %dma_start3A_143 = tpu.memref_squeeze %dma_start3A_142 : memref<1x128x128xf32, #tpu.memory_space<vmem>> -> memref<128x128xf32, #tpu.memory_space<vmem>>
          %dma_start3A_144 = arith.constant 0 : i32
          %dma_start3A_145 = tpu.memref_slice %arg7[%add3A_138, %dma_start3A_144] : memref<40x128xi32, #tpu.memory_space<vmem>> -> memref<1x128xi32, #tpu.memory_space<vmem>>
          %dma_start3A_146 = tpu.memref_squeeze %dma_start3A_145 : memref<1x128xi32, #tpu.memory_space<vmem>> -> memref<128xi32, #tpu.memory_space<vmem>>
          %dma_start3A_147 = arith.constant 0 : i32
          %dma_start3A_148 = arith.constant 0 : i32
          %dma_start3A_149 = tpu.memref_slice %arg2[%dma_start3A_147, %dma_start3A_148] : memref<10112x128xf32, #tpu.memory_space<hbm>> -> memref<10112x128xf32, #tpu.memory_space<hbm>>
          tpu.enqueue_indirect_dma source(%dma_start3A_149 : memref<10112x128xf32, #tpu.memory_space<hbm>>) target(%dma_start3A_143 : memref<128x128xf32, #tpu.memory_space<vmem>>) offsets(%dma_start3A_146 : memref<128xi32, #tpu.memory_space<vmem>>) semaphore(%arg13 : memref<!tpu.dma_semaphore, #tpu.memory_space<semaphore_mem>>)
        } else {
        }
        %add3A_74 = arith.constant 1 : i32
        %add3A_75 = arith.addi %mul3A_57, %add3A_74 : i32
        %dma_wait3A_76 = arith.constant 1 : i32
        %dma_wait3A_77 = arith.constant 0 : i32
        %dma_wait3A_78 = arith.constant 0 : i32
        %dma_wait3A_79 = tpu.memref_slice %arg9[%dma_wait3A_76, %dma_wait3A_77, %dma_wait3A_78] : memref<2x128x128xf32, #tpu.memory_space<vmem>> -> memref<1x128x128xf32, #tpu.memory_space<vmem>>
        %dma_wait3A_80 = tpu.memref_squeeze %dma_wait3A_79 : memref<1x128x128xf32, #tpu.memory_space<vmem>> -> memref<128x128xf32, #tpu.memory_space<vmem>>
        %dma_wait3A_81 = arith.constant 0 : i32
        %dma_wait3A_82 = tpu.memref_slice %arg7[%add3A_75, %dma_wait3A_81] : memref<40x128xi32, #tpu.memory_space<vmem>> -> memref<1x128xi32, #tpu.memory_space<vmem>>
        %dma_wait3A_83 = tpu.memref_squeeze %dma_wait3A_82 : memref<1x128xi32, #tpu.memory_space<vmem>> -> memref<128xi32, #tpu.memory_space<vmem>>
        %dma_wait3A_84 = arith.constant 0 : i32
        %dma_wait3A_85 = arith.constant 0 : i32
        %dma_wait3A_86 = tpu.memref_slice %arg2[%dma_wait3A_84, %dma_wait3A_85] : memref<10112x128xf32, #tpu.memory_space<hbm>> -> memref<10112x128xf32, #tpu.memory_space<hbm>>
        tpu.wait_indirect_dma semaphore(%arg12 : memref<!tpu.dma_semaphore, #tpu.memory_space<semaphore_mem>>) src(%dma_wait3A_86 : memref<10112x128xf32, #tpu.memory_space<hbm>>) dst(%dma_wait3A_80 : memref<128x128xf32, #tpu.memory_space<vmem>>)
        %run_scoped3A_87 = arith.constant 1 : i32
        "tpu.region"() ({
          %run_scoped3A_137 = tpu.sem_alloc : memref<!tpu.dma_semaphore, #tpu.memory_space<semaphore_mem>>
          %dma_start3A_138 = arith.constant 0 : i32
          %dma_start3A_139 = arith.constant 0 : i32
          %dma_start3A_140 = tpu.memref_slice %arg9[%run_scoped3A_87, %dma_start3A_138, %dma_start3A_139] : memref<2x128x128xf32, #tpu.memory_space<vmem>> -> memref<1x128x128xf32, #tpu.memory_space<vmem>>
          %dma_start3A_141 = tpu.memref_squeeze %dma_start3A_140 : memref<1x128x128xf32, #tpu.memory_space<vmem>> -> memref<128x128xf32, #tpu.memory_space<vmem>>
          %dma_start3A_142 = arith.constant 0 : i32
          %dma_start3A_143 = tpu.memref_slice %arg8[%add3A_75, %dma_start3A_142] : memref<40x128xi32, #tpu.memory_space<vmem>> -> memref<1x128xi32, #tpu.memory_space<vmem>>
          %dma_start3A_144 = tpu.memref_squeeze %dma_start3A_143 : memref<1x128xi32, #tpu.memory_space<vmem>> -> memref<128xi32, #tpu.memory_space<vmem>>
          %dma_start3A_145 = arith.constant 0 : i32
          %dma_start3A_146 = arith.constant 0 : i32
          %dma_start3A_147 = tpu.memref_slice %arg10[%dma_start3A_145, %dma_start3A_146] : memref<10112x128xf32, #tpu.memory_space<vmem_shared>> -> memref<10112x128xf32, #tpu.memory_space<vmem_shared>>
          tpu.enqueue_indirect_dma source(%dma_start3A_141 : memref<128x128xf32, #tpu.memory_space<vmem>>) target(%dma_start3A_147 : memref<10112x128xf32, #tpu.memory_space<vmem_shared>>) offsets(%dma_start3A_144 : memref<128xi32, #tpu.memory_space<vmem>>) semaphore(%run_scoped3A_137 : memref<!tpu.dma_semaphore, #tpu.memory_space<semaphore_mem>>) {add = true}
          %dma_wait3A_148 = arith.constant 0 : i32
          %dma_wait3A_149 = arith.constant 0 : i32
          %dma_wait3A_150 = tpu.memref_slice %arg9[%run_scoped3A_87, %dma_wait3A_148, %dma_wait3A_149] : memref<2x128x128xf32, #tpu.memory_space<vmem>> -> memref<1x128x128xf32, #tpu.memory_space<vmem>>
          %dma_wait3A_151 = tpu.memref_squeeze %dma_wait3A_150 : memref<1x128x128xf32, #tpu.memory_space<vmem>> -> memref<128x128xf32, #tpu.memory_space<vmem>>
          %dma_wait3A_152 = arith.constant 0 : i32
          %dma_wait3A_153 = tpu.memref_slice %arg8[%add3A_75, %dma_wait3A_152] : memref<40x128xi32, #tpu.memory_space<vmem>> -> memref<1x128xi32, #tpu.memory_space<vmem>>
          %dma_wait3A_154 = tpu.memref_squeeze %dma_wait3A_153 : memref<1x128xi32, #tpu.memory_space<vmem>> -> memref<128xi32, #tpu.memory_space<vmem>>
          %dma_wait3A_155 = arith.constant 0 : i32
          %dma_wait3A_156 = arith.constant 0 : i32
          %dma_wait3A_157 = tpu.memref_slice %arg10[%dma_wait3A_155, %dma_wait3A_156] : memref<10112x128xf32, #tpu.memory_space<vmem_shared>> -> memref<10112x128xf32, #tpu.memory_space<vmem_shared>>
          tpu.wait_indirect_dma semaphore(%run_scoped3A_137 : memref<!tpu.dma_semaphore, #tpu.memory_space<semaphore_mem>>) src(%dma_wait3A_151 : memref<128x128xf32, #tpu.memory_space<vmem>>) dst(%dma_wait3A_157 : memref<10112x128xf32, #tpu.memory_space<vmem_shared>>)
          tpu.yield
        }) : () -> ()
        %add3A_88 = arith.constant 2 : i32
        %add3A_89 = arith.addi %add3A_75, %add3A_88 : i32
        %lt3A_90 = arith.constant 40 : i32
        %lt3A_91 = arith.cmpi slt, %add3A_89, %lt3A_90 : i32
        %convert_element_type3A_92 = arith.extui %lt3A_91 : i1 to i32
        %cond3A_93 = arith.constant 0 : i32
        %cond3A_94 = arith.cmpi ne, %convert_element_type3A_92, %cond3A_93 : i32
        scf.if %cond3A_94 {
          %add3A_137 = arith.constant 2 : i32
          %add3A_138 = arith.addi %add3A_75, %add3A_137 : i32
          %dma_start3A_139 = arith.constant 1 : i32
          %dma_start3A_140 = arith.constant 0 : i32
          %dma_start3A_141 = arith.constant 0 : i32
          %dma_start3A_142 = tpu.memref_slice %arg9[%dma_start3A_139, %dma_start3A_140, %dma_start3A_141] : memref<2x128x128xf32, #tpu.memory_space<vmem>> -> memref<1x128x128xf32, #tpu.memory_space<vmem>>
          %dma_start3A_143 = tpu.memref_squeeze %dma_start3A_142 : memref<1x128x128xf32, #tpu.memory_space<vmem>> -> memref<128x128xf32, #tpu.memory_space<vmem>>
          %dma_start3A_144 = arith.constant 0 : i32
          %dma_start3A_145 = tpu.memref_slice %arg7[%add3A_138, %dma_start3A_144] : memref<40x128xi32, #tpu.memory_space<vmem>> -> memref<1x128xi32, #tpu.memory_space<vmem>>
          %dma_start3A_146 = tpu.memref_squeeze %dma_start3A_145 : memref<1x128xi32, #tpu.memory_space<vmem>> -> memref<128xi32, #tpu.memory_space<vmem>>
          %dma_start3A_147 = arith.constant 0 : i32
          %dma_start3A_148 = arith.constant 0 : i32
          %dma_start3A_149 = tpu.memref_slice %arg2[%dma_start3A_147, %dma_start3A_148] : memref<10112x128xf32, #tpu.memory_space<hbm>> -> memref<10112x128xf32, #tpu.memory_space<hbm>>
          tpu.enqueue_indirect_dma source(%dma_start3A_149 : memref<10112x128xf32, #tpu.memory_space<hbm>>) target(%dma_start3A_143 : memref<128x128xf32, #tpu.memory_space<vmem>>) offsets(%dma_start3A_146 : memref<128xi32, #tpu.memory_space<vmem>>) semaphore(%arg14 : memref<!tpu.dma_semaphore, #tpu.memory_space<semaphore_mem>>)
        } else {
        }
        %add3A_95 = arith.constant 2 : i32
        %add3A_96 = arith.addi %mul3A_57, %add3A_95 : i32
        %dma_wait3A_97 = arith.constant 0 : i32
        %dma_wait3A_98 = arith.constant 0 : i32
        %dma_wait3A_99 = arith.constant 0 : i32
        %dma_wait3A_100 = tpu.memref_slice %arg9[%dma_wait3A_97, %dma_wait3A_98, %dma_wait3A_99] : memref<2x128x128xf32, #tpu.memory_space<vmem>> -> memref<1x128x128xf32, #tpu.memory_space<vmem>>
        %dma_wait3A_101 = tpu.memref_squeeze %dma_wait3A_100 : memref<1x128x128xf32, #tpu.memory_space<vmem>> -> memref<128x128xf32, #tpu.memory_space<vmem>>
        %dma_wait3A_102 = arith.constant 0 : i32
        %dma_wait3A_103 = tpu.memref_slice %arg7[%add3A_96, %dma_wait3A_102] : memref<40x128xi32, #tpu.memory_space<vmem>> -> memref<1x128xi32, #tpu.memory_space<vmem>>
        %dma_wait3A_104 = tpu.memref_squeeze %dma_wait3A_103 : memref<1x128xi32, #tpu.memory_space<vmem>> -> memref<128xi32, #tpu.memory_space<vmem>>
        %dma_wait3A_105 = arith.constant 0 : i32
        %dma_wait3A_106 = arith.constant 0 : i32
        %dma_wait3A_107 = tpu.memref_slice %arg2[%dma_wait3A_105, %dma_wait3A_106] : memref<10112x128xf32, #tpu.memory_space<hbm>> -> memref<10112x128xf32, #tpu.memory_space<hbm>>
        tpu.wait_indirect_dma semaphore(%arg13 : memref<!tpu.dma_semaphore, #tpu.memory_space<semaphore_mem>>) src(%dma_wait3A_107 : memref<10112x128xf32, #tpu.memory_space<hbm>>) dst(%dma_wait3A_101 : memref<128x128xf32, #tpu.memory_space<vmem>>)
        %run_scoped3A_108 = arith.constant 0 : i32
        "tpu.region"() ({
          %run_scoped3A_137 = tpu.sem_alloc : memref<!tpu.dma_semaphore, #tpu.memory_space<semaphore_mem>>
          %dma_start3A_138 = arith.constant 0 : i32
          %dma_start3A_139 = arith.constant 0 : i32
          %dma_start3A_140 = tpu.memref_slice %arg9[%run_scoped3A_108, %dma_start3A_138, %dma_start3A_139] : memref<2x128x128xf32, #tpu.memory_space<vmem>> -> memref<1x128x128xf32, #tpu.memory_space<vmem>>
          %dma_start3A_141 = tpu.memref_squeeze %dma_start3A_140 : memref<1x128x128xf32, #tpu.memory_space<vmem>> -> memref<128x128xf32, #tpu.memory_space<vmem>>
          %dma_start3A_142 = arith.constant 0 : i32
          %dma_start3A_143 = tpu.memref_slice %arg8[%add3A_96, %dma_start3A_142] : memref<40x128xi32, #tpu.memory_space<vmem>> -> memref<1x128xi32, #tpu.memory_space<vmem>>
          %dma_start3A_144 = tpu.memref_squeeze %dma_start3A_143 : memref<1x128xi32, #tpu.memory_space<vmem>> -> memref<128xi32, #tpu.memory_space<vmem>>
          %dma_start3A_145 = arith.constant 0 : i32
          %dma_start3A_146 = arith.constant 0 : i32
          %dma_start3A_147 = tpu.memref_slice %arg10[%dma_start3A_145, %dma_start3A_146] : memref<10112x128xf32, #tpu.memory_space<vmem_shared>> -> memref<10112x128xf32, #tpu.memory_space<vmem_shared>>
          tpu.enqueue_indirect_dma source(%dma_start3A_141 : memref<128x128xf32, #tpu.memory_space<vmem>>) target(%dma_start3A_147 : memref<10112x128xf32, #tpu.memory_space<vmem_shared>>) offsets(%dma_start3A_144 : memref<128xi32, #tpu.memory_space<vmem>>) semaphore(%run_scoped3A_137 : memref<!tpu.dma_semaphore, #tpu.memory_space<semaphore_mem>>) {add = true}
          %dma_wait3A_148 = arith.constant 0 : i32
          %dma_wait3A_149 = arith.constant 0 : i32
          %dma_wait3A_150 = tpu.memref_slice %arg9[%run_scoped3A_108, %dma_wait3A_148, %dma_wait3A_149] : memref<2x128x128xf32, #tpu.memory_space<vmem>> -> memref<1x128x128xf32, #tpu.memory_space<vmem>>
          %dma_wait3A_151 = tpu.memref_squeeze %dma_wait3A_150 : memref<1x128x128xf32, #tpu.memory_space<vmem>> -> memref<128x128xf32, #tpu.memory_space<vmem>>
          %dma_wait3A_152 = arith.constant 0 : i32
          %dma_wait3A_153 = tpu.memref_slice %arg8[%add3A_96, %dma_wait3A_152] : memref<40x128xi32, #tpu.memory_space<vmem>> -> memref<1x128xi32, #tpu.memory_space<vmem>>
          %dma_wait3A_154 = tpu.memref_squeeze %dma_wait3A_153 : memref<1x128xi32, #tpu.memory_space<vmem>> -> memref<128xi32, #tpu.memory_space<vmem>>
          %dma_wait3A_155 = arith.constant 0 : i32
          %dma_wait3A_156 = arith.constant 0 : i32
          %dma_wait3A_157 = tpu.memref_slice %arg10[%dma_wait3A_155, %dma_wait3A_156] : memref<10112x128xf32, #tpu.memory_space<vmem_shared>> -> memref<10112x128xf32, #tpu.memory_space<vmem_shared>>
          tpu.wait_indirect_dma semaphore(%run_scoped3A_137 : memref<!tpu.dma_semaphore, #tpu.memory_space<semaphore_mem>>) src(%dma_wait3A_151 : memref<128x128xf32, #tpu.memory_space<vmem>>) dst(%dma_wait3A_157 : memref<10112x128xf32, #tpu.memory_space<vmem_shared>>)
          tpu.yield
        }) : () -> ()
        %add3A_109 = arith.constant 2 : i32
        %add3A_110 = arith.addi %add3A_96, %add3A_109 : i32
        %lt3A_111 = arith.constant 40 : i32
        %lt3A_112 = arith.cmpi slt, %add3A_110, %lt3A_111 : i32
        %convert_element_type3A_113 = arith.extui %lt3A_112 : i1 to i32
        %cond3A_114 = arith.constant 0 : i32
        %cond3A_115 = arith.cmpi ne, %convert_element_type3A_113, %cond3A_114 : i32
        scf.if %cond3A_115 {
          %add3A_137 = arith.constant 2 : i32
          %add3A_138 = arith.addi %add3A_96, %add3A_137 : i32
          %dma_start3A_139 = arith.constant 0 : i32
          %dma_start3A_140 = arith.constant 0 : i32
          %dma_start3A_141 = arith.constant 0 : i32
          %dma_start3A_142 = tpu.memref_slice %arg9[%dma_start3A_139, %dma_start3A_140, %dma_start3A_141] : memref<2x128x128xf32, #tpu.memory_space<vmem>> -> memref<1x128x128xf32, #tpu.memory_space<vmem>>
          %dma_start3A_143 = tpu.memref_squeeze %dma_start3A_142 : memref<1x128x128xf32, #tpu.memory_space<vmem>> -> memref<128x128xf32, #tpu.memory_space<vmem>>
          %dma_start3A_144 = arith.constant 0 : i32
          %dma_start3A_145 = tpu.memref_slice %arg7[%add3A_138, %dma_start3A_144] : memref<40x128xi32, #tpu.memory_space<vmem>> -> memref<1x128xi32, #tpu.memory_space<vmem>>
          %dma_start3A_146 = tpu.memref_squeeze %dma_start3A_145 : memref<1x128xi32, #tpu.memory_space<vmem>> -> memref<128xi32, #tpu.memory_space<vmem>>
          %dma_start3A_147 = arith.constant 0 : i32
          %dma_start3A_148 = arith.constant 0 : i32
          %dma_start3A_149 = tpu.memref_slice %arg2[%dma_start3A_147, %dma_start3A_148] : memref<10112x128xf32, #tpu.memory_space<hbm>> -> memref<10112x128xf32, #tpu.memory_space<hbm>>
          tpu.enqueue_indirect_dma source(%dma_start3A_149 : memref<10112x128xf32, #tpu.memory_space<hbm>>) target(%dma_start3A_143 : memref<128x128xf32, #tpu.memory_space<vmem>>) offsets(%dma_start3A_146 : memref<128xi32, #tpu.memory_space<vmem>>) semaphore(%arg11 : memref<!tpu.dma_semaphore, #tpu.memory_space<semaphore_mem>>)
        } else {
        }
        %add3A_116 = arith.constant 3 : i32
        %add3A_117 = arith.addi %mul3A_57, %add3A_116 : i32
        %dma_wait3A_118 = arith.constant 1 : i32
        %dma_wait3A_119 = arith.constant 0 : i32
        %dma_wait3A_120 = arith.constant 0 : i32
        %dma_wait3A_121 = tpu.memref_slice %arg9[%dma_wait3A_118, %dma_wait3A_119, %dma_wait3A_120] : memref<2x128x128xf32, #tpu.memory_space<vmem>> -> memref<1x128x128xf32, #tpu.memory_space<vmem>>
        %dma_wait3A_122 = tpu.memref_squeeze %dma_wait3A_121 : memref<1x128x128xf32, #tpu.memory_space<vmem>> -> memref<128x128xf32, #tpu.memory_space<vmem>>
        %dma_wait3A_123 = arith.constant 0 : i32
        %dma_wait3A_124 = tpu.memref_slice %arg7[%add3A_117, %dma_wait3A_123] : memref<40x128xi32, #tpu.memory_space<vmem>> -> memref<1x128xi32, #tpu.memory_space<vmem>>
        %dma_wait3A_125 = tpu.memref_squeeze %dma_wait3A_124 : memref<1x128xi32, #tpu.memory_space<vmem>> -> memref<128xi32, #tpu.memory_space<vmem>>
        %dma_wait3A_126 = arith.constant 0 : i32
        %dma_wait3A_127 = arith.constant 0 : i32
        %dma_wait3A_128 = tpu.memref_slice %arg2[%dma_wait3A_126, %dma_wait3A_127] : memref<10112x128xf32, #tpu.memory_space<hbm>> -> memref<10112x128xf32, #tpu.memory_space<hbm>>
        tpu.wait_indirect_dma semaphore(%arg14 : memref<!tpu.dma_semaphore, #tpu.memory_space<semaphore_mem>>) src(%dma_wait3A_128 : memref<10112x128xf32, #tpu.memory_space<hbm>>) dst(%dma_wait3A_122 : memref<128x128xf32, #tpu.memory_space<vmem>>)
        %run_scoped3A_129 = arith.constant 1 : i32
        "tpu.region"() ({
          %run_scoped3A_137 = tpu.sem_alloc : memref<!tpu.dma_semaphore, #tpu.memory_space<semaphore_mem>>
          %dma_start3A_138 = arith.constant 0 : i32
          %dma_start3A_139 = arith.constant 0 : i32
          %dma_start3A_140 = tpu.memref_slice %arg9[%run_scoped3A_129, %dma_start3A_138, %dma_start3A_139] : memref<2x128x128xf32, #tpu.memory_space<vmem>> -> memref<1x128x128xf32, #tpu.memory_space<vmem>>
          %dma_start3A_141 = tpu.memref_squeeze %dma_start3A_140 : memref<1x128x128xf32, #tpu.memory_space<vmem>> -> memref<128x128xf32, #tpu.memory_space<vmem>>
          %dma_start3A_142 = arith.constant 0 : i32
          %dma_start3A_143 = tpu.memref_slice %arg8[%add3A_117, %dma_start3A_142] : memref<40x128xi32, #tpu.memory_space<vmem>> -> memref<1x128xi32, #tpu.memory_space<vmem>>
          %dma_start3A_144 = tpu.memref_squeeze %dma_start3A_143 : memref<1x128xi32, #tpu.memory_space<vmem>> -> memref<128xi32, #tpu.memory_space<vmem>>
          %dma_start3A_145 = arith.constant 0 : i32
          %dma_start3A_146 = arith.constant 0 : i32
          %dma_start3A_147 = tpu.memref_slice %arg10[%dma_start3A_145, %dma_start3A_146] : memref<10112x128xf32, #tpu.memory_space<vmem_shared>> -> memref<10112x128xf32, #tpu.memory_space<vmem_shared>>
          tpu.enqueue_indirect_dma source(%dma_start3A_141 : memref<128x128xf32, #tpu.memory_space<vmem>>) target(%dma_start3A_147 : memref<10112x128xf32, #tpu.memory_space<vmem_shared>>) offsets(%dma_start3A_144 : memref<128xi32, #tpu.memory_space<vmem>>) semaphore(%run_scoped3A_137 : memref<!tpu.dma_semaphore, #tpu.memory_space<semaphore_mem>>) {add = true}
          %dma_wait3A_148 = arith.constant 0 : i32
          %dma_wait3A_149 = arith.constant 0 : i32
          %dma_wait3A_150 = tpu.memref_slice %arg9[%run_scoped3A_129, %dma_wait3A_148, %dma_wait3A_149] : memref<2x128x128xf32, #tpu.memory_space<vmem>> -> memref<1x128x128xf32, #tpu.memory_space<vmem>>
          %dma_wait3A_151 = tpu.memref_squeeze %dma_wait3A_150 : memref<1x128x128xf32, #tpu.memory_space<vmem>> -> memref<128x128xf32, #tpu.memory_space<vmem>>
          %dma_wait3A_152 = arith.constant 0 : i32
          %dma_wait3A_153 = tpu.memref_slice %arg8[%add3A_117, %dma_wait3A_152] : memref<40x128xi32, #tpu.memory_space<vmem>> -> memref<1x128xi32, #tpu.memory_space<vmem>>
          %dma_wait3A_154 = tpu.memref_squeeze %dma_wait3A_153 : memref<1x128xi32, #tpu.memory_space<vmem>> -> memref<128xi32, #tpu.memory_space<vmem>>
          %dma_wait3A_155 = arith.constant 0 : i32
          %dma_wait3A_156 = arith.constant 0 : i32
          %dma_wait3A_157 = tpu.memref_slice %arg10[%dma_wait3A_155, %dma_wait3A_156] : memref<10112x128xf32, #tpu.memory_space<vmem_shared>> -> memref<10112x128xf32, #tpu.memory_space<vmem_shared>>
          tpu.wait_indirect_dma semaphore(%run_scoped3A_137 : memref<!tpu.dma_semaphore, #tpu.memory_space<semaphore_mem>>) src(%dma_wait3A_151 : memref<128x128xf32, #tpu.memory_space<vmem>>) dst(%dma_wait3A_157 : memref<10112x128xf32, #tpu.memory_space<vmem_shared>>)
          tpu.yield
        }) : () -> ()
        %add3A_130 = arith.constant 2 : i32
        %add3A_131 = arith.addi %add3A_117, %add3A_130 : i32
        %lt3A_132 = arith.constant 40 : i32
        %lt3A_133 = arith.cmpi slt, %add3A_131, %lt3A_132 : i32
        %convert_element_type3A_134 = arith.extui %lt3A_133 : i1 to i32
        %cond3A_135 = arith.constant 0 : i32
        %cond3A_136 = arith.cmpi ne, %convert_element_type3A_134, %cond3A_135 : i32
        scf.if %cond3A_136 {
          %add3A_137 = arith.constant 2 : i32
          %add3A_138 = arith.addi %add3A_117, %add3A_137 : i32
          %dma_start3A_139 = arith.constant 1 : i32
          %dma_start3A_140 = arith.constant 0 : i32
          %dma_start3A_141 = arith.constant 0 : i32
          %dma_start3A_142 = tpu.memref_slice %arg9[%dma_start3A_139, %dma_start3A_140, %dma_start3A_141] : memref<2x128x128xf32, #tpu.memory_space<vmem>> -> memref<1x128x128xf32, #tpu.memory_space<vmem>>
          %dma_start3A_143 = tpu.memref_squeeze %dma_start3A_142 : memref<1x128x128xf32, #tpu.memory_space<vmem>> -> memref<128x128xf32, #tpu.memory_space<vmem>>
          %dma_start3A_144 = arith.constant 0 : i32
          %dma_start3A_145 = tpu.memref_slice %arg7[%add3A_138, %dma_start3A_144] : memref<40x128xi32, #tpu.memory_space<vmem>> -> memref<1x128xi32, #tpu.memory_space<vmem>>
          %dma_start3A_146 = tpu.memref_squeeze %dma_start3A_145 : memref<1x128xi32, #tpu.memory_space<vmem>> -> memref<128xi32, #tpu.memory_space<vmem>>
          %dma_start3A_147 = arith.constant 0 : i32
          %dma_start3A_148 = arith.constant 0 : i32
          %dma_start3A_149 = tpu.memref_slice %arg2[%dma_start3A_147, %dma_start3A_148] : memref<10112x128xf32, #tpu.memory_space<hbm>> -> memref<10112x128xf32, #tpu.memory_space<hbm>>
          tpu.enqueue_indirect_dma source(%dma_start3A_149 : memref<10112x128xf32, #tpu.memory_space<hbm>>) target(%dma_start3A_143 : memref<128x128xf32, #tpu.memory_space<vmem>>) offsets(%dma_start3A_146 : memref<128xi32, #tpu.memory_space<vmem>>) semaphore(%arg12 : memref<!tpu.dma_semaphore, #tpu.memory_space<semaphore_mem>>)
        } else {
        }
      }
      %scan3A_52 = arith.constant 10 : i32
    }
    %barrier3A_20 = arith.constant 0 : index
    tpu.barrier barrier_id(%barrier3A_20)
    "tpu.region"() ({
      %run_scoped3A = tpu.sem_alloc : memref<!tpu.dma_semaphore, #tpu.memory_space<semaphore_mem>>
      %dma_start3A = arith.constant 0 : i32
      %dma_start3A_21 = tpu.memref_slice %arg6[%arg0, %mul3A_0, %dma_start3A] : memref<2x10112x128xf32, #tpu.memory_space<hbm>> -> memref<1x632x128xf32, #tpu.memory_space<hbm>>
      %dma_start3A_22 = tpu.memref_squeeze %dma_start3A_21 : memref<1x632x128xf32, #tpu.memory_space<hbm>> -> memref<632x128xf32, #tpu.memory_space<hbm>>
      %dma_start3A_23 = arith.constant 0 : i32
      %dma_start3A_24 = tpu.memref_slice %arg10[%mul3A_0, %dma_start3A_23] : memref<10112x128xf32, #tpu.memory_space<vmem_shared>> -> memref<632x128xf32, #tpu.memory_space<vmem_shared>>
      tpu.enqueue_dma source(%dma_start3A_24 : memref<632x128xf32, #tpu.memory_space<vmem_shared>>) target(%dma_start3A_22 : memref<632x128xf32, #tpu.memory_space<hbm>>) target_semaphore(%run_scoped3A : memref<!tpu.dma_semaphore, #tpu.memory_space<semaphore_mem>>)
      %dma_wait3A = arith.constant 0 : i32
      %dma_wait3A_25 = tpu.memref_slice %arg6[%arg0, %mul3A_0, %dma_wait3A] : memref<2x10112x128xf32, #tpu.memory_space<hbm>> -> memref<1x632x128xf32, #tpu.memory_space<hbm>>
      %dma_wait3A_26 = tpu.memref_squeeze %dma_wait3A_25 : memref<1x632x128xf32, #tpu.memory_space<hbm>> -> memref<632x128xf32, #tpu.memory_space<hbm>>
      %dma_wait3A_27 = arith.constant 0 : i32
      %dma_wait3A_28 = tpu.memref_slice %arg10[%mul3A_0, %dma_wait3A_27] : memref<10112x128xf32, #tpu.memory_space<vmem_shared>> -> memref<632x128xf32, #tpu.memory_space<vmem_shared>>
      tpu.wait_dma2 semaphore(%run_scoped3A : memref<!tpu.dma_semaphore, #tpu.memory_space<semaphore_mem>>) src(%dma_wait3A_28 : memref<632x128xf32, #tpu.memory_space<vmem_shared>>) dst(%dma_wait3A_26 : memref<632x128xf32, #tpu.memory_space<hbm>>)
      tpu.yield
    }) : () -> ()
    return
  }
}

#map = affine_map<(d0, d1) -> (0, 0)>
#map1 = affine_map<(d0, d1) -> (0, 0, 0)>
module attributes {stable_mosaic.version = 14 : i64} {
  func.func @_sc_agg(%arg0: i32, %arg1: i32, %arg2: memref<10112x128xf32, #tpu.memory_space<hbm>>, %arg3: memref<2560x128xi32, #tpu.memory_space<hbm>>, %arg4: memref<2560x128xi32, #tpu.memory_space<hbm>>, %arg5: memref<10112x128xf32, #tpu.memory_space<hbm>>, %arg6: memref<2x10112x128xf32, #tpu.memory_space<hbm>>, %arg7: memref<40x128xi32, #tpu.memory_space<vmem>>, %arg8: memref<40x128xi32, #tpu.memory_space<vmem>>, %arg9: memref<2x128x128xf32, #tpu.memory_space<vmem>>, %arg10: memref<10112x128xf32, #tpu.memory_space<vmem_shared>>, %arg11: memref<!tpu.dma_semaphore, #tpu.memory_space<semaphore_mem>>, %arg12: memref<!tpu.dma_semaphore, #tpu.memory_space<semaphore_mem>>, %arg13: memref<!tpu.dma_semaphore, #tpu.memory_space<semaphore_mem>>, %arg14: memref<!tpu.dma_semaphore, #tpu.memory_space<semaphore_mem>>) attributes {dimension_semantics = [#tpu.dimension_semantics<core_parallel>, #tpu.dimension_semantics<subcore_parallel>], iteration_bounds = array<i64: 2, 16>, scalar_prefetch = 0 : i64, scratch_operands = 8 : i64, tpu.core_type = #tpu.core_type<sc_vector_subcore>, window_params = [{transform_indices = #map}, {transform_indices = #map}, {transform_indices = #map}, {transform_indices = #map}, {transform_indices = #map1}]} {
    %mul3A = arith.constant 632 : i32
    %mul3A_0 = arith.muli %arg1, %mul3A : i32
    "tpu.region"() ({
      %run_scoped3A = tpu.sem_alloc : memref<!tpu.dma_semaphore, #tpu.memory_space<semaphore_mem>>
      %dma_start3A = arith.constant 0 : i32
      %dma_start3A_21 = tpu.memref_slice %arg10[%mul3A_0, %dma_start3A] : memref<10112x128xf32, #tpu.memory_space<vmem_shared>> -> memref<632x128xf32, #tpu.memory_space<vmem_shared>>
      %dma_start3A_22 = arith.constant 0 : i32
      %dma_start3A_23 = tpu.memref_slice %arg5[%mul3A_0, %dma_start3A_22] : memref<10112x128xf32, #tpu.memory_space<hbm>> -> memref<632x128xf32, #tpu.memory_space<hbm>>
      tpu.enqueue_dma source(%dma_start3A_23 : memref<632x128xf32, #tpu.memory_space<hbm>>) target(%dma_start3A_21 : memref<632x128xf32, #tpu.memory_space<vmem_shared>>) target_semaphore(%run_scoped3A : memref<!tpu.dma_semaphore, #tpu.memory_space<semaphore_mem>>)
      %dma_wait3A = arith.constant 0 : i32
      %dma_wait3A_24 = tpu.memref_slice %arg10[%mul3A_0, %dma_wait3A] : memref<10112x128xf32, #tpu.memory_space<vmem_shared>> -> memref<632x128xf32, #tpu.memory_space<vmem_shared>>
      %dma_wait3A_25 = arith.constant 0 : i32
      %dma_wait3A_26 = tpu.memref_slice %arg5[%mul3A_0, %dma_wait3A_25] : memref<10112x128xf32, #tpu.memory_space<hbm>> -> memref<632x128xf32, #tpu.memory_space<hbm>>
      tpu.wait_dma2 semaphore(%run_scoped3A : memref<!tpu.dma_semaphore, #tpu.memory_space<semaphore_mem>>) src(%dma_wait3A_26 : memref<632x128xf32, #tpu.memory_space<hbm>>) dst(%dma_wait3A_24 : memref<632x128xf32, #tpu.memory_space<vmem_shared>>)
      tpu.yield
    }) : () -> ()
    %eq3A = arith.constant 0 : i32
    %eq3A_1 = arith.cmpi eq, %arg0, %eq3A : i32
    %mul3A_2 = arith.constant 160 : i32
    %mul3A_3 = arith.muli %arg1, %mul3A_2 : i32
    %mul3A_4 = arith.constant 0 : i32
    %mul3A_5 = arith.muli %arg1, %mul3A_4 : i32
    %add3A = arith.constant 2560 : i32
    %add3A_6 = arith.addi %add3A, %mul3A_5 : i32
    %select_n3A = arith.select %eq3A_1, %mul3A_3, %add3A_6 : i32
    %eq3A_7 = arith.constant 0 : i32
    %eq3A_8 = arith.cmpi eq, %arg0, %eq3A_7 : i32
    %jit3A = arith.constant 4 : i32
    %jit3A_9 = arith.constant 0 : i32
    %select_n3A_10 = arith.select %eq3A_8, %jit3A, %jit3A_9 : i32
    %barrier3A = arith.constant 0 : index
    tpu.barrier barrier_id(%barrier3A)
    %while3A = arith.constant 0 : i32
    %while3A_11 = arith.constant 0 : i32
    %while3A_12 = arith.subi %select_n3A_10, %while3A_11 : i32
    %while3A_13 = arith.addi %while3A_11, %while3A_12 : i32
    %while3A_14 = arith.constant 1 : i32
    %while3A_15 = arith.divsi %while3A_12, %while3A_14 : i32
    %while3A_16 = arith.muli %while3A_15, %while3A_14 : i32
    %while3A_17 = arith.addi %while3A_11, %while3A_16 : i32
    %while3A_18 = arith.constant 1 : i32
    scf.for %while3A_21 = %while3A_11 to %while3A_17 step %while3A_18  : i32 {
      %mul3A_22 = arith.constant 40 : i32
      %mul3A_23 = arith.muli %while3A_21, %mul3A_22 : i32
      %add3A_24 = arith.addi %select_n3A, %mul3A_23 : i32
      "tpu.region"() ({
        %run_scoped3A = tpu.sem_alloc : memref<!tpu.dma_semaphore, #tpu.memory_space<semaphore_mem>>
        %dma_start3A_53 = arith.constant 0 : i32
        %dma_start3A_54 = tpu.memref_slice %arg3[%add3A_24, %dma_start3A_53] : memref<2560x128xi32, #tpu.memory_space<hbm>> -> memref<40x128xi32, #tpu.memory_space<hbm>>
        %dma_start3A_55 = arith.constant 0 : i32
        %dma_start3A_56 = tpu.memref_slice %arg3[%add3A_24, %dma_start3A_55] : memref<2560x128xi32, #tpu.memory_space<hbm>> -> memref<40x128xi32, #tpu.memory_space<hbm>>
        tpu.enqueue_dma source(%dma_start3A_56 : memref<40x128xi32, #tpu.memory_space<hbm>>) target(%arg7 : memref<40x128xi32, #tpu.memory_space<vmem>>) target_semaphore(%run_scoped3A : memref<!tpu.dma_semaphore, #tpu.memory_space<semaphore_mem>>)
        %dma_wait3A = arith.constant 0 : i32
        %dma_wait3A_57 = tpu.memref_slice %arg3[%add3A_24, %dma_wait3A] : memref<2560x128xi32, #tpu.memory_space<hbm>> -> memref<40x128xi32, #tpu.memory_space<hbm>>
        %dma_wait3A_58 = arith.constant 0 : i32
        %dma_wait3A_59 = tpu.memref_slice %arg3[%add3A_24, %dma_wait3A_58] : memref<2560x128xi32, #tpu.memory_space<hbm>> -> memref<40x128xi32, #tpu.memory_space<hbm>>
        tpu.wait_dma2 semaphore(%run_scoped3A : memref<!tpu.dma_semaphore, #tpu.memory_space<semaphore_mem>>) src(%dma_wait3A_59 : memref<40x128xi32, #tpu.memory_space<hbm>>) dst(%arg7 : memref<40x128xi32, #tpu.memory_space<vmem>>)
        tpu.yield
      }) : () -> ()
      "tpu.region"() ({
        %run_scoped3A = tpu.sem_alloc : memref<!tpu.dma_semaphore, #tpu.memory_space<semaphore_mem>>
        %dma_start3A_53 = arith.constant 0 : i32
        %dma_start3A_54 = tpu.memref_slice %arg4[%add3A_24, %dma_start3A_53] : memref<2560x128xi32, #tpu.memory_space<hbm>> -> memref<40x128xi32, #tpu.memory_space<hbm>>
        %dma_start3A_55 = arith.constant 0 : i32
        %dma_start3A_56 = tpu.memref_slice %arg4[%add3A_24, %dma_start3A_55] : memref<2560x128xi32, #tpu.memory_space<hbm>> -> memref<40x128xi32, #tpu.memory_space<hbm>>
        tpu.enqueue_dma source(%dma_start3A_56 : memref<40x128xi32, #tpu.memory_space<hbm>>) target(%arg8 : memref<40x128xi32, #tpu.memory_space<vmem>>) target_semaphore(%run_scoped3A : memref<!tpu.dma_semaphore, #tpu.memory_space<semaphore_mem>>)
        %dma_wait3A = arith.constant 0 : i32
        %dma_wait3A_57 = tpu.memref_slice %arg4[%add3A_24, %dma_wait3A] : memref<2560x128xi32, #tpu.memory_space<hbm>> -> memref<40x128xi32, #tpu.memory_space<hbm>>
        %dma_wait3A_58 = arith.constant 0 : i32
        %dma_wait3A_59 = tpu.memref_slice %arg4[%add3A_24, %dma_wait3A_58] : memref<2560x128xi32, #tpu.memory_space<hbm>> -> memref<40x128xi32, #tpu.memory_space<hbm>>
        tpu.wait_dma2 semaphore(%run_scoped3A : memref<!tpu.dma_semaphore, #tpu.memory_space<semaphore_mem>>) src(%dma_wait3A_59 : memref<40x128xi32, #tpu.memory_space<hbm>>) dst(%arg8 : memref<40x128xi32, #tpu.memory_space<vmem>>)
        tpu.yield
      }) : () -> ()
      %dma_start3A = arith.constant 0 : i32
      %dma_start3A_25 = arith.constant 0 : i32
      %dma_start3A_26 = arith.constant 0 : i32
      %dma_start3A_27 = arith.constant 0 : i32
      %dma_start3A_28 = tpu.memref_slice %arg9[%dma_start3A_25, %dma_start3A_26, %dma_start3A_27] : memref<2x128x128xf32, #tpu.memory_space<vmem>> -> memref<1x128x128xf32, #tpu.memory_space<vmem>>
      %dma_start3A_29 = tpu.memref_squeeze %dma_start3A_28 : memref<1x128x128xf32, #tpu.memory_space<vmem>> -> memref<128x128xf32, #tpu.memory_space<vmem>>
      %dma_start3A_30 = arith.constant 0 : i32
      %dma_start3A_31 = tpu.memref_slice %arg7[%dma_start3A, %dma_start3A_30] : memref<40x128xi32, #tpu.memory_space<vmem>> -> memref<1x128xi32, #tpu.memory_space<vmem>>
      %dma_start3A_32 = tpu.memref_squeeze %dma_start3A_31 : memref<1x128xi32, #tpu.memory_space<vmem>> -> memref<128xi32, #tpu.memory_space<vmem>>
      %dma_start3A_33 = arith.constant 0 : i32
      %dma_start3A_34 = arith.constant 0 : i32
      %dma_start3A_35 = tpu.memref_slice %arg2[%dma_start3A_33, %dma_start3A_34] : memref<10112x128xf32, #tpu.memory_space<hbm>> -> memref<10112x128xf32, #tpu.memory_space<hbm>>
      tpu.enqueue_indirect_dma source(%dma_start3A_35 : memref<10112x128xf32, #tpu.memory_space<hbm>>) target(%dma_start3A_29 : memref<128x128xf32, #tpu.memory_space<vmem>>) offsets(%dma_start3A_32 : memref<128xi32, #tpu.memory_space<vmem>>) semaphore(%arg11 : memref<!tpu.dma_semaphore, #tpu.memory_space<semaphore_mem>>)
      %dma_start3A_36 = arith.constant 1 : i32
      %dma_start3A_37 = arith.constant 1 : i32
      %dma_start3A_38 = arith.constant 0 : i32
      %dma_start3A_39 = arith.constant 0 : i32
      %dma_start3A_40 = tpu.memref_slice %arg9[%dma_start3A_37, %dma_start3A_38, %dma_start3A_39] : memref<2x128x128xf32, #tpu.memory_space<vmem>> -> memref<1x128x128xf32, #tpu.memory_space<vmem>>
      %dma_start3A_41 = tpu.memref_squeeze %dma_start3A_40 : memref<1x128x128xf32, #tpu.memory_space<vmem>> -> memref<128x128xf32, #tpu.memory_space<vmem>>
      %dma_start3A_42 = arith.constant 0 : i32
      %dma_start3A_43 = tpu.memref_slice %arg7[%dma_start3A_36, %dma_start3A_42] : memref<40x128xi32, #tpu.memory_space<vmem>> -> memref<1x128xi32, #tpu.memory_space<vmem>>
      %dma_start3A_44 = tpu.memref_squeeze %dma_start3A_43 : memref<1x128xi32, #tpu.memory_space<vmem>> -> memref<128xi32, #tpu.memory_space<vmem>>
      %dma_start3A_45 = arith.constant 0 : i32
      %dma_start3A_46 = arith.constant 0 : i32
      %dma_start3A_47 = tpu.memref_slice %arg2[%dma_start3A_45, %dma_start3A_46] : memref<10112x128xf32, #tpu.memory_space<hbm>> -> memref<10112x128xf32, #tpu.memory_space<hbm>>
      tpu.enqueue_indirect_dma source(%dma_start3A_47 : memref<10112x128xf32, #tpu.memory_space<hbm>>) target(%dma_start3A_41 : memref<128x128xf32, #tpu.memory_space<vmem>>) offsets(%dma_start3A_44 : memref<128xi32, #tpu.memory_space<vmem>>) semaphore(%arg12 : memref<!tpu.dma_semaphore, #tpu.memory_space<semaphore_mem>>)
      %scan3A = arith.constant 0 : i32
      %scan3A_48 = arith.constant 0 : i32
      %scan3A_49 = arith.constant 10 : i32
      %scan3A_50 = arith.addi %scan3A_48, %scan3A_49 : i32
      %scan3A_51 = arith.constant 1 : i32
      scf.for %scan3A_53 = %scan3A_48 to %scan3A_50 step %scan3A_51  : i32 {
        %mul3A_54 = arith.constant 2 : i32
        %mul3A_55 = arith.muli %scan3A_53, %mul3A_54 : i32
        %mul3A_56 = arith.constant 2 : i32
        %mul3A_57 = arith.muli %mul3A_55, %mul3A_56 : i32
        %add3A_58 = arith.constant 0 : i32
        %add3A_59 = arith.addi %mul3A_57, %add3A_58 : i32
        %dma_wait3A = arith.constant 0 : i32
        %dma_wait3A_60 = arith.constant 0 : i32
        %dma_wait3A_61 = arith.constant 0 : i32
        %dma_wait3A_62 = tpu.memref_slice %arg9[%dma_wait3A, %dma_wait3A_60, %dma_wait3A_61] : memref<2x128x128xf32, #tpu.memory_space<vmem>> -> memref<1x128x128xf32, #tpu.memory_space<vmem>>
        %dma_wait3A_63 = tpu.memref_squeeze %dma_wait3A_62 : memref<1x128x128xf32, #tpu.memory_space<vmem>> -> memref<128x128xf32, #tpu.memory_space<vmem>>
        %dma_wait3A_64 = arith.constant 0 : i32
        %dma_wait3A_65 = tpu.memref_slice %arg7[%add3A_59, %dma_wait3A_64] : memref<40x128xi32, #tpu.memory_space<vmem>> -> memref<1x128xi32, #tpu.memory_space<vmem>>
        %dma_wait3A_66 = tpu.memref_squeeze %dma_wait3A_65 : memref<1x128xi32, #tpu.memory_space<vmem>> -> memref<128xi32, #tpu.memory_space<vmem>>
        %dma_wait3A_67 = arith.constant 0 : i32
        %dma_wait3A_68 = arith.constant 0 : i32
        %dma_wait3A_69 = tpu.memref_slice %arg2[%dma_wait3A_67, %dma_wait3A_68] : memref<10112x128xf32, #tpu.memory_space<hbm>> -> memref<10112x128xf32, #tpu.memory_space<hbm>>
        tpu.wait_indirect_dma semaphore(%arg11 : memref<!tpu.dma_semaphore, #tpu.memory_space<semaphore_mem>>) src(%dma_wait3A_69 : memref<10112x128xf32, #tpu.memory_space<hbm>>) dst(%dma_wait3A_63 : memref<128x128xf32, #tpu.memory_space<vmem>>)
        %run_scoped3A = arith.constant 0 : i32
        "tpu.region"() ({
          %run_scoped3A_137 = tpu.sem_alloc : memref<!tpu.dma_semaphore, #tpu.memory_space<semaphore_mem>>
          %dma_start3A_138 = arith.constant 0 : i32
          %dma_start3A_139 = arith.constant 0 : i32
          %dma_start3A_140 = tpu.memref_slice %arg9[%run_scoped3A, %dma_start3A_138, %dma_start3A_139] : memref<2x128x128xf32, #tpu.memory_space<vmem>> -> memref<1x128x128xf32, #tpu.memory_space<vmem>>
          %dma_start3A_141 = tpu.memref_squeeze %dma_start3A_140 : memref<1x128x128xf32, #tpu.memory_space<vmem>> -> memref<128x128xf32, #tpu.memory_space<vmem>>
          %dma_start3A_142 = arith.constant 0 : i32
          %dma_start3A_143 = tpu.memref_slice %arg8[%add3A_59, %dma_start3A_142] : memref<40x128xi32, #tpu.memory_space<vmem>> -> memref<1x128xi32, #tpu.memory_space<vmem>>
          %dma_start3A_144 = tpu.memref_squeeze %dma_start3A_143 : memref<1x128xi32, #tpu.memory_space<vmem>> -> memref<128xi32, #tpu.memory_space<vmem>>
          %dma_start3A_145 = arith.constant 0 : i32
          %dma_start3A_146 = arith.constant 0 : i32
          %dma_start3A_147 = tpu.memref_slice %arg10[%dma_start3A_145, %dma_start3A_146] : memref<10112x128xf32, #tpu.memory_space<vmem_shared>> -> memref<10112x128xf32, #tpu.memory_space<vmem_shared>>
          tpu.enqueue_indirect_dma source(%dma_start3A_141 : memref<128x128xf32, #tpu.memory_space<vmem>>) target(%dma_start3A_147 : memref<10112x128xf32, #tpu.memory_space<vmem_shared>>) offsets(%dma_start3A_144 : memref<128xi32, #tpu.memory_space<vmem>>) semaphore(%run_scoped3A_137 : memref<!tpu.dma_semaphore, #tpu.memory_space<semaphore_mem>>) {add = true}
          %dma_wait3A_148 = arith.constant 0 : i32
          %dma_wait3A_149 = arith.constant 0 : i32
          %dma_wait3A_150 = tpu.memref_slice %arg9[%run_scoped3A, %dma_wait3A_148, %dma_wait3A_149] : memref<2x128x128xf32, #tpu.memory_space<vmem>> -> memref<1x128x128xf32, #tpu.memory_space<vmem>>
          %dma_wait3A_151 = tpu.memref_squeeze %dma_wait3A_150 : memref<1x128x128xf32, #tpu.memory_space<vmem>> -> memref<128x128xf32, #tpu.memory_space<vmem>>
          %dma_wait3A_152 = arith.constant 0 : i32
          %dma_wait3A_153 = tpu.memref_slice %arg8[%add3A_59, %dma_wait3A_152] : memref<40x128xi32, #tpu.memory_space<vmem>> -> memref<1x128xi32, #tpu.memory_space<vmem>>
          %dma_wait3A_154 = tpu.memref_squeeze %dma_wait3A_153 : memref<1x128xi32, #tpu.memory_space<vmem>> -> memref<128xi32, #tpu.memory_space<vmem>>
          %dma_wait3A_155 = arith.constant 0 : i32
          %dma_wait3A_156 = arith.constant 0 : i32
          %dma_wait3A_157 = tpu.memref_slice %arg10[%dma_wait3A_155, %dma_wait3A_156] : memref<10112x128xf32, #tpu.memory_space<vmem_shared>> -> memref<10112x128xf32, #tpu.memory_space<vmem_shared>>
          tpu.wait_indirect_dma semaphore(%run_scoped3A_137 : memref<!tpu.dma_semaphore, #tpu.memory_space<semaphore_mem>>) src(%dma_wait3A_151 : memref<128x128xf32, #tpu.memory_space<vmem>>) dst(%dma_wait3A_157 : memref<10112x128xf32, #tpu.memory_space<vmem_shared>>)
          tpu.yield
        }) : () -> ()
        %add3A_70 = arith.constant 2 : i32
        %add3A_71 = arith.addi %add3A_59, %add3A_70 : i32
        %lt3A = arith.constant 40 : i32
        %lt3A_72 = arith.cmpi slt, %add3A_71, %lt3A : i32
        %convert_element_type3A = arith.extui %lt3A_72 : i1 to i32
        %cond3A = arith.constant 0 : i32
        %cond3A_73 = arith.cmpi ne, %convert_element_type3A, %cond3A : i32
        scf.if %cond3A_73 {
          %add3A_137 = arith.constant 2 : i32
          %add3A_138 = arith.addi %add3A_59, %add3A_137 : i32
          %dma_start3A_139 = arith.constant 0 : i32
          %dma_start3A_140 = arith.constant 0 : i32
          %dma_start3A_141 = arith.constant 0 : i32
          %dma_start3A_142 = tpu.memref_slice %arg9[%dma_start3A_139, %dma_start3A_140, %dma_start3A_141] : memref<2x128x128xf32, #tpu.memory_space<vmem>> -> memref<1x128x128xf32, #tpu.memory_space<vmem>>
          %dma_start3A_143 = tpu.memref_squeeze %dma_start3A_142 : memref<1x128x128xf32, #tpu.memory_space<vmem>> -> memref<128x128xf32, #tpu.memory_space<vmem>>
          %dma_start3A_144 = arith.constant 0 : i32
          %dma_start3A_145 = tpu.memref_slice %arg7[%add3A_138, %dma_start3A_144] : memref<40x128xi32, #tpu.memory_space<vmem>> -> memref<1x128xi32, #tpu.memory_space<vmem>>
          %dma_start3A_146 = tpu.memref_squeeze %dma_start3A_145 : memref<1x128xi32, #tpu.memory_space<vmem>> -> memref<128xi32, #tpu.memory_space<vmem>>
          %dma_start3A_147 = arith.constant 0 : i32
          %dma_start3A_148 = arith.constant 0 : i32
          %dma_start3A_149 = tpu.memref_slice %arg2[%dma_start3A_147, %dma_start3A_148] : memref<10112x128xf32, #tpu.memory_space<hbm>> -> memref<10112x128xf32, #tpu.memory_space<hbm>>
          tpu.enqueue_indirect_dma source(%dma_start3A_149 : memref<10112x128xf32, #tpu.memory_space<hbm>>) target(%dma_start3A_143 : memref<128x128xf32, #tpu.memory_space<vmem>>) offsets(%dma_start3A_146 : memref<128xi32, #tpu.memory_space<vmem>>) semaphore(%arg13 : memref<!tpu.dma_semaphore, #tpu.memory_space<semaphore_mem>>)
        } else {
        }
        %add3A_74 = arith.constant 1 : i32
        %add3A_75 = arith.addi %mul3A_57, %add3A_74 : i32
        %dma_wait3A_76 = arith.constant 1 : i32
        %dma_wait3A_77 = arith.constant 0 : i32
        %dma_wait3A_78 = arith.constant 0 : i32
        %dma_wait3A_79 = tpu.memref_slice %arg9[%dma_wait3A_76, %dma_wait3A_77, %dma_wait3A_78] : memref<2x128x128xf32, #tpu.memory_space<vmem>> -> memref<1x128x128xf32, #tpu.memory_space<vmem>>
        %dma_wait3A_80 = tpu.memref_squeeze %dma_wait3A_79 : memref<1x128x128xf32, #tpu.memory_space<vmem>> -> memref<128x128xf32, #tpu.memory_space<vmem>>
        %dma_wait3A_81 = arith.constant 0 : i32
        %dma_wait3A_82 = tpu.memref_slice %arg7[%add3A_75, %dma_wait3A_81] : memref<40x128xi32, #tpu.memory_space<vmem>> -> memref<1x128xi32, #tpu.memory_space<vmem>>
        %dma_wait3A_83 = tpu.memref_squeeze %dma_wait3A_82 : memref<1x128xi32, #tpu.memory_space<vmem>> -> memref<128xi32, #tpu.memory_space<vmem>>
        %dma_wait3A_84 = arith.constant 0 : i32
        %dma_wait3A_85 = arith.constant 0 : i32
        %dma_wait3A_86 = tpu.memref_slice %arg2[%dma_wait3A_84, %dma_wait3A_85] : memref<10112x128xf32, #tpu.memory_space<hbm>> -> memref<10112x128xf32, #tpu.memory_space<hbm>>
        tpu.wait_indirect_dma semaphore(%arg12 : memref<!tpu.dma_semaphore, #tpu.memory_space<semaphore_mem>>) src(%dma_wait3A_86 : memref<10112x128xf32, #tpu.memory_space<hbm>>) dst(%dma_wait3A_80 : memref<128x128xf32, #tpu.memory_space<vmem>>)
        %run_scoped3A_87 = arith.constant 1 : i32
        "tpu.region"() ({
          %run_scoped3A_137 = tpu.sem_alloc : memref<!tpu.dma_semaphore, #tpu.memory_space<semaphore_mem>>
          %dma_start3A_138 = arith.constant 0 : i32
          %dma_start3A_139 = arith.constant 0 : i32
          %dma_start3A_140 = tpu.memref_slice %arg9[%run_scoped3A_87, %dma_start3A_138, %dma_start3A_139] : memref<2x128x128xf32, #tpu.memory_space<vmem>> -> memref<1x128x128xf32, #tpu.memory_space<vmem>>
          %dma_start3A_141 = tpu.memref_squeeze %dma_start3A_140 : memref<1x128x128xf32, #tpu.memory_space<vmem>> -> memref<128x128xf32, #tpu.memory_space<vmem>>
          %dma_start3A_142 = arith.constant 0 : i32
          %dma_start3A_143 = tpu.memref_slice %arg8[%add3A_75, %dma_start3A_142] : memref<40x128xi32, #tpu.memory_space<vmem>> -> memref<1x128xi32, #tpu.memory_space<vmem>>
          %dma_start3A_144 = tpu.memref_squeeze %dma_start3A_143 : memref<1x128xi32, #tpu.memory_space<vmem>> -> memref<128xi32, #tpu.memory_space<vmem>>
          %dma_start3A_145 = arith.constant 0 : i32
          %dma_start3A_146 = arith.constant 0 : i32
          %dma_start3A_147 = tpu.memref_slice %arg10[%dma_start3A_145, %dma_start3A_146] : memref<10112x128xf32, #tpu.memory_space<vmem_shared>> -> memref<10112x128xf32, #tpu.memory_space<vmem_shared>>
          tpu.enqueue_indirect_dma source(%dma_start3A_141 : memref<128x128xf32, #tpu.memory_space<vmem>>) target(%dma_start3A_147 : memref<10112x128xf32, #tpu.memory_space<vmem_shared>>) offsets(%dma_start3A_144 : memref<128xi32, #tpu.memory_space<vmem>>) semaphore(%run_scoped3A_137 : memref<!tpu.dma_semaphore, #tpu.memory_space<semaphore_mem>>) {add = true}
          %dma_wait3A_148 = arith.constant 0 : i32
          %dma_wait3A_149 = arith.constant 0 : i32
          %dma_wait3A_150 = tpu.memref_slice %arg9[%run_scoped3A_87, %dma_wait3A_148, %dma_wait3A_149] : memref<2x128x128xf32, #tpu.memory_space<vmem>> -> memref<1x128x128xf32, #tpu.memory_space<vmem>>
          %dma_wait3A_151 = tpu.memref_squeeze %dma_wait3A_150 : memref<1x128x128xf32, #tpu.memory_space<vmem>> -> memref<128x128xf32, #tpu.memory_space<vmem>>
          %dma_wait3A_152 = arith.constant 0 : i32
          %dma_wait3A_153 = tpu.memref_slice %arg8[%add3A_75, %dma_wait3A_152] : memref<40x128xi32, #tpu.memory_space<vmem>> -> memref<1x128xi32, #tpu.memory_space<vmem>>
          %dma_wait3A_154 = tpu.memref_squeeze %dma_wait3A_153 : memref<1x128xi32, #tpu.memory_space<vmem>> -> memref<128xi32, #tpu.memory_space<vmem>>
          %dma_wait3A_155 = arith.constant 0 : i32
          %dma_wait3A_156 = arith.constant 0 : i32
          %dma_wait3A_157 = tpu.memref_slice %arg10[%dma_wait3A_155, %dma_wait3A_156] : memref<10112x128xf32, #tpu.memory_space<vmem_shared>> -> memref<10112x128xf32, #tpu.memory_space<vmem_shared>>
          tpu.wait_indirect_dma semaphore(%run_scoped3A_137 : memref<!tpu.dma_semaphore, #tpu.memory_space<semaphore_mem>>) src(%dma_wait3A_151 : memref<128x128xf32, #tpu.memory_space<vmem>>) dst(%dma_wait3A_157 : memref<10112x128xf32, #tpu.memory_space<vmem_shared>>)
          tpu.yield
        }) : () -> ()
        %add3A_88 = arith.constant 2 : i32
        %add3A_89 = arith.addi %add3A_75, %add3A_88 : i32
        %lt3A_90 = arith.constant 40 : i32
        %lt3A_91 = arith.cmpi slt, %add3A_89, %lt3A_90 : i32
        %convert_element_type3A_92 = arith.extui %lt3A_91 : i1 to i32
        %cond3A_93 = arith.constant 0 : i32
        %cond3A_94 = arith.cmpi ne, %convert_element_type3A_92, %cond3A_93 : i32
        scf.if %cond3A_94 {
          %add3A_137 = arith.constant 2 : i32
          %add3A_138 = arith.addi %add3A_75, %add3A_137 : i32
          %dma_start3A_139 = arith.constant 1 : i32
          %dma_start3A_140 = arith.constant 0 : i32
          %dma_start3A_141 = arith.constant 0 : i32
          %dma_start3A_142 = tpu.memref_slice %arg9[%dma_start3A_139, %dma_start3A_140, %dma_start3A_141] : memref<2x128x128xf32, #tpu.memory_space<vmem>> -> memref<1x128x128xf32, #tpu.memory_space<vmem>>
          %dma_start3A_143 = tpu.memref_squeeze %dma_start3A_142 : memref<1x128x128xf32, #tpu.memory_space<vmem>> -> memref<128x128xf32, #tpu.memory_space<vmem>>
          %dma_start3A_144 = arith.constant 0 : i32
          %dma_start3A_145 = tpu.memref_slice %arg7[%add3A_138, %dma_start3A_144] : memref<40x128xi32, #tpu.memory_space<vmem>> -> memref<1x128xi32, #tpu.memory_space<vmem>>
          %dma_start3A_146 = tpu.memref_squeeze %dma_start3A_145 : memref<1x128xi32, #tpu.memory_space<vmem>> -> memref<128xi32, #tpu.memory_space<vmem>>
          %dma_start3A_147 = arith.constant 0 : i32
          %dma_start3A_148 = arith.constant 0 : i32
          %dma_start3A_149 = tpu.memref_slice %arg2[%dma_start3A_147, %dma_start3A_148] : memref<10112x128xf32, #tpu.memory_space<hbm>> -> memref<10112x128xf32, #tpu.memory_space<hbm>>
          tpu.enqueue_indirect_dma source(%dma_start3A_149 : memref<10112x128xf32, #tpu.memory_space<hbm>>) target(%dma_start3A_143 : memref<128x128xf32, #tpu.memory_space<vmem>>) offsets(%dma_start3A_146 : memref<128xi32, #tpu.memory_space<vmem>>) semaphore(%arg14 : memref<!tpu.dma_semaphore, #tpu.memory_space<semaphore_mem>>)
        } else {
        }
        %add3A_95 = arith.constant 2 : i32
        %add3A_96 = arith.addi %mul3A_57, %add3A_95 : i32
        %dma_wait3A_97 = arith.constant 0 : i32
        %dma_wait3A_98 = arith.constant 0 : i32
        %dma_wait3A_99 = arith.constant 0 : i32
        %dma_wait3A_100 = tpu.memref_slice %arg9[%dma_wait3A_97, %dma_wait3A_98, %dma_wait3A_99] : memref<2x128x128xf32, #tpu.memory_space<vmem>> -> memref<1x128x128xf32, #tpu.memory_space<vmem>>
        %dma_wait3A_101 = tpu.memref_squeeze %dma_wait3A_100 : memref<1x128x128xf32, #tpu.memory_space<vmem>> -> memref<128x128xf32, #tpu.memory_space<vmem>>
        %dma_wait3A_102 = arith.constant 0 : i32
        %dma_wait3A_103 = tpu.memref_slice %arg7[%add3A_96, %dma_wait3A_102] : memref<40x128xi32, #tpu.memory_space<vmem>> -> memref<1x128xi32, #tpu.memory_space<vmem>>
        %dma_wait3A_104 = tpu.memref_squeeze %dma_wait3A_103 : memref<1x128xi32, #tpu.memory_space<vmem>> -> memref<128xi32, #tpu.memory_space<vmem>>
        %dma_wait3A_105 = arith.constant 0 : i32
        %dma_wait3A_106 = arith.constant 0 : i32
        %dma_wait3A_107 = tpu.memref_slice %arg2[%dma_wait3A_105, %dma_wait3A_106] : memref<10112x128xf32, #tpu.memory_space<hbm>> -> memref<10112x128xf32, #tpu.memory_space<hbm>>
        tpu.wait_indirect_dma semaphore(%arg13 : memref<!tpu.dma_semaphore, #tpu.memory_space<semaphore_mem>>) src(%dma_wait3A_107 : memref<10112x128xf32, #tpu.memory_space<hbm>>) dst(%dma_wait3A_101 : memref<128x128xf32, #tpu.memory_space<vmem>>)
        %run_scoped3A_108 = arith.constant 0 : i32
        "tpu.region"() ({
          %run_scoped3A_137 = tpu.sem_alloc : memref<!tpu.dma_semaphore, #tpu.memory_space<semaphore_mem>>
          %dma_start3A_138 = arith.constant 0 : i32
          %dma_start3A_139 = arith.constant 0 : i32
          %dma_start3A_140 = tpu.memref_slice %arg9[%run_scoped3A_108, %dma_start3A_138, %dma_start3A_139] : memref<2x128x128xf32, #tpu.memory_space<vmem>> -> memref<1x128x128xf32, #tpu.memory_space<vmem>>
          %dma_start3A_141 = tpu.memref_squeeze %dma_start3A_140 : memref<1x128x128xf32, #tpu.memory_space<vmem>> -> memref<128x128xf32, #tpu.memory_space<vmem>>
          %dma_start3A_142 = arith.constant 0 : i32
          %dma_start3A_143 = tpu.memref_slice %arg8[%add3A_96, %dma_start3A_142] : memref<40x128xi32, #tpu.memory_space<vmem>> -> memref<1x128xi32, #tpu.memory_space<vmem>>
          %dma_start3A_144 = tpu.memref_squeeze %dma_start3A_143 : memref<1x128xi32, #tpu.memory_space<vmem>> -> memref<128xi32, #tpu.memory_space<vmem>>
          %dma_start3A_145 = arith.constant 0 : i32
          %dma_start3A_146 = arith.constant 0 : i32
          %dma_start3A_147 = tpu.memref_slice %arg10[%dma_start3A_145, %dma_start3A_146] : memref<10112x128xf32, #tpu.memory_space<vmem_shared>> -> memref<10112x128xf32, #tpu.memory_space<vmem_shared>>
          tpu.enqueue_indirect_dma source(%dma_start3A_141 : memref<128x128xf32, #tpu.memory_space<vmem>>) target(%dma_start3A_147 : memref<10112x128xf32, #tpu.memory_space<vmem_shared>>) offsets(%dma_start3A_144 : memref<128xi32, #tpu.memory_space<vmem>>) semaphore(%run_scoped3A_137 : memref<!tpu.dma_semaphore, #tpu.memory_space<semaphore_mem>>) {add = true}
          %dma_wait3A_148 = arith.constant 0 : i32
          %dma_wait3A_149 = arith.constant 0 : i32
          %dma_wait3A_150 = tpu.memref_slice %arg9[%run_scoped3A_108, %dma_wait3A_148, %dma_wait3A_149] : memref<2x128x128xf32, #tpu.memory_space<vmem>> -> memref<1x128x128xf32, #tpu.memory_space<vmem>>
          %dma_wait3A_151 = tpu.memref_squeeze %dma_wait3A_150 : memref<1x128x128xf32, #tpu.memory_space<vmem>> -> memref<128x128xf32, #tpu.memory_space<vmem>>
          %dma_wait3A_152 = arith.constant 0 : i32
          %dma_wait3A_153 = tpu.memref_slice %arg8[%add3A_96, %dma_wait3A_152] : memref<40x128xi32, #tpu.memory_space<vmem>> -> memref<1x128xi32, #tpu.memory_space<vmem>>
          %dma_wait3A_154 = tpu.memref_squeeze %dma_wait3A_153 : memref<1x128xi32, #tpu.memory_space<vmem>> -> memref<128xi32, #tpu.memory_space<vmem>>
          %dma_wait3A_155 = arith.constant 0 : i32
          %dma_wait3A_156 = arith.constant 0 : i32
          %dma_wait3A_157 = tpu.memref_slice %arg10[%dma_wait3A_155, %dma_wait3A_156] : memref<10112x128xf32, #tpu.memory_space<vmem_shared>> -> memref<10112x128xf32, #tpu.memory_space<vmem_shared>>
          tpu.wait_indirect_dma semaphore(%run_scoped3A_137 : memref<!tpu.dma_semaphore, #tpu.memory_space<semaphore_mem>>) src(%dma_wait3A_151 : memref<128x128xf32, #tpu.memory_space<vmem>>) dst(%dma_wait3A_157 : memref<10112x128xf32, #tpu.memory_space<vmem_shared>>)
          tpu.yield
        }) : () -> ()
        %add3A_109 = arith.constant 2 : i32
        %add3A_110 = arith.addi %add3A_96, %add3A_109 : i32
        %lt3A_111 = arith.constant 40 : i32
        %lt3A_112 = arith.cmpi slt, %add3A_110, %lt3A_111 : i32
        %convert_element_type3A_113 = arith.extui %lt3A_112 : i1 to i32
        %cond3A_114 = arith.constant 0 : i32
        %cond3A_115 = arith.cmpi ne, %convert_element_type3A_113, %cond3A_114 : i32
        scf.if %cond3A_115 {
          %add3A_137 = arith.constant 2 : i32
          %add3A_138 = arith.addi %add3A_96, %add3A_137 : i32
          %dma_start3A_139 = arith.constant 0 : i32
          %dma_start3A_140 = arith.constant 0 : i32
          %dma_start3A_141 = arith.constant 0 : i32
          %dma_start3A_142 = tpu.memref_slice %arg9[%dma_start3A_139, %dma_start3A_140, %dma_start3A_141] : memref<2x128x128xf32, #tpu.memory_space<vmem>> -> memref<1x128x128xf32, #tpu.memory_space<vmem>>
          %dma_start3A_143 = tpu.memref_squeeze %dma_start3A_142 : memref<1x128x128xf32, #tpu.memory_space<vmem>> -> memref<128x128xf32, #tpu.memory_space<vmem>>
          %dma_start3A_144 = arith.constant 0 : i32
          %dma_start3A_145 = tpu.memref_slice %arg7[%add3A_138, %dma_start3A_144] : memref<40x128xi32, #tpu.memory_space<vmem>> -> memref<1x128xi32, #tpu.memory_space<vmem>>
          %dma_start3A_146 = tpu.memref_squeeze %dma_start3A_145 : memref<1x128xi32, #tpu.memory_space<vmem>> -> memref<128xi32, #tpu.memory_space<vmem>>
          %dma_start3A_147 = arith.constant 0 : i32
          %dma_start3A_148 = arith.constant 0 : i32
          %dma_start3A_149 = tpu.memref_slice %arg2[%dma_start3A_147, %dma_start3A_148] : memref<10112x128xf32, #tpu.memory_space<hbm>> -> memref<10112x128xf32, #tpu.memory_space<hbm>>
          tpu.enqueue_indirect_dma source(%dma_start3A_149 : memref<10112x128xf32, #tpu.memory_space<hbm>>) target(%dma_start3A_143 : memref<128x128xf32, #tpu.memory_space<vmem>>) offsets(%dma_start3A_146 : memref<128xi32, #tpu.memory_space<vmem>>) semaphore(%arg11 : memref<!tpu.dma_semaphore, #tpu.memory_space<semaphore_mem>>)
        } else {
        }
        %add3A_116 = arith.constant 3 : i32
        %add3A_117 = arith.addi %mul3A_57, %add3A_116 : i32
        %dma_wait3A_118 = arith.constant 1 : i32
        %dma_wait3A_119 = arith.constant 0 : i32
        %dma_wait3A_120 = arith.constant 0 : i32
        %dma_wait3A_121 = tpu.memref_slice %arg9[%dma_wait3A_118, %dma_wait3A_119, %dma_wait3A_120] : memref<2x128x128xf32, #tpu.memory_space<vmem>> -> memref<1x128x128xf32, #tpu.memory_space<vmem>>
        %dma_wait3A_122 = tpu.memref_squeeze %dma_wait3A_121 : memref<1x128x128xf32, #tpu.memory_space<vmem>> -> memref<128x128xf32, #tpu.memory_space<vmem>>
        %dma_wait3A_123 = arith.constant 0 : i32
        %dma_wait3A_124 = tpu.memref_slice %arg7[%add3A_117, %dma_wait3A_123] : memref<40x128xi32, #tpu.memory_space<vmem>> -> memref<1x128xi32, #tpu.memory_space<vmem>>
        %dma_wait3A_125 = tpu.memref_squeeze %dma_wait3A_124 : memref<1x128xi32, #tpu.memory_space<vmem>> -> memref<128xi32, #tpu.memory_space<vmem>>
        %dma_wait3A_126 = arith.constant 0 : i32
        %dma_wait3A_127 = arith.constant 0 : i32
        %dma_wait3A_128 = tpu.memref_slice %arg2[%dma_wait3A_126, %dma_wait3A_127] : memref<10112x128xf32, #tpu.memory_space<hbm>> -> memref<10112x128xf32, #tpu.memory_space<hbm>>
        tpu.wait_indirect_dma semaphore(%arg14 : memref<!tpu.dma_semaphore, #tpu.memory_space<semaphore_mem>>) src(%dma_wait3A_128 : memref<10112x128xf32, #tpu.memory_space<hbm>>) dst(%dma_wait3A_122 : memref<128x128xf32, #tpu.memory_space<vmem>>)
        %run_scoped3A_129 = arith.constant 1 : i32
        "tpu.region"() ({
          %run_scoped3A_137 = tpu.sem_alloc : memref<!tpu.dma_semaphore, #tpu.memory_space<semaphore_mem>>
          %dma_start3A_138 = arith.constant 0 : i32
          %dma_start3A_139 = arith.constant 0 : i32
          %dma_start3A_140 = tpu.memref_slice %arg9[%run_scoped3A_129, %dma_start3A_138, %dma_start3A_139] : memref<2x128x128xf32, #tpu.memory_space<vmem>> -> memref<1x128x128xf32, #tpu.memory_space<vmem>>
          %dma_start3A_141 = tpu.memref_squeeze %dma_start3A_140 : memref<1x128x128xf32, #tpu.memory_space<vmem>> -> memref<128x128xf32, #tpu.memory_space<vmem>>
          %dma_start3A_142 = arith.constant 0 : i32
          %dma_start3A_143 = tpu.memref_slice %arg8[%add3A_117, %dma_start3A_142] : memref<40x128xi32, #tpu.memory_space<vmem>> -> memref<1x128xi32, #tpu.memory_space<vmem>>
          %dma_start3A_144 = tpu.memref_squeeze %dma_start3A_143 : memref<1x128xi32, #tpu.memory_space<vmem>> -> memref<128xi32, #tpu.memory_space<vmem>>
          %dma_start3A_145 = arith.constant 0 : i32
          %dma_start3A_146 = arith.constant 0 : i32
          %dma_start3A_147 = tpu.memref_slice %arg10[%dma_start3A_145, %dma_start3A_146] : memref<10112x128xf32, #tpu.memory_space<vmem_shared>> -> memref<10112x128xf32, #tpu.memory_space<vmem_shared>>
          tpu.enqueue_indirect_dma source(%dma_start3A_141 : memref<128x128xf32, #tpu.memory_space<vmem>>) target(%dma_start3A_147 : memref<10112x128xf32, #tpu.memory_space<vmem_shared>>) offsets(%dma_start3A_144 : memref<128xi32, #tpu.memory_space<vmem>>) semaphore(%run_scoped3A_137 : memref<!tpu.dma_semaphore, #tpu.memory_space<semaphore_mem>>) {add = true}
          %dma_wait3A_148 = arith.constant 0 : i32
          %dma_wait3A_149 = arith.constant 0 : i32
          %dma_wait3A_150 = tpu.memref_slice %arg9[%run_scoped3A_129, %dma_wait3A_148, %dma_wait3A_149] : memref<2x128x128xf32, #tpu.memory_space<vmem>> -> memref<1x128x128xf32, #tpu.memory_space<vmem>>
          %dma_wait3A_151 = tpu.memref_squeeze %dma_wait3A_150 : memref<1x128x128xf32, #tpu.memory_space<vmem>> -> memref<128x128xf32, #tpu.memory_space<vmem>>
          %dma_wait3A_152 = arith.constant 0 : i32
          %dma_wait3A_153 = tpu.memref_slice %arg8[%add3A_117, %dma_wait3A_152] : memref<40x128xi32, #tpu.memory_space<vmem>> -> memref<1x128xi32, #tpu.memory_space<vmem>>
          %dma_wait3A_154 = tpu.memref_squeeze %dma_wait3A_153 : memref<1x128xi32, #tpu.memory_space<vmem>> -> memref<128xi32, #tpu.memory_space<vmem>>
          %dma_wait3A_155 = arith.constant 0 : i32
          %dma_wait3A_156 = arith.constant 0 : i32
          %dma_wait3A_157 = tpu.memref_slice %arg10[%dma_wait3A_155, %dma_wait3A_156] : memref<10112x128xf32, #tpu.memory_space<vmem_shared>> -> memref<10112x128xf32, #tpu.memory_space<vmem_shared>>
          tpu.wait_indirect_dma semaphore(%run_scoped3A_137 : memref<!tpu.dma_semaphore, #tpu.memory_space<semaphore_mem>>) src(%dma_wait3A_151 : memref<128x128xf32, #tpu.memory_space<vmem>>) dst(%dma_wait3A_157 : memref<10112x128xf32, #tpu.memory_space<vmem_shared>>)
          tpu.yield
        }) : () -> ()
        %add3A_130 = arith.constant 2 : i32
        %add3A_131 = arith.addi %add3A_117, %add3A_130 : i32
        %lt3A_132 = arith.constant 40 : i32
        %lt3A_133 = arith.cmpi slt, %add3A_131, %lt3A_132 : i32
        %convert_element_type3A_134 = arith.extui %lt3A_133 : i1 to i32
        %cond3A_135 = arith.constant 0 : i32
        %cond3A_136 = arith.cmpi ne, %convert_element_type3A_134, %cond3A_135 : i32
        scf.if %cond3A_136 {
          %add3A_137 = arith.constant 2 : i32
          %add3A_138 = arith.addi %add3A_117, %add3A_137 : i32
          %dma_start3A_139 = arith.constant 1 : i32
          %dma_start3A_140 = arith.constant 0 : i32
          %dma_start3A_141 = arith.constant 0 : i32
          %dma_start3A_142 = tpu.memref_slice %arg9[%dma_start3A_139, %dma_start3A_140, %dma_start3A_141] : memref<2x128x128xf32, #tpu.memory_space<vmem>> -> memref<1x128x128xf32, #tpu.memory_space<vmem>>
          %dma_start3A_143 = tpu.memref_squeeze %dma_start3A_142 : memref<1x128x128xf32, #tpu.memory_space<vmem>> -> memref<128x128xf32, #tpu.memory_space<vmem>>
          %dma_start3A_144 = arith.constant 0 : i32
          %dma_start3A_145 = tpu.memref_slice %arg7[%add3A_138, %dma_start3A_144] : memref<40x128xi32, #tpu.memory_space<vmem>> -> memref<1x128xi32, #tpu.memory_space<vmem>>
          %dma_start3A_146 = tpu.memref_squeeze %dma_start3A_145 : memref<1x128xi32, #tpu.memory_space<vmem>> -> memref<128xi32, #tpu.memory_space<vmem>>
          %dma_start3A_147 = arith.constant 0 : i32
          %dma_start3A_148 = arith.constant 0 : i32
          %dma_start3A_149 = tpu.memref_slice %arg2[%dma_start3A_147, %dma_start3A_148] : memref<10112x128xf32, #tpu.memory_space<hbm>> -> memref<10112x128xf32, #tpu.memory_space<hbm>>
          tpu.enqueue_indirect_dma source(%dma_start3A_149 : memref<10112x128xf32, #tpu.memory_space<hbm>>) target(%dma_start3A_143 : memref<128x128xf32, #tpu.memory_space<vmem>>) offsets(%dma_start3A_146 : memref<128xi32, #tpu.memory_space<vmem>>) semaphore(%arg12 : memref<!tpu.dma_semaphore, #tpu.memory_space<semaphore_mem>>)
        } else {
        }
      }
      %scan3A_52 = arith.constant 10 : i32
    }
    %while3A_19 = arith.constant 1 : i32
    scf.for %while3A_21 = %while3A_17 to %while3A_13 step %while3A_19  : i32 {
      %mul3A_22 = arith.constant 40 : i32
      %mul3A_23 = arith.muli %while3A_21, %mul3A_22 : i32
      %add3A_24 = arith.addi %select_n3A, %mul3A_23 : i32
      "tpu.region"() ({
        %run_scoped3A = tpu.sem_alloc : memref<!tpu.dma_semaphore, #tpu.memory_space<semaphore_mem>>
        %dma_start3A_53 = arith.constant 0 : i32
        %dma_start3A_54 = tpu.memref_slice %arg3[%add3A_24, %dma_start3A_53] : memref<2560x128xi32, #tpu.memory_space<hbm>> -> memref<40x128xi32, #tpu.memory_space<hbm>>
        %dma_start3A_55 = arith.constant 0 : i32
        %dma_start3A_56 = tpu.memref_slice %arg3[%add3A_24, %dma_start3A_55] : memref<2560x128xi32, #tpu.memory_space<hbm>> -> memref<40x128xi32, #tpu.memory_space<hbm>>
        tpu.enqueue_dma source(%dma_start3A_56 : memref<40x128xi32, #tpu.memory_space<hbm>>) target(%arg7 : memref<40x128xi32, #tpu.memory_space<vmem>>) target_semaphore(%run_scoped3A : memref<!tpu.dma_semaphore, #tpu.memory_space<semaphore_mem>>)
        %dma_wait3A = arith.constant 0 : i32
        %dma_wait3A_57 = tpu.memref_slice %arg3[%add3A_24, %dma_wait3A] : memref<2560x128xi32, #tpu.memory_space<hbm>> -> memref<40x128xi32, #tpu.memory_space<hbm>>
        %dma_wait3A_58 = arith.constant 0 : i32
        %dma_wait3A_59 = tpu.memref_slice %arg3[%add3A_24, %dma_wait3A_58] : memref<2560x128xi32, #tpu.memory_space<hbm>> -> memref<40x128xi32, #tpu.memory_space<hbm>>
        tpu.wait_dma2 semaphore(%run_scoped3A : memref<!tpu.dma_semaphore, #tpu.memory_space<semaphore_mem>>) src(%dma_wait3A_59 : memref<40x128xi32, #tpu.memory_space<hbm>>) dst(%arg7 : memref<40x128xi32, #tpu.memory_space<vmem>>)
        tpu.yield
      }) : () -> ()
      "tpu.region"() ({
        %run_scoped3A = tpu.sem_alloc : memref<!tpu.dma_semaphore, #tpu.memory_space<semaphore_mem>>
        %dma_start3A_53 = arith.constant 0 : i32
        %dma_start3A_54 = tpu.memref_slice %arg4[%add3A_24, %dma_start3A_53] : memref<2560x128xi32, #tpu.memory_space<hbm>> -> memref<40x128xi32, #tpu.memory_space<hbm>>
        %dma_start3A_55 = arith.constant 0 : i32
        %dma_start3A_56 = tpu.memref_slice %arg4[%add3A_24, %dma_start3A_55] : memref<2560x128xi32, #tpu.memory_space<hbm>> -> memref<40x128xi32, #tpu.memory_space<hbm>>
        tpu.enqueue_dma source(%dma_start3A_56 : memref<40x128xi32, #tpu.memory_space<hbm>>) target(%arg8 : memref<40x128xi32, #tpu.memory_space<vmem>>) target_semaphore(%run_scoped3A : memref<!tpu.dma_semaphore, #tpu.memory_space<semaphore_mem>>)
        %dma_wait3A = arith.constant 0 : i32
        %dma_wait3A_57 = tpu.memref_slice %arg4[%add3A_24, %dma_wait3A] : memref<2560x128xi32, #tpu.memory_space<hbm>> -> memref<40x128xi32, #tpu.memory_space<hbm>>
        %dma_wait3A_58 = arith.constant 0 : i32
        %dma_wait3A_59 = tpu.memref_slice %arg4[%add3A_24, %dma_wait3A_58] : memref<2560x128xi32, #tpu.memory_space<hbm>> -> memref<40x128xi32, #tpu.memory_space<hbm>>
        tpu.wait_dma2 semaphore(%run_scoped3A : memref<!tpu.dma_semaphore, #tpu.memory_space<semaphore_mem>>) src(%dma_wait3A_59 : memref<40x128xi32, #tpu.memory_space<hbm>>) dst(%arg8 : memref<40x128xi32, #tpu.memory_space<vmem>>)
        tpu.yield
      }) : () -> ()
      %dma_start3A = arith.constant 0 : i32
      %dma_start3A_25 = arith.constant 0 : i32
      %dma_start3A_26 = arith.constant 0 : i32
      %dma_start3A_27 = arith.constant 0 : i32
      %dma_start3A_28 = tpu.memref_slice %arg9[%dma_start3A_25, %dma_start3A_26, %dma_start3A_27] : memref<2x128x128xf32, #tpu.memory_space<vmem>> -> memref<1x128x128xf32, #tpu.memory_space<vmem>>
      %dma_start3A_29 = tpu.memref_squeeze %dma_start3A_28 : memref<1x128x128xf32, #tpu.memory_space<vmem>> -> memref<128x128xf32, #tpu.memory_space<vmem>>
      %dma_start3A_30 = arith.constant 0 : i32
      %dma_start3A_31 = tpu.memref_slice %arg7[%dma_start3A, %dma_start3A_30] : memref<40x128xi32, #tpu.memory_space<vmem>> -> memref<1x128xi32, #tpu.memory_space<vmem>>
      %dma_start3A_32 = tpu.memref_squeeze %dma_start3A_31 : memref<1x128xi32, #tpu.memory_space<vmem>> -> memref<128xi32, #tpu.memory_space<vmem>>
      %dma_start3A_33 = arith.constant 0 : i32
      %dma_start3A_34 = arith.constant 0 : i32
      %dma_start3A_35 = tpu.memref_slice %arg2[%dma_start3A_33, %dma_start3A_34] : memref<10112x128xf32, #tpu.memory_space<hbm>> -> memref<10112x128xf32, #tpu.memory_space<hbm>>
      tpu.enqueue_indirect_dma source(%dma_start3A_35 : memref<10112x128xf32, #tpu.memory_space<hbm>>) target(%dma_start3A_29 : memref<128x128xf32, #tpu.memory_space<vmem>>) offsets(%dma_start3A_32 : memref<128xi32, #tpu.memory_space<vmem>>) semaphore(%arg11 : memref<!tpu.dma_semaphore, #tpu.memory_space<semaphore_mem>>)
      %dma_start3A_36 = arith.constant 1 : i32
      %dma_start3A_37 = arith.constant 1 : i32
      %dma_start3A_38 = arith.constant 0 : i32
      %dma_start3A_39 = arith.constant 0 : i32
      %dma_start3A_40 = tpu.memref_slice %arg9[%dma_start3A_37, %dma_start3A_38, %dma_start3A_39] : memref<2x128x128xf32, #tpu.memory_space<vmem>> -> memref<1x128x128xf32, #tpu.memory_space<vmem>>
      %dma_start3A_41 = tpu.memref_squeeze %dma_start3A_40 : memref<1x128x128xf32, #tpu.memory_space<vmem>> -> memref<128x128xf32, #tpu.memory_space<vmem>>
      %dma_start3A_42 = arith.constant 0 : i32
      %dma_start3A_43 = tpu.memref_slice %arg7[%dma_start3A_36, %dma_start3A_42] : memref<40x128xi32, #tpu.memory_space<vmem>> -> memref<1x128xi32, #tpu.memory_space<vmem>>
      %dma_start3A_44 = tpu.memref_squeeze %dma_start3A_43 : memref<1x128xi32, #tpu.memory_space<vmem>> -> memref<128xi32, #tpu.memory_space<vmem>>
      %dma_start3A_45 = arith.constant 0 : i32
      %dma_start3A_46 = arith.constant 0 : i32
      %dma_start3A_47 = tpu.memref_slice %arg2[%dma_start3A_45, %dma_start3A_46] : memref<10112x128xf32, #tpu.memory_space<hbm>> -> memref<10112x128xf32, #tpu.memory_space<hbm>>
      tpu.enqueue_indirect_dma source(%dma_start3A_47 : memref<10112x128xf32, #tpu.memory_space<hbm>>) target(%dma_start3A_41 : memref<128x128xf32, #tpu.memory_space<vmem>>) offsets(%dma_start3A_44 : memref<128xi32, #tpu.memory_space<vmem>>) semaphore(%arg12 : memref<!tpu.dma_semaphore, #tpu.memory_space<semaphore_mem>>)
      %scan3A = arith.constant 0 : i32
      %scan3A_48 = arith.constant 0 : i32
      %scan3A_49 = arith.constant 10 : i32
      %scan3A_50 = arith.addi %scan3A_48, %scan3A_49 : i32
      %scan3A_51 = arith.constant 1 : i32
      scf.for %scan3A_53 = %scan3A_48 to %scan3A_50 step %scan3A_51  : i32 {
        %mul3A_54 = arith.constant 2 : i32
        %mul3A_55 = arith.muli %scan3A_53, %mul3A_54 : i32
        %mul3A_56 = arith.constant 2 : i32
        %mul3A_57 = arith.muli %mul3A_55, %mul3A_56 : i32
        %add3A_58 = arith.constant 0 : i32
        %add3A_59 = arith.addi %mul3A_57, %add3A_58 : i32
        %dma_wait3A = arith.constant 0 : i32
        %dma_wait3A_60 = arith.constant 0 : i32
        %dma_wait3A_61 = arith.constant 0 : i32
        %dma_wait3A_62 = tpu.memref_slice %arg9[%dma_wait3A, %dma_wait3A_60, %dma_wait3A_61] : memref<2x128x128xf32, #tpu.memory_space<vmem>> -> memref<1x128x128xf32, #tpu.memory_space<vmem>>
        %dma_wait3A_63 = tpu.memref_squeeze %dma_wait3A_62 : memref<1x128x128xf32, #tpu.memory_space<vmem>> -> memref<128x128xf32, #tpu.memory_space<vmem>>
        %dma_wait3A_64 = arith.constant 0 : i32
        %dma_wait3A_65 = tpu.memref_slice %arg7[%add3A_59, %dma_wait3A_64] : memref<40x128xi32, #tpu.memory_space<vmem>> -> memref<1x128xi32, #tpu.memory_space<vmem>>
        %dma_wait3A_66 = tpu.memref_squeeze %dma_wait3A_65 : memref<1x128xi32, #tpu.memory_space<vmem>> -> memref<128xi32, #tpu.memory_space<vmem>>
        %dma_wait3A_67 = arith.constant 0 : i32
        %dma_wait3A_68 = arith.constant 0 : i32
        %dma_wait3A_69 = tpu.memref_slice %arg2[%dma_wait3A_67, %dma_wait3A_68] : memref<10112x128xf32, #tpu.memory_space<hbm>> -> memref<10112x128xf32, #tpu.memory_space<hbm>>
        tpu.wait_indirect_dma semaphore(%arg11 : memref<!tpu.dma_semaphore, #tpu.memory_space<semaphore_mem>>) src(%dma_wait3A_69 : memref<10112x128xf32, #tpu.memory_space<hbm>>) dst(%dma_wait3A_63 : memref<128x128xf32, #tpu.memory_space<vmem>>)
        %run_scoped3A = arith.constant 0 : i32
        "tpu.region"() ({
          %run_scoped3A_137 = tpu.sem_alloc : memref<!tpu.dma_semaphore, #tpu.memory_space<semaphore_mem>>
          %dma_start3A_138 = arith.constant 0 : i32
          %dma_start3A_139 = arith.constant 0 : i32
          %dma_start3A_140 = tpu.memref_slice %arg9[%run_scoped3A, %dma_start3A_138, %dma_start3A_139] : memref<2x128x128xf32, #tpu.memory_space<vmem>> -> memref<1x128x128xf32, #tpu.memory_space<vmem>>
          %dma_start3A_141 = tpu.memref_squeeze %dma_start3A_140 : memref<1x128x128xf32, #tpu.memory_space<vmem>> -> memref<128x128xf32, #tpu.memory_space<vmem>>
          %dma_start3A_142 = arith.constant 0 : i32
          %dma_start3A_143 = tpu.memref_slice %arg8[%add3A_59, %dma_start3A_142] : memref<40x128xi32, #tpu.memory_space<vmem>> -> memref<1x128xi32, #tpu.memory_space<vmem>>
          %dma_start3A_144 = tpu.memref_squeeze %dma_start3A_143 : memref<1x128xi32, #tpu.memory_space<vmem>> -> memref<128xi32, #tpu.memory_space<vmem>>
          %dma_start3A_145 = arith.constant 0 : i32
          %dma_start3A_146 = arith.constant 0 : i32
          %dma_start3A_147 = tpu.memref_slice %arg10[%dma_start3A_145, %dma_start3A_146] : memref<10112x128xf32, #tpu.memory_space<vmem_shared>> -> memref<10112x128xf32, #tpu.memory_space<vmem_shared>>
          tpu.enqueue_indirect_dma source(%dma_start3A_141 : memref<128x128xf32, #tpu.memory_space<vmem>>) target(%dma_start3A_147 : memref<10112x128xf32, #tpu.memory_space<vmem_shared>>) offsets(%dma_start3A_144 : memref<128xi32, #tpu.memory_space<vmem>>) semaphore(%run_scoped3A_137 : memref<!tpu.dma_semaphore, #tpu.memory_space<semaphore_mem>>) {add = true}
          %dma_wait3A_148 = arith.constant 0 : i32
          %dma_wait3A_149 = arith.constant 0 : i32
          %dma_wait3A_150 = tpu.memref_slice %arg9[%run_scoped3A, %dma_wait3A_148, %dma_wait3A_149] : memref<2x128x128xf32, #tpu.memory_space<vmem>> -> memref<1x128x128xf32, #tpu.memory_space<vmem>>
          %dma_wait3A_151 = tpu.memref_squeeze %dma_wait3A_150 : memref<1x128x128xf32, #tpu.memory_space<vmem>> -> memref<128x128xf32, #tpu.memory_space<vmem>>
          %dma_wait3A_152 = arith.constant 0 : i32
          %dma_wait3A_153 = tpu.memref_slice %arg8[%add3A_59, %dma_wait3A_152] : memref<40x128xi32, #tpu.memory_space<vmem>> -> memref<1x128xi32, #tpu.memory_space<vmem>>
          %dma_wait3A_154 = tpu.memref_squeeze %dma_wait3A_153 : memref<1x128xi32, #tpu.memory_space<vmem>> -> memref<128xi32, #tpu.memory_space<vmem>>
          %dma_wait3A_155 = arith.constant 0 : i32
          %dma_wait3A_156 = arith.constant 0 : i32
          %dma_wait3A_157 = tpu.memref_slice %arg10[%dma_wait3A_155, %dma_wait3A_156] : memref<10112x128xf32, #tpu.memory_space<vmem_shared>> -> memref<10112x128xf32, #tpu.memory_space<vmem_shared>>
          tpu.wait_indirect_dma semaphore(%run_scoped3A_137 : memref<!tpu.dma_semaphore, #tpu.memory_space<semaphore_mem>>) src(%dma_wait3A_151 : memref<128x128xf32, #tpu.memory_space<vmem>>) dst(%dma_wait3A_157 : memref<10112x128xf32, #tpu.memory_space<vmem_shared>>)
          tpu.yield
        }) : () -> ()
        %add3A_70 = arith.constant 2 : i32
        %add3A_71 = arith.addi %add3A_59, %add3A_70 : i32
        %lt3A = arith.constant 40 : i32
        %lt3A_72 = arith.cmpi slt, %add3A_71, %lt3A : i32
        %convert_element_type3A = arith.extui %lt3A_72 : i1 to i32
        %cond3A = arith.constant 0 : i32
        %cond3A_73 = arith.cmpi ne, %convert_element_type3A, %cond3A : i32
        scf.if %cond3A_73 {
          %add3A_137 = arith.constant 2 : i32
          %add3A_138 = arith.addi %add3A_59, %add3A_137 : i32
          %dma_start3A_139 = arith.constant 0 : i32
          %dma_start3A_140 = arith.constant 0 : i32
          %dma_start3A_141 = arith.constant 0 : i32
          %dma_start3A_142 = tpu.memref_slice %arg9[%dma_start3A_139, %dma_start3A_140, %dma_start3A_141] : memref<2x128x128xf32, #tpu.memory_space<vmem>> -> memref<1x128x128xf32, #tpu.memory_space<vmem>>
          %dma_start3A_143 = tpu.memref_squeeze %dma_start3A_142 : memref<1x128x128xf32, #tpu.memory_space<vmem>> -> memref<128x128xf32, #tpu.memory_space<vmem>>
          %dma_start3A_144 = arith.constant 0 : i32
          %dma_start3A_145 = tpu.memref_slice %arg7[%add3A_138, %dma_start3A_144] : memref<40x128xi32, #tpu.memory_space<vmem>> -> memref<1x128xi32, #tpu.memory_space<vmem>>
          %dma_start3A_146 = tpu.memref_squeeze %dma_start3A_145 : memref<1x128xi32, #tpu.memory_space<vmem>> -> memref<128xi32, #tpu.memory_space<vmem>>
          %dma_start3A_147 = arith.constant 0 : i32
          %dma_start3A_148 = arith.constant 0 : i32
          %dma_start3A_149 = tpu.memref_slice %arg2[%dma_start3A_147, %dma_start3A_148] : memref<10112x128xf32, #tpu.memory_space<hbm>> -> memref<10112x128xf32, #tpu.memory_space<hbm>>
          tpu.enqueue_indirect_dma source(%dma_start3A_149 : memref<10112x128xf32, #tpu.memory_space<hbm>>) target(%dma_start3A_143 : memref<128x128xf32, #tpu.memory_space<vmem>>) offsets(%dma_start3A_146 : memref<128xi32, #tpu.memory_space<vmem>>) semaphore(%arg13 : memref<!tpu.dma_semaphore, #tpu.memory_space<semaphore_mem>>)
        } else {
        }
        %add3A_74 = arith.constant 1 : i32
        %add3A_75 = arith.addi %mul3A_57, %add3A_74 : i32
        %dma_wait3A_76 = arith.constant 1 : i32
        %dma_wait3A_77 = arith.constant 0 : i32
        %dma_wait3A_78 = arith.constant 0 : i32
        %dma_wait3A_79 = tpu.memref_slice %arg9[%dma_wait3A_76, %dma_wait3A_77, %dma_wait3A_78] : memref<2x128x128xf32, #tpu.memory_space<vmem>> -> memref<1x128x128xf32, #tpu.memory_space<vmem>>
        %dma_wait3A_80 = tpu.memref_squeeze %dma_wait3A_79 : memref<1x128x128xf32, #tpu.memory_space<vmem>> -> memref<128x128xf32, #tpu.memory_space<vmem>>
        %dma_wait3A_81 = arith.constant 0 : i32
        %dma_wait3A_82 = tpu.memref_slice %arg7[%add3A_75, %dma_wait3A_81] : memref<40x128xi32, #tpu.memory_space<vmem>> -> memref<1x128xi32, #tpu.memory_space<vmem>>
        %dma_wait3A_83 = tpu.memref_squeeze %dma_wait3A_82 : memref<1x128xi32, #tpu.memory_space<vmem>> -> memref<128xi32, #tpu.memory_space<vmem>>
        %dma_wait3A_84 = arith.constant 0 : i32
        %dma_wait3A_85 = arith.constant 0 : i32
        %dma_wait3A_86 = tpu.memref_slice %arg2[%dma_wait3A_84, %dma_wait3A_85] : memref<10112x128xf32, #tpu.memory_space<hbm>> -> memref<10112x128xf32, #tpu.memory_space<hbm>>
        tpu.wait_indirect_dma semaphore(%arg12 : memref<!tpu.dma_semaphore, #tpu.memory_space<semaphore_mem>>) src(%dma_wait3A_86 : memref<10112x128xf32, #tpu.memory_space<hbm>>) dst(%dma_wait3A_80 : memref<128x128xf32, #tpu.memory_space<vmem>>)
        %run_scoped3A_87 = arith.constant 1 : i32
        "tpu.region"() ({
          %run_scoped3A_137 = tpu.sem_alloc : memref<!tpu.dma_semaphore, #tpu.memory_space<semaphore_mem>>
          %dma_start3A_138 = arith.constant 0 : i32
          %dma_start3A_139 = arith.constant 0 : i32
          %dma_start3A_140 = tpu.memref_slice %arg9[%run_scoped3A_87, %dma_start3A_138, %dma_start3A_139] : memref<2x128x128xf32, #tpu.memory_space<vmem>> -> memref<1x128x128xf32, #tpu.memory_space<vmem>>
          %dma_start3A_141 = tpu.memref_squeeze %dma_start3A_140 : memref<1x128x128xf32, #tpu.memory_space<vmem>> -> memref<128x128xf32, #tpu.memory_space<vmem>>
          %dma_start3A_142 = arith.constant 0 : i32
          %dma_start3A_143 = tpu.memref_slice %arg8[%add3A_75, %dma_start3A_142] : memref<40x128xi32, #tpu.memory_space<vmem>> -> memref<1x128xi32, #tpu.memory_space<vmem>>
          %dma_start3A_144 = tpu.memref_squeeze %dma_start3A_143 : memref<1x128xi32, #tpu.memory_space<vmem>> -> memref<128xi32, #tpu.memory_space<vmem>>
          %dma_start3A_145 = arith.constant 0 : i32
          %dma_start3A_146 = arith.constant 0 : i32
          %dma_start3A_147 = tpu.memref_slice %arg10[%dma_start3A_145, %dma_start3A_146] : memref<10112x128xf32, #tpu.memory_space<vmem_shared>> -> memref<10112x128xf32, #tpu.memory_space<vmem_shared>>
          tpu.enqueue_indirect_dma source(%dma_start3A_141 : memref<128x128xf32, #tpu.memory_space<vmem>>) target(%dma_start3A_147 : memref<10112x128xf32, #tpu.memory_space<vmem_shared>>) offsets(%dma_start3A_144 : memref<128xi32, #tpu.memory_space<vmem>>) semaphore(%run_scoped3A_137 : memref<!tpu.dma_semaphore, #tpu.memory_space<semaphore_mem>>) {add = true}
          %dma_wait3A_148 = arith.constant 0 : i32
          %dma_wait3A_149 = arith.constant 0 : i32
          %dma_wait3A_150 = tpu.memref_slice %arg9[%run_scoped3A_87, %dma_wait3A_148, %dma_wait3A_149] : memref<2x128x128xf32, #tpu.memory_space<vmem>> -> memref<1x128x128xf32, #tpu.memory_space<vmem>>
          %dma_wait3A_151 = tpu.memref_squeeze %dma_wait3A_150 : memref<1x128x128xf32, #tpu.memory_space<vmem>> -> memref<128x128xf32, #tpu.memory_space<vmem>>
          %dma_wait3A_152 = arith.constant 0 : i32
          %dma_wait3A_153 = tpu.memref_slice %arg8[%add3A_75, %dma_wait3A_152] : memref<40x128xi32, #tpu.memory_space<vmem>> -> memref<1x128xi32, #tpu.memory_space<vmem>>
          %dma_wait3A_154 = tpu.memref_squeeze %dma_wait3A_153 : memref<1x128xi32, #tpu.memory_space<vmem>> -> memref<128xi32, #tpu.memory_space<vmem>>
          %dma_wait3A_155 = arith.constant 0 : i32
          %dma_wait3A_156 = arith.constant 0 : i32
          %dma_wait3A_157 = tpu.memref_slice %arg10[%dma_wait3A_155, %dma_wait3A_156] : memref<10112x128xf32, #tpu.memory_space<vmem_shared>> -> memref<10112x128xf32, #tpu.memory_space<vmem_shared>>
          tpu.wait_indirect_dma semaphore(%run_scoped3A_137 : memref<!tpu.dma_semaphore, #tpu.memory_space<semaphore_mem>>) src(%dma_wait3A_151 : memref<128x128xf32, #tpu.memory_space<vmem>>) dst(%dma_wait3A_157 : memref<10112x128xf32, #tpu.memory_space<vmem_shared>>)
          tpu.yield
        }) : () -> ()
        %add3A_88 = arith.constant 2 : i32
        %add3A_89 = arith.addi %add3A_75, %add3A_88 : i32
        %lt3A_90 = arith.constant 40 : i32
        %lt3A_91 = arith.cmpi slt, %add3A_89, %lt3A_90 : i32
        %convert_element_type3A_92 = arith.extui %lt3A_91 : i1 to i32
        %cond3A_93 = arith.constant 0 : i32
        %cond3A_94 = arith.cmpi ne, %convert_element_type3A_92, %cond3A_93 : i32
        scf.if %cond3A_94 {
          %add3A_137 = arith.constant 2 : i32
          %add3A_138 = arith.addi %add3A_75, %add3A_137 : i32
          %dma_start3A_139 = arith.constant 1 : i32
          %dma_start3A_140 = arith.constant 0 : i32
          %dma_start3A_141 = arith.constant 0 : i32
          %dma_start3A_142 = tpu.memref_slice %arg9[%dma_start3A_139, %dma_start3A_140, %dma_start3A_141] : memref<2x128x128xf32, #tpu.memory_space<vmem>> -> memref<1x128x128xf32, #tpu.memory_space<vmem>>
          %dma_start3A_143 = tpu.memref_squeeze %dma_start3A_142 : memref<1x128x128xf32, #tpu.memory_space<vmem>> -> memref<128x128xf32, #tpu.memory_space<vmem>>
          %dma_start3A_144 = arith.constant 0 : i32
          %dma_start3A_145 = tpu.memref_slice %arg7[%add3A_138, %dma_start3A_144] : memref<40x128xi32, #tpu.memory_space<vmem>> -> memref<1x128xi32, #tpu.memory_space<vmem>>
          %dma_start3A_146 = tpu.memref_squeeze %dma_start3A_145 : memref<1x128xi32, #tpu.memory_space<vmem>> -> memref<128xi32, #tpu.memory_space<vmem>>
          %dma_start3A_147 = arith.constant 0 : i32
          %dma_start3A_148 = arith.constant 0 : i32
          %dma_start3A_149 = tpu.memref_slice %arg2[%dma_start3A_147, %dma_start3A_148] : memref<10112x128xf32, #tpu.memory_space<hbm>> -> memref<10112x128xf32, #tpu.memory_space<hbm>>
          tpu.enqueue_indirect_dma source(%dma_start3A_149 : memref<10112x128xf32, #tpu.memory_space<hbm>>) target(%dma_start3A_143 : memref<128x128xf32, #tpu.memory_space<vmem>>) offsets(%dma_start3A_146 : memref<128xi32, #tpu.memory_space<vmem>>) semaphore(%arg14 : memref<!tpu.dma_semaphore, #tpu.memory_space<semaphore_mem>>)
        } else {
        }
        %add3A_95 = arith.constant 2 : i32
        %add3A_96 = arith.addi %mul3A_57, %add3A_95 : i32
        %dma_wait3A_97 = arith.constant 0 : i32
        %dma_wait3A_98 = arith.constant 0 : i32
        %dma_wait3A_99 = arith.constant 0 : i32
        %dma_wait3A_100 = tpu.memref_slice %arg9[%dma_wait3A_97, %dma_wait3A_98, %dma_wait3A_99] : memref<2x128x128xf32, #tpu.memory_space<vmem>> -> memref<1x128x128xf32, #tpu.memory_space<vmem>>
        %dma_wait3A_101 = tpu.memref_squeeze %dma_wait3A_100 : memref<1x128x128xf32, #tpu.memory_space<vmem>> -> memref<128x128xf32, #tpu.memory_space<vmem>>
        %dma_wait3A_102 = arith.constant 0 : i32
        %dma_wait3A_103 = tpu.memref_slice %arg7[%add3A_96, %dma_wait3A_102] : memref<40x128xi32, #tpu.memory_space<vmem>> -> memref<1x128xi32, #tpu.memory_space<vmem>>
        %dma_wait3A_104 = tpu.memref_squeeze %dma_wait3A_103 : memref<1x128xi32, #tpu.memory_space<vmem>> -> memref<128xi32, #tpu.memory_space<vmem>>
        %dma_wait3A_105 = arith.constant 0 : i32
        %dma_wait3A_106 = arith.constant 0 : i32
        %dma_wait3A_107 = tpu.memref_slice %arg2[%dma_wait3A_105, %dma_wait3A_106] : memref<10112x128xf32, #tpu.memory_space<hbm>> -> memref<10112x128xf32, #tpu.memory_space<hbm>>
        tpu.wait_indirect_dma semaphore(%arg13 : memref<!tpu.dma_semaphore, #tpu.memory_space<semaphore_mem>>) src(%dma_wait3A_107 : memref<10112x128xf32, #tpu.memory_space<hbm>>) dst(%dma_wait3A_101 : memref<128x128xf32, #tpu.memory_space<vmem>>)
        %run_scoped3A_108 = arith.constant 0 : i32
        "tpu.region"() ({
          %run_scoped3A_137 = tpu.sem_alloc : memref<!tpu.dma_semaphore, #tpu.memory_space<semaphore_mem>>
          %dma_start3A_138 = arith.constant 0 : i32
          %dma_start3A_139 = arith.constant 0 : i32
          %dma_start3A_140 = tpu.memref_slice %arg9[%run_scoped3A_108, %dma_start3A_138, %dma_start3A_139] : memref<2x128x128xf32, #tpu.memory_space<vmem>> -> memref<1x128x128xf32, #tpu.memory_space<vmem>>
          %dma_start3A_141 = tpu.memref_squeeze %dma_start3A_140 : memref<1x128x128xf32, #tpu.memory_space<vmem>> -> memref<128x128xf32, #tpu.memory_space<vmem>>
          %dma_start3A_142 = arith.constant 0 : i32
          %dma_start3A_143 = tpu.memref_slice %arg8[%add3A_96, %dma_start3A_142] : memref<40x128xi32, #tpu.memory_space<vmem>> -> memref<1x128xi32, #tpu.memory_space<vmem>>
          %dma_start3A_144 = tpu.memref_squeeze %dma_start3A_143 : memref<1x128xi32, #tpu.memory_space<vmem>> -> memref<128xi32, #tpu.memory_space<vmem>>
          %dma_start3A_145 = arith.constant 0 : i32
          %dma_start3A_146 = arith.constant 0 : i32
          %dma_start3A_147 = tpu.memref_slice %arg10[%dma_start3A_145, %dma_start3A_146] : memref<10112x128xf32, #tpu.memory_space<vmem_shared>> -> memref<10112x128xf32, #tpu.memory_space<vmem_shared>>
          tpu.enqueue_indirect_dma source(%dma_start3A_141 : memref<128x128xf32, #tpu.memory_space<vmem>>) target(%dma_start3A_147 : memref<10112x128xf32, #tpu.memory_space<vmem_shared>>) offsets(%dma_start3A_144 : memref<128xi32, #tpu.memory_space<vmem>>) semaphore(%run_scoped3A_137 : memref<!tpu.dma_semaphore, #tpu.memory_space<semaphore_mem>>) {add = true}
          %dma_wait3A_148 = arith.constant 0 : i32
          %dma_wait3A_149 = arith.constant 0 : i32
          %dma_wait3A_150 = tpu.memref_slice %arg9[%run_scoped3A_108, %dma_wait3A_148, %dma_wait3A_149] : memref<2x128x128xf32, #tpu.memory_space<vmem>> -> memref<1x128x128xf32, #tpu.memory_space<vmem>>
          %dma_wait3A_151 = tpu.memref_squeeze %dma_wait3A_150 : memref<1x128x128xf32, #tpu.memory_space<vmem>> -> memref<128x128xf32, #tpu.memory_space<vmem>>
          %dma_wait3A_152 = arith.constant 0 : i32
          %dma_wait3A_153 = tpu.memref_slice %arg8[%add3A_96, %dma_wait3A_152] : memref<40x128xi32, #tpu.memory_space<vmem>> -> memref<1x128xi32, #tpu.memory_space<vmem>>
          %dma_wait3A_154 = tpu.memref_squeeze %dma_wait3A_153 : memref<1x128xi32, #tpu.memory_space<vmem>> -> memref<128xi32, #tpu.memory_space<vmem>>
          %dma_wait3A_155 = arith.constant 0 : i32
          %dma_wait3A_156 = arith.constant 0 : i32
          %dma_wait3A_157 = tpu.memref_slice %arg10[%dma_wait3A_155, %dma_wait3A_156] : memref<10112x128xf32, #tpu.memory_space<vmem_shared>> -> memref<10112x128xf32, #tpu.memory_space<vmem_shared>>
          tpu.wait_indirect_dma semaphore(%run_scoped3A_137 : memref<!tpu.dma_semaphore, #tpu.memory_space<semaphore_mem>>) src(%dma_wait3A_151 : memref<128x128xf32, #tpu.memory_space<vmem>>) dst(%dma_wait3A_157 : memref<10112x128xf32, #tpu.memory_space<vmem_shared>>)
          tpu.yield
        }) : () -> ()
        %add3A_109 = arith.constant 2 : i32
        %add3A_110 = arith.addi %add3A_96, %add3A_109 : i32
        %lt3A_111 = arith.constant 40 : i32
        %lt3A_112 = arith.cmpi slt, %add3A_110, %lt3A_111 : i32
        %convert_element_type3A_113 = arith.extui %lt3A_112 : i1 to i32
        %cond3A_114 = arith.constant 0 : i32
        %cond3A_115 = arith.cmpi ne, %convert_element_type3A_113, %cond3A_114 : i32
        scf.if %cond3A_115 {
          %add3A_137 = arith.constant 2 : i32
          %add3A_138 = arith.addi %add3A_96, %add3A_137 : i32
          %dma_start3A_139 = arith.constant 0 : i32
          %dma_start3A_140 = arith.constant 0 : i32
          %dma_start3A_141 = arith.constant 0 : i32
          %dma_start3A_142 = tpu.memref_slice %arg9[%dma_start3A_139, %dma_start3A_140, %dma_start3A_141] : memref<2x128x128xf32, #tpu.memory_space<vmem>> -> memref<1x128x128xf32, #tpu.memory_space<vmem>>
          %dma_start3A_143 = tpu.memref_squeeze %dma_start3A_142 : memref<1x128x128xf32, #tpu.memory_space<vmem>> -> memref<128x128xf32, #tpu.memory_space<vmem>>
          %dma_start3A_144 = arith.constant 0 : i32
          %dma_start3A_145 = tpu.memref_slice %arg7[%add3A_138, %dma_start3A_144] : memref<40x128xi32, #tpu.memory_space<vmem>> -> memref<1x128xi32, #tpu.memory_space<vmem>>
          %dma_start3A_146 = tpu.memref_squeeze %dma_start3A_145 : memref<1x128xi32, #tpu.memory_space<vmem>> -> memref<128xi32, #tpu.memory_space<vmem>>
          %dma_start3A_147 = arith.constant 0 : i32
          %dma_start3A_148 = arith.constant 0 : i32
          %dma_start3A_149 = tpu.memref_slice %arg2[%dma_start3A_147, %dma_start3A_148] : memref<10112x128xf32, #tpu.memory_space<hbm>> -> memref<10112x128xf32, #tpu.memory_space<hbm>>
          tpu.enqueue_indirect_dma source(%dma_start3A_149 : memref<10112x128xf32, #tpu.memory_space<hbm>>) target(%dma_start3A_143 : memref<128x128xf32, #tpu.memory_space<vmem>>) offsets(%dma_start3A_146 : memref<128xi32, #tpu.memory_space<vmem>>) semaphore(%arg11 : memref<!tpu.dma_semaphore, #tpu.memory_space<semaphore_mem>>)
        } else {
        }
        %add3A_116 = arith.constant 3 : i32
        %add3A_117 = arith.addi %mul3A_57, %add3A_116 : i32
        %dma_wait3A_118 = arith.constant 1 : i32
        %dma_wait3A_119 = arith.constant 0 : i32
        %dma_wait3A_120 = arith.constant 0 : i32
        %dma_wait3A_121 = tpu.memref_slice %arg9[%dma_wait3A_118, %dma_wait3A_119, %dma_wait3A_120] : memref<2x128x128xf32, #tpu.memory_space<vmem>> -> memref<1x128x128xf32, #tpu.memory_space<vmem>>
        %dma_wait3A_122 = tpu.memref_squeeze %dma_wait3A_121 : memref<1x128x128xf32, #tpu.memory_space<vmem>> -> memref<128x128xf32, #tpu.memory_space<vmem>>
        %dma_wait3A_123 = arith.constant 0 : i32
        %dma_wait3A_124 = tpu.memref_slice %arg7[%add3A_117, %dma_wait3A_123] : memref<40x128xi32, #tpu.memory_space<vmem>> -> memref<1x128xi32, #tpu.memory_space<vmem>>
        %dma_wait3A_125 = tpu.memref_squeeze %dma_wait3A_124 : memref<1x128xi32, #tpu.memory_space<vmem>> -> memref<128xi32, #tpu.memory_space<vmem>>
        %dma_wait3A_126 = arith.constant 0 : i32
        %dma_wait3A_127 = arith.constant 0 : i32
        %dma_wait3A_128 = tpu.memref_slice %arg2[%dma_wait3A_126, %dma_wait3A_127] : memref<10112x128xf32, #tpu.memory_space<hbm>> -> memref<10112x128xf32, #tpu.memory_space<hbm>>
        tpu.wait_indirect_dma semaphore(%arg14 : memref<!tpu.dma_semaphore, #tpu.memory_space<semaphore_mem>>) src(%dma_wait3A_128 : memref<10112x128xf32, #tpu.memory_space<hbm>>) dst(%dma_wait3A_122 : memref<128x128xf32, #tpu.memory_space<vmem>>)
        %run_scoped3A_129 = arith.constant 1 : i32
        "tpu.region"() ({
          %run_scoped3A_137 = tpu.sem_alloc : memref<!tpu.dma_semaphore, #tpu.memory_space<semaphore_mem>>
          %dma_start3A_138 = arith.constant 0 : i32
          %dma_start3A_139 = arith.constant 0 : i32
          %dma_start3A_140 = tpu.memref_slice %arg9[%run_scoped3A_129, %dma_start3A_138, %dma_start3A_139] : memref<2x128x128xf32, #tpu.memory_space<vmem>> -> memref<1x128x128xf32, #tpu.memory_space<vmem>>
          %dma_start3A_141 = tpu.memref_squeeze %dma_start3A_140 : memref<1x128x128xf32, #tpu.memory_space<vmem>> -> memref<128x128xf32, #tpu.memory_space<vmem>>
          %dma_start3A_142 = arith.constant 0 : i32
          %dma_start3A_143 = tpu.memref_slice %arg8[%add3A_117, %dma_start3A_142] : memref<40x128xi32, #tpu.memory_space<vmem>> -> memref<1x128xi32, #tpu.memory_space<vmem>>
          %dma_start3A_144 = tpu.memref_squeeze %dma_start3A_143 : memref<1x128xi32, #tpu.memory_space<vmem>> -> memref<128xi32, #tpu.memory_space<vmem>>
          %dma_start3A_145 = arith.constant 0 : i32
          %dma_start3A_146 = arith.constant 0 : i32
          %dma_start3A_147 = tpu.memref_slice %arg10[%dma_start3A_145, %dma_start3A_146] : memref<10112x128xf32, #tpu.memory_space<vmem_shared>> -> memref<10112x128xf32, #tpu.memory_space<vmem_shared>>
          tpu.enqueue_indirect_dma source(%dma_start3A_141 : memref<128x128xf32, #tpu.memory_space<vmem>>) target(%dma_start3A_147 : memref<10112x128xf32, #tpu.memory_space<vmem_shared>>) offsets(%dma_start3A_144 : memref<128xi32, #tpu.memory_space<vmem>>) semaphore(%run_scoped3A_137 : memref<!tpu.dma_semaphore, #tpu.memory_space<semaphore_mem>>) {add = true}
          %dma_wait3A_148 = arith.constant 0 : i32
          %dma_wait3A_149 = arith.constant 0 : i32
          %dma_wait3A_150 = tpu.memref_slice %arg9[%run_scoped3A_129, %dma_wait3A_148, %dma_wait3A_149] : memref<2x128x128xf32, #tpu.memory_space<vmem>> -> memref<1x128x128xf32, #tpu.memory_space<vmem>>
          %dma_wait3A_151 = tpu.memref_squeeze %dma_wait3A_150 : memref<1x128x128xf32, #tpu.memory_space<vmem>> -> memref<128x128xf32, #tpu.memory_space<vmem>>
          %dma_wait3A_152 = arith.constant 0 : i32
          %dma_wait3A_153 = tpu.memref_slice %arg8[%add3A_117, %dma_wait3A_152] : memref<40x128xi32, #tpu.memory_space<vmem>> -> memref<1x128xi32, #tpu.memory_space<vmem>>
          %dma_wait3A_154 = tpu.memref_squeeze %dma_wait3A_153 : memref<1x128xi32, #tpu.memory_space<vmem>> -> memref<128xi32, #tpu.memory_space<vmem>>
          %dma_wait3A_155 = arith.constant 0 : i32
          %dma_wait3A_156 = arith.constant 0 : i32
          %dma_wait3A_157 = tpu.memref_slice %arg10[%dma_wait3A_155, %dma_wait3A_156] : memref<10112x128xf32, #tpu.memory_space<vmem_shared>> -> memref<10112x128xf32, #tpu.memory_space<vmem_shared>>
          tpu.wait_indirect_dma semaphore(%run_scoped3A_137 : memref<!tpu.dma_semaphore, #tpu.memory_space<semaphore_mem>>) src(%dma_wait3A_151 : memref<128x128xf32, #tpu.memory_space<vmem>>) dst(%dma_wait3A_157 : memref<10112x128xf32, #tpu.memory_space<vmem_shared>>)
          tpu.yield
        }) : () -> ()
        %add3A_130 = arith.constant 2 : i32
        %add3A_131 = arith.addi %add3A_117, %add3A_130 : i32
        %lt3A_132 = arith.constant 40 : i32
        %lt3A_133 = arith.cmpi slt, %add3A_131, %lt3A_132 : i32
        %convert_element_type3A_134 = arith.extui %lt3A_133 : i1 to i32
        %cond3A_135 = arith.constant 0 : i32
        %cond3A_136 = arith.cmpi ne, %convert_element_type3A_134, %cond3A_135 : i32
        scf.if %cond3A_136 {
          %add3A_137 = arith.constant 2 : i32
          %add3A_138 = arith.addi %add3A_117, %add3A_137 : i32
          %dma_start3A_139 = arith.constant 1 : i32
          %dma_start3A_140 = arith.constant 0 : i32
          %dma_start3A_141 = arith.constant 0 : i32
          %dma_start3A_142 = tpu.memref_slice %arg9[%dma_start3A_139, %dma_start3A_140, %dma_start3A_141] : memref<2x128x128xf32, #tpu.memory_space<vmem>> -> memref<1x128x128xf32, #tpu.memory_space<vmem>>
          %dma_start3A_143 = tpu.memref_squeeze %dma_start3A_142 : memref<1x128x128xf32, #tpu.memory_space<vmem>> -> memref<128x128xf32, #tpu.memory_space<vmem>>
          %dma_start3A_144 = arith.constant 0 : i32
          %dma_start3A_145 = tpu.memref_slice %arg7[%add3A_138, %dma_start3A_144] : memref<40x128xi32, #tpu.memory_space<vmem>> -> memref<1x128xi32, #tpu.memory_space<vmem>>
          %dma_start3A_146 = tpu.memref_squeeze %dma_start3A_145 : memref<1x128xi32, #tpu.memory_space<vmem>> -> memref<128xi32, #tpu.memory_space<vmem>>
          %dma_start3A_147 = arith.constant 0 : i32
          %dma_start3A_148 = arith.constant 0 : i32
          %dma_start3A_149 = tpu.memref_slice %arg2[%dma_start3A_147, %dma_start3A_148] : memref<10112x128xf32, #tpu.memory_space<hbm>> -> memref<10112x128xf32, #tpu.memory_space<hbm>>
          tpu.enqueue_indirect_dma source(%dma_start3A_149 : memref<10112x128xf32, #tpu.memory_space<hbm>>) target(%dma_start3A_143 : memref<128x128xf32, #tpu.memory_space<vmem>>) offsets(%dma_start3A_146 : memref<128xi32, #tpu.memory_space<vmem>>) semaphore(%arg12 : memref<!tpu.dma_semaphore, #tpu.memory_space<semaphore_mem>>)
        } else {
        }
      }
      %scan3A_52 = arith.constant 10 : i32
    }
    %barrier3A_20 = arith.constant 0 : index
    tpu.barrier barrier_id(%barrier3A_20)
    "tpu.region"() ({
      %run_scoped3A = tpu.sem_alloc : memref<!tpu.dma_semaphore, #tpu.memory_space<semaphore_mem>>
      %dma_start3A = arith.constant 0 : i32
      %dma_start3A_21 = tpu.memref_slice %arg6[%arg0, %mul3A_0, %dma_start3A] : memref<2x10112x128xf32, #tpu.memory_space<hbm>> -> memref<1x632x128xf32, #tpu.memory_space<hbm>>
      %dma_start3A_22 = tpu.memref_squeeze %dma_start3A_21 : memref<1x632x128xf32, #tpu.memory_space<hbm>> -> memref<632x128xf32, #tpu.memory_space<hbm>>
      %dma_start3A_23 = arith.constant 0 : i32
      %dma_start3A_24 = tpu.memref_slice %arg10[%mul3A_0, %dma_start3A_23] : memref<10112x128xf32, #tpu.memory_space<vmem_shared>> -> memref<632x128xf32, #tpu.memory_space<vmem_shared>>
      tpu.enqueue_dma source(%dma_start3A_24 : memref<632x128xf32, #tpu.memory_space<vmem_shared>>) target(%dma_start3A_22 : memref<632x128xf32, #tpu.memory_space<hbm>>) target_semaphore(%run_scoped3A : memref<!tpu.dma_semaphore, #tpu.memory_space<semaphore_mem>>)
      %dma_wait3A = arith.constant 0 : i32
      %dma_wait3A_25 = tpu.memref_slice %arg6[%arg0, %mul3A_0, %dma_wait3A] : memref<2x10112x128xf32, #tpu.memory_space<hbm>> -> memref<1x632x128xf32, #tpu.memory_space<hbm>>
      %dma_wait3A_26 = tpu.memref_squeeze %dma_wait3A_25 : memref<1x632x128xf32, #tpu.memory_space<hbm>> -> memref<632x128xf32, #tpu.memory_space<hbm>>
      %dma_wait3A_27 = arith.constant 0 : i32
      %dma_wait3A_28 = tpu.memref_slice %arg10[%mul3A_0, %dma_wait3A_27] : memref<10112x128xf32, #tpu.memory_space<vmem_shared>> -> memref<632x128xf32, #tpu.memory_space<vmem_shared>>
      tpu.wait_dma2 semaphore(%run_scoped3A : memref<!tpu.dma_semaphore, #tpu.memory_space<semaphore_mem>>) src(%dma_wait3A_28 : memref<632x128xf32, #tpu.memory_space<vmem_shared>>) dst(%dma_wait3A_26 : memref<632x128xf32, #tpu.memory_space<hbm>>)
      tpu.yield
    }) : () -> ()
    return
  }
}

#map = affine_map<(d0, d1) -> (0, 0)>
#map1 = affine_map<(d0, d1) -> (0, 0, 0)>
module attributes {stable_mosaic.version = 14 : i64} {
  func.func @_sc_agg(%arg0: i32, %arg1: i32, %arg2: memref<10112x128xf32, #tpu.memory_space<hbm>>, %arg3: memref<2560x128xi32, #tpu.memory_space<hbm>>, %arg4: memref<2560x128xi32, #tpu.memory_space<hbm>>, %arg5: memref<10112x128xf32, #tpu.memory_space<hbm>>, %arg6: memref<2x10112x128xf32, #tpu.memory_space<hbm>>, %arg7: memref<40x128xi32, #tpu.memory_space<vmem>>, %arg8: memref<40x128xi32, #tpu.memory_space<vmem>>, %arg9: memref<2x128x128xf32, #tpu.memory_space<vmem>>, %arg10: memref<10112x128xf32, #tpu.memory_space<vmem_shared>>, %arg11: memref<!tpu.dma_semaphore, #tpu.memory_space<semaphore_mem>>, %arg12: memref<!tpu.dma_semaphore, #tpu.memory_space<semaphore_mem>>, %arg13: memref<!tpu.dma_semaphore, #tpu.memory_space<semaphore_mem>>, %arg14: memref<!tpu.dma_semaphore, #tpu.memory_space<semaphore_mem>>) attributes {dimension_semantics = [#tpu.dimension_semantics<core_parallel>, #tpu.dimension_semantics<subcore_parallel>], iteration_bounds = array<i64: 2, 16>, scalar_prefetch = 0 : i64, scratch_operands = 8 : i64, tpu.core_type = #tpu.core_type<sc_vector_subcore>, window_params = [{transform_indices = #map}, {transform_indices = #map}, {transform_indices = #map}, {transform_indices = #map}, {transform_indices = #map1}]} {
    %mul3A = arith.constant 632 : i32
    %mul3A_0 = arith.muli %arg1, %mul3A : i32
    "tpu.region"() ({
      %run_scoped3A = tpu.sem_alloc : memref<!tpu.dma_semaphore, #tpu.memory_space<semaphore_mem>>
      %dma_start3A = arith.constant 0 : i32
      %dma_start3A_21 = tpu.memref_slice %arg10[%mul3A_0, %dma_start3A] : memref<10112x128xf32, #tpu.memory_space<vmem_shared>> -> memref<632x128xf32, #tpu.memory_space<vmem_shared>>
      %dma_start3A_22 = arith.constant 0 : i32
      %dma_start3A_23 = tpu.memref_slice %arg5[%mul3A_0, %dma_start3A_22] : memref<10112x128xf32, #tpu.memory_space<hbm>> -> memref<632x128xf32, #tpu.memory_space<hbm>>
      tpu.enqueue_dma source(%dma_start3A_23 : memref<632x128xf32, #tpu.memory_space<hbm>>) target(%dma_start3A_21 : memref<632x128xf32, #tpu.memory_space<vmem_shared>>) target_semaphore(%run_scoped3A : memref<!tpu.dma_semaphore, #tpu.memory_space<semaphore_mem>>)
      %dma_wait3A = arith.constant 0 : i32
      %dma_wait3A_24 = tpu.memref_slice %arg10[%mul3A_0, %dma_wait3A] : memref<10112x128xf32, #tpu.memory_space<vmem_shared>> -> memref<632x128xf32, #tpu.memory_space<vmem_shared>>
      %dma_wait3A_25 = arith.constant 0 : i32
      %dma_wait3A_26 = tpu.memref_slice %arg5[%mul3A_0, %dma_wait3A_25] : memref<10112x128xf32, #tpu.memory_space<hbm>> -> memref<632x128xf32, #tpu.memory_space<hbm>>
      tpu.wait_dma2 semaphore(%run_scoped3A : memref<!tpu.dma_semaphore, #tpu.memory_space<semaphore_mem>>) src(%dma_wait3A_26 : memref<632x128xf32, #tpu.memory_space<hbm>>) dst(%dma_wait3A_24 : memref<632x128xf32, #tpu.memory_space<vmem_shared>>)
      tpu.yield
    }) : () -> ()
    %eq3A = arith.constant 0 : i32
    %eq3A_1 = arith.cmpi eq, %arg0, %eq3A : i32
    %mul3A_2 = arith.constant 160 : i32
    %mul3A_3 = arith.muli %arg1, %mul3A_2 : i32
    %mul3A_4 = arith.constant 0 : i32
    %mul3A_5 = arith.muli %arg1, %mul3A_4 : i32
    %add3A = arith.constant 2560 : i32
    %add3A_6 = arith.addi %add3A, %mul3A_5 : i32
    %select_n3A = arith.select %eq3A_1, %mul3A_3, %add3A_6 : i32
    %eq3A_7 = arith.constant 0 : i32
    %eq3A_8 = arith.cmpi eq, %arg0, %eq3A_7 : i32
    %jit3A = arith.constant 4 : i32
    %jit3A_9 = arith.constant 0 : i32
    %select_n3A_10 = arith.select %eq3A_8, %jit3A, %jit3A_9 : i32
    %barrier3A = arith.constant 0 : index
    tpu.barrier barrier_id(%barrier3A)
    %while3A = arith.constant 0 : i32
    %while3A_11 = arith.constant 0 : i32
    %while3A_12 = arith.subi %select_n3A_10, %while3A_11 : i32
    %while3A_13 = arith.addi %while3A_11, %while3A_12 : i32
    %while3A_14 = arith.constant 1 : i32
    %while3A_15 = arith.divsi %while3A_12, %while3A_14 : i32
    %while3A_16 = arith.muli %while3A_15, %while3A_14 : i32
    %while3A_17 = arith.addi %while3A_11, %while3A_16 : i32
    %while3A_18 = arith.constant 1 : i32
    scf.for %while3A_21 = %while3A_11 to %while3A_17 step %while3A_18  : i32 {
      %mul3A_22 = arith.constant 40 : i32
      %mul3A_23 = arith.muli %while3A_21, %mul3A_22 : i32
      %add3A_24 = arith.addi %select_n3A, %mul3A_23 : i32
      "tpu.region"() ({
        %run_scoped3A = tpu.sem_alloc : memref<!tpu.dma_semaphore, #tpu.memory_space<semaphore_mem>>
        %dma_start3A_53 = arith.constant 0 : i32
        %dma_start3A_54 = tpu.memref_slice %arg3[%add3A_24, %dma_start3A_53] : memref<2560x128xi32, #tpu.memory_space<hbm>> -> memref<40x128xi32, #tpu.memory_space<hbm>>
        %dma_start3A_55 = arith.constant 0 : i32
        %dma_start3A_56 = tpu.memref_slice %arg3[%add3A_24, %dma_start3A_55] : memref<2560x128xi32, #tpu.memory_space<hbm>> -> memref<40x128xi32, #tpu.memory_space<hbm>>
        tpu.enqueue_dma source(%dma_start3A_56 : memref<40x128xi32, #tpu.memory_space<hbm>>) target(%arg7 : memref<40x128xi32, #tpu.memory_space<vmem>>) target_semaphore(%run_scoped3A : memref<!tpu.dma_semaphore, #tpu.memory_space<semaphore_mem>>)
        %dma_wait3A = arith.constant 0 : i32
        %dma_wait3A_57 = tpu.memref_slice %arg3[%add3A_24, %dma_wait3A] : memref<2560x128xi32, #tpu.memory_space<hbm>> -> memref<40x128xi32, #tpu.memory_space<hbm>>
        %dma_wait3A_58 = arith.constant 0 : i32
        %dma_wait3A_59 = tpu.memref_slice %arg3[%add3A_24, %dma_wait3A_58] : memref<2560x128xi32, #tpu.memory_space<hbm>> -> memref<40x128xi32, #tpu.memory_space<hbm>>
        tpu.wait_dma2 semaphore(%run_scoped3A : memref<!tpu.dma_semaphore, #tpu.memory_space<semaphore_mem>>) src(%dma_wait3A_59 : memref<40x128xi32, #tpu.memory_space<hbm>>) dst(%arg7 : memref<40x128xi32, #tpu.memory_space<vmem>>)
        tpu.yield
      }) : () -> ()
      "tpu.region"() ({
        %run_scoped3A = tpu.sem_alloc : memref<!tpu.dma_semaphore, #tpu.memory_space<semaphore_mem>>
        %dma_start3A_53 = arith.constant 0 : i32
        %dma_start3A_54 = tpu.memref_slice %arg4[%add3A_24, %dma_start3A_53] : memref<2560x128xi32, #tpu.memory_space<hbm>> -> memref<40x128xi32, #tpu.memory_space<hbm>>
        %dma_start3A_55 = arith.constant 0 : i32
        %dma_start3A_56 = tpu.memref_slice %arg4[%add3A_24, %dma_start3A_55] : memref<2560x128xi32, #tpu.memory_space<hbm>> -> memref<40x128xi32, #tpu.memory_space<hbm>>
        tpu.enqueue_dma source(%dma_start3A_56 : memref<40x128xi32, #tpu.memory_space<hbm>>) target(%arg8 : memref<40x128xi32, #tpu.memory_space<vmem>>) target_semaphore(%run_scoped3A : memref<!tpu.dma_semaphore, #tpu.memory_space<semaphore_mem>>)
        %dma_wait3A = arith.constant 0 : i32
        %dma_wait3A_57 = tpu.memref_slice %arg4[%add3A_24, %dma_wait3A] : memref<2560x128xi32, #tpu.memory_space<hbm>> -> memref<40x128xi32, #tpu.memory_space<hbm>>
        %dma_wait3A_58 = arith.constant 0 : i32
        %dma_wait3A_59 = tpu.memref_slice %arg4[%add3A_24, %dma_wait3A_58] : memref<2560x128xi32, #tpu.memory_space<hbm>> -> memref<40x128xi32, #tpu.memory_space<hbm>>
        tpu.wait_dma2 semaphore(%run_scoped3A : memref<!tpu.dma_semaphore, #tpu.memory_space<semaphore_mem>>) src(%dma_wait3A_59 : memref<40x128xi32, #tpu.memory_space<hbm>>) dst(%arg8 : memref<40x128xi32, #tpu.memory_space<vmem>>)
        tpu.yield
      }) : () -> ()
      %dma_start3A = arith.constant 0 : i32
      %dma_start3A_25 = arith.constant 0 : i32
      %dma_start3A_26 = arith.constant 0 : i32
      %dma_start3A_27 = arith.constant 0 : i32
      %dma_start3A_28 = tpu.memref_slice %arg9[%dma_start3A_25, %dma_start3A_26, %dma_start3A_27] : memref<2x128x128xf32, #tpu.memory_space<vmem>> -> memref<1x128x128xf32, #tpu.memory_space<vmem>>
      %dma_start3A_29 = tpu.memref_squeeze %dma_start3A_28 : memref<1x128x128xf32, #tpu.memory_space<vmem>> -> memref<128x128xf32, #tpu.memory_space<vmem>>
      %dma_start3A_30 = arith.constant 0 : i32
      %dma_start3A_31 = tpu.memref_slice %arg7[%dma_start3A, %dma_start3A_30] : memref<40x128xi32, #tpu.memory_space<vmem>> -> memref<1x128xi32, #tpu.memory_space<vmem>>
      %dma_start3A_32 = tpu.memref_squeeze %dma_start3A_31 : memref<1x128xi32, #tpu.memory_space<vmem>> -> memref<128xi32, #tpu.memory_space<vmem>>
      %dma_start3A_33 = arith.constant 0 : i32
      %dma_start3A_34 = arith.constant 0 : i32
      %dma_start3A_35 = tpu.memref_slice %arg2[%dma_start3A_33, %dma_start3A_34] : memref<10112x128xf32, #tpu.memory_space<hbm>> -> memref<10112x128xf32, #tpu.memory_space<hbm>>
      tpu.enqueue_indirect_dma source(%dma_start3A_35 : memref<10112x128xf32, #tpu.memory_space<hbm>>) target(%dma_start3A_29 : memref<128x128xf32, #tpu.memory_space<vmem>>) offsets(%dma_start3A_32 : memref<128xi32, #tpu.memory_space<vmem>>) semaphore(%arg11 : memref<!tpu.dma_semaphore, #tpu.memory_space<semaphore_mem>>)
      %dma_start3A_36 = arith.constant 1 : i32
      %dma_start3A_37 = arith.constant 1 : i32
      %dma_start3A_38 = arith.constant 0 : i32
      %dma_start3A_39 = arith.constant 0 : i32
      %dma_start3A_40 = tpu.memref_slice %arg9[%dma_start3A_37, %dma_start3A_38, %dma_start3A_39] : memref<2x128x128xf32, #tpu.memory_space<vmem>> -> memref<1x128x128xf32, #tpu.memory_space<vmem>>
      %dma_start3A_41 = tpu.memref_squeeze %dma_start3A_40 : memref<1x128x128xf32, #tpu.memory_space<vmem>> -> memref<128x128xf32, #tpu.memory_space<vmem>>
      %dma_start3A_42 = arith.constant 0 : i32
      %dma_start3A_43 = tpu.memref_slice %arg7[%dma_start3A_36, %dma_start3A_42] : memref<40x128xi32, #tpu.memory_space<vmem>> -> memref<1x128xi32, #tpu.memory_space<vmem>>
      %dma_start3A_44 = tpu.memref_squeeze %dma_start3A_43 : memref<1x128xi32, #tpu.memory_space<vmem>> -> memref<128xi32, #tpu.memory_space<vmem>>
      %dma_start3A_45 = arith.constant 0 : i32
      %dma_start3A_46 = arith.constant 0 : i32
      %dma_start3A_47 = tpu.memref_slice %arg2[%dma_start3A_45, %dma_start3A_46] : memref<10112x128xf32, #tpu.memory_space<hbm>> -> memref<10112x128xf32, #tpu.memory_space<hbm>>
      tpu.enqueue_indirect_dma source(%dma_start3A_47 : memref<10112x128xf32, #tpu.memory_space<hbm>>) target(%dma_start3A_41 : memref<128x128xf32, #tpu.memory_space<vmem>>) offsets(%dma_start3A_44 : memref<128xi32, #tpu.memory_space<vmem>>) semaphore(%arg12 : memref<!tpu.dma_semaphore, #tpu.memory_space<semaphore_mem>>)
      %scan3A = arith.constant 0 : i32
      %scan3A_48 = arith.constant 0 : i32
      %scan3A_49 = arith.constant 10 : i32
      %scan3A_50 = arith.addi %scan3A_48, %scan3A_49 : i32
      %scan3A_51 = arith.constant 1 : i32
      scf.for %scan3A_53 = %scan3A_48 to %scan3A_50 step %scan3A_51  : i32 {
        %mul3A_54 = arith.constant 2 : i32
        %mul3A_55 = arith.muli %scan3A_53, %mul3A_54 : i32
        %mul3A_56 = arith.constant 2 : i32
        %mul3A_57 = arith.muli %mul3A_55, %mul3A_56 : i32
        %add3A_58 = arith.constant 0 : i32
        %add3A_59 = arith.addi %mul3A_57, %add3A_58 : i32
        %dma_wait3A = arith.constant 0 : i32
        %dma_wait3A_60 = arith.constant 0 : i32
        %dma_wait3A_61 = arith.constant 0 : i32
        %dma_wait3A_62 = tpu.memref_slice %arg9[%dma_wait3A, %dma_wait3A_60, %dma_wait3A_61] : memref<2x128x128xf32, #tpu.memory_space<vmem>> -> memref<1x128x128xf32, #tpu.memory_space<vmem>>
        %dma_wait3A_63 = tpu.memref_squeeze %dma_wait3A_62 : memref<1x128x128xf32, #tpu.memory_space<vmem>> -> memref<128x128xf32, #tpu.memory_space<vmem>>
        %dma_wait3A_64 = arith.constant 0 : i32
        %dma_wait3A_65 = tpu.memref_slice %arg7[%add3A_59, %dma_wait3A_64] : memref<40x128xi32, #tpu.memory_space<vmem>> -> memref<1x128xi32, #tpu.memory_space<vmem>>
        %dma_wait3A_66 = tpu.memref_squeeze %dma_wait3A_65 : memref<1x128xi32, #tpu.memory_space<vmem>> -> memref<128xi32, #tpu.memory_space<vmem>>
        %dma_wait3A_67 = arith.constant 0 : i32
        %dma_wait3A_68 = arith.constant 0 : i32
        %dma_wait3A_69 = tpu.memref_slice %arg2[%dma_wait3A_67, %dma_wait3A_68] : memref<10112x128xf32, #tpu.memory_space<hbm>> -> memref<10112x128xf32, #tpu.memory_space<hbm>>
        tpu.wait_indirect_dma semaphore(%arg11 : memref<!tpu.dma_semaphore, #tpu.memory_space<semaphore_mem>>) src(%dma_wait3A_69 : memref<10112x128xf32, #tpu.memory_space<hbm>>) dst(%dma_wait3A_63 : memref<128x128xf32, #tpu.memory_space<vmem>>)
        %run_scoped3A = arith.constant 0 : i32
        "tpu.region"() ({
          %run_scoped3A_137 = tpu.sem_alloc : memref<!tpu.dma_semaphore, #tpu.memory_space<semaphore_mem>>
          %dma_start3A_138 = arith.constant 0 : i32
          %dma_start3A_139 = arith.constant 0 : i32
          %dma_start3A_140 = tpu.memref_slice %arg9[%run_scoped3A, %dma_start3A_138, %dma_start3A_139] : memref<2x128x128xf32, #tpu.memory_space<vmem>> -> memref<1x128x128xf32, #tpu.memory_space<vmem>>
          %dma_start3A_141 = tpu.memref_squeeze %dma_start3A_140 : memref<1x128x128xf32, #tpu.memory_space<vmem>> -> memref<128x128xf32, #tpu.memory_space<vmem>>
          %dma_start3A_142 = arith.constant 0 : i32
          %dma_start3A_143 = tpu.memref_slice %arg8[%add3A_59, %dma_start3A_142] : memref<40x128xi32, #tpu.memory_space<vmem>> -> memref<1x128xi32, #tpu.memory_space<vmem>>
          %dma_start3A_144 = tpu.memref_squeeze %dma_start3A_143 : memref<1x128xi32, #tpu.memory_space<vmem>> -> memref<128xi32, #tpu.memory_space<vmem>>
          %dma_start3A_145 = arith.constant 0 : i32
          %dma_start3A_146 = arith.constant 0 : i32
          %dma_start3A_147 = tpu.memref_slice %arg10[%dma_start3A_145, %dma_start3A_146] : memref<10112x128xf32, #tpu.memory_space<vmem_shared>> -> memref<10112x128xf32, #tpu.memory_space<vmem_shared>>
          tpu.enqueue_indirect_dma source(%dma_start3A_141 : memref<128x128xf32, #tpu.memory_space<vmem>>) target(%dma_start3A_147 : memref<10112x128xf32, #tpu.memory_space<vmem_shared>>) offsets(%dma_start3A_144 : memref<128xi32, #tpu.memory_space<vmem>>) semaphore(%run_scoped3A_137 : memref<!tpu.dma_semaphore, #tpu.memory_space<semaphore_mem>>) {add = true}
          %dma_wait3A_148 = arith.constant 0 : i32
          %dma_wait3A_149 = arith.constant 0 : i32
          %dma_wait3A_150 = tpu.memref_slice %arg9[%run_scoped3A, %dma_wait3A_148, %dma_wait3A_149] : memref<2x128x128xf32, #tpu.memory_space<vmem>> -> memref<1x128x128xf32, #tpu.memory_space<vmem>>
          %dma_wait3A_151 = tpu.memref_squeeze %dma_wait3A_150 : memref<1x128x128xf32, #tpu.memory_space<vmem>> -> memref<128x128xf32, #tpu.memory_space<vmem>>
          %dma_wait3A_152 = arith.constant 0 : i32
          %dma_wait3A_153 = tpu.memref_slice %arg8[%add3A_59, %dma_wait3A_152] : memref<40x128xi32, #tpu.memory_space<vmem>> -> memref<1x128xi32, #tpu.memory_space<vmem>>
          %dma_wait3A_154 = tpu.memref_squeeze %dma_wait3A_153 : memref<1x128xi32, #tpu.memory_space<vmem>> -> memref<128xi32, #tpu.memory_space<vmem>>
          %dma_wait3A_155 = arith.constant 0 : i32
          %dma_wait3A_156 = arith.constant 0 : i32
          %dma_wait3A_157 = tpu.memref_slice %arg10[%dma_wait3A_155, %dma_wait3A_156] : memref<10112x128xf32, #tpu.memory_space<vmem_shared>> -> memref<10112x128xf32, #tpu.memory_space<vmem_shared>>
          tpu.wait_indirect_dma semaphore(%run_scoped3A_137 : memref<!tpu.dma_semaphore, #tpu.memory_space<semaphore_mem>>) src(%dma_wait3A_151 : memref<128x128xf32, #tpu.memory_space<vmem>>) dst(%dma_wait3A_157 : memref<10112x128xf32, #tpu.memory_space<vmem_shared>>)
          tpu.yield
        }) : () -> ()
        %add3A_70 = arith.constant 2 : i32
        %add3A_71 = arith.addi %add3A_59, %add3A_70 : i32
        %lt3A = arith.constant 40 : i32
        %lt3A_72 = arith.cmpi slt, %add3A_71, %lt3A : i32
        %convert_element_type3A = arith.extui %lt3A_72 : i1 to i32
        %cond3A = arith.constant 0 : i32
        %cond3A_73 = arith.cmpi ne, %convert_element_type3A, %cond3A : i32
        scf.if %cond3A_73 {
          %add3A_137 = arith.constant 2 : i32
          %add3A_138 = arith.addi %add3A_59, %add3A_137 : i32
          %dma_start3A_139 = arith.constant 0 : i32
          %dma_start3A_140 = arith.constant 0 : i32
          %dma_start3A_141 = arith.constant 0 : i32
          %dma_start3A_142 = tpu.memref_slice %arg9[%dma_start3A_139, %dma_start3A_140, %dma_start3A_141] : memref<2x128x128xf32, #tpu.memory_space<vmem>> -> memref<1x128x128xf32, #tpu.memory_space<vmem>>
          %dma_start3A_143 = tpu.memref_squeeze %dma_start3A_142 : memref<1x128x128xf32, #tpu.memory_space<vmem>> -> memref<128x128xf32, #tpu.memory_space<vmem>>
          %dma_start3A_144 = arith.constant 0 : i32
          %dma_start3A_145 = tpu.memref_slice %arg7[%add3A_138, %dma_start3A_144] : memref<40x128xi32, #tpu.memory_space<vmem>> -> memref<1x128xi32, #tpu.memory_space<vmem>>
          %dma_start3A_146 = tpu.memref_squeeze %dma_start3A_145 : memref<1x128xi32, #tpu.memory_space<vmem>> -> memref<128xi32, #tpu.memory_space<vmem>>
          %dma_start3A_147 = arith.constant 0 : i32
          %dma_start3A_148 = arith.constant 0 : i32
          %dma_start3A_149 = tpu.memref_slice %arg2[%dma_start3A_147, %dma_start3A_148] : memref<10112x128xf32, #tpu.memory_space<hbm>> -> memref<10112x128xf32, #tpu.memory_space<hbm>>
          tpu.enqueue_indirect_dma source(%dma_start3A_149 : memref<10112x128xf32, #tpu.memory_space<hbm>>) target(%dma_start3A_143 : memref<128x128xf32, #tpu.memory_space<vmem>>) offsets(%dma_start3A_146 : memref<128xi32, #tpu.memory_space<vmem>>) semaphore(%arg13 : memref<!tpu.dma_semaphore, #tpu.memory_space<semaphore_mem>>)
        } else {
        }
        %add3A_74 = arith.constant 1 : i32
        %add3A_75 = arith.addi %mul3A_57, %add3A_74 : i32
        %dma_wait3A_76 = arith.constant 1 : i32
        %dma_wait3A_77 = arith.constant 0 : i32
        %dma_wait3A_78 = arith.constant 0 : i32
        %dma_wait3A_79 = tpu.memref_slice %arg9[%dma_wait3A_76, %dma_wait3A_77, %dma_wait3A_78] : memref<2x128x128xf32, #tpu.memory_space<vmem>> -> memref<1x128x128xf32, #tpu.memory_space<vmem>>
        %dma_wait3A_80 = tpu.memref_squeeze %dma_wait3A_79 : memref<1x128x128xf32, #tpu.memory_space<vmem>> -> memref<128x128xf32, #tpu.memory_space<vmem>>
        %dma_wait3A_81 = arith.constant 0 : i32
        %dma_wait3A_82 = tpu.memref_slice %arg7[%add3A_75, %dma_wait3A_81] : memref<40x128xi32, #tpu.memory_space<vmem>> -> memref<1x128xi32, #tpu.memory_space<vmem>>
        %dma_wait3A_83 = tpu.memref_squeeze %dma_wait3A_82 : memref<1x128xi32, #tpu.memory_space<vmem>> -> memref<128xi32, #tpu.memory_space<vmem>>
        %dma_wait3A_84 = arith.constant 0 : i32
        %dma_wait3A_85 = arith.constant 0 : i32
        %dma_wait3A_86 = tpu.memref_slice %arg2[%dma_wait3A_84, %dma_wait3A_85] : memref<10112x128xf32, #tpu.memory_space<hbm>> -> memref<10112x128xf32, #tpu.memory_space<hbm>>
        tpu.wait_indirect_dma semaphore(%arg12 : memref<!tpu.dma_semaphore, #tpu.memory_space<semaphore_mem>>) src(%dma_wait3A_86 : memref<10112x128xf32, #tpu.memory_space<hbm>>) dst(%dma_wait3A_80 : memref<128x128xf32, #tpu.memory_space<vmem>>)
        %run_scoped3A_87 = arith.constant 1 : i32
        "tpu.region"() ({
          %run_scoped3A_137 = tpu.sem_alloc : memref<!tpu.dma_semaphore, #tpu.memory_space<semaphore_mem>>
          %dma_start3A_138 = arith.constant 0 : i32
          %dma_start3A_139 = arith.constant 0 : i32
          %dma_start3A_140 = tpu.memref_slice %arg9[%run_scoped3A_87, %dma_start3A_138, %dma_start3A_139] : memref<2x128x128xf32, #tpu.memory_space<vmem>> -> memref<1x128x128xf32, #tpu.memory_space<vmem>>
          %dma_start3A_141 = tpu.memref_squeeze %dma_start3A_140 : memref<1x128x128xf32, #tpu.memory_space<vmem>> -> memref<128x128xf32, #tpu.memory_space<vmem>>
          %dma_start3A_142 = arith.constant 0 : i32
          %dma_start3A_143 = tpu.memref_slice %arg8[%add3A_75, %dma_start3A_142] : memref<40x128xi32, #tpu.memory_space<vmem>> -> memref<1x128xi32, #tpu.memory_space<vmem>>
          %dma_start3A_144 = tpu.memref_squeeze %dma_start3A_143 : memref<1x128xi32, #tpu.memory_space<vmem>> -> memref<128xi32, #tpu.memory_space<vmem>>
          %dma_start3A_145 = arith.constant 0 : i32
          %dma_start3A_146 = arith.constant 0 : i32
          %dma_start3A_147 = tpu.memref_slice %arg10[%dma_start3A_145, %dma_start3A_146] : memref<10112x128xf32, #tpu.memory_space<vmem_shared>> -> memref<10112x128xf32, #tpu.memory_space<vmem_shared>>
          tpu.enqueue_indirect_dma source(%dma_start3A_141 : memref<128x128xf32, #tpu.memory_space<vmem>>) target(%dma_start3A_147 : memref<10112x128xf32, #tpu.memory_space<vmem_shared>>) offsets(%dma_start3A_144 : memref<128xi32, #tpu.memory_space<vmem>>) semaphore(%run_scoped3A_137 : memref<!tpu.dma_semaphore, #tpu.memory_space<semaphore_mem>>) {add = true}
          %dma_wait3A_148 = arith.constant 0 : i32
          %dma_wait3A_149 = arith.constant 0 : i32
          %dma_wait3A_150 = tpu.memref_slice %arg9[%run_scoped3A_87, %dma_wait3A_148, %dma_wait3A_149] : memref<2x128x128xf32, #tpu.memory_space<vmem>> -> memref<1x128x128xf32, #tpu.memory_space<vmem>>
          %dma_wait3A_151 = tpu.memref_squeeze %dma_wait3A_150 : memref<1x128x128xf32, #tpu.memory_space<vmem>> -> memref<128x128xf32, #tpu.memory_space<vmem>>
          %dma_wait3A_152 = arith.constant 0 : i32
          %dma_wait3A_153 = tpu.memref_slice %arg8[%add3A_75, %dma_wait3A_152] : memref<40x128xi32, #tpu.memory_space<vmem>> -> memref<1x128xi32, #tpu.memory_space<vmem>>
          %dma_wait3A_154 = tpu.memref_squeeze %dma_wait3A_153 : memref<1x128xi32, #tpu.memory_space<vmem>> -> memref<128xi32, #tpu.memory_space<vmem>>
          %dma_wait3A_155 = arith.constant 0 : i32
          %dma_wait3A_156 = arith.constant 0 : i32
          %dma_wait3A_157 = tpu.memref_slice %arg10[%dma_wait3A_155, %dma_wait3A_156] : memref<10112x128xf32, #tpu.memory_space<vmem_shared>> -> memref<10112x128xf32, #tpu.memory_space<vmem_shared>>
          tpu.wait_indirect_dma semaphore(%run_scoped3A_137 : memref<!tpu.dma_semaphore, #tpu.memory_space<semaphore_mem>>) src(%dma_wait3A_151 : memref<128x128xf32, #tpu.memory_space<vmem>>) dst(%dma_wait3A_157 : memref<10112x128xf32, #tpu.memory_space<vmem_shared>>)
          tpu.yield
        }) : () -> ()
        %add3A_88 = arith.constant 2 : i32
        %add3A_89 = arith.addi %add3A_75, %add3A_88 : i32
        %lt3A_90 = arith.constant 40 : i32
        %lt3A_91 = arith.cmpi slt, %add3A_89, %lt3A_90 : i32
        %convert_element_type3A_92 = arith.extui %lt3A_91 : i1 to i32
        %cond3A_93 = arith.constant 0 : i32
        %cond3A_94 = arith.cmpi ne, %convert_element_type3A_92, %cond3A_93 : i32
        scf.if %cond3A_94 {
          %add3A_137 = arith.constant 2 : i32
          %add3A_138 = arith.addi %add3A_75, %add3A_137 : i32
          %dma_start3A_139 = arith.constant 1 : i32
          %dma_start3A_140 = arith.constant 0 : i32
          %dma_start3A_141 = arith.constant 0 : i32
          %dma_start3A_142 = tpu.memref_slice %arg9[%dma_start3A_139, %dma_start3A_140, %dma_start3A_141] : memref<2x128x128xf32, #tpu.memory_space<vmem>> -> memref<1x128x128xf32, #tpu.memory_space<vmem>>
          %dma_start3A_143 = tpu.memref_squeeze %dma_start3A_142 : memref<1x128x128xf32, #tpu.memory_space<vmem>> -> memref<128x128xf32, #tpu.memory_space<vmem>>
          %dma_start3A_144 = arith.constant 0 : i32
          %dma_start3A_145 = tpu.memref_slice %arg7[%add3A_138, %dma_start3A_144] : memref<40x128xi32, #tpu.memory_space<vmem>> -> memref<1x128xi32, #tpu.memory_space<vmem>>
          %dma_start3A_146 = tpu.memref_squeeze %dma_start3A_145 : memref<1x128xi32, #tpu.memory_space<vmem>> -> memref<128xi32, #tpu.memory_space<vmem>>
          %dma_start3A_147 = arith.constant 0 : i32
          %dma_start3A_148 = arith.constant 0 : i32
          %dma_start3A_149 = tpu.memref_slice %arg2[%dma_start3A_147, %dma_start3A_148] : memref<10112x128xf32, #tpu.memory_space<hbm>> -> memref<10112x128xf32, #tpu.memory_space<hbm>>
          tpu.enqueue_indirect_dma source(%dma_start3A_149 : memref<10112x128xf32, #tpu.memory_space<hbm>>) target(%dma_start3A_143 : memref<128x128xf32, #tpu.memory_space<vmem>>) offsets(%dma_start3A_146 : memref<128xi32, #tpu.memory_space<vmem>>) semaphore(%arg14 : memref<!tpu.dma_semaphore, #tpu.memory_space<semaphore_mem>>)
        } else {
        }
        %add3A_95 = arith.constant 2 : i32
        %add3A_96 = arith.addi %mul3A_57, %add3A_95 : i32
        %dma_wait3A_97 = arith.constant 0 : i32
        %dma_wait3A_98 = arith.constant 0 : i32
        %dma_wait3A_99 = arith.constant 0 : i32
        %dma_wait3A_100 = tpu.memref_slice %arg9[%dma_wait3A_97, %dma_wait3A_98, %dma_wait3A_99] : memref<2x128x128xf32, #tpu.memory_space<vmem>> -> memref<1x128x128xf32, #tpu.memory_space<vmem>>
        %dma_wait3A_101 = tpu.memref_squeeze %dma_wait3A_100 : memref<1x128x128xf32, #tpu.memory_space<vmem>> -> memref<128x128xf32, #tpu.memory_space<vmem>>
        %dma_wait3A_102 = arith.constant 0 : i32
        %dma_wait3A_103 = tpu.memref_slice %arg7[%add3A_96, %dma_wait3A_102] : memref<40x128xi32, #tpu.memory_space<vmem>> -> memref<1x128xi32, #tpu.memory_space<vmem>>
        %dma_wait3A_104 = tpu.memref_squeeze %dma_wait3A_103 : memref<1x128xi32, #tpu.memory_space<vmem>> -> memref<128xi32, #tpu.memory_space<vmem>>
        %dma_wait3A_105 = arith.constant 0 : i32
        %dma_wait3A_106 = arith.constant 0 : i32
        %dma_wait3A_107 = tpu.memref_slice %arg2[%dma_wait3A_105, %dma_wait3A_106] : memref<10112x128xf32, #tpu.memory_space<hbm>> -> memref<10112x128xf32, #tpu.memory_space<hbm>>
        tpu.wait_indirect_dma semaphore(%arg13 : memref<!tpu.dma_semaphore, #tpu.memory_space<semaphore_mem>>) src(%dma_wait3A_107 : memref<10112x128xf32, #tpu.memory_space<hbm>>) dst(%dma_wait3A_101 : memref<128x128xf32, #tpu.memory_space<vmem>>)
        %run_scoped3A_108 = arith.constant 0 : i32
        "tpu.region"() ({
          %run_scoped3A_137 = tpu.sem_alloc : memref<!tpu.dma_semaphore, #tpu.memory_space<semaphore_mem>>
          %dma_start3A_138 = arith.constant 0 : i32
          %dma_start3A_139 = arith.constant 0 : i32
          %dma_start3A_140 = tpu.memref_slice %arg9[%run_scoped3A_108, %dma_start3A_138, %dma_start3A_139] : memref<2x128x128xf32, #tpu.memory_space<vmem>> -> memref<1x128x128xf32, #tpu.memory_space<vmem>>
          %dma_start3A_141 = tpu.memref_squeeze %dma_start3A_140 : memref<1x128x128xf32, #tpu.memory_space<vmem>> -> memref<128x128xf32, #tpu.memory_space<vmem>>
          %dma_start3A_142 = arith.constant 0 : i32
          %dma_start3A_143 = tpu.memref_slice %arg8[%add3A_96, %dma_start3A_142] : memref<40x128xi32, #tpu.memory_space<vmem>> -> memref<1x128xi32, #tpu.memory_space<vmem>>
          %dma_start3A_144 = tpu.memref_squeeze %dma_start3A_143 : memref<1x128xi32, #tpu.memory_space<vmem>> -> memref<128xi32, #tpu.memory_space<vmem>>
          %dma_start3A_145 = arith.constant 0 : i32
          %dma_start3A_146 = arith.constant 0 : i32
          %dma_start3A_147 = tpu.memref_slice %arg10[%dma_start3A_145, %dma_start3A_146] : memref<10112x128xf32, #tpu.memory_space<vmem_shared>> -> memref<10112x128xf32, #tpu.memory_space<vmem_shared>>
          tpu.enqueue_indirect_dma source(%dma_start3A_141 : memref<128x128xf32, #tpu.memory_space<vmem>>) target(%dma_start3A_147 : memref<10112x128xf32, #tpu.memory_space<vmem_shared>>) offsets(%dma_start3A_144 : memref<128xi32, #tpu.memory_space<vmem>>) semaphore(%run_scoped3A_137 : memref<!tpu.dma_semaphore, #tpu.memory_space<semaphore_mem>>) {add = true}
          %dma_wait3A_148 = arith.constant 0 : i32
          %dma_wait3A_149 = arith.constant 0 : i32
          %dma_wait3A_150 = tpu.memref_slice %arg9[%run_scoped3A_108, %dma_wait3A_148, %dma_wait3A_149] : memref<2x128x128xf32, #tpu.memory_space<vmem>> -> memref<1x128x128xf32, #tpu.memory_space<vmem>>
          %dma_wait3A_151 = tpu.memref_squeeze %dma_wait3A_150 : memref<1x128x128xf32, #tpu.memory_space<vmem>> -> memref<128x128xf32, #tpu.memory_space<vmem>>
          %dma_wait3A_152 = arith.constant 0 : i32
          %dma_wait3A_153 = tpu.memref_slice %arg8[%add3A_96, %dma_wait3A_152] : memref<40x128xi32, #tpu.memory_space<vmem>> -> memref<1x128xi32, #tpu.memory_space<vmem>>
          %dma_wait3A_154 = tpu.memref_squeeze %dma_wait3A_153 : memref<1x128xi32, #tpu.memory_space<vmem>> -> memref<128xi32, #tpu.memory_space<vmem>>
          %dma_wait3A_155 = arith.constant 0 : i32
          %dma_wait3A_156 = arith.constant 0 : i32
          %dma_wait3A_157 = tpu.memref_slice %arg10[%dma_wait3A_155, %dma_wait3A_156] : memref<10112x128xf32, #tpu.memory_space<vmem_shared>> -> memref<10112x128xf32, #tpu.memory_space<vmem_shared>>
          tpu.wait_indirect_dma semaphore(%run_scoped3A_137 : memref<!tpu.dma_semaphore, #tpu.memory_space<semaphore_mem>>) src(%dma_wait3A_151 : memref<128x128xf32, #tpu.memory_space<vmem>>) dst(%dma_wait3A_157 : memref<10112x128xf32, #tpu.memory_space<vmem_shared>>)
          tpu.yield
        }) : () -> ()
        %add3A_109 = arith.constant 2 : i32
        %add3A_110 = arith.addi %add3A_96, %add3A_109 : i32
        %lt3A_111 = arith.constant 40 : i32
        %lt3A_112 = arith.cmpi slt, %add3A_110, %lt3A_111 : i32
        %convert_element_type3A_113 = arith.extui %lt3A_112 : i1 to i32
        %cond3A_114 = arith.constant 0 : i32
        %cond3A_115 = arith.cmpi ne, %convert_element_type3A_113, %cond3A_114 : i32
        scf.if %cond3A_115 {
          %add3A_137 = arith.constant 2 : i32
          %add3A_138 = arith.addi %add3A_96, %add3A_137 : i32
          %dma_start3A_139 = arith.constant 0 : i32
          %dma_start3A_140 = arith.constant 0 : i32
          %dma_start3A_141 = arith.constant 0 : i32
          %dma_start3A_142 = tpu.memref_slice %arg9[%dma_start3A_139, %dma_start3A_140, %dma_start3A_141] : memref<2x128x128xf32, #tpu.memory_space<vmem>> -> memref<1x128x128xf32, #tpu.memory_space<vmem>>
          %dma_start3A_143 = tpu.memref_squeeze %dma_start3A_142 : memref<1x128x128xf32, #tpu.memory_space<vmem>> -> memref<128x128xf32, #tpu.memory_space<vmem>>
          %dma_start3A_144 = arith.constant 0 : i32
          %dma_start3A_145 = tpu.memref_slice %arg7[%add3A_138, %dma_start3A_144] : memref<40x128xi32, #tpu.memory_space<vmem>> -> memref<1x128xi32, #tpu.memory_space<vmem>>
          %dma_start3A_146 = tpu.memref_squeeze %dma_start3A_145 : memref<1x128xi32, #tpu.memory_space<vmem>> -> memref<128xi32, #tpu.memory_space<vmem>>
          %dma_start3A_147 = arith.constant 0 : i32
          %dma_start3A_148 = arith.constant 0 : i32
          %dma_start3A_149 = tpu.memref_slice %arg2[%dma_start3A_147, %dma_start3A_148] : memref<10112x128xf32, #tpu.memory_space<hbm>> -> memref<10112x128xf32, #tpu.memory_space<hbm>>
          tpu.enqueue_indirect_dma source(%dma_start3A_149 : memref<10112x128xf32, #tpu.memory_space<hbm>>) target(%dma_start3A_143 : memref<128x128xf32, #tpu.memory_space<vmem>>) offsets(%dma_start3A_146 : memref<128xi32, #tpu.memory_space<vmem>>) semaphore(%arg11 : memref<!tpu.dma_semaphore, #tpu.memory_space<semaphore_mem>>)
        } else {
        }
        %add3A_116 = arith.constant 3 : i32
        %add3A_117 = arith.addi %mul3A_57, %add3A_116 : i32
        %dma_wait3A_118 = arith.constant 1 : i32
        %dma_wait3A_119 = arith.constant 0 : i32
        %dma_wait3A_120 = arith.constant 0 : i32
        %dma_wait3A_121 = tpu.memref_slice %arg9[%dma_wait3A_118, %dma_wait3A_119, %dma_wait3A_120] : memref<2x128x128xf32, #tpu.memory_space<vmem>> -> memref<1x128x128xf32, #tpu.memory_space<vmem>>
        %dma_wait3A_122 = tpu.memref_squeeze %dma_wait3A_121 : memref<1x128x128xf32, #tpu.memory_space<vmem>> -> memref<128x128xf32, #tpu.memory_space<vmem>>
        %dma_wait3A_123 = arith.constant 0 : i32
        %dma_wait3A_124 = tpu.memref_slice %arg7[%add3A_117, %dma_wait3A_123] : memref<40x128xi32, #tpu.memory_space<vmem>> -> memref<1x128xi32, #tpu.memory_space<vmem>>
        %dma_wait3A_125 = tpu.memref_squeeze %dma_wait3A_124 : memref<1x128xi32, #tpu.memory_space<vmem>> -> memref<128xi32, #tpu.memory_space<vmem>>
        %dma_wait3A_126 = arith.constant 0 : i32
        %dma_wait3A_127 = arith.constant 0 : i32
        %dma_wait3A_128 = tpu.memref_slice %arg2[%dma_wait3A_126, %dma_wait3A_127] : memref<10112x128xf32, #tpu.memory_space<hbm>> -> memref<10112x128xf32, #tpu.memory_space<hbm>>
        tpu.wait_indirect_dma semaphore(%arg14 : memref<!tpu.dma_semaphore, #tpu.memory_space<semaphore_mem>>) src(%dma_wait3A_128 : memref<10112x128xf32, #tpu.memory_space<hbm>>) dst(%dma_wait3A_122 : memref<128x128xf32, #tpu.memory_space<vmem>>)
        %run_scoped3A_129 = arith.constant 1 : i32
        "tpu.region"() ({
          %run_scoped3A_137 = tpu.sem_alloc : memref<!tpu.dma_semaphore, #tpu.memory_space<semaphore_mem>>
          %dma_start3A_138 = arith.constant 0 : i32
          %dma_start3A_139 = arith.constant 0 : i32
          %dma_start3A_140 = tpu.memref_slice %arg9[%run_scoped3A_129, %dma_start3A_138, %dma_start3A_139] : memref<2x128x128xf32, #tpu.memory_space<vmem>> -> memref<1x128x128xf32, #tpu.memory_space<vmem>>
          %dma_start3A_141 = tpu.memref_squeeze %dma_start3A_140 : memref<1x128x128xf32, #tpu.memory_space<vmem>> -> memref<128x128xf32, #tpu.memory_space<vmem>>
          %dma_start3A_142 = arith.constant 0 : i32
          %dma_start3A_143 = tpu.memref_slice %arg8[%add3A_117, %dma_start3A_142] : memref<40x128xi32, #tpu.memory_space<vmem>> -> memref<1x128xi32, #tpu.memory_space<vmem>>
          %dma_start3A_144 = tpu.memref_squeeze %dma_start3A_143 : memref<1x128xi32, #tpu.memory_space<vmem>> -> memref<128xi32, #tpu.memory_space<vmem>>
          %dma_start3A_145 = arith.constant 0 : i32
          %dma_start3A_146 = arith.constant 0 : i32
          %dma_start3A_147 = tpu.memref_slice %arg10[%dma_start3A_145, %dma_start3A_146] : memref<10112x128xf32, #tpu.memory_space<vmem_shared>> -> memref<10112x128xf32, #tpu.memory_space<vmem_shared>>
          tpu.enqueue_indirect_dma source(%dma_start3A_141 : memref<128x128xf32, #tpu.memory_space<vmem>>) target(%dma_start3A_147 : memref<10112x128xf32, #tpu.memory_space<vmem_shared>>) offsets(%dma_start3A_144 : memref<128xi32, #tpu.memory_space<vmem>>) semaphore(%run_scoped3A_137 : memref<!tpu.dma_semaphore, #tpu.memory_space<semaphore_mem>>) {add = true}
          %dma_wait3A_148 = arith.constant 0 : i32
          %dma_wait3A_149 = arith.constant 0 : i32
          %dma_wait3A_150 = tpu.memref_slice %arg9[%run_scoped3A_129, %dma_wait3A_148, %dma_wait3A_149] : memref<2x128x128xf32, #tpu.memory_space<vmem>> -> memref<1x128x128xf32, #tpu.memory_space<vmem>>
          %dma_wait3A_151 = tpu.memref_squeeze %dma_wait3A_150 : memref<1x128x128xf32, #tpu.memory_space<vmem>> -> memref<128x128xf32, #tpu.memory_space<vmem>>
          %dma_wait3A_152 = arith.constant 0 : i32
          %dma_wait3A_153 = tpu.memref_slice %arg8[%add3A_117, %dma_wait3A_152] : memref<40x128xi32, #tpu.memory_space<vmem>> -> memref<1x128xi32, #tpu.memory_space<vmem>>
          %dma_wait3A_154 = tpu.memref_squeeze %dma_wait3A_153 : memref<1x128xi32, #tpu.memory_space<vmem>> -> memref<128xi32, #tpu.memory_space<vmem>>
          %dma_wait3A_155 = arith.constant 0 : i32
          %dma_wait3A_156 = arith.constant 0 : i32
          %dma_wait3A_157 = tpu.memref_slice %arg10[%dma_wait3A_155, %dma_wait3A_156] : memref<10112x128xf32, #tpu.memory_space<vmem_shared>> -> memref<10112x128xf32, #tpu.memory_space<vmem_shared>>
          tpu.wait_indirect_dma semaphore(%run_scoped3A_137 : memref<!tpu.dma_semaphore, #tpu.memory_space<semaphore_mem>>) src(%dma_wait3A_151 : memref<128x128xf32, #tpu.memory_space<vmem>>) dst(%dma_wait3A_157 : memref<10112x128xf32, #tpu.memory_space<vmem_shared>>)
          tpu.yield
        }) : () -> ()
        %add3A_130 = arith.constant 2 : i32
        %add3A_131 = arith.addi %add3A_117, %add3A_130 : i32
        %lt3A_132 = arith.constant 40 : i32
        %lt3A_133 = arith.cmpi slt, %add3A_131, %lt3A_132 : i32
        %convert_element_type3A_134 = arith.extui %lt3A_133 : i1 to i32
        %cond3A_135 = arith.constant 0 : i32
        %cond3A_136 = arith.cmpi ne, %convert_element_type3A_134, %cond3A_135 : i32
        scf.if %cond3A_136 {
          %add3A_137 = arith.constant 2 : i32
          %add3A_138 = arith.addi %add3A_117, %add3A_137 : i32
          %dma_start3A_139 = arith.constant 1 : i32
          %dma_start3A_140 = arith.constant 0 : i32
          %dma_start3A_141 = arith.constant 0 : i32
          %dma_start3A_142 = tpu.memref_slice %arg9[%dma_start3A_139, %dma_start3A_140, %dma_start3A_141] : memref<2x128x128xf32, #tpu.memory_space<vmem>> -> memref<1x128x128xf32, #tpu.memory_space<vmem>>
          %dma_start3A_143 = tpu.memref_squeeze %dma_start3A_142 : memref<1x128x128xf32, #tpu.memory_space<vmem>> -> memref<128x128xf32, #tpu.memory_space<vmem>>
          %dma_start3A_144 = arith.constant 0 : i32
          %dma_start3A_145 = tpu.memref_slice %arg7[%add3A_138, %dma_start3A_144] : memref<40x128xi32, #tpu.memory_space<vmem>> -> memref<1x128xi32, #tpu.memory_space<vmem>>
          %dma_start3A_146 = tpu.memref_squeeze %dma_start3A_145 : memref<1x128xi32, #tpu.memory_space<vmem>> -> memref<128xi32, #tpu.memory_space<vmem>>
          %dma_start3A_147 = arith.constant 0 : i32
          %dma_start3A_148 = arith.constant 0 : i32
          %dma_start3A_149 = tpu.memref_slice %arg2[%dma_start3A_147, %dma_start3A_148] : memref<10112x128xf32, #tpu.memory_space<hbm>> -> memref<10112x128xf32, #tpu.memory_space<hbm>>
          tpu.enqueue_indirect_dma source(%dma_start3A_149 : memref<10112x128xf32, #tpu.memory_space<hbm>>) target(%dma_start3A_143 : memref<128x128xf32, #tpu.memory_space<vmem>>) offsets(%dma_start3A_146 : memref<128xi32, #tpu.memory_space<vmem>>) semaphore(%arg12 : memref<!tpu.dma_semaphore, #tpu.memory_space<semaphore_mem>>)
        } else {
        }
      }
      %scan3A_52 = arith.constant 10 : i32
    }
    %while3A_19 = arith.constant 1 : i32
    scf.for %while3A_21 = %while3A_17 to %while3A_13 step %while3A_19  : i32 {
      %mul3A_22 = arith.constant 40 : i32
      %mul3A_23 = arith.muli %while3A_21, %mul3A_22 : i32
      %add3A_24 = arith.addi %select_n3A, %mul3A_23 : i32
      "tpu.region"() ({
        %run_scoped3A = tpu.sem_alloc : memref<!tpu.dma_semaphore, #tpu.memory_space<semaphore_mem>>
        %dma_start3A_53 = arith.constant 0 : i32
        %dma_start3A_54 = tpu.memref_slice %arg3[%add3A_24, %dma_start3A_53] : memref<2560x128xi32, #tpu.memory_space<hbm>> -> memref<40x128xi32, #tpu.memory_space<hbm>>
        %dma_start3A_55 = arith.constant 0 : i32
        %dma_start3A_56 = tpu.memref_slice %arg3[%add3A_24, %dma_start3A_55] : memref<2560x128xi32, #tpu.memory_space<hbm>> -> memref<40x128xi32, #tpu.memory_space<hbm>>
        tpu.enqueue_dma source(%dma_start3A_56 : memref<40x128xi32, #tpu.memory_space<hbm>>) target(%arg7 : memref<40x128xi32, #tpu.memory_space<vmem>>) target_semaphore(%run_scoped3A : memref<!tpu.dma_semaphore, #tpu.memory_space<semaphore_mem>>)
        %dma_wait3A = arith.constant 0 : i32
        %dma_wait3A_57 = tpu.memref_slice %arg3[%add3A_24, %dma_wait3A] : memref<2560x128xi32, #tpu.memory_space<hbm>> -> memref<40x128xi32, #tpu.memory_space<hbm>>
        %dma_wait3A_58 = arith.constant 0 : i32
        %dma_wait3A_59 = tpu.memref_slice %arg3[%add3A_24, %dma_wait3A_58] : memref<2560x128xi32, #tpu.memory_space<hbm>> -> memref<40x128xi32, #tpu.memory_space<hbm>>
        tpu.wait_dma2 semaphore(%run_scoped3A : memref<!tpu.dma_semaphore, #tpu.memory_space<semaphore_mem>>) src(%dma_wait3A_59 : memref<40x128xi32, #tpu.memory_space<hbm>>) dst(%arg7 : memref<40x128xi32, #tpu.memory_space<vmem>>)
        tpu.yield
      }) : () -> ()
      "tpu.region"() ({
        %run_scoped3A = tpu.sem_alloc : memref<!tpu.dma_semaphore, #tpu.memory_space<semaphore_mem>>
        %dma_start3A_53 = arith.constant 0 : i32
        %dma_start3A_54 = tpu.memref_slice %arg4[%add3A_24, %dma_start3A_53] : memref<2560x128xi32, #tpu.memory_space<hbm>> -> memref<40x128xi32, #tpu.memory_space<hbm>>
        %dma_start3A_55 = arith.constant 0 : i32
        %dma_start3A_56 = tpu.memref_slice %arg4[%add3A_24, %dma_start3A_55] : memref<2560x128xi32, #tpu.memory_space<hbm>> -> memref<40x128xi32, #tpu.memory_space<hbm>>
        tpu.enqueue_dma source(%dma_start3A_56 : memref<40x128xi32, #tpu.memory_space<hbm>>) target(%arg8 : memref<40x128xi32, #tpu.memory_space<vmem>>) target_semaphore(%run_scoped3A : memref<!tpu.dma_semaphore, #tpu.memory_space<semaphore_mem>>)
        %dma_wait3A = arith.constant 0 : i32
        %dma_wait3A_57 = tpu.memref_slice %arg4[%add3A_24, %dma_wait3A] : memref<2560x128xi32, #tpu.memory_space<hbm>> -> memref<40x128xi32, #tpu.memory_space<hbm>>
        %dma_wait3A_58 = arith.constant 0 : i32
        %dma_wait3A_59 = tpu.memref_slice %arg4[%add3A_24, %dma_wait3A_58] : memref<2560x128xi32, #tpu.memory_space<hbm>> -> memref<40x128xi32, #tpu.memory_space<hbm>>
        tpu.wait_dma2 semaphore(%run_scoped3A : memref<!tpu.dma_semaphore, #tpu.memory_space<semaphore_mem>>) src(%dma_wait3A_59 : memref<40x128xi32, #tpu.memory_space<hbm>>) dst(%arg8 : memref<40x128xi32, #tpu.memory_space<vmem>>)
        tpu.yield
      }) : () -> ()
      %dma_start3A = arith.constant 0 : i32
      %dma_start3A_25 = arith.constant 0 : i32
      %dma_start3A_26 = arith.constant 0 : i32
      %dma_start3A_27 = arith.constant 0 : i32
      %dma_start3A_28 = tpu.memref_slice %arg9[%dma_start3A_25, %dma_start3A_26, %dma_start3A_27] : memref<2x128x128xf32, #tpu.memory_space<vmem>> -> memref<1x128x128xf32, #tpu.memory_space<vmem>>
      %dma_start3A_29 = tpu.memref_squeeze %dma_start3A_28 : memref<1x128x128xf32, #tpu.memory_space<vmem>> -> memref<128x128xf32, #tpu.memory_space<vmem>>
      %dma_start3A_30 = arith.constant 0 : i32
      %dma_start3A_31 = tpu.memref_slice %arg7[%dma_start3A, %dma_start3A_30] : memref<40x128xi32, #tpu.memory_space<vmem>> -> memref<1x128xi32, #tpu.memory_space<vmem>>
      %dma_start3A_32 = tpu.memref_squeeze %dma_start3A_31 : memref<1x128xi32, #tpu.memory_space<vmem>> -> memref<128xi32, #tpu.memory_space<vmem>>
      %dma_start3A_33 = arith.constant 0 : i32
      %dma_start3A_34 = arith.constant 0 : i32
      %dma_start3A_35 = tpu.memref_slice %arg2[%dma_start3A_33, %dma_start3A_34] : memref<10112x128xf32, #tpu.memory_space<hbm>> -> memref<10112x128xf32, #tpu.memory_space<hbm>>
      tpu.enqueue_indirect_dma source(%dma_start3A_35 : memref<10112x128xf32, #tpu.memory_space<hbm>>) target(%dma_start3A_29 : memref<128x128xf32, #tpu.memory_space<vmem>>) offsets(%dma_start3A_32 : memref<128xi32, #tpu.memory_space<vmem>>) semaphore(%arg11 : memref<!tpu.dma_semaphore, #tpu.memory_space<semaphore_mem>>)
      %dma_start3A_36 = arith.constant 1 : i32
      %dma_start3A_37 = arith.constant 1 : i32
      %dma_start3A_38 = arith.constant 0 : i32
      %dma_start3A_39 = arith.constant 0 : i32
      %dma_start3A_40 = tpu.memref_slice %arg9[%dma_start3A_37, %dma_start3A_38, %dma_start3A_39] : memref<2x128x128xf32, #tpu.memory_space<vmem>> -> memref<1x128x128xf32, #tpu.memory_space<vmem>>
      %dma_start3A_41 = tpu.memref_squeeze %dma_start3A_40 : memref<1x128x128xf32, #tpu.memory_space<vmem>> -> memref<128x128xf32, #tpu.memory_space<vmem>>
      %dma_start3A_42 = arith.constant 0 : i32
      %dma_start3A_43 = tpu.memref_slice %arg7[%dma_start3A_36, %dma_start3A_42] : memref<40x128xi32, #tpu.memory_space<vmem>> -> memref<1x128xi32, #tpu.memory_space<vmem>>
      %dma_start3A_44 = tpu.memref_squeeze %dma_start3A_43 : memref<1x128xi32, #tpu.memory_space<vmem>> -> memref<128xi32, #tpu.memory_space<vmem>>
      %dma_start3A_45 = arith.constant 0 : i32
      %dma_start3A_46 = arith.constant 0 : i32
      %dma_start3A_47 = tpu.memref_slice %arg2[%dma_start3A_45, %dma_start3A_46] : memref<10112x128xf32, #tpu.memory_space<hbm>> -> memref<10112x128xf32, #tpu.memory_space<hbm>>
      tpu.enqueue_indirect_dma source(%dma_start3A_47 : memref<10112x128xf32, #tpu.memory_space<hbm>>) target(%dma_start3A_41 : memref<128x128xf32, #tpu.memory_space<vmem>>) offsets(%dma_start3A_44 : memref<128xi32, #tpu.memory_space<vmem>>) semaphore(%arg12 : memref<!tpu.dma_semaphore, #tpu.memory_space<semaphore_mem>>)
      %scan3A = arith.constant 0 : i32
      %scan3A_48 = arith.constant 0 : i32
      %scan3A_49 = arith.constant 10 : i32
      %scan3A_50 = arith.addi %scan3A_48, %scan3A_49 : i32
      %scan3A_51 = arith.constant 1 : i32
      scf.for %scan3A_53 = %scan3A_48 to %scan3A_50 step %scan3A_51  : i32 {
        %mul3A_54 = arith.constant 2 : i32
        %mul3A_55 = arith.muli %scan3A_53, %mul3A_54 : i32
        %mul3A_56 = arith.constant 2 : i32
        %mul3A_57 = arith.muli %mul3A_55, %mul3A_56 : i32
        %add3A_58 = arith.constant 0 : i32
        %add3A_59 = arith.addi %mul3A_57, %add3A_58 : i32
        %dma_wait3A = arith.constant 0 : i32
        %dma_wait3A_60 = arith.constant 0 : i32
        %dma_wait3A_61 = arith.constant 0 : i32
        %dma_wait3A_62 = tpu.memref_slice %arg9[%dma_wait3A, %dma_wait3A_60, %dma_wait3A_61] : memref<2x128x128xf32, #tpu.memory_space<vmem>> -> memref<1x128x128xf32, #tpu.memory_space<vmem>>
        %dma_wait3A_63 = tpu.memref_squeeze %dma_wait3A_62 : memref<1x128x128xf32, #tpu.memory_space<vmem>> -> memref<128x128xf32, #tpu.memory_space<vmem>>
        %dma_wait3A_64 = arith.constant 0 : i32
        %dma_wait3A_65 = tpu.memref_slice %arg7[%add3A_59, %dma_wait3A_64] : memref<40x128xi32, #tpu.memory_space<vmem>> -> memref<1x128xi32, #tpu.memory_space<vmem>>
        %dma_wait3A_66 = tpu.memref_squeeze %dma_wait3A_65 : memref<1x128xi32, #tpu.memory_space<vmem>> -> memref<128xi32, #tpu.memory_space<vmem>>
        %dma_wait3A_67 = arith.constant 0 : i32
        %dma_wait3A_68 = arith.constant 0 : i32
        %dma_wait3A_69 = tpu.memref_slice %arg2[%dma_wait3A_67, %dma_wait3A_68] : memref<10112x128xf32, #tpu.memory_space<hbm>> -> memref<10112x128xf32, #tpu.memory_space<hbm>>
        tpu.wait_indirect_dma semaphore(%arg11 : memref<!tpu.dma_semaphore, #tpu.memory_space<semaphore_mem>>) src(%dma_wait3A_69 : memref<10112x128xf32, #tpu.memory_space<hbm>>) dst(%dma_wait3A_63 : memref<128x128xf32, #tpu.memory_space<vmem>>)
        %run_scoped3A = arith.constant 0 : i32
        "tpu.region"() ({
          %run_scoped3A_137 = tpu.sem_alloc : memref<!tpu.dma_semaphore, #tpu.memory_space<semaphore_mem>>
          %dma_start3A_138 = arith.constant 0 : i32
          %dma_start3A_139 = arith.constant 0 : i32
          %dma_start3A_140 = tpu.memref_slice %arg9[%run_scoped3A, %dma_start3A_138, %dma_start3A_139] : memref<2x128x128xf32, #tpu.memory_space<vmem>> -> memref<1x128x128xf32, #tpu.memory_space<vmem>>
          %dma_start3A_141 = tpu.memref_squeeze %dma_start3A_140 : memref<1x128x128xf32, #tpu.memory_space<vmem>> -> memref<128x128xf32, #tpu.memory_space<vmem>>
          %dma_start3A_142 = arith.constant 0 : i32
          %dma_start3A_143 = tpu.memref_slice %arg8[%add3A_59, %dma_start3A_142] : memref<40x128xi32, #tpu.memory_space<vmem>> -> memref<1x128xi32, #tpu.memory_space<vmem>>
          %dma_start3A_144 = tpu.memref_squeeze %dma_start3A_143 : memref<1x128xi32, #tpu.memory_space<vmem>> -> memref<128xi32, #tpu.memory_space<vmem>>
          %dma_start3A_145 = arith.constant 0 : i32
          %dma_start3A_146 = arith.constant 0 : i32
          %dma_start3A_147 = tpu.memref_slice %arg10[%dma_start3A_145, %dma_start3A_146] : memref<10112x128xf32, #tpu.memory_space<vmem_shared>> -> memref<10112x128xf32, #tpu.memory_space<vmem_shared>>
          tpu.enqueue_indirect_dma source(%dma_start3A_141 : memref<128x128xf32, #tpu.memory_space<vmem>>) target(%dma_start3A_147 : memref<10112x128xf32, #tpu.memory_space<vmem_shared>>) offsets(%dma_start3A_144 : memref<128xi32, #tpu.memory_space<vmem>>) semaphore(%run_scoped3A_137 : memref<!tpu.dma_semaphore, #tpu.memory_space<semaphore_mem>>) {add = true}
          %dma_wait3A_148 = arith.constant 0 : i32
          %dma_wait3A_149 = arith.constant 0 : i32
          %dma_wait3A_150 = tpu.memref_slice %arg9[%run_scoped3A, %dma_wait3A_148, %dma_wait3A_149] : memref<2x128x128xf32, #tpu.memory_space<vmem>> -> memref<1x128x128xf32, #tpu.memory_space<vmem>>
          %dma_wait3A_151 = tpu.memref_squeeze %dma_wait3A_150 : memref<1x128x128xf32, #tpu.memory_space<vmem>> -> memref<128x128xf32, #tpu.memory_space<vmem>>
          %dma_wait3A_152 = arith.constant 0 : i32
          %dma_wait3A_153 = tpu.memref_slice %arg8[%add3A_59, %dma_wait3A_152] : memref<40x128xi32, #tpu.memory_space<vmem>> -> memref<1x128xi32, #tpu.memory_space<vmem>>
          %dma_wait3A_154 = tpu.memref_squeeze %dma_wait3A_153 : memref<1x128xi32, #tpu.memory_space<vmem>> -> memref<128xi32, #tpu.memory_space<vmem>>
          %dma_wait3A_155 = arith.constant 0 : i32
          %dma_wait3A_156 = arith.constant 0 : i32
          %dma_wait3A_157 = tpu.memref_slice %arg10[%dma_wait3A_155, %dma_wait3A_156] : memref<10112x128xf32, #tpu.memory_space<vmem_shared>> -> memref<10112x128xf32, #tpu.memory_space<vmem_shared>>
          tpu.wait_indirect_dma semaphore(%run_scoped3A_137 : memref<!tpu.dma_semaphore, #tpu.memory_space<semaphore_mem>>) src(%dma_wait3A_151 : memref<128x128xf32, #tpu.memory_space<vmem>>) dst(%dma_wait3A_157 : memref<10112x128xf32, #tpu.memory_space<vmem_shared>>)
          tpu.yield
        }) : () -> ()
        %add3A_70 = arith.constant 2 : i32
        %add3A_71 = arith.addi %add3A_59, %add3A_70 : i32
        %lt3A = arith.constant 40 : i32
        %lt3A_72 = arith.cmpi slt, %add3A_71, %lt3A : i32
        %convert_element_type3A = arith.extui %lt3A_72 : i1 to i32
        %cond3A = arith.constant 0 : i32
        %cond3A_73 = arith.cmpi ne, %convert_element_type3A, %cond3A : i32
        scf.if %cond3A_73 {
          %add3A_137 = arith.constant 2 : i32
          %add3A_138 = arith.addi %add3A_59, %add3A_137 : i32
          %dma_start3A_139 = arith.constant 0 : i32
          %dma_start3A_140 = arith.constant 0 : i32
          %dma_start3A_141 = arith.constant 0 : i32
          %dma_start3A_142 = tpu.memref_slice %arg9[%dma_start3A_139, %dma_start3A_140, %dma_start3A_141] : memref<2x128x128xf32, #tpu.memory_space<vmem>> -> memref<1x128x128xf32, #tpu.memory_space<vmem>>
          %dma_start3A_143 = tpu.memref_squeeze %dma_start3A_142 : memref<1x128x128xf32, #tpu.memory_space<vmem>> -> memref<128x128xf32, #tpu.memory_space<vmem>>
          %dma_start3A_144 = arith.constant 0 : i32
          %dma_start3A_145 = tpu.memref_slice %arg7[%add3A_138, %dma_start3A_144] : memref<40x128xi32, #tpu.memory_space<vmem>> -> memref<1x128xi32, #tpu.memory_space<vmem>>
          %dma_start3A_146 = tpu.memref_squeeze %dma_start3A_145 : memref<1x128xi32, #tpu.memory_space<vmem>> -> memref<128xi32, #tpu.memory_space<vmem>>
          %dma_start3A_147 = arith.constant 0 : i32
          %dma_start3A_148 = arith.constant 0 : i32
          %dma_start3A_149 = tpu.memref_slice %arg2[%dma_start3A_147, %dma_start3A_148] : memref<10112x128xf32, #tpu.memory_space<hbm>> -> memref<10112x128xf32, #tpu.memory_space<hbm>>
          tpu.enqueue_indirect_dma source(%dma_start3A_149 : memref<10112x128xf32, #tpu.memory_space<hbm>>) target(%dma_start3A_143 : memref<128x128xf32, #tpu.memory_space<vmem>>) offsets(%dma_start3A_146 : memref<128xi32, #tpu.memory_space<vmem>>) semaphore(%arg13 : memref<!tpu.dma_semaphore, #tpu.memory_space<semaphore_mem>>)
        } else {
        }
        %add3A_74 = arith.constant 1 : i32
        %add3A_75 = arith.addi %mul3A_57, %add3A_74 : i32
        %dma_wait3A_76 = arith.constant 1 : i32
        %dma_wait3A_77 = arith.constant 0 : i32
        %dma_wait3A_78 = arith.constant 0 : i32
        %dma_wait3A_79 = tpu.memref_slice %arg9[%dma_wait3A_76, %dma_wait3A_77, %dma_wait3A_78] : memref<2x128x128xf32, #tpu.memory_space<vmem>> -> memref<1x128x128xf32, #tpu.memory_space<vmem>>
        %dma_wait3A_80 = tpu.memref_squeeze %dma_wait3A_79 : memref<1x128x128xf32, #tpu.memory_space<vmem>> -> memref<128x128xf32, #tpu.memory_space<vmem>>
        %dma_wait3A_81 = arith.constant 0 : i32
        %dma_wait3A_82 = tpu.memref_slice %arg7[%add3A_75, %dma_wait3A_81] : memref<40x128xi32, #tpu.memory_space<vmem>> -> memref<1x128xi32, #tpu.memory_space<vmem>>
        %dma_wait3A_83 = tpu.memref_squeeze %dma_wait3A_82 : memref<1x128xi32, #tpu.memory_space<vmem>> -> memref<128xi32, #tpu.memory_space<vmem>>
        %dma_wait3A_84 = arith.constant 0 : i32
        %dma_wait3A_85 = arith.constant 0 : i32
        %dma_wait3A_86 = tpu.memref_slice %arg2[%dma_wait3A_84, %dma_wait3A_85] : memref<10112x128xf32, #tpu.memory_space<hbm>> -> memref<10112x128xf32, #tpu.memory_space<hbm>>
        tpu.wait_indirect_dma semaphore(%arg12 : memref<!tpu.dma_semaphore, #tpu.memory_space<semaphore_mem>>) src(%dma_wait3A_86 : memref<10112x128xf32, #tpu.memory_space<hbm>>) dst(%dma_wait3A_80 : memref<128x128xf32, #tpu.memory_space<vmem>>)
        %run_scoped3A_87 = arith.constant 1 : i32
        "tpu.region"() ({
          %run_scoped3A_137 = tpu.sem_alloc : memref<!tpu.dma_semaphore, #tpu.memory_space<semaphore_mem>>
          %dma_start3A_138 = arith.constant 0 : i32
          %dma_start3A_139 = arith.constant 0 : i32
          %dma_start3A_140 = tpu.memref_slice %arg9[%run_scoped3A_87, %dma_start3A_138, %dma_start3A_139] : memref<2x128x128xf32, #tpu.memory_space<vmem>> -> memref<1x128x128xf32, #tpu.memory_space<vmem>>
          %dma_start3A_141 = tpu.memref_squeeze %dma_start3A_140 : memref<1x128x128xf32, #tpu.memory_space<vmem>> -> memref<128x128xf32, #tpu.memory_space<vmem>>
          %dma_start3A_142 = arith.constant 0 : i32
          %dma_start3A_143 = tpu.memref_slice %arg8[%add3A_75, %dma_start3A_142] : memref<40x128xi32, #tpu.memory_space<vmem>> -> memref<1x128xi32, #tpu.memory_space<vmem>>
          %dma_start3A_144 = tpu.memref_squeeze %dma_start3A_143 : memref<1x128xi32, #tpu.memory_space<vmem>> -> memref<128xi32, #tpu.memory_space<vmem>>
          %dma_start3A_145 = arith.constant 0 : i32
          %dma_start3A_146 = arith.constant 0 : i32
          %dma_start3A_147 = tpu.memref_slice %arg10[%dma_start3A_145, %dma_start3A_146] : memref<10112x128xf32, #tpu.memory_space<vmem_shared>> -> memref<10112x128xf32, #tpu.memory_space<vmem_shared>>
          tpu.enqueue_indirect_dma source(%dma_start3A_141 : memref<128x128xf32, #tpu.memory_space<vmem>>) target(%dma_start3A_147 : memref<10112x128xf32, #tpu.memory_space<vmem_shared>>) offsets(%dma_start3A_144 : memref<128xi32, #tpu.memory_space<vmem>>) semaphore(%run_scoped3A_137 : memref<!tpu.dma_semaphore, #tpu.memory_space<semaphore_mem>>) {add = true}
          %dma_wait3A_148 = arith.constant 0 : i32
          %dma_wait3A_149 = arith.constant 0 : i32
          %dma_wait3A_150 = tpu.memref_slice %arg9[%run_scoped3A_87, %dma_wait3A_148, %dma_wait3A_149] : memref<2x128x128xf32, #tpu.memory_space<vmem>> -> memref<1x128x128xf32, #tpu.memory_space<vmem>>
          %dma_wait3A_151 = tpu.memref_squeeze %dma_wait3A_150 : memref<1x128x128xf32, #tpu.memory_space<vmem>> -> memref<128x128xf32, #tpu.memory_space<vmem>>
          %dma_wait3A_152 = arith.constant 0 : i32
          %dma_wait3A_153 = tpu.memref_slice %arg8[%add3A_75, %dma_wait3A_152] : memref<40x128xi32, #tpu.memory_space<vmem>> -> memref<1x128xi32, #tpu.memory_space<vmem>>
          %dma_wait3A_154 = tpu.memref_squeeze %dma_wait3A_153 : memref<1x128xi32, #tpu.memory_space<vmem>> -> memref<128xi32, #tpu.memory_space<vmem>>
          %dma_wait3A_155 = arith.constant 0 : i32
          %dma_wait3A_156 = arith.constant 0 : i32
          %dma_wait3A_157 = tpu.memref_slice %arg10[%dma_wait3A_155, %dma_wait3A_156] : memref<10112x128xf32, #tpu.memory_space<vmem_shared>> -> memref<10112x128xf32, #tpu.memory_space<vmem_shared>>
          tpu.wait_indirect_dma semaphore(%run_scoped3A_137 : memref<!tpu.dma_semaphore, #tpu.memory_space<semaphore_mem>>) src(%dma_wait3A_151 : memref<128x128xf32, #tpu.memory_space<vmem>>) dst(%dma_wait3A_157 : memref<10112x128xf32, #tpu.memory_space<vmem_shared>>)
          tpu.yield
        }) : () -> ()
        %add3A_88 = arith.constant 2 : i32
        %add3A_89 = arith.addi %add3A_75, %add3A_88 : i32
        %lt3A_90 = arith.constant 40 : i32
        %lt3A_91 = arith.cmpi slt, %add3A_89, %lt3A_90 : i32
        %convert_element_type3A_92 = arith.extui %lt3A_91 : i1 to i32
        %cond3A_93 = arith.constant 0 : i32
        %cond3A_94 = arith.cmpi ne, %convert_element_type3A_92, %cond3A_93 : i32
        scf.if %cond3A_94 {
          %add3A_137 = arith.constant 2 : i32
          %add3A_138 = arith.addi %add3A_75, %add3A_137 : i32
          %dma_start3A_139 = arith.constant 1 : i32
          %dma_start3A_140 = arith.constant 0 : i32
          %dma_start3A_141 = arith.constant 0 : i32
          %dma_start3A_142 = tpu.memref_slice %arg9[%dma_start3A_139, %dma_start3A_140, %dma_start3A_141] : memref<2x128x128xf32, #tpu.memory_space<vmem>> -> memref<1x128x128xf32, #tpu.memory_space<vmem>>
          %dma_start3A_143 = tpu.memref_squeeze %dma_start3A_142 : memref<1x128x128xf32, #tpu.memory_space<vmem>> -> memref<128x128xf32, #tpu.memory_space<vmem>>
          %dma_start3A_144 = arith.constant 0 : i32
          %dma_start3A_145 = tpu.memref_slice %arg7[%add3A_138, %dma_start3A_144] : memref<40x128xi32, #tpu.memory_space<vmem>> -> memref<1x128xi32, #tpu.memory_space<vmem>>
          %dma_start3A_146 = tpu.memref_squeeze %dma_start3A_145 : memref<1x128xi32, #tpu.memory_space<vmem>> -> memref<128xi32, #tpu.memory_space<vmem>>
          %dma_start3A_147 = arith.constant 0 : i32
          %dma_start3A_148 = arith.constant 0 : i32
          %dma_start3A_149 = tpu.memref_slice %arg2[%dma_start3A_147, %dma_start3A_148] : memref<10112x128xf32, #tpu.memory_space<hbm>> -> memref<10112x128xf32, #tpu.memory_space<hbm>>
          tpu.enqueue_indirect_dma source(%dma_start3A_149 : memref<10112x128xf32, #tpu.memory_space<hbm>>) target(%dma_start3A_143 : memref<128x128xf32, #tpu.memory_space<vmem>>) offsets(%dma_start3A_146 : memref<128xi32, #tpu.memory_space<vmem>>) semaphore(%arg14 : memref<!tpu.dma_semaphore, #tpu.memory_space<semaphore_mem>>)
        } else {
        }
        %add3A_95 = arith.constant 2 : i32
        %add3A_96 = arith.addi %mul3A_57, %add3A_95 : i32
        %dma_wait3A_97 = arith.constant 0 : i32
        %dma_wait3A_98 = arith.constant 0 : i32
        %dma_wait3A_99 = arith.constant 0 : i32
        %dma_wait3A_100 = tpu.memref_slice %arg9[%dma_wait3A_97, %dma_wait3A_98, %dma_wait3A_99] : memref<2x128x128xf32, #tpu.memory_space<vmem>> -> memref<1x128x128xf32, #tpu.memory_space<vmem>>
        %dma_wait3A_101 = tpu.memref_squeeze %dma_wait3A_100 : memref<1x128x128xf32, #tpu.memory_space<vmem>> -> memref<128x128xf32, #tpu.memory_space<vmem>>
        %dma_wait3A_102 = arith.constant 0 : i32
        %dma_wait3A_103 = tpu.memref_slice %arg7[%add3A_96, %dma_wait3A_102] : memref<40x128xi32, #tpu.memory_space<vmem>> -> memref<1x128xi32, #tpu.memory_space<vmem>>
        %dma_wait3A_104 = tpu.memref_squeeze %dma_wait3A_103 : memref<1x128xi32, #tpu.memory_space<vmem>> -> memref<128xi32, #tpu.memory_space<vmem>>
        %dma_wait3A_105 = arith.constant 0 : i32
        %dma_wait3A_106 = arith.constant 0 : i32
        %dma_wait3A_107 = tpu.memref_slice %arg2[%dma_wait3A_105, %dma_wait3A_106] : memref<10112x128xf32, #tpu.memory_space<hbm>> -> memref<10112x128xf32, #tpu.memory_space<hbm>>
        tpu.wait_indirect_dma semaphore(%arg13 : memref<!tpu.dma_semaphore, #tpu.memory_space<semaphore_mem>>) src(%dma_wait3A_107 : memref<10112x128xf32, #tpu.memory_space<hbm>>) dst(%dma_wait3A_101 : memref<128x128xf32, #tpu.memory_space<vmem>>)
        %run_scoped3A_108 = arith.constant 0 : i32
        "tpu.region"() ({
          %run_scoped3A_137 = tpu.sem_alloc : memref<!tpu.dma_semaphore, #tpu.memory_space<semaphore_mem>>
          %dma_start3A_138 = arith.constant 0 : i32
          %dma_start3A_139 = arith.constant 0 : i32
          %dma_start3A_140 = tpu.memref_slice %arg9[%run_scoped3A_108, %dma_start3A_138, %dma_start3A_139] : memref<2x128x128xf32, #tpu.memory_space<vmem>> -> memref<1x128x128xf32, #tpu.memory_space<vmem>>
          %dma_start3A_141 = tpu.memref_squeeze %dma_start3A_140 : memref<1x128x128xf32, #tpu.memory_space<vmem>> -> memref<128x128xf32, #tpu.memory_space<vmem>>
          %dma_start3A_142 = arith.constant 0 : i32
          %dma_start3A_143 = tpu.memref_slice %arg8[%add3A_96, %dma_start3A_142] : memref<40x128xi32, #tpu.memory_space<vmem>> -> memref<1x128xi32, #tpu.memory_space<vmem>>
          %dma_start3A_144 = tpu.memref_squeeze %dma_start3A_143 : memref<1x128xi32, #tpu.memory_space<vmem>> -> memref<128xi32, #tpu.memory_space<vmem>>
          %dma_start3A_145 = arith.constant 0 : i32
          %dma_start3A_146 = arith.constant 0 : i32
          %dma_start3A_147 = tpu.memref_slice %arg10[%dma_start3A_145, %dma_start3A_146] : memref<10112x128xf32, #tpu.memory_space<vmem_shared>> -> memref<10112x128xf32, #tpu.memory_space<vmem_shared>>
          tpu.enqueue_indirect_dma source(%dma_start3A_141 : memref<128x128xf32, #tpu.memory_space<vmem>>) target(%dma_start3A_147 : memref<10112x128xf32, #tpu.memory_space<vmem_shared>>) offsets(%dma_start3A_144 : memref<128xi32, #tpu.memory_space<vmem>>) semaphore(%run_scoped3A_137 : memref<!tpu.dma_semaphore, #tpu.memory_space<semaphore_mem>>) {add = true}
          %dma_wait3A_148 = arith.constant 0 : i32
          %dma_wait3A_149 = arith.constant 0 : i32
          %dma_wait3A_150 = tpu.memref_slice %arg9[%run_scoped3A_108, %dma_wait3A_148, %dma_wait3A_149] : memref<2x128x128xf32, #tpu.memory_space<vmem>> -> memref<1x128x128xf32, #tpu.memory_space<vmem>>
          %dma_wait3A_151 = tpu.memref_squeeze %dma_wait3A_150 : memref<1x128x128xf32, #tpu.memory_space<vmem>> -> memref<128x128xf32, #tpu.memory_space<vmem>>
          %dma_wait3A_152 = arith.constant 0 : i32
          %dma_wait3A_153 = tpu.memref_slice %arg8[%add3A_96, %dma_wait3A_152] : memref<40x128xi32, #tpu.memory_space<vmem>> -> memref<1x128xi32, #tpu.memory_space<vmem>>
          %dma_wait3A_154 = tpu.memref_squeeze %dma_wait3A_153 : memref<1x128xi32, #tpu.memory_space<vmem>> -> memref<128xi32, #tpu.memory_space<vmem>>
          %dma_wait3A_155 = arith.constant 0 : i32
          %dma_wait3A_156 = arith.constant 0 : i32
          %dma_wait3A_157 = tpu.memref_slice %arg10[%dma_wait3A_155, %dma_wait3A_156] : memref<10112x128xf32, #tpu.memory_space<vmem_shared>> -> memref<10112x128xf32, #tpu.memory_space<vmem_shared>>
          tpu.wait_indirect_dma semaphore(%run_scoped3A_137 : memref<!tpu.dma_semaphore, #tpu.memory_space<semaphore_mem>>) src(%dma_wait3A_151 : memref<128x128xf32, #tpu.memory_space<vmem>>) dst(%dma_wait3A_157 : memref<10112x128xf32, #tpu.memory_space<vmem_shared>>)
          tpu.yield
        }) : () -> ()
        %add3A_109 = arith.constant 2 : i32
        %add3A_110 = arith.addi %add3A_96, %add3A_109 : i32
        %lt3A_111 = arith.constant 40 : i32
        %lt3A_112 = arith.cmpi slt, %add3A_110, %lt3A_111 : i32
        %convert_element_type3A_113 = arith.extui %lt3A_112 : i1 to i32
        %cond3A_114 = arith.constant 0 : i32
        %cond3A_115 = arith.cmpi ne, %convert_element_type3A_113, %cond3A_114 : i32
        scf.if %cond3A_115 {
          %add3A_137 = arith.constant 2 : i32
          %add3A_138 = arith.addi %add3A_96, %add3A_137 : i32
          %dma_start3A_139 = arith.constant 0 : i32
          %dma_start3A_140 = arith.constant 0 : i32
          %dma_start3A_141 = arith.constant 0 : i32
          %dma_start3A_142 = tpu.memref_slice %arg9[%dma_start3A_139, %dma_start3A_140, %dma_start3A_141] : memref<2x128x128xf32, #tpu.memory_space<vmem>> -> memref<1x128x128xf32, #tpu.memory_space<vmem>>
          %dma_start3A_143 = tpu.memref_squeeze %dma_start3A_142 : memref<1x128x128xf32, #tpu.memory_space<vmem>> -> memref<128x128xf32, #tpu.memory_space<vmem>>
          %dma_start3A_144 = arith.constant 0 : i32
          %dma_start3A_145 = tpu.memref_slice %arg7[%add3A_138, %dma_start3A_144] : memref<40x128xi32, #tpu.memory_space<vmem>> -> memref<1x128xi32, #tpu.memory_space<vmem>>
          %dma_start3A_146 = tpu.memref_squeeze %dma_start3A_145 : memref<1x128xi32, #tpu.memory_space<vmem>> -> memref<128xi32, #tpu.memory_space<vmem>>
          %dma_start3A_147 = arith.constant 0 : i32
          %dma_start3A_148 = arith.constant 0 : i32
          %dma_start3A_149 = tpu.memref_slice %arg2[%dma_start3A_147, %dma_start3A_148] : memref<10112x128xf32, #tpu.memory_space<hbm>> -> memref<10112x128xf32, #tpu.memory_space<hbm>>
          tpu.enqueue_indirect_dma source(%dma_start3A_149 : memref<10112x128xf32, #tpu.memory_space<hbm>>) target(%dma_start3A_143 : memref<128x128xf32, #tpu.memory_space<vmem>>) offsets(%dma_start3A_146 : memref<128xi32, #tpu.memory_space<vmem>>) semaphore(%arg11 : memref<!tpu.dma_semaphore, #tpu.memory_space<semaphore_mem>>)
        } else {
        }
        %add3A_116 = arith.constant 3 : i32
        %add3A_117 = arith.addi %mul3A_57, %add3A_116 : i32
        %dma_wait3A_118 = arith.constant 1 : i32
        %dma_wait3A_119 = arith.constant 0 : i32
        %dma_wait3A_120 = arith.constant 0 : i32
        %dma_wait3A_121 = tpu.memref_slice %arg9[%dma_wait3A_118, %dma_wait3A_119, %dma_wait3A_120] : memref<2x128x128xf32, #tpu.memory_space<vmem>> -> memref<1x128x128xf32, #tpu.memory_space<vmem>>
        %dma_wait3A_122 = tpu.memref_squeeze %dma_wait3A_121 : memref<1x128x128xf32, #tpu.memory_space<vmem>> -> memref<128x128xf32, #tpu.memory_space<vmem>>
        %dma_wait3A_123 = arith.constant 0 : i32
        %dma_wait3A_124 = tpu.memref_slice %arg7[%add3A_117, %dma_wait3A_123] : memref<40x128xi32, #tpu.memory_space<vmem>> -> memref<1x128xi32, #tpu.memory_space<vmem>>
        %dma_wait3A_125 = tpu.memref_squeeze %dma_wait3A_124 : memref<1x128xi32, #tpu.memory_space<vmem>> -> memref<128xi32, #tpu.memory_space<vmem>>
        %dma_wait3A_126 = arith.constant 0 : i32
        %dma_wait3A_127 = arith.constant 0 : i32
        %dma_wait3A_128 = tpu.memref_slice %arg2[%dma_wait3A_126, %dma_wait3A_127] : memref<10112x128xf32, #tpu.memory_space<hbm>> -> memref<10112x128xf32, #tpu.memory_space<hbm>>
        tpu.wait_indirect_dma semaphore(%arg14 : memref<!tpu.dma_semaphore, #tpu.memory_space<semaphore_mem>>) src(%dma_wait3A_128 : memref<10112x128xf32, #tpu.memory_space<hbm>>) dst(%dma_wait3A_122 : memref<128x128xf32, #tpu.memory_space<vmem>>)
        %run_scoped3A_129 = arith.constant 1 : i32
        "tpu.region"() ({
          %run_scoped3A_137 = tpu.sem_alloc : memref<!tpu.dma_semaphore, #tpu.memory_space<semaphore_mem>>
          %dma_start3A_138 = arith.constant 0 : i32
          %dma_start3A_139 = arith.constant 0 : i32
          %dma_start3A_140 = tpu.memref_slice %arg9[%run_scoped3A_129, %dma_start3A_138, %dma_start3A_139] : memref<2x128x128xf32, #tpu.memory_space<vmem>> -> memref<1x128x128xf32, #tpu.memory_space<vmem>>
          %dma_start3A_141 = tpu.memref_squeeze %dma_start3A_140 : memref<1x128x128xf32, #tpu.memory_space<vmem>> -> memref<128x128xf32, #tpu.memory_space<vmem>>
          %dma_start3A_142 = arith.constant 0 : i32
          %dma_start3A_143 = tpu.memref_slice %arg8[%add3A_117, %dma_start3A_142] : memref<40x128xi32, #tpu.memory_space<vmem>> -> memref<1x128xi32, #tpu.memory_space<vmem>>
          %dma_start3A_144 = tpu.memref_squeeze %dma_start3A_143 : memref<1x128xi32, #tpu.memory_space<vmem>> -> memref<128xi32, #tpu.memory_space<vmem>>
          %dma_start3A_145 = arith.constant 0 : i32
          %dma_start3A_146 = arith.constant 0 : i32
          %dma_start3A_147 = tpu.memref_slice %arg10[%dma_start3A_145, %dma_start3A_146] : memref<10112x128xf32, #tpu.memory_space<vmem_shared>> -> memref<10112x128xf32, #tpu.memory_space<vmem_shared>>
          tpu.enqueue_indirect_dma source(%dma_start3A_141 : memref<128x128xf32, #tpu.memory_space<vmem>>) target(%dma_start3A_147 : memref<10112x128xf32, #tpu.memory_space<vmem_shared>>) offsets(%dma_start3A_144 : memref<128xi32, #tpu.memory_space<vmem>>) semaphore(%run_scoped3A_137 : memref<!tpu.dma_semaphore, #tpu.memory_space<semaphore_mem>>) {add = true}
          %dma_wait3A_148 = arith.constant 0 : i32
          %dma_wait3A_149 = arith.constant 0 : i32
          %dma_wait3A_150 = tpu.memref_slice %arg9[%run_scoped3A_129, %dma_wait3A_148, %dma_wait3A_149] : memref<2x128x128xf32, #tpu.memory_space<vmem>> -> memref<1x128x128xf32, #tpu.memory_space<vmem>>
          %dma_wait3A_151 = tpu.memref_squeeze %dma_wait3A_150 : memref<1x128x128xf32, #tpu.memory_space<vmem>> -> memref<128x128xf32, #tpu.memory_space<vmem>>
          %dma_wait3A_152 = arith.constant 0 : i32
          %dma_wait3A_153 = tpu.memref_slice %arg8[%add3A_117, %dma_wait3A_152] : memref<40x128xi32, #tpu.memory_space<vmem>> -> memref<1x128xi32, #tpu.memory_space<vmem>>
          %dma_wait3A_154 = tpu.memref_squeeze %dma_wait3A_153 : memref<1x128xi32, #tpu.memory_space<vmem>> -> memref<128xi32, #tpu.memory_space<vmem>>
          %dma_wait3A_155 = arith.constant 0 : i32
          %dma_wait3A_156 = arith.constant 0 : i32
          %dma_wait3A_157 = tpu.memref_slice %arg10[%dma_wait3A_155, %dma_wait3A_156] : memref<10112x128xf32, #tpu.memory_space<vmem_shared>> -> memref<10112x128xf32, #tpu.memory_space<vmem_shared>>
          tpu.wait_indirect_dma semaphore(%run_scoped3A_137 : memref<!tpu.dma_semaphore, #tpu.memory_space<semaphore_mem>>) src(%dma_wait3A_151 : memref<128x128xf32, #tpu.memory_space<vmem>>) dst(%dma_wait3A_157 : memref<10112x128xf32, #tpu.memory_space<vmem_shared>>)
          tpu.yield
        }) : () -> ()
        %add3A_130 = arith.constant 2 : i32
        %add3A_131 = arith.addi %add3A_117, %add3A_130 : i32
        %lt3A_132 = arith.constant 40 : i32
        %lt3A_133 = arith.cmpi slt, %add3A_131, %lt3A_132 : i32
        %convert_element_type3A_134 = arith.extui %lt3A_133 : i1 to i32
        %cond3A_135 = arith.constant 0 : i32
        %cond3A_136 = arith.cmpi ne, %convert_element_type3A_134, %cond3A_135 : i32
        scf.if %cond3A_136 {
          %add3A_137 = arith.constant 2 : i32
          %add3A_138 = arith.addi %add3A_117, %add3A_137 : i32
          %dma_start3A_139 = arith.constant 1 : i32
          %dma_start3A_140 = arith.constant 0 : i32
          %dma_start3A_141 = arith.constant 0 : i32
          %dma_start3A_142 = tpu.memref_slice %arg9[%dma_start3A_139, %dma_start3A_140, %dma_start3A_141] : memref<2x128x128xf32, #tpu.memory_space<vmem>> -> memref<1x128x128xf32, #tpu.memory_space<vmem>>
          %dma_start3A_143 = tpu.memref_squeeze %dma_start3A_142 : memref<1x128x128xf32, #tpu.memory_space<vmem>> -> memref<128x128xf32, #tpu.memory_space<vmem>>
          %dma_start3A_144 = arith.constant 0 : i32
          %dma_start3A_145 = tpu.memref_slice %arg7[%add3A_138, %dma_start3A_144] : memref<40x128xi32, #tpu.memory_space<vmem>> -> memref<1x128xi32, #tpu.memory_space<vmem>>
          %dma_start3A_146 = tpu.memref_squeeze %dma_start3A_145 : memref<1x128xi32, #tpu.memory_space<vmem>> -> memref<128xi32, #tpu.memory_space<vmem>>
          %dma_start3A_147 = arith.constant 0 : i32
          %dma_start3A_148 = arith.constant 0 : i32
          %dma_start3A_149 = tpu.memref_slice %arg2[%dma_start3A_147, %dma_start3A_148] : memref<10112x128xf32, #tpu.memory_space<hbm>> -> memref<10112x128xf32, #tpu.memory_space<hbm>>
          tpu.enqueue_indirect_dma source(%dma_start3A_149 : memref<10112x128xf32, #tpu.memory_space<hbm>>) target(%dma_start3A_143 : memref<128x128xf32, #tpu.memory_space<vmem>>) offsets(%dma_start3A_146 : memref<128xi32, #tpu.memory_space<vmem>>) semaphore(%arg12 : memref<!tpu.dma_semaphore, #tpu.memory_space<semaphore_mem>>)
        } else {
        }
      }
      %scan3A_52 = arith.constant 10 : i32
    }
    %barrier3A_20 = arith.constant 0 : index
    tpu.barrier barrier_id(%barrier3A_20)
    "tpu.region"() ({
      %run_scoped3A = tpu.sem_alloc : memref<!tpu.dma_semaphore, #tpu.memory_space<semaphore_mem>>
      %dma_start3A = arith.constant 0 : i32
      %dma_start3A_21 = tpu.memref_slice %arg6[%arg0, %mul3A_0, %dma_start3A] : memref<2x10112x128xf32, #tpu.memory_space<hbm>> -> memref<1x632x128xf32, #tpu.memory_space<hbm>>
      %dma_start3A_22 = tpu.memref_squeeze %dma_start3A_21 : memref<1x632x128xf32, #tpu.memory_space<hbm>> -> memref<632x128xf32, #tpu.memory_space<hbm>>
      %dma_start3A_23 = arith.constant 0 : i32
      %dma_start3A_24 = tpu.memref_slice %arg10[%mul3A_0, %dma_start3A_23] : memref<10112x128xf32, #tpu.memory_space<vmem_shared>> -> memref<632x128xf32, #tpu.memory_space<vmem_shared>>
      tpu.enqueue_dma source(%dma_start3A_24 : memref<632x128xf32, #tpu.memory_space<vmem_shared>>) target(%dma_start3A_22 : memref<632x128xf32, #tpu.memory_space<hbm>>) target_semaphore(%run_scoped3A : memref<!tpu.dma_semaphore, #tpu.memory_space<semaphore_mem>>)
      %dma_wait3A = arith.constant 0 : i32
      %dma_wait3A_25 = tpu.memref_slice %arg6[%arg0, %mul3A_0, %dma_wait3A] : memref<2x10112x128xf32, #tpu.memory_space<hbm>> -> memref<1x632x128xf32, #tpu.memory_space<hbm>>
      %dma_wait3A_26 = tpu.memref_squeeze %dma_wait3A_25 : memref<1x632x128xf32, #tpu.memory_space<hbm>> -> memref<632x128xf32, #tpu.memory_space<hbm>>
      %dma_wait3A_27 = arith.constant 0 : i32
      %dma_wait3A_28 = tpu.memref_slice %arg10[%mul3A_0, %dma_wait3A_27] : memref<10112x128xf32, #tpu.memory_space<vmem_shared>> -> memref<632x128xf32, #tpu.memory_space<vmem_shared>>
      tpu.wait_dma2 semaphore(%run_scoped3A : memref<!tpu.dma_semaphore, #tpu.memory_space<semaphore_mem>>) src(%dma_wait3A_28 : memref<632x128xf32, #tpu.memory_space<vmem_shared>>) dst(%dma_wait3A_26 : memref<632x128xf32, #tpu.memory_space<hbm>>)
      tpu.yield
    }) : () -> ()
    return
  }
}

#map = affine_map<(d0, d1) -> (0, 0)>
#map1 = affine_map<(d0, d1) -> (0, 0, 0)>
module attributes {stable_mosaic.version = 14 : i64} {
  func.func @_sc_agg(%arg0: i32, %arg1: i32, %arg2: memref<10112x128xf32, #tpu.memory_space<hbm>>, %arg3: memref<2560x128xi32, #tpu.memory_space<hbm>>, %arg4: memref<2560x128xi32, #tpu.memory_space<hbm>>, %arg5: memref<10112x128xf32, #tpu.memory_space<hbm>>, %arg6: memref<2x10112x128xf32, #tpu.memory_space<hbm>>, %arg7: memref<40x128xi32, #tpu.memory_space<vmem>>, %arg8: memref<40x128xi32, #tpu.memory_space<vmem>>, %arg9: memref<2x128x128xf32, #tpu.memory_space<vmem>>, %arg10: memref<10112x128xf32, #tpu.memory_space<vmem_shared>>, %arg11: memref<!tpu.dma_semaphore, #tpu.memory_space<semaphore_mem>>, %arg12: memref<!tpu.dma_semaphore, #tpu.memory_space<semaphore_mem>>, %arg13: memref<!tpu.dma_semaphore, #tpu.memory_space<semaphore_mem>>, %arg14: memref<!tpu.dma_semaphore, #tpu.memory_space<semaphore_mem>>) attributes {dimension_semantics = [#tpu.dimension_semantics<core_parallel>, #tpu.dimension_semantics<subcore_parallel>], iteration_bounds = array<i64: 2, 16>, scalar_prefetch = 0 : i64, scratch_operands = 8 : i64, tpu.core_type = #tpu.core_type<sc_vector_subcore>, window_params = [{transform_indices = #map}, {transform_indices = #map}, {transform_indices = #map}, {transform_indices = #map}, {transform_indices = #map1}]} {
    %mul3A = arith.constant 632 : i32
    %mul3A_0 = arith.muli %arg1, %mul3A : i32
    "tpu.region"() ({
      %run_scoped3A = tpu.sem_alloc : memref<!tpu.dma_semaphore, #tpu.memory_space<semaphore_mem>>
      %dma_start3A = arith.constant 0 : i32
      %dma_start3A_21 = tpu.memref_slice %arg10[%mul3A_0, %dma_start3A] : memref<10112x128xf32, #tpu.memory_space<vmem_shared>> -> memref<632x128xf32, #tpu.memory_space<vmem_shared>>
      %dma_start3A_22 = arith.constant 0 : i32
      %dma_start3A_23 = tpu.memref_slice %arg5[%mul3A_0, %dma_start3A_22] : memref<10112x128xf32, #tpu.memory_space<hbm>> -> memref<632x128xf32, #tpu.memory_space<hbm>>
      tpu.enqueue_dma source(%dma_start3A_23 : memref<632x128xf32, #tpu.memory_space<hbm>>) target(%dma_start3A_21 : memref<632x128xf32, #tpu.memory_space<vmem_shared>>) target_semaphore(%run_scoped3A : memref<!tpu.dma_semaphore, #tpu.memory_space<semaphore_mem>>)
      %dma_wait3A = arith.constant 0 : i32
      %dma_wait3A_24 = tpu.memref_slice %arg10[%mul3A_0, %dma_wait3A] : memref<10112x128xf32, #tpu.memory_space<vmem_shared>> -> memref<632x128xf32, #tpu.memory_space<vmem_shared>>
      %dma_wait3A_25 = arith.constant 0 : i32
      %dma_wait3A_26 = tpu.memref_slice %arg5[%mul3A_0, %dma_wait3A_25] : memref<10112x128xf32, #tpu.memory_space<hbm>> -> memref<632x128xf32, #tpu.memory_space<hbm>>
      tpu.wait_dma2 semaphore(%run_scoped3A : memref<!tpu.dma_semaphore, #tpu.memory_space<semaphore_mem>>) src(%dma_wait3A_26 : memref<632x128xf32, #tpu.memory_space<hbm>>) dst(%dma_wait3A_24 : memref<632x128xf32, #tpu.memory_space<vmem_shared>>)
      tpu.yield
    }) : () -> ()
    %eq3A = arith.constant 0 : i32
    %eq3A_1 = arith.cmpi eq, %arg0, %eq3A : i32
    %mul3A_2 = arith.constant 160 : i32
    %mul3A_3 = arith.muli %arg1, %mul3A_2 : i32
    %mul3A_4 = arith.constant 0 : i32
    %mul3A_5 = arith.muli %arg1, %mul3A_4 : i32
    %add3A = arith.constant 2560 : i32
    %add3A_6 = arith.addi %add3A, %mul3A_5 : i32
    %select_n3A = arith.select %eq3A_1, %mul3A_3, %add3A_6 : i32
    %eq3A_7 = arith.constant 0 : i32
    %eq3A_8 = arith.cmpi eq, %arg0, %eq3A_7 : i32
    %jit3A = arith.constant 4 : i32
    %jit3A_9 = arith.constant 0 : i32
    %select_n3A_10 = arith.select %eq3A_8, %jit3A, %jit3A_9 : i32
    %barrier3A = arith.constant 0 : index
    tpu.barrier barrier_id(%barrier3A)
    %while3A = arith.constant 0 : i32
    %while3A_11 = arith.constant 0 : i32
    %while3A_12 = arith.subi %select_n3A_10, %while3A_11 : i32
    %while3A_13 = arith.addi %while3A_11, %while3A_12 : i32
    %while3A_14 = arith.constant 1 : i32
    %while3A_15 = arith.divsi %while3A_12, %while3A_14 : i32
    %while3A_16 = arith.muli %while3A_15, %while3A_14 : i32
    %while3A_17 = arith.addi %while3A_11, %while3A_16 : i32
    %while3A_18 = arith.constant 1 : i32
    scf.for %while3A_21 = %while3A_11 to %while3A_17 step %while3A_18  : i32 {
      %mul3A_22 = arith.constant 40 : i32
      %mul3A_23 = arith.muli %while3A_21, %mul3A_22 : i32
      %add3A_24 = arith.addi %select_n3A, %mul3A_23 : i32
      "tpu.region"() ({
        %run_scoped3A = tpu.sem_alloc : memref<!tpu.dma_semaphore, #tpu.memory_space<semaphore_mem>>
        %dma_start3A_53 = arith.constant 0 : i32
        %dma_start3A_54 = tpu.memref_slice %arg3[%add3A_24, %dma_start3A_53] : memref<2560x128xi32, #tpu.memory_space<hbm>> -> memref<40x128xi32, #tpu.memory_space<hbm>>
        %dma_start3A_55 = arith.constant 0 : i32
        %dma_start3A_56 = tpu.memref_slice %arg3[%add3A_24, %dma_start3A_55] : memref<2560x128xi32, #tpu.memory_space<hbm>> -> memref<40x128xi32, #tpu.memory_space<hbm>>
        tpu.enqueue_dma source(%dma_start3A_56 : memref<40x128xi32, #tpu.memory_space<hbm>>) target(%arg7 : memref<40x128xi32, #tpu.memory_space<vmem>>) target_semaphore(%run_scoped3A : memref<!tpu.dma_semaphore, #tpu.memory_space<semaphore_mem>>)
        %dma_wait3A = arith.constant 0 : i32
        %dma_wait3A_57 = tpu.memref_slice %arg3[%add3A_24, %dma_wait3A] : memref<2560x128xi32, #tpu.memory_space<hbm>> -> memref<40x128xi32, #tpu.memory_space<hbm>>
        %dma_wait3A_58 = arith.constant 0 : i32
        %dma_wait3A_59 = tpu.memref_slice %arg3[%add3A_24, %dma_wait3A_58] : memref<2560x128xi32, #tpu.memory_space<hbm>> -> memref<40x128xi32, #tpu.memory_space<hbm>>
        tpu.wait_dma2 semaphore(%run_scoped3A : memref<!tpu.dma_semaphore, #tpu.memory_space<semaphore_mem>>) src(%dma_wait3A_59 : memref<40x128xi32, #tpu.memory_space<hbm>>) dst(%arg7 : memref<40x128xi32, #tpu.memory_space<vmem>>)
        tpu.yield
      }) : () -> ()
      "tpu.region"() ({
        %run_scoped3A = tpu.sem_alloc : memref<!tpu.dma_semaphore, #tpu.memory_space<semaphore_mem>>
        %dma_start3A_53 = arith.constant 0 : i32
        %dma_start3A_54 = tpu.memref_slice %arg4[%add3A_24, %dma_start3A_53] : memref<2560x128xi32, #tpu.memory_space<hbm>> -> memref<40x128xi32, #tpu.memory_space<hbm>>
        %dma_start3A_55 = arith.constant 0 : i32
        %dma_start3A_56 = tpu.memref_slice %arg4[%add3A_24, %dma_start3A_55] : memref<2560x128xi32, #tpu.memory_space<hbm>> -> memref<40x128xi32, #tpu.memory_space<hbm>>
        tpu.enqueue_dma source(%dma_start3A_56 : memref<40x128xi32, #tpu.memory_space<hbm>>) target(%arg8 : memref<40x128xi32, #tpu.memory_space<vmem>>) target_semaphore(%run_scoped3A : memref<!tpu.dma_semaphore, #tpu.memory_space<semaphore_mem>>)
        %dma_wait3A = arith.constant 0 : i32
        %dma_wait3A_57 = tpu.memref_slice %arg4[%add3A_24, %dma_wait3A] : memref<2560x128xi32, #tpu.memory_space<hbm>> -> memref<40x128xi32, #tpu.memory_space<hbm>>
        %dma_wait3A_58 = arith.constant 0 : i32
        %dma_wait3A_59 = tpu.memref_slice %arg4[%add3A_24, %dma_wait3A_58] : memref<2560x128xi32, #tpu.memory_space<hbm>> -> memref<40x128xi32, #tpu.memory_space<hbm>>
        tpu.wait_dma2 semaphore(%run_scoped3A : memref<!tpu.dma_semaphore, #tpu.memory_space<semaphore_mem>>) src(%dma_wait3A_59 : memref<40x128xi32, #tpu.memory_space<hbm>>) dst(%arg8 : memref<40x128xi32, #tpu.memory_space<vmem>>)
        tpu.yield
      }) : () -> ()
      %dma_start3A = arith.constant 0 : i32
      %dma_start3A_25 = arith.constant 0 : i32
      %dma_start3A_26 = arith.constant 0 : i32
      %dma_start3A_27 = arith.constant 0 : i32
      %dma_start3A_28 = tpu.memref_slice %arg9[%dma_start3A_25, %dma_start3A_26, %dma_start3A_27] : memref<2x128x128xf32, #tpu.memory_space<vmem>> -> memref<1x128x128xf32, #tpu.memory_space<vmem>>
      %dma_start3A_29 = tpu.memref_squeeze %dma_start3A_28 : memref<1x128x128xf32, #tpu.memory_space<vmem>> -> memref<128x128xf32, #tpu.memory_space<vmem>>
      %dma_start3A_30 = arith.constant 0 : i32
      %dma_start3A_31 = tpu.memref_slice %arg7[%dma_start3A, %dma_start3A_30] : memref<40x128xi32, #tpu.memory_space<vmem>> -> memref<1x128xi32, #tpu.memory_space<vmem>>
      %dma_start3A_32 = tpu.memref_squeeze %dma_start3A_31 : memref<1x128xi32, #tpu.memory_space<vmem>> -> memref<128xi32, #tpu.memory_space<vmem>>
      %dma_start3A_33 = arith.constant 0 : i32
      %dma_start3A_34 = arith.constant 0 : i32
      %dma_start3A_35 = tpu.memref_slice %arg2[%dma_start3A_33, %dma_start3A_34] : memref<10112x128xf32, #tpu.memory_space<hbm>> -> memref<10112x128xf32, #tpu.memory_space<hbm>>
      tpu.enqueue_indirect_dma source(%dma_start3A_35 : memref<10112x128xf32, #tpu.memory_space<hbm>>) target(%dma_start3A_29 : memref<128x128xf32, #tpu.memory_space<vmem>>) offsets(%dma_start3A_32 : memref<128xi32, #tpu.memory_space<vmem>>) semaphore(%arg11 : memref<!tpu.dma_semaphore, #tpu.memory_space<semaphore_mem>>)
      %dma_start3A_36 = arith.constant 1 : i32
      %dma_start3A_37 = arith.constant 1 : i32
      %dma_start3A_38 = arith.constant 0 : i32
      %dma_start3A_39 = arith.constant 0 : i32
      %dma_start3A_40 = tpu.memref_slice %arg9[%dma_start3A_37, %dma_start3A_38, %dma_start3A_39] : memref<2x128x128xf32, #tpu.memory_space<vmem>> -> memref<1x128x128xf32, #tpu.memory_space<vmem>>
      %dma_start3A_41 = tpu.memref_squeeze %dma_start3A_40 : memref<1x128x128xf32, #tpu.memory_space<vmem>> -> memref<128x128xf32, #tpu.memory_space<vmem>>
      %dma_start3A_42 = arith.constant 0 : i32
      %dma_start3A_43 = tpu.memref_slice %arg7[%dma_start3A_36, %dma_start3A_42] : memref<40x128xi32, #tpu.memory_space<vmem>> -> memref<1x128xi32, #tpu.memory_space<vmem>>
      %dma_start3A_44 = tpu.memref_squeeze %dma_start3A_43 : memref<1x128xi32, #tpu.memory_space<vmem>> -> memref<128xi32, #tpu.memory_space<vmem>>
      %dma_start3A_45 = arith.constant 0 : i32
      %dma_start3A_46 = arith.constant 0 : i32
      %dma_start3A_47 = tpu.memref_slice %arg2[%dma_start3A_45, %dma_start3A_46] : memref<10112x128xf32, #tpu.memory_space<hbm>> -> memref<10112x128xf32, #tpu.memory_space<hbm>>
      tpu.enqueue_indirect_dma source(%dma_start3A_47 : memref<10112x128xf32, #tpu.memory_space<hbm>>) target(%dma_start3A_41 : memref<128x128xf32, #tpu.memory_space<vmem>>) offsets(%dma_start3A_44 : memref<128xi32, #tpu.memory_space<vmem>>) semaphore(%arg12 : memref<!tpu.dma_semaphore, #tpu.memory_space<semaphore_mem>>)
      %scan3A = arith.constant 0 : i32
      %scan3A_48 = arith.constant 0 : i32
      %scan3A_49 = arith.constant 10 : i32
      %scan3A_50 = arith.addi %scan3A_48, %scan3A_49 : i32
      %scan3A_51 = arith.constant 1 : i32
      scf.for %scan3A_53 = %scan3A_48 to %scan3A_50 step %scan3A_51  : i32 {
        %mul3A_54 = arith.constant 2 : i32
        %mul3A_55 = arith.muli %scan3A_53, %mul3A_54 : i32
        %mul3A_56 = arith.constant 2 : i32
        %mul3A_57 = arith.muli %mul3A_55, %mul3A_56 : i32
        %add3A_58 = arith.constant 0 : i32
        %add3A_59 = arith.addi %mul3A_57, %add3A_58 : i32
        %dma_wait3A = arith.constant 0 : i32
        %dma_wait3A_60 = arith.constant 0 : i32
        %dma_wait3A_61 = arith.constant 0 : i32
        %dma_wait3A_62 = tpu.memref_slice %arg9[%dma_wait3A, %dma_wait3A_60, %dma_wait3A_61] : memref<2x128x128xf32, #tpu.memory_space<vmem>> -> memref<1x128x128xf32, #tpu.memory_space<vmem>>
        %dma_wait3A_63 = tpu.memref_squeeze %dma_wait3A_62 : memref<1x128x128xf32, #tpu.memory_space<vmem>> -> memref<128x128xf32, #tpu.memory_space<vmem>>
        %dma_wait3A_64 = arith.constant 0 : i32
        %dma_wait3A_65 = tpu.memref_slice %arg7[%add3A_59, %dma_wait3A_64] : memref<40x128xi32, #tpu.memory_space<vmem>> -> memref<1x128xi32, #tpu.memory_space<vmem>>
        %dma_wait3A_66 = tpu.memref_squeeze %dma_wait3A_65 : memref<1x128xi32, #tpu.memory_space<vmem>> -> memref<128xi32, #tpu.memory_space<vmem>>
        %dma_wait3A_67 = arith.constant 0 : i32
        %dma_wait3A_68 = arith.constant 0 : i32
        %dma_wait3A_69 = tpu.memref_slice %arg2[%dma_wait3A_67, %dma_wait3A_68] : memref<10112x128xf32, #tpu.memory_space<hbm>> -> memref<10112x128xf32, #tpu.memory_space<hbm>>
        tpu.wait_indirect_dma semaphore(%arg11 : memref<!tpu.dma_semaphore, #tpu.memory_space<semaphore_mem>>) src(%dma_wait3A_69 : memref<10112x128xf32, #tpu.memory_space<hbm>>) dst(%dma_wait3A_63 : memref<128x128xf32, #tpu.memory_space<vmem>>)
        %run_scoped3A = arith.constant 0 : i32
        "tpu.region"() ({
          %run_scoped3A_137 = tpu.sem_alloc : memref<!tpu.dma_semaphore, #tpu.memory_space<semaphore_mem>>
          %dma_start3A_138 = arith.constant 0 : i32
          %dma_start3A_139 = arith.constant 0 : i32
          %dma_start3A_140 = tpu.memref_slice %arg9[%run_scoped3A, %dma_start3A_138, %dma_start3A_139] : memref<2x128x128xf32, #tpu.memory_space<vmem>> -> memref<1x128x128xf32, #tpu.memory_space<vmem>>
          %dma_start3A_141 = tpu.memref_squeeze %dma_start3A_140 : memref<1x128x128xf32, #tpu.memory_space<vmem>> -> memref<128x128xf32, #tpu.memory_space<vmem>>
          %dma_start3A_142 = arith.constant 0 : i32
          %dma_start3A_143 = tpu.memref_slice %arg8[%add3A_59, %dma_start3A_142] : memref<40x128xi32, #tpu.memory_space<vmem>> -> memref<1x128xi32, #tpu.memory_space<vmem>>
          %dma_start3A_144 = tpu.memref_squeeze %dma_start3A_143 : memref<1x128xi32, #tpu.memory_space<vmem>> -> memref<128xi32, #tpu.memory_space<vmem>>
          %dma_start3A_145 = arith.constant 0 : i32
          %dma_start3A_146 = arith.constant 0 : i32
          %dma_start3A_147 = tpu.memref_slice %arg10[%dma_start3A_145, %dma_start3A_146] : memref<10112x128xf32, #tpu.memory_space<vmem_shared>> -> memref<10112x128xf32, #tpu.memory_space<vmem_shared>>
          tpu.enqueue_indirect_dma source(%dma_start3A_141 : memref<128x128xf32, #tpu.memory_space<vmem>>) target(%dma_start3A_147 : memref<10112x128xf32, #tpu.memory_space<vmem_shared>>) offsets(%dma_start3A_144 : memref<128xi32, #tpu.memory_space<vmem>>) semaphore(%run_scoped3A_137 : memref<!tpu.dma_semaphore, #tpu.memory_space<semaphore_mem>>) {add = true}
          %dma_wait3A_148 = arith.constant 0 : i32
          %dma_wait3A_149 = arith.constant 0 : i32
          %dma_wait3A_150 = tpu.memref_slice %arg9[%run_scoped3A, %dma_wait3A_148, %dma_wait3A_149] : memref<2x128x128xf32, #tpu.memory_space<vmem>> -> memref<1x128x128xf32, #tpu.memory_space<vmem>>
          %dma_wait3A_151 = tpu.memref_squeeze %dma_wait3A_150 : memref<1x128x128xf32, #tpu.memory_space<vmem>> -> memref<128x128xf32, #tpu.memory_space<vmem>>
          %dma_wait3A_152 = arith.constant 0 : i32
          %dma_wait3A_153 = tpu.memref_slice %arg8[%add3A_59, %dma_wait3A_152] : memref<40x128xi32, #tpu.memory_space<vmem>> -> memref<1x128xi32, #tpu.memory_space<vmem>>
          %dma_wait3A_154 = tpu.memref_squeeze %dma_wait3A_153 : memref<1x128xi32, #tpu.memory_space<vmem>> -> memref<128xi32, #tpu.memory_space<vmem>>
          %dma_wait3A_155 = arith.constant 0 : i32
          %dma_wait3A_156 = arith.constant 0 : i32
          %dma_wait3A_157 = tpu.memref_slice %arg10[%dma_wait3A_155, %dma_wait3A_156] : memref<10112x128xf32, #tpu.memory_space<vmem_shared>> -> memref<10112x128xf32, #tpu.memory_space<vmem_shared>>
          tpu.wait_indirect_dma semaphore(%run_scoped3A_137 : memref<!tpu.dma_semaphore, #tpu.memory_space<semaphore_mem>>) src(%dma_wait3A_151 : memref<128x128xf32, #tpu.memory_space<vmem>>) dst(%dma_wait3A_157 : memref<10112x128xf32, #tpu.memory_space<vmem_shared>>)
          tpu.yield
        }) : () -> ()
        %add3A_70 = arith.constant 2 : i32
        %add3A_71 = arith.addi %add3A_59, %add3A_70 : i32
        %lt3A = arith.constant 40 : i32
        %lt3A_72 = arith.cmpi slt, %add3A_71, %lt3A : i32
        %convert_element_type3A = arith.extui %lt3A_72 : i1 to i32
        %cond3A = arith.constant 0 : i32
        %cond3A_73 = arith.cmpi ne, %convert_element_type3A, %cond3A : i32
        scf.if %cond3A_73 {
          %add3A_137 = arith.constant 2 : i32
          %add3A_138 = arith.addi %add3A_59, %add3A_137 : i32
          %dma_start3A_139 = arith.constant 0 : i32
          %dma_start3A_140 = arith.constant 0 : i32
          %dma_start3A_141 = arith.constant 0 : i32
          %dma_start3A_142 = tpu.memref_slice %arg9[%dma_start3A_139, %dma_start3A_140, %dma_start3A_141] : memref<2x128x128xf32, #tpu.memory_space<vmem>> -> memref<1x128x128xf32, #tpu.memory_space<vmem>>
          %dma_start3A_143 = tpu.memref_squeeze %dma_start3A_142 : memref<1x128x128xf32, #tpu.memory_space<vmem>> -> memref<128x128xf32, #tpu.memory_space<vmem>>
          %dma_start3A_144 = arith.constant 0 : i32
          %dma_start3A_145 = tpu.memref_slice %arg7[%add3A_138, %dma_start3A_144] : memref<40x128xi32, #tpu.memory_space<vmem>> -> memref<1x128xi32, #tpu.memory_space<vmem>>
          %dma_start3A_146 = tpu.memref_squeeze %dma_start3A_145 : memref<1x128xi32, #tpu.memory_space<vmem>> -> memref<128xi32, #tpu.memory_space<vmem>>
          %dma_start3A_147 = arith.constant 0 : i32
          %dma_start3A_148 = arith.constant 0 : i32
          %dma_start3A_149 = tpu.memref_slice %arg2[%dma_start3A_147, %dma_start3A_148] : memref<10112x128xf32, #tpu.memory_space<hbm>> -> memref<10112x128xf32, #tpu.memory_space<hbm>>
          tpu.enqueue_indirect_dma source(%dma_start3A_149 : memref<10112x128xf32, #tpu.memory_space<hbm>>) target(%dma_start3A_143 : memref<128x128xf32, #tpu.memory_space<vmem>>) offsets(%dma_start3A_146 : memref<128xi32, #tpu.memory_space<vmem>>) semaphore(%arg13 : memref<!tpu.dma_semaphore, #tpu.memory_space<semaphore_mem>>)
        } else {
        }
        %add3A_74 = arith.constant 1 : i32
        %add3A_75 = arith.addi %mul3A_57, %add3A_74 : i32
        %dma_wait3A_76 = arith.constant 1 : i32
        %dma_wait3A_77 = arith.constant 0 : i32
        %dma_wait3A_78 = arith.constant 0 : i32
        %dma_wait3A_79 = tpu.memref_slice %arg9[%dma_wait3A_76, %dma_wait3A_77, %dma_wait3A_78] : memref<2x128x128xf32, #tpu.memory_space<vmem>> -> memref<1x128x128xf32, #tpu.memory_space<vmem>>
        %dma_wait3A_80 = tpu.memref_squeeze %dma_wait3A_79 : memref<1x128x128xf32, #tpu.memory_space<vmem>> -> memref<128x128xf32, #tpu.memory_space<vmem>>
        %dma_wait3A_81 = arith.constant 0 : i32
        %dma_wait3A_82 = tpu.memref_slice %arg7[%add3A_75, %dma_wait3A_81] : memref<40x128xi32, #tpu.memory_space<vmem>> -> memref<1x128xi32, #tpu.memory_space<vmem>>
        %dma_wait3A_83 = tpu.memref_squeeze %dma_wait3A_82 : memref<1x128xi32, #tpu.memory_space<vmem>> -> memref<128xi32, #tpu.memory_space<vmem>>
        %dma_wait3A_84 = arith.constant 0 : i32
        %dma_wait3A_85 = arith.constant 0 : i32
        %dma_wait3A_86 = tpu.memref_slice %arg2[%dma_wait3A_84, %dma_wait3A_85] : memref<10112x128xf32, #tpu.memory_space<hbm>> -> memref<10112x128xf32, #tpu.memory_space<hbm>>
        tpu.wait_indirect_dma semaphore(%arg12 : memref<!tpu.dma_semaphore, #tpu.memory_space<semaphore_mem>>) src(%dma_wait3A_86 : memref<10112x128xf32, #tpu.memory_space<hbm>>) dst(%dma_wait3A_80 : memref<128x128xf32, #tpu.memory_space<vmem>>)
        %run_scoped3A_87 = arith.constant 1 : i32
        "tpu.region"() ({
          %run_scoped3A_137 = tpu.sem_alloc : memref<!tpu.dma_semaphore, #tpu.memory_space<semaphore_mem>>
          %dma_start3A_138 = arith.constant 0 : i32
          %dma_start3A_139 = arith.constant 0 : i32
          %dma_start3A_140 = tpu.memref_slice %arg9[%run_scoped3A_87, %dma_start3A_138, %dma_start3A_139] : memref<2x128x128xf32, #tpu.memory_space<vmem>> -> memref<1x128x128xf32, #tpu.memory_space<vmem>>
          %dma_start3A_141 = tpu.memref_squeeze %dma_start3A_140 : memref<1x128x128xf32, #tpu.memory_space<vmem>> -> memref<128x128xf32, #tpu.memory_space<vmem>>
          %dma_start3A_142 = arith.constant 0 : i32
          %dma_start3A_143 = tpu.memref_slice %arg8[%add3A_75, %dma_start3A_142] : memref<40x128xi32, #tpu.memory_space<vmem>> -> memref<1x128xi32, #tpu.memory_space<vmem>>
          %dma_start3A_144 = tpu.memref_squeeze %dma_start3A_143 : memref<1x128xi32, #tpu.memory_space<vmem>> -> memref<128xi32, #tpu.memory_space<vmem>>
          %dma_start3A_145 = arith.constant 0 : i32
          %dma_start3A_146 = arith.constant 0 : i32
          %dma_start3A_147 = tpu.memref_slice %arg10[%dma_start3A_145, %dma_start3A_146] : memref<10112x128xf32, #tpu.memory_space<vmem_shared>> -> memref<10112x128xf32, #tpu.memory_space<vmem_shared>>
          tpu.enqueue_indirect_dma source(%dma_start3A_141 : memref<128x128xf32, #tpu.memory_space<vmem>>) target(%dma_start3A_147 : memref<10112x128xf32, #tpu.memory_space<vmem_shared>>) offsets(%dma_start3A_144 : memref<128xi32, #tpu.memory_space<vmem>>) semaphore(%run_scoped3A_137 : memref<!tpu.dma_semaphore, #tpu.memory_space<semaphore_mem>>) {add = true}
          %dma_wait3A_148 = arith.constant 0 : i32
          %dma_wait3A_149 = arith.constant 0 : i32
          %dma_wait3A_150 = tpu.memref_slice %arg9[%run_scoped3A_87, %dma_wait3A_148, %dma_wait3A_149] : memref<2x128x128xf32, #tpu.memory_space<vmem>> -> memref<1x128x128xf32, #tpu.memory_space<vmem>>
          %dma_wait3A_151 = tpu.memref_squeeze %dma_wait3A_150 : memref<1x128x128xf32, #tpu.memory_space<vmem>> -> memref<128x128xf32, #tpu.memory_space<vmem>>
          %dma_wait3A_152 = arith.constant 0 : i32
          %dma_wait3A_153 = tpu.memref_slice %arg8[%add3A_75, %dma_wait3A_152] : memref<40x128xi32, #tpu.memory_space<vmem>> -> memref<1x128xi32, #tpu.memory_space<vmem>>
          %dma_wait3A_154 = tpu.memref_squeeze %dma_wait3A_153 : memref<1x128xi32, #tpu.memory_space<vmem>> -> memref<128xi32, #tpu.memory_space<vmem>>
          %dma_wait3A_155 = arith.constant 0 : i32
          %dma_wait3A_156 = arith.constant 0 : i32
          %dma_wait3A_157 = tpu.memref_slice %arg10[%dma_wait3A_155, %dma_wait3A_156] : memref<10112x128xf32, #tpu.memory_space<vmem_shared>> -> memref<10112x128xf32, #tpu.memory_space<vmem_shared>>
          tpu.wait_indirect_dma semaphore(%run_scoped3A_137 : memref<!tpu.dma_semaphore, #tpu.memory_space<semaphore_mem>>) src(%dma_wait3A_151 : memref<128x128xf32, #tpu.memory_space<vmem>>) dst(%dma_wait3A_157 : memref<10112x128xf32, #tpu.memory_space<vmem_shared>>)
          tpu.yield
        }) : () -> ()
        %add3A_88 = arith.constant 2 : i32
        %add3A_89 = arith.addi %add3A_75, %add3A_88 : i32
        %lt3A_90 = arith.constant 40 : i32
        %lt3A_91 = arith.cmpi slt, %add3A_89, %lt3A_90 : i32
        %convert_element_type3A_92 = arith.extui %lt3A_91 : i1 to i32
        %cond3A_93 = arith.constant 0 : i32
        %cond3A_94 = arith.cmpi ne, %convert_element_type3A_92, %cond3A_93 : i32
        scf.if %cond3A_94 {
          %add3A_137 = arith.constant 2 : i32
          %add3A_138 = arith.addi %add3A_75, %add3A_137 : i32
          %dma_start3A_139 = arith.constant 1 : i32
          %dma_start3A_140 = arith.constant 0 : i32
          %dma_start3A_141 = arith.constant 0 : i32
          %dma_start3A_142 = tpu.memref_slice %arg9[%dma_start3A_139, %dma_start3A_140, %dma_start3A_141] : memref<2x128x128xf32, #tpu.memory_space<vmem>> -> memref<1x128x128xf32, #tpu.memory_space<vmem>>
          %dma_start3A_143 = tpu.memref_squeeze %dma_start3A_142 : memref<1x128x128xf32, #tpu.memory_space<vmem>> -> memref<128x128xf32, #tpu.memory_space<vmem>>
          %dma_start3A_144 = arith.constant 0 : i32
          %dma_start3A_145 = tpu.memref_slice %arg7[%add3A_138, %dma_start3A_144] : memref<40x128xi32, #tpu.memory_space<vmem>> -> memref<1x128xi32, #tpu.memory_space<vmem>>
          %dma_start3A_146 = tpu.memref_squeeze %dma_start3A_145 : memref<1x128xi32, #tpu.memory_space<vmem>> -> memref<128xi32, #tpu.memory_space<vmem>>
          %dma_start3A_147 = arith.constant 0 : i32
          %dma_start3A_148 = arith.constant 0 : i32
          %dma_start3A_149 = tpu.memref_slice %arg2[%dma_start3A_147, %dma_start3A_148] : memref<10112x128xf32, #tpu.memory_space<hbm>> -> memref<10112x128xf32, #tpu.memory_space<hbm>>
          tpu.enqueue_indirect_dma source(%dma_start3A_149 : memref<10112x128xf32, #tpu.memory_space<hbm>>) target(%dma_start3A_143 : memref<128x128xf32, #tpu.memory_space<vmem>>) offsets(%dma_start3A_146 : memref<128xi32, #tpu.memory_space<vmem>>) semaphore(%arg14 : memref<!tpu.dma_semaphore, #tpu.memory_space<semaphore_mem>>)
        } else {
        }
        %add3A_95 = arith.constant 2 : i32
        %add3A_96 = arith.addi %mul3A_57, %add3A_95 : i32
        %dma_wait3A_97 = arith.constant 0 : i32
        %dma_wait3A_98 = arith.constant 0 : i32
        %dma_wait3A_99 = arith.constant 0 : i32
        %dma_wait3A_100 = tpu.memref_slice %arg9[%dma_wait3A_97, %dma_wait3A_98, %dma_wait3A_99] : memref<2x128x128xf32, #tpu.memory_space<vmem>> -> memref<1x128x128xf32, #tpu.memory_space<vmem>>
        %dma_wait3A_101 = tpu.memref_squeeze %dma_wait3A_100 : memref<1x128x128xf32, #tpu.memory_space<vmem>> -> memref<128x128xf32, #tpu.memory_space<vmem>>
        %dma_wait3A_102 = arith.constant 0 : i32
        %dma_wait3A_103 = tpu.memref_slice %arg7[%add3A_96, %dma_wait3A_102] : memref<40x128xi32, #tpu.memory_space<vmem>> -> memref<1x128xi32, #tpu.memory_space<vmem>>
        %dma_wait3A_104 = tpu.memref_squeeze %dma_wait3A_103 : memref<1x128xi32, #tpu.memory_space<vmem>> -> memref<128xi32, #tpu.memory_space<vmem>>
        %dma_wait3A_105 = arith.constant 0 : i32
        %dma_wait3A_106 = arith.constant 0 : i32
        %dma_wait3A_107 = tpu.memref_slice %arg2[%dma_wait3A_105, %dma_wait3A_106] : memref<10112x128xf32, #tpu.memory_space<hbm>> -> memref<10112x128xf32, #tpu.memory_space<hbm>>
        tpu.wait_indirect_dma semaphore(%arg13 : memref<!tpu.dma_semaphore, #tpu.memory_space<semaphore_mem>>) src(%dma_wait3A_107 : memref<10112x128xf32, #tpu.memory_space<hbm>>) dst(%dma_wait3A_101 : memref<128x128xf32, #tpu.memory_space<vmem>>)
        %run_scoped3A_108 = arith.constant 0 : i32
        "tpu.region"() ({
          %run_scoped3A_137 = tpu.sem_alloc : memref<!tpu.dma_semaphore, #tpu.memory_space<semaphore_mem>>
          %dma_start3A_138 = arith.constant 0 : i32
          %dma_start3A_139 = arith.constant 0 : i32
          %dma_start3A_140 = tpu.memref_slice %arg9[%run_scoped3A_108, %dma_start3A_138, %dma_start3A_139] : memref<2x128x128xf32, #tpu.memory_space<vmem>> -> memref<1x128x128xf32, #tpu.memory_space<vmem>>
          %dma_start3A_141 = tpu.memref_squeeze %dma_start3A_140 : memref<1x128x128xf32, #tpu.memory_space<vmem>> -> memref<128x128xf32, #tpu.memory_space<vmem>>
          %dma_start3A_142 = arith.constant 0 : i32
          %dma_start3A_143 = tpu.memref_slice %arg8[%add3A_96, %dma_start3A_142] : memref<40x128xi32, #tpu.memory_space<vmem>> -> memref<1x128xi32, #tpu.memory_space<vmem>>
          %dma_start3A_144 = tpu.memref_squeeze %dma_start3A_143 : memref<1x128xi32, #tpu.memory_space<vmem>> -> memref<128xi32, #tpu.memory_space<vmem>>
          %dma_start3A_145 = arith.constant 0 : i32
          %dma_start3A_146 = arith.constant 0 : i32
          %dma_start3A_147 = tpu.memref_slice %arg10[%dma_start3A_145, %dma_start3A_146] : memref<10112x128xf32, #tpu.memory_space<vmem_shared>> -> memref<10112x128xf32, #tpu.memory_space<vmem_shared>>
          tpu.enqueue_indirect_dma source(%dma_start3A_141 : memref<128x128xf32, #tpu.memory_space<vmem>>) target(%dma_start3A_147 : memref<10112x128xf32, #tpu.memory_space<vmem_shared>>) offsets(%dma_start3A_144 : memref<128xi32, #tpu.memory_space<vmem>>) semaphore(%run_scoped3A_137 : memref<!tpu.dma_semaphore, #tpu.memory_space<semaphore_mem>>) {add = true}
          %dma_wait3A_148 = arith.constant 0 : i32
          %dma_wait3A_149 = arith.constant 0 : i32
          %dma_wait3A_150 = tpu.memref_slice %arg9[%run_scoped3A_108, %dma_wait3A_148, %dma_wait3A_149] : memref<2x128x128xf32, #tpu.memory_space<vmem>> -> memref<1x128x128xf32, #tpu.memory_space<vmem>>
          %dma_wait3A_151 = tpu.memref_squeeze %dma_wait3A_150 : memref<1x128x128xf32, #tpu.memory_space<vmem>> -> memref<128x128xf32, #tpu.memory_space<vmem>>
          %dma_wait3A_152 = arith.constant 0 : i32
          %dma_wait3A_153 = tpu.memref_slice %arg8[%add3A_96, %dma_wait3A_152] : memref<40x128xi32, #tpu.memory_space<vmem>> -> memref<1x128xi32, #tpu.memory_space<vmem>>
          %dma_wait3A_154 = tpu.memref_squeeze %dma_wait3A_153 : memref<1x128xi32, #tpu.memory_space<vmem>> -> memref<128xi32, #tpu.memory_space<vmem>>
          %dma_wait3A_155 = arith.constant 0 : i32
          %dma_wait3A_156 = arith.constant 0 : i32
          %dma_wait3A_157 = tpu.memref_slice %arg10[%dma_wait3A_155, %dma_wait3A_156] : memref<10112x128xf32, #tpu.memory_space<vmem_shared>> -> memref<10112x128xf32, #tpu.memory_space<vmem_shared>>
          tpu.wait_indirect_dma semaphore(%run_scoped3A_137 : memref<!tpu.dma_semaphore, #tpu.memory_space<semaphore_mem>>) src(%dma_wait3A_151 : memref<128x128xf32, #tpu.memory_space<vmem>>) dst(%dma_wait3A_157 : memref<10112x128xf32, #tpu.memory_space<vmem_shared>>)
          tpu.yield
        }) : () -> ()
        %add3A_109 = arith.constant 2 : i32
        %add3A_110 = arith.addi %add3A_96, %add3A_109 : i32
        %lt3A_111 = arith.constant 40 : i32
        %lt3A_112 = arith.cmpi slt, %add3A_110, %lt3A_111 : i32
        %convert_element_type3A_113 = arith.extui %lt3A_112 : i1 to i32
        %cond3A_114 = arith.constant 0 : i32
        %cond3A_115 = arith.cmpi ne, %convert_element_type3A_113, %cond3A_114 : i32
        scf.if %cond3A_115 {
          %add3A_137 = arith.constant 2 : i32
          %add3A_138 = arith.addi %add3A_96, %add3A_137 : i32
          %dma_start3A_139 = arith.constant 0 : i32
          %dma_start3A_140 = arith.constant 0 : i32
          %dma_start3A_141 = arith.constant 0 : i32
          %dma_start3A_142 = tpu.memref_slice %arg9[%dma_start3A_139, %dma_start3A_140, %dma_start3A_141] : memref<2x128x128xf32, #tpu.memory_space<vmem>> -> memref<1x128x128xf32, #tpu.memory_space<vmem>>
          %dma_start3A_143 = tpu.memref_squeeze %dma_start3A_142 : memref<1x128x128xf32, #tpu.memory_space<vmem>> -> memref<128x128xf32, #tpu.memory_space<vmem>>
          %dma_start3A_144 = arith.constant 0 : i32
          %dma_start3A_145 = tpu.memref_slice %arg7[%add3A_138, %dma_start3A_144] : memref<40x128xi32, #tpu.memory_space<vmem>> -> memref<1x128xi32, #tpu.memory_space<vmem>>
          %dma_start3A_146 = tpu.memref_squeeze %dma_start3A_145 : memref<1x128xi32, #tpu.memory_space<vmem>> -> memref<128xi32, #tpu.memory_space<vmem>>
          %dma_start3A_147 = arith.constant 0 : i32
          %dma_start3A_148 = arith.constant 0 : i32
          %dma_start3A_149 = tpu.memref_slice %arg2[%dma_start3A_147, %dma_start3A_148] : memref<10112x128xf32, #tpu.memory_space<hbm>> -> memref<10112x128xf32, #tpu.memory_space<hbm>>
          tpu.enqueue_indirect_dma source(%dma_start3A_149 : memref<10112x128xf32, #tpu.memory_space<hbm>>) target(%dma_start3A_143 : memref<128x128xf32, #tpu.memory_space<vmem>>) offsets(%dma_start3A_146 : memref<128xi32, #tpu.memory_space<vmem>>) semaphore(%arg11 : memref<!tpu.dma_semaphore, #tpu.memory_space<semaphore_mem>>)
        } else {
        }
        %add3A_116 = arith.constant 3 : i32
        %add3A_117 = arith.addi %mul3A_57, %add3A_116 : i32
        %dma_wait3A_118 = arith.constant 1 : i32
        %dma_wait3A_119 = arith.constant 0 : i32
        %dma_wait3A_120 = arith.constant 0 : i32
        %dma_wait3A_121 = tpu.memref_slice %arg9[%dma_wait3A_118, %dma_wait3A_119, %dma_wait3A_120] : memref<2x128x128xf32, #tpu.memory_space<vmem>> -> memref<1x128x128xf32, #tpu.memory_space<vmem>>
        %dma_wait3A_122 = tpu.memref_squeeze %dma_wait3A_121 : memref<1x128x128xf32, #tpu.memory_space<vmem>> -> memref<128x128xf32, #tpu.memory_space<vmem>>
        %dma_wait3A_123 = arith.constant 0 : i32
        %dma_wait3A_124 = tpu.memref_slice %arg7[%add3A_117, %dma_wait3A_123] : memref<40x128xi32, #tpu.memory_space<vmem>> -> memref<1x128xi32, #tpu.memory_space<vmem>>
        %dma_wait3A_125 = tpu.memref_squeeze %dma_wait3A_124 : memref<1x128xi32, #tpu.memory_space<vmem>> -> memref<128xi32, #tpu.memory_space<vmem>>
        %dma_wait3A_126 = arith.constant 0 : i32
        %dma_wait3A_127 = arith.constant 0 : i32
        %dma_wait3A_128 = tpu.memref_slice %arg2[%dma_wait3A_126, %dma_wait3A_127] : memref<10112x128xf32, #tpu.memory_space<hbm>> -> memref<10112x128xf32, #tpu.memory_space<hbm>>
        tpu.wait_indirect_dma semaphore(%arg14 : memref<!tpu.dma_semaphore, #tpu.memory_space<semaphore_mem>>) src(%dma_wait3A_128 : memref<10112x128xf32, #tpu.memory_space<hbm>>) dst(%dma_wait3A_122 : memref<128x128xf32, #tpu.memory_space<vmem>>)
        %run_scoped3A_129 = arith.constant 1 : i32
        "tpu.region"() ({
          %run_scoped3A_137 = tpu.sem_alloc : memref<!tpu.dma_semaphore, #tpu.memory_space<semaphore_mem>>
          %dma_start3A_138 = arith.constant 0 : i32
          %dma_start3A_139 = arith.constant 0 : i32
          %dma_start3A_140 = tpu.memref_slice %arg9[%run_scoped3A_129, %dma_start3A_138, %dma_start3A_139] : memref<2x128x128xf32, #tpu.memory_space<vmem>> -> memref<1x128x128xf32, #tpu.memory_space<vmem>>
          %dma_start3A_141 = tpu.memref_squeeze %dma_start3A_140 : memref<1x128x128xf32, #tpu.memory_space<vmem>> -> memref<128x128xf32, #tpu.memory_space<vmem>>
          %dma_start3A_142 = arith.constant 0 : i32
          %dma_start3A_143 = tpu.memref_slice %arg8[%add3A_117, %dma_start3A_142] : memref<40x128xi32, #tpu.memory_space<vmem>> -> memref<1x128xi32, #tpu.memory_space<vmem>>
          %dma_start3A_144 = tpu.memref_squeeze %dma_start3A_143 : memref<1x128xi32, #tpu.memory_space<vmem>> -> memref<128xi32, #tpu.memory_space<vmem>>
          %dma_start3A_145 = arith.constant 0 : i32
          %dma_start3A_146 = arith.constant 0 : i32
          %dma_start3A_147 = tpu.memref_slice %arg10[%dma_start3A_145, %dma_start3A_146] : memref<10112x128xf32, #tpu.memory_space<vmem_shared>> -> memref<10112x128xf32, #tpu.memory_space<vmem_shared>>
          tpu.enqueue_indirect_dma source(%dma_start3A_141 : memref<128x128xf32, #tpu.memory_space<vmem>>) target(%dma_start3A_147 : memref<10112x128xf32, #tpu.memory_space<vmem_shared>>) offsets(%dma_start3A_144 : memref<128xi32, #tpu.memory_space<vmem>>) semaphore(%run_scoped3A_137 : memref<!tpu.dma_semaphore, #tpu.memory_space<semaphore_mem>>) {add = true}
          %dma_wait3A_148 = arith.constant 0 : i32
          %dma_wait3A_149 = arith.constant 0 : i32
          %dma_wait3A_150 = tpu.memref_slice %arg9[%run_scoped3A_129, %dma_wait3A_148, %dma_wait3A_149] : memref<2x128x128xf32, #tpu.memory_space<vmem>> -> memref<1x128x128xf32, #tpu.memory_space<vmem>>
          %dma_wait3A_151 = tpu.memref_squeeze %dma_wait3A_150 : memref<1x128x128xf32, #tpu.memory_space<vmem>> -> memref<128x128xf32, #tpu.memory_space<vmem>>
          %dma_wait3A_152 = arith.constant 0 : i32
          %dma_wait3A_153 = tpu.memref_slice %arg8[%add3A_117, %dma_wait3A_152] : memref<40x128xi32, #tpu.memory_space<vmem>> -> memref<1x128xi32, #tpu.memory_space<vmem>>
          %dma_wait3A_154 = tpu.memref_squeeze %dma_wait3A_153 : memref<1x128xi32, #tpu.memory_space<vmem>> -> memref<128xi32, #tpu.memory_space<vmem>>
          %dma_wait3A_155 = arith.constant 0 : i32
          %dma_wait3A_156 = arith.constant 0 : i32
          %dma_wait3A_157 = tpu.memref_slice %arg10[%dma_wait3A_155, %dma_wait3A_156] : memref<10112x128xf32, #tpu.memory_space<vmem_shared>> -> memref<10112x128xf32, #tpu.memory_space<vmem_shared>>
          tpu.wait_indirect_dma semaphore(%run_scoped3A_137 : memref<!tpu.dma_semaphore, #tpu.memory_space<semaphore_mem>>) src(%dma_wait3A_151 : memref<128x128xf32, #tpu.memory_space<vmem>>) dst(%dma_wait3A_157 : memref<10112x128xf32, #tpu.memory_space<vmem_shared>>)
          tpu.yield
        }) : () -> ()
        %add3A_130 = arith.constant 2 : i32
        %add3A_131 = arith.addi %add3A_117, %add3A_130 : i32
        %lt3A_132 = arith.constant 40 : i32
        %lt3A_133 = arith.cmpi slt, %add3A_131, %lt3A_132 : i32
        %convert_element_type3A_134 = arith.extui %lt3A_133 : i1 to i32
        %cond3A_135 = arith.constant 0 : i32
        %cond3A_136 = arith.cmpi ne, %convert_element_type3A_134, %cond3A_135 : i32
        scf.if %cond3A_136 {
          %add3A_137 = arith.constant 2 : i32
          %add3A_138 = arith.addi %add3A_117, %add3A_137 : i32
          %dma_start3A_139 = arith.constant 1 : i32
          %dma_start3A_140 = arith.constant 0 : i32
          %dma_start3A_141 = arith.constant 0 : i32
          %dma_start3A_142 = tpu.memref_slice %arg9[%dma_start3A_139, %dma_start3A_140, %dma_start3A_141] : memref<2x128x128xf32, #tpu.memory_space<vmem>> -> memref<1x128x128xf32, #tpu.memory_space<vmem>>
          %dma_start3A_143 = tpu.memref_squeeze %dma_start3A_142 : memref<1x128x128xf32, #tpu.memory_space<vmem>> -> memref<128x128xf32, #tpu.memory_space<vmem>>
          %dma_start3A_144 = arith.constant 0 : i32
          %dma_start3A_145 = tpu.memref_slice %arg7[%add3A_138, %dma_start3A_144] : memref<40x128xi32, #tpu.memory_space<vmem>> -> memref<1x128xi32, #tpu.memory_space<vmem>>
          %dma_start3A_146 = tpu.memref_squeeze %dma_start3A_145 : memref<1x128xi32, #tpu.memory_space<vmem>> -> memref<128xi32, #tpu.memory_space<vmem>>
          %dma_start3A_147 = arith.constant 0 : i32
          %dma_start3A_148 = arith.constant 0 : i32
          %dma_start3A_149 = tpu.memref_slice %arg2[%dma_start3A_147, %dma_start3A_148] : memref<10112x128xf32, #tpu.memory_space<hbm>> -> memref<10112x128xf32, #tpu.memory_space<hbm>>
          tpu.enqueue_indirect_dma source(%dma_start3A_149 : memref<10112x128xf32, #tpu.memory_space<hbm>>) target(%dma_start3A_143 : memref<128x128xf32, #tpu.memory_space<vmem>>) offsets(%dma_start3A_146 : memref<128xi32, #tpu.memory_space<vmem>>) semaphore(%arg12 : memref<!tpu.dma_semaphore, #tpu.memory_space<semaphore_mem>>)
        } else {
        }
      }
      %scan3A_52 = arith.constant 10 : i32
    }
    %while3A_19 = arith.constant 1 : i32
    scf.for %while3A_21 = %while3A_17 to %while3A_13 step %while3A_19  : i32 {
      %mul3A_22 = arith.constant 40 : i32
      %mul3A_23 = arith.muli %while3A_21, %mul3A_22 : i32
      %add3A_24 = arith.addi %select_n3A, %mul3A_23 : i32
      "tpu.region"() ({
        %run_scoped3A = tpu.sem_alloc : memref<!tpu.dma_semaphore, #tpu.memory_space<semaphore_mem>>
        %dma_start3A_53 = arith.constant 0 : i32
        %dma_start3A_54 = tpu.memref_slice %arg3[%add3A_24, %dma_start3A_53] : memref<2560x128xi32, #tpu.memory_space<hbm>> -> memref<40x128xi32, #tpu.memory_space<hbm>>
        %dma_start3A_55 = arith.constant 0 : i32
        %dma_start3A_56 = tpu.memref_slice %arg3[%add3A_24, %dma_start3A_55] : memref<2560x128xi32, #tpu.memory_space<hbm>> -> memref<40x128xi32, #tpu.memory_space<hbm>>
        tpu.enqueue_dma source(%dma_start3A_56 : memref<40x128xi32, #tpu.memory_space<hbm>>) target(%arg7 : memref<40x128xi32, #tpu.memory_space<vmem>>) target_semaphore(%run_scoped3A : memref<!tpu.dma_semaphore, #tpu.memory_space<semaphore_mem>>)
        %dma_wait3A = arith.constant 0 : i32
        %dma_wait3A_57 = tpu.memref_slice %arg3[%add3A_24, %dma_wait3A] : memref<2560x128xi32, #tpu.memory_space<hbm>> -> memref<40x128xi32, #tpu.memory_space<hbm>>
        %dma_wait3A_58 = arith.constant 0 : i32
        %dma_wait3A_59 = tpu.memref_slice %arg3[%add3A_24, %dma_wait3A_58] : memref<2560x128xi32, #tpu.memory_space<hbm>> -> memref<40x128xi32, #tpu.memory_space<hbm>>
        tpu.wait_dma2 semaphore(%run_scoped3A : memref<!tpu.dma_semaphore, #tpu.memory_space<semaphore_mem>>) src(%dma_wait3A_59 : memref<40x128xi32, #tpu.memory_space<hbm>>) dst(%arg7 : memref<40x128xi32, #tpu.memory_space<vmem>>)
        tpu.yield
      }) : () -> ()
      "tpu.region"() ({
        %run_scoped3A = tpu.sem_alloc : memref<!tpu.dma_semaphore, #tpu.memory_space<semaphore_mem>>
        %dma_start3A_53 = arith.constant 0 : i32
        %dma_start3A_54 = tpu.memref_slice %arg4[%add3A_24, %dma_start3A_53] : memref<2560x128xi32, #tpu.memory_space<hbm>> -> memref<40x128xi32, #tpu.memory_space<hbm>>
        %dma_start3A_55 = arith.constant 0 : i32
        %dma_start3A_56 = tpu.memref_slice %arg4[%add3A_24, %dma_start3A_55] : memref<2560x128xi32, #tpu.memory_space<hbm>> -> memref<40x128xi32, #tpu.memory_space<hbm>>
        tpu.enqueue_dma source(%dma_start3A_56 : memref<40x128xi32, #tpu.memory_space<hbm>>) target(%arg8 : memref<40x128xi32, #tpu.memory_space<vmem>>) target_semaphore(%run_scoped3A : memref<!tpu.dma_semaphore, #tpu.memory_space<semaphore_mem>>)
        %dma_wait3A = arith.constant 0 : i32
        %dma_wait3A_57 = tpu.memref_slice %arg4[%add3A_24, %dma_wait3A] : memref<2560x128xi32, #tpu.memory_space<hbm>> -> memref<40x128xi32, #tpu.memory_space<hbm>>
        %dma_wait3A_58 = arith.constant 0 : i32
        %dma_wait3A_59 = tpu.memref_slice %arg4[%add3A_24, %dma_wait3A_58] : memref<2560x128xi32, #tpu.memory_space<hbm>> -> memref<40x128xi32, #tpu.memory_space<hbm>>
        tpu.wait_dma2 semaphore(%run_scoped3A : memref<!tpu.dma_semaphore, #tpu.memory_space<semaphore_mem>>) src(%dma_wait3A_59 : memref<40x128xi32, #tpu.memory_space<hbm>>) dst(%arg8 : memref<40x128xi32, #tpu.memory_space<vmem>>)
        tpu.yield
      }) : () -> ()
      %dma_start3A = arith.constant 0 : i32
      %dma_start3A_25 = arith.constant 0 : i32
      %dma_start3A_26 = arith.constant 0 : i32
      %dma_start3A_27 = arith.constant 0 : i32
      %dma_start3A_28 = tpu.memref_slice %arg9[%dma_start3A_25, %dma_start3A_26, %dma_start3A_27] : memref<2x128x128xf32, #tpu.memory_space<vmem>> -> memref<1x128x128xf32, #tpu.memory_space<vmem>>
      %dma_start3A_29 = tpu.memref_squeeze %dma_start3A_28 : memref<1x128x128xf32, #tpu.memory_space<vmem>> -> memref<128x128xf32, #tpu.memory_space<vmem>>
      %dma_start3A_30 = arith.constant 0 : i32
      %dma_start3A_31 = tpu.memref_slice %arg7[%dma_start3A, %dma_start3A_30] : memref<40x128xi32, #tpu.memory_space<vmem>> -> memref<1x128xi32, #tpu.memory_space<vmem>>
      %dma_start3A_32 = tpu.memref_squeeze %dma_start3A_31 : memref<1x128xi32, #tpu.memory_space<vmem>> -> memref<128xi32, #tpu.memory_space<vmem>>
      %dma_start3A_33 = arith.constant 0 : i32
      %dma_start3A_34 = arith.constant 0 : i32
      %dma_start3A_35 = tpu.memref_slice %arg2[%dma_start3A_33, %dma_start3A_34] : memref<10112x128xf32, #tpu.memory_space<hbm>> -> memref<10112x128xf32, #tpu.memory_space<hbm>>
      tpu.enqueue_indirect_dma source(%dma_start3A_35 : memref<10112x128xf32, #tpu.memory_space<hbm>>) target(%dma_start3A_29 : memref<128x128xf32, #tpu.memory_space<vmem>>) offsets(%dma_start3A_32 : memref<128xi32, #tpu.memory_space<vmem>>) semaphore(%arg11 : memref<!tpu.dma_semaphore, #tpu.memory_space<semaphore_mem>>)
      %dma_start3A_36 = arith.constant 1 : i32
      %dma_start3A_37 = arith.constant 1 : i32
      %dma_start3A_38 = arith.constant 0 : i32
      %dma_start3A_39 = arith.constant 0 : i32
      %dma_start3A_40 = tpu.memref_slice %arg9[%dma_start3A_37, %dma_start3A_38, %dma_start3A_39] : memref<2x128x128xf32, #tpu.memory_space<vmem>> -> memref<1x128x128xf32, #tpu.memory_space<vmem>>
      %dma_start3A_41 = tpu.memref_squeeze %dma_start3A_40 : memref<1x128x128xf32, #tpu.memory_space<vmem>> -> memref<128x128xf32, #tpu.memory_space<vmem>>
      %dma_start3A_42 = arith.constant 0 : i32
      %dma_start3A_43 = tpu.memref_slice %arg7[%dma_start3A_36, %dma_start3A_42] : memref<40x128xi32, #tpu.memory_space<vmem>> -> memref<1x128xi32, #tpu.memory_space<vmem>>
      %dma_start3A_44 = tpu.memref_squeeze %dma_start3A_43 : memref<1x128xi32, #tpu.memory_space<vmem>> -> memref<128xi32, #tpu.memory_space<vmem>>
      %dma_start3A_45 = arith.constant 0 : i32
      %dma_start3A_46 = arith.constant 0 : i32
      %dma_start3A_47 = tpu.memref_slice %arg2[%dma_start3A_45, %dma_start3A_46] : memref<10112x128xf32, #tpu.memory_space<hbm>> -> memref<10112x128xf32, #tpu.memory_space<hbm>>
      tpu.enqueue_indirect_dma source(%dma_start3A_47 : memref<10112x128xf32, #tpu.memory_space<hbm>>) target(%dma_start3A_41 : memref<128x128xf32, #tpu.memory_space<vmem>>) offsets(%dma_start3A_44 : memref<128xi32, #tpu.memory_space<vmem>>) semaphore(%arg12 : memref<!tpu.dma_semaphore, #tpu.memory_space<semaphore_mem>>)
      %scan3A = arith.constant 0 : i32
      %scan3A_48 = arith.constant 0 : i32
      %scan3A_49 = arith.constant 10 : i32
      %scan3A_50 = arith.addi %scan3A_48, %scan3A_49 : i32
      %scan3A_51 = arith.constant 1 : i32
      scf.for %scan3A_53 = %scan3A_48 to %scan3A_50 step %scan3A_51  : i32 {
        %mul3A_54 = arith.constant 2 : i32
        %mul3A_55 = arith.muli %scan3A_53, %mul3A_54 : i32
        %mul3A_56 = arith.constant 2 : i32
        %mul3A_57 = arith.muli %mul3A_55, %mul3A_56 : i32
        %add3A_58 = arith.constant 0 : i32
        %add3A_59 = arith.addi %mul3A_57, %add3A_58 : i32
        %dma_wait3A = arith.constant 0 : i32
        %dma_wait3A_60 = arith.constant 0 : i32
        %dma_wait3A_61 = arith.constant 0 : i32
        %dma_wait3A_62 = tpu.memref_slice %arg9[%dma_wait3A, %dma_wait3A_60, %dma_wait3A_61] : memref<2x128x128xf32, #tpu.memory_space<vmem>> -> memref<1x128x128xf32, #tpu.memory_space<vmem>>
        %dma_wait3A_63 = tpu.memref_squeeze %dma_wait3A_62 : memref<1x128x128xf32, #tpu.memory_space<vmem>> -> memref<128x128xf32, #tpu.memory_space<vmem>>
        %dma_wait3A_64 = arith.constant 0 : i32
        %dma_wait3A_65 = tpu.memref_slice %arg7[%add3A_59, %dma_wait3A_64] : memref<40x128xi32, #tpu.memory_space<vmem>> -> memref<1x128xi32, #tpu.memory_space<vmem>>
        %dma_wait3A_66 = tpu.memref_squeeze %dma_wait3A_65 : memref<1x128xi32, #tpu.memory_space<vmem>> -> memref<128xi32, #tpu.memory_space<vmem>>
        %dma_wait3A_67 = arith.constant 0 : i32
        %dma_wait3A_68 = arith.constant 0 : i32
        %dma_wait3A_69 = tpu.memref_slice %arg2[%dma_wait3A_67, %dma_wait3A_68] : memref<10112x128xf32, #tpu.memory_space<hbm>> -> memref<10112x128xf32, #tpu.memory_space<hbm>>
        tpu.wait_indirect_dma semaphore(%arg11 : memref<!tpu.dma_semaphore, #tpu.memory_space<semaphore_mem>>) src(%dma_wait3A_69 : memref<10112x128xf32, #tpu.memory_space<hbm>>) dst(%dma_wait3A_63 : memref<128x128xf32, #tpu.memory_space<vmem>>)
        %run_scoped3A = arith.constant 0 : i32
        "tpu.region"() ({
          %run_scoped3A_137 = tpu.sem_alloc : memref<!tpu.dma_semaphore, #tpu.memory_space<semaphore_mem>>
          %dma_start3A_138 = arith.constant 0 : i32
          %dma_start3A_139 = arith.constant 0 : i32
          %dma_start3A_140 = tpu.memref_slice %arg9[%run_scoped3A, %dma_start3A_138, %dma_start3A_139] : memref<2x128x128xf32, #tpu.memory_space<vmem>> -> memref<1x128x128xf32, #tpu.memory_space<vmem>>
          %dma_start3A_141 = tpu.memref_squeeze %dma_start3A_140 : memref<1x128x128xf32, #tpu.memory_space<vmem>> -> memref<128x128xf32, #tpu.memory_space<vmem>>
          %dma_start3A_142 = arith.constant 0 : i32
          %dma_start3A_143 = tpu.memref_slice %arg8[%add3A_59, %dma_start3A_142] : memref<40x128xi32, #tpu.memory_space<vmem>> -> memref<1x128xi32, #tpu.memory_space<vmem>>
          %dma_start3A_144 = tpu.memref_squeeze %dma_start3A_143 : memref<1x128xi32, #tpu.memory_space<vmem>> -> memref<128xi32, #tpu.memory_space<vmem>>
          %dma_start3A_145 = arith.constant 0 : i32
          %dma_start3A_146 = arith.constant 0 : i32
          %dma_start3A_147 = tpu.memref_slice %arg10[%dma_start3A_145, %dma_start3A_146] : memref<10112x128xf32, #tpu.memory_space<vmem_shared>> -> memref<10112x128xf32, #tpu.memory_space<vmem_shared>>
          tpu.enqueue_indirect_dma source(%dma_start3A_141 : memref<128x128xf32, #tpu.memory_space<vmem>>) target(%dma_start3A_147 : memref<10112x128xf32, #tpu.memory_space<vmem_shared>>) offsets(%dma_start3A_144 : memref<128xi32, #tpu.memory_space<vmem>>) semaphore(%run_scoped3A_137 : memref<!tpu.dma_semaphore, #tpu.memory_space<semaphore_mem>>) {add = true}
          %dma_wait3A_148 = arith.constant 0 : i32
          %dma_wait3A_149 = arith.constant 0 : i32
          %dma_wait3A_150 = tpu.memref_slice %arg9[%run_scoped3A, %dma_wait3A_148, %dma_wait3A_149] : memref<2x128x128xf32, #tpu.memory_space<vmem>> -> memref<1x128x128xf32, #tpu.memory_space<vmem>>
          %dma_wait3A_151 = tpu.memref_squeeze %dma_wait3A_150 : memref<1x128x128xf32, #tpu.memory_space<vmem>> -> memref<128x128xf32, #tpu.memory_space<vmem>>
          %dma_wait3A_152 = arith.constant 0 : i32
          %dma_wait3A_153 = tpu.memref_slice %arg8[%add3A_59, %dma_wait3A_152] : memref<40x128xi32, #tpu.memory_space<vmem>> -> memref<1x128xi32, #tpu.memory_space<vmem>>
          %dma_wait3A_154 = tpu.memref_squeeze %dma_wait3A_153 : memref<1x128xi32, #tpu.memory_space<vmem>> -> memref<128xi32, #tpu.memory_space<vmem>>
          %dma_wait3A_155 = arith.constant 0 : i32
          %dma_wait3A_156 = arith.constant 0 : i32
          %dma_wait3A_157 = tpu.memref_slice %arg10[%dma_wait3A_155, %dma_wait3A_156] : memref<10112x128xf32, #tpu.memory_space<vmem_shared>> -> memref<10112x128xf32, #tpu.memory_space<vmem_shared>>
          tpu.wait_indirect_dma semaphore(%run_scoped3A_137 : memref<!tpu.dma_semaphore, #tpu.memory_space<semaphore_mem>>) src(%dma_wait3A_151 : memref<128x128xf32, #tpu.memory_space<vmem>>) dst(%dma_wait3A_157 : memref<10112x128xf32, #tpu.memory_space<vmem_shared>>)
          tpu.yield
        }) : () -> ()
        %add3A_70 = arith.constant 2 : i32
        %add3A_71 = arith.addi %add3A_59, %add3A_70 : i32
        %lt3A = arith.constant 40 : i32
        %lt3A_72 = arith.cmpi slt, %add3A_71, %lt3A : i32
        %convert_element_type3A = arith.extui %lt3A_72 : i1 to i32
        %cond3A = arith.constant 0 : i32
        %cond3A_73 = arith.cmpi ne, %convert_element_type3A, %cond3A : i32
        scf.if %cond3A_73 {
          %add3A_137 = arith.constant 2 : i32
          %add3A_138 = arith.addi %add3A_59, %add3A_137 : i32
          %dma_start3A_139 = arith.constant 0 : i32
          %dma_start3A_140 = arith.constant 0 : i32
          %dma_start3A_141 = arith.constant 0 : i32
          %dma_start3A_142 = tpu.memref_slice %arg9[%dma_start3A_139, %dma_start3A_140, %dma_start3A_141] : memref<2x128x128xf32, #tpu.memory_space<vmem>> -> memref<1x128x128xf32, #tpu.memory_space<vmem>>
          %dma_start3A_143 = tpu.memref_squeeze %dma_start3A_142 : memref<1x128x128xf32, #tpu.memory_space<vmem>> -> memref<128x128xf32, #tpu.memory_space<vmem>>
          %dma_start3A_144 = arith.constant 0 : i32
          %dma_start3A_145 = tpu.memref_slice %arg7[%add3A_138, %dma_start3A_144] : memref<40x128xi32, #tpu.memory_space<vmem>> -> memref<1x128xi32, #tpu.memory_space<vmem>>
          %dma_start3A_146 = tpu.memref_squeeze %dma_start3A_145 : memref<1x128xi32, #tpu.memory_space<vmem>> -> memref<128xi32, #tpu.memory_space<vmem>>
          %dma_start3A_147 = arith.constant 0 : i32
          %dma_start3A_148 = arith.constant 0 : i32
          %dma_start3A_149 = tpu.memref_slice %arg2[%dma_start3A_147, %dma_start3A_148] : memref<10112x128xf32, #tpu.memory_space<hbm>> -> memref<10112x128xf32, #tpu.memory_space<hbm>>
          tpu.enqueue_indirect_dma source(%dma_start3A_149 : memref<10112x128xf32, #tpu.memory_space<hbm>>) target(%dma_start3A_143 : memref<128x128xf32, #tpu.memory_space<vmem>>) offsets(%dma_start3A_146 : memref<128xi32, #tpu.memory_space<vmem>>) semaphore(%arg13 : memref<!tpu.dma_semaphore, #tpu.memory_space<semaphore_mem>>)
        } else {
        }
        %add3A_74 = arith.constant 1 : i32
        %add3A_75 = arith.addi %mul3A_57, %add3A_74 : i32
        %dma_wait3A_76 = arith.constant 1 : i32
        %dma_wait3A_77 = arith.constant 0 : i32
        %dma_wait3A_78 = arith.constant 0 : i32
        %dma_wait3A_79 = tpu.memref_slice %arg9[%dma_wait3A_76, %dma_wait3A_77, %dma_wait3A_78] : memref<2x128x128xf32, #tpu.memory_space<vmem>> -> memref<1x128x128xf32, #tpu.memory_space<vmem>>
        %dma_wait3A_80 = tpu.memref_squeeze %dma_wait3A_79 : memref<1x128x128xf32, #tpu.memory_space<vmem>> -> memref<128x128xf32, #tpu.memory_space<vmem>>
        %dma_wait3A_81 = arith.constant 0 : i32
        %dma_wait3A_82 = tpu.memref_slice %arg7[%add3A_75, %dma_wait3A_81] : memref<40x128xi32, #tpu.memory_space<vmem>> -> memref<1x128xi32, #tpu.memory_space<vmem>>
        %dma_wait3A_83 = tpu.memref_squeeze %dma_wait3A_82 : memref<1x128xi32, #tpu.memory_space<vmem>> -> memref<128xi32, #tpu.memory_space<vmem>>
        %dma_wait3A_84 = arith.constant 0 : i32
        %dma_wait3A_85 = arith.constant 0 : i32
        %dma_wait3A_86 = tpu.memref_slice %arg2[%dma_wait3A_84, %dma_wait3A_85] : memref<10112x128xf32, #tpu.memory_space<hbm>> -> memref<10112x128xf32, #tpu.memory_space<hbm>>
        tpu.wait_indirect_dma semaphore(%arg12 : memref<!tpu.dma_semaphore, #tpu.memory_space<semaphore_mem>>) src(%dma_wait3A_86 : memref<10112x128xf32, #tpu.memory_space<hbm>>) dst(%dma_wait3A_80 : memref<128x128xf32, #tpu.memory_space<vmem>>)
        %run_scoped3A_87 = arith.constant 1 : i32
        "tpu.region"() ({
          %run_scoped3A_137 = tpu.sem_alloc : memref<!tpu.dma_semaphore, #tpu.memory_space<semaphore_mem>>
          %dma_start3A_138 = arith.constant 0 : i32
          %dma_start3A_139 = arith.constant 0 : i32
          %dma_start3A_140 = tpu.memref_slice %arg9[%run_scoped3A_87, %dma_start3A_138, %dma_start3A_139] : memref<2x128x128xf32, #tpu.memory_space<vmem>> -> memref<1x128x128xf32, #tpu.memory_space<vmem>>
          %dma_start3A_141 = tpu.memref_squeeze %dma_start3A_140 : memref<1x128x128xf32, #tpu.memory_space<vmem>> -> memref<128x128xf32, #tpu.memory_space<vmem>>
          %dma_start3A_142 = arith.constant 0 : i32
          %dma_start3A_143 = tpu.memref_slice %arg8[%add3A_75, %dma_start3A_142] : memref<40x128xi32, #tpu.memory_space<vmem>> -> memref<1x128xi32, #tpu.memory_space<vmem>>
          %dma_start3A_144 = tpu.memref_squeeze %dma_start3A_143 : memref<1x128xi32, #tpu.memory_space<vmem>> -> memref<128xi32, #tpu.memory_space<vmem>>
          %dma_start3A_145 = arith.constant 0 : i32
          %dma_start3A_146 = arith.constant 0 : i32
          %dma_start3A_147 = tpu.memref_slice %arg10[%dma_start3A_145, %dma_start3A_146] : memref<10112x128xf32, #tpu.memory_space<vmem_shared>> -> memref<10112x128xf32, #tpu.memory_space<vmem_shared>>
          tpu.enqueue_indirect_dma source(%dma_start3A_141 : memref<128x128xf32, #tpu.memory_space<vmem>>) target(%dma_start3A_147 : memref<10112x128xf32, #tpu.memory_space<vmem_shared>>) offsets(%dma_start3A_144 : memref<128xi32, #tpu.memory_space<vmem>>) semaphore(%run_scoped3A_137 : memref<!tpu.dma_semaphore, #tpu.memory_space<semaphore_mem>>) {add = true}
          %dma_wait3A_148 = arith.constant 0 : i32
          %dma_wait3A_149 = arith.constant 0 : i32
          %dma_wait3A_150 = tpu.memref_slice %arg9[%run_scoped3A_87, %dma_wait3A_148, %dma_wait3A_149] : memref<2x128x128xf32, #tpu.memory_space<vmem>> -> memref<1x128x128xf32, #tpu.memory_space<vmem>>
          %dma_wait3A_151 = tpu.memref_squeeze %dma_wait3A_150 : memref<1x128x128xf32, #tpu.memory_space<vmem>> -> memref<128x128xf32, #tpu.memory_space<vmem>>
          %dma_wait3A_152 = arith.constant 0 : i32
          %dma_wait3A_153 = tpu.memref_slice %arg8[%add3A_75, %dma_wait3A_152] : memref<40x128xi32, #tpu.memory_space<vmem>> -> memref<1x128xi32, #tpu.memory_space<vmem>>
          %dma_wait3A_154 = tpu.memref_squeeze %dma_wait3A_153 : memref<1x128xi32, #tpu.memory_space<vmem>> -> memref<128xi32, #tpu.memory_space<vmem>>
          %dma_wait3A_155 = arith.constant 0 : i32
          %dma_wait3A_156 = arith.constant 0 : i32
          %dma_wait3A_157 = tpu.memref_slice %arg10[%dma_wait3A_155, %dma_wait3A_156] : memref<10112x128xf32, #tpu.memory_space<vmem_shared>> -> memref<10112x128xf32, #tpu.memory_space<vmem_shared>>
          tpu.wait_indirect_dma semaphore(%run_scoped3A_137 : memref<!tpu.dma_semaphore, #tpu.memory_space<semaphore_mem>>) src(%dma_wait3A_151 : memref<128x128xf32, #tpu.memory_space<vmem>>) dst(%dma_wait3A_157 : memref<10112x128xf32, #tpu.memory_space<vmem_shared>>)
          tpu.yield
        }) : () -> ()
        %add3A_88 = arith.constant 2 : i32
        %add3A_89 = arith.addi %add3A_75, %add3A_88 : i32
        %lt3A_90 = arith.constant 40 : i32
        %lt3A_91 = arith.cmpi slt, %add3A_89, %lt3A_90 : i32
        %convert_element_type3A_92 = arith.extui %lt3A_91 : i1 to i32
        %cond3A_93 = arith.constant 0 : i32
        %cond3A_94 = arith.cmpi ne, %convert_element_type3A_92, %cond3A_93 : i32
        scf.if %cond3A_94 {
          %add3A_137 = arith.constant 2 : i32
          %add3A_138 = arith.addi %add3A_75, %add3A_137 : i32
          %dma_start3A_139 = arith.constant 1 : i32
          %dma_start3A_140 = arith.constant 0 : i32
          %dma_start3A_141 = arith.constant 0 : i32
          %dma_start3A_142 = tpu.memref_slice %arg9[%dma_start3A_139, %dma_start3A_140, %dma_start3A_141] : memref<2x128x128xf32, #tpu.memory_space<vmem>> -> memref<1x128x128xf32, #tpu.memory_space<vmem>>
          %dma_start3A_143 = tpu.memref_squeeze %dma_start3A_142 : memref<1x128x128xf32, #tpu.memory_space<vmem>> -> memref<128x128xf32, #tpu.memory_space<vmem>>
          %dma_start3A_144 = arith.constant 0 : i32
          %dma_start3A_145 = tpu.memref_slice %arg7[%add3A_138, %dma_start3A_144] : memref<40x128xi32, #tpu.memory_space<vmem>> -> memref<1x128xi32, #tpu.memory_space<vmem>>
          %dma_start3A_146 = tpu.memref_squeeze %dma_start3A_145 : memref<1x128xi32, #tpu.memory_space<vmem>> -> memref<128xi32, #tpu.memory_space<vmem>>
          %dma_start3A_147 = arith.constant 0 : i32
          %dma_start3A_148 = arith.constant 0 : i32
          %dma_start3A_149 = tpu.memref_slice %arg2[%dma_start3A_147, %dma_start3A_148] : memref<10112x128xf32, #tpu.memory_space<hbm>> -> memref<10112x128xf32, #tpu.memory_space<hbm>>
          tpu.enqueue_indirect_dma source(%dma_start3A_149 : memref<10112x128xf32, #tpu.memory_space<hbm>>) target(%dma_start3A_143 : memref<128x128xf32, #tpu.memory_space<vmem>>) offsets(%dma_start3A_146 : memref<128xi32, #tpu.memory_space<vmem>>) semaphore(%arg14 : memref<!tpu.dma_semaphore, #tpu.memory_space<semaphore_mem>>)
        } else {
        }
        %add3A_95 = arith.constant 2 : i32
        %add3A_96 = arith.addi %mul3A_57, %add3A_95 : i32
        %dma_wait3A_97 = arith.constant 0 : i32
        %dma_wait3A_98 = arith.constant 0 : i32
        %dma_wait3A_99 = arith.constant 0 : i32
        %dma_wait3A_100 = tpu.memref_slice %arg9[%dma_wait3A_97, %dma_wait3A_98, %dma_wait3A_99] : memref<2x128x128xf32, #tpu.memory_space<vmem>> -> memref<1x128x128xf32, #tpu.memory_space<vmem>>
        %dma_wait3A_101 = tpu.memref_squeeze %dma_wait3A_100 : memref<1x128x128xf32, #tpu.memory_space<vmem>> -> memref<128x128xf32, #tpu.memory_space<vmem>>
        %dma_wait3A_102 = arith.constant 0 : i32
        %dma_wait3A_103 = tpu.memref_slice %arg7[%add3A_96, %dma_wait3A_102] : memref<40x128xi32, #tpu.memory_space<vmem>> -> memref<1x128xi32, #tpu.memory_space<vmem>>
        %dma_wait3A_104 = tpu.memref_squeeze %dma_wait3A_103 : memref<1x128xi32, #tpu.memory_space<vmem>> -> memref<128xi32, #tpu.memory_space<vmem>>
        %dma_wait3A_105 = arith.constant 0 : i32
        %dma_wait3A_106 = arith.constant 0 : i32
        %dma_wait3A_107 = tpu.memref_slice %arg2[%dma_wait3A_105, %dma_wait3A_106] : memref<10112x128xf32, #tpu.memory_space<hbm>> -> memref<10112x128xf32, #tpu.memory_space<hbm>>
        tpu.wait_indirect_dma semaphore(%arg13 : memref<!tpu.dma_semaphore, #tpu.memory_space<semaphore_mem>>) src(%dma_wait3A_107 : memref<10112x128xf32, #tpu.memory_space<hbm>>) dst(%dma_wait3A_101 : memref<128x128xf32, #tpu.memory_space<vmem>>)
        %run_scoped3A_108 = arith.constant 0 : i32
        "tpu.region"() ({
          %run_scoped3A_137 = tpu.sem_alloc : memref<!tpu.dma_semaphore, #tpu.memory_space<semaphore_mem>>
          %dma_start3A_138 = arith.constant 0 : i32
          %dma_start3A_139 = arith.constant 0 : i32
          %dma_start3A_140 = tpu.memref_slice %arg9[%run_scoped3A_108, %dma_start3A_138, %dma_start3A_139] : memref<2x128x128xf32, #tpu.memory_space<vmem>> -> memref<1x128x128xf32, #tpu.memory_space<vmem>>
          %dma_start3A_141 = tpu.memref_squeeze %dma_start3A_140 : memref<1x128x128xf32, #tpu.memory_space<vmem>> -> memref<128x128xf32, #tpu.memory_space<vmem>>
          %dma_start3A_142 = arith.constant 0 : i32
          %dma_start3A_143 = tpu.memref_slice %arg8[%add3A_96, %dma_start3A_142] : memref<40x128xi32, #tpu.memory_space<vmem>> -> memref<1x128xi32, #tpu.memory_space<vmem>>
          %dma_start3A_144 = tpu.memref_squeeze %dma_start3A_143 : memref<1x128xi32, #tpu.memory_space<vmem>> -> memref<128xi32, #tpu.memory_space<vmem>>
          %dma_start3A_145 = arith.constant 0 : i32
          %dma_start3A_146 = arith.constant 0 : i32
          %dma_start3A_147 = tpu.memref_slice %arg10[%dma_start3A_145, %dma_start3A_146] : memref<10112x128xf32, #tpu.memory_space<vmem_shared>> -> memref<10112x128xf32, #tpu.memory_space<vmem_shared>>
          tpu.enqueue_indirect_dma source(%dma_start3A_141 : memref<128x128xf32, #tpu.memory_space<vmem>>) target(%dma_start3A_147 : memref<10112x128xf32, #tpu.memory_space<vmem_shared>>) offsets(%dma_start3A_144 : memref<128xi32, #tpu.memory_space<vmem>>) semaphore(%run_scoped3A_137 : memref<!tpu.dma_semaphore, #tpu.memory_space<semaphore_mem>>) {add = true}
          %dma_wait3A_148 = arith.constant 0 : i32
          %dma_wait3A_149 = arith.constant 0 : i32
          %dma_wait3A_150 = tpu.memref_slice %arg9[%run_scoped3A_108, %dma_wait3A_148, %dma_wait3A_149] : memref<2x128x128xf32, #tpu.memory_space<vmem>> -> memref<1x128x128xf32, #tpu.memory_space<vmem>>
          %dma_wait3A_151 = tpu.memref_squeeze %dma_wait3A_150 : memref<1x128x128xf32, #tpu.memory_space<vmem>> -> memref<128x128xf32, #tpu.memory_space<vmem>>
          %dma_wait3A_152 = arith.constant 0 : i32
          %dma_wait3A_153 = tpu.memref_slice %arg8[%add3A_96, %dma_wait3A_152] : memref<40x128xi32, #tpu.memory_space<vmem>> -> memref<1x128xi32, #tpu.memory_space<vmem>>
          %dma_wait3A_154 = tpu.memref_squeeze %dma_wait3A_153 : memref<1x128xi32, #tpu.memory_space<vmem>> -> memref<128xi32, #tpu.memory_space<vmem>>
          %dma_wait3A_155 = arith.constant 0 : i32
          %dma_wait3A_156 = arith.constant 0 : i32
          %dma_wait3A_157 = tpu.memref_slice %arg10[%dma_wait3A_155, %dma_wait3A_156] : memref<10112x128xf32, #tpu.memory_space<vmem_shared>> -> memref<10112x128xf32, #tpu.memory_space<vmem_shared>>
          tpu.wait_indirect_dma semaphore(%run_scoped3A_137 : memref<!tpu.dma_semaphore, #tpu.memory_space<semaphore_mem>>) src(%dma_wait3A_151 : memref<128x128xf32, #tpu.memory_space<vmem>>) dst(%dma_wait3A_157 : memref<10112x128xf32, #tpu.memory_space<vmem_shared>>)
          tpu.yield
        }) : () -> ()
        %add3A_109 = arith.constant 2 : i32
        %add3A_110 = arith.addi %add3A_96, %add3A_109 : i32
        %lt3A_111 = arith.constant 40 : i32
        %lt3A_112 = arith.cmpi slt, %add3A_110, %lt3A_111 : i32
        %convert_element_type3A_113 = arith.extui %lt3A_112 : i1 to i32
        %cond3A_114 = arith.constant 0 : i32
        %cond3A_115 = arith.cmpi ne, %convert_element_type3A_113, %cond3A_114 : i32
        scf.if %cond3A_115 {
          %add3A_137 = arith.constant 2 : i32
          %add3A_138 = arith.addi %add3A_96, %add3A_137 : i32
          %dma_start3A_139 = arith.constant 0 : i32
          %dma_start3A_140 = arith.constant 0 : i32
          %dma_start3A_141 = arith.constant 0 : i32
          %dma_start3A_142 = tpu.memref_slice %arg9[%dma_start3A_139, %dma_start3A_140, %dma_start3A_141] : memref<2x128x128xf32, #tpu.memory_space<vmem>> -> memref<1x128x128xf32, #tpu.memory_space<vmem>>
          %dma_start3A_143 = tpu.memref_squeeze %dma_start3A_142 : memref<1x128x128xf32, #tpu.memory_space<vmem>> -> memref<128x128xf32, #tpu.memory_space<vmem>>
          %dma_start3A_144 = arith.constant 0 : i32
          %dma_start3A_145 = tpu.memref_slice %arg7[%add3A_138, %dma_start3A_144] : memref<40x128xi32, #tpu.memory_space<vmem>> -> memref<1x128xi32, #tpu.memory_space<vmem>>
          %dma_start3A_146 = tpu.memref_squeeze %dma_start3A_145 : memref<1x128xi32, #tpu.memory_space<vmem>> -> memref<128xi32, #tpu.memory_space<vmem>>
          %dma_start3A_147 = arith.constant 0 : i32
          %dma_start3A_148 = arith.constant 0 : i32
          %dma_start3A_149 = tpu.memref_slice %arg2[%dma_start3A_147, %dma_start3A_148] : memref<10112x128xf32, #tpu.memory_space<hbm>> -> memref<10112x128xf32, #tpu.memory_space<hbm>>
          tpu.enqueue_indirect_dma source(%dma_start3A_149 : memref<10112x128xf32, #tpu.memory_space<hbm>>) target(%dma_start3A_143 : memref<128x128xf32, #tpu.memory_space<vmem>>) offsets(%dma_start3A_146 : memref<128xi32, #tpu.memory_space<vmem>>) semaphore(%arg11 : memref<!tpu.dma_semaphore, #tpu.memory_space<semaphore_mem>>)
        } else {
        }
        %add3A_116 = arith.constant 3 : i32
        %add3A_117 = arith.addi %mul3A_57, %add3A_116 : i32
        %dma_wait3A_118 = arith.constant 1 : i32
        %dma_wait3A_119 = arith.constant 0 : i32
        %dma_wait3A_120 = arith.constant 0 : i32
        %dma_wait3A_121 = tpu.memref_slice %arg9[%dma_wait3A_118, %dma_wait3A_119, %dma_wait3A_120] : memref<2x128x128xf32, #tpu.memory_space<vmem>> -> memref<1x128x128xf32, #tpu.memory_space<vmem>>
        %dma_wait3A_122 = tpu.memref_squeeze %dma_wait3A_121 : memref<1x128x128xf32, #tpu.memory_space<vmem>> -> memref<128x128xf32, #tpu.memory_space<vmem>>
        %dma_wait3A_123 = arith.constant 0 : i32
        %dma_wait3A_124 = tpu.memref_slice %arg7[%add3A_117, %dma_wait3A_123] : memref<40x128xi32, #tpu.memory_space<vmem>> -> memref<1x128xi32, #tpu.memory_space<vmem>>
        %dma_wait3A_125 = tpu.memref_squeeze %dma_wait3A_124 : memref<1x128xi32, #tpu.memory_space<vmem>> -> memref<128xi32, #tpu.memory_space<vmem>>
        %dma_wait3A_126 = arith.constant 0 : i32
        %dma_wait3A_127 = arith.constant 0 : i32
        %dma_wait3A_128 = tpu.memref_slice %arg2[%dma_wait3A_126, %dma_wait3A_127] : memref<10112x128xf32, #tpu.memory_space<hbm>> -> memref<10112x128xf32, #tpu.memory_space<hbm>>
        tpu.wait_indirect_dma semaphore(%arg14 : memref<!tpu.dma_semaphore, #tpu.memory_space<semaphore_mem>>) src(%dma_wait3A_128 : memref<10112x128xf32, #tpu.memory_space<hbm>>) dst(%dma_wait3A_122 : memref<128x128xf32, #tpu.memory_space<vmem>>)
        %run_scoped3A_129 = arith.constant 1 : i32
        "tpu.region"() ({
          %run_scoped3A_137 = tpu.sem_alloc : memref<!tpu.dma_semaphore, #tpu.memory_space<semaphore_mem>>
          %dma_start3A_138 = arith.constant 0 : i32
          %dma_start3A_139 = arith.constant 0 : i32
          %dma_start3A_140 = tpu.memref_slice %arg9[%run_scoped3A_129, %dma_start3A_138, %dma_start3A_139] : memref<2x128x128xf32, #tpu.memory_space<vmem>> -> memref<1x128x128xf32, #tpu.memory_space<vmem>>
          %dma_start3A_141 = tpu.memref_squeeze %dma_start3A_140 : memref<1x128x128xf32, #tpu.memory_space<vmem>> -> memref<128x128xf32, #tpu.memory_space<vmem>>
          %dma_start3A_142 = arith.constant 0 : i32
          %dma_start3A_143 = tpu.memref_slice %arg8[%add3A_117, %dma_start3A_142] : memref<40x128xi32, #tpu.memory_space<vmem>> -> memref<1x128xi32, #tpu.memory_space<vmem>>
          %dma_start3A_144 = tpu.memref_squeeze %dma_start3A_143 : memref<1x128xi32, #tpu.memory_space<vmem>> -> memref<128xi32, #tpu.memory_space<vmem>>
          %dma_start3A_145 = arith.constant 0 : i32
          %dma_start3A_146 = arith.constant 0 : i32
          %dma_start3A_147 = tpu.memref_slice %arg10[%dma_start3A_145, %dma_start3A_146] : memref<10112x128xf32, #tpu.memory_space<vmem_shared>> -> memref<10112x128xf32, #tpu.memory_space<vmem_shared>>
          tpu.enqueue_indirect_dma source(%dma_start3A_141 : memref<128x128xf32, #tpu.memory_space<vmem>>) target(%dma_start3A_147 : memref<10112x128xf32, #tpu.memory_space<vmem_shared>>) offsets(%dma_start3A_144 : memref<128xi32, #tpu.memory_space<vmem>>) semaphore(%run_scoped3A_137 : memref<!tpu.dma_semaphore, #tpu.memory_space<semaphore_mem>>) {add = true}
          %dma_wait3A_148 = arith.constant 0 : i32
          %dma_wait3A_149 = arith.constant 0 : i32
          %dma_wait3A_150 = tpu.memref_slice %arg9[%run_scoped3A_129, %dma_wait3A_148, %dma_wait3A_149] : memref<2x128x128xf32, #tpu.memory_space<vmem>> -> memref<1x128x128xf32, #tpu.memory_space<vmem>>
          %dma_wait3A_151 = tpu.memref_squeeze %dma_wait3A_150 : memref<1x128x128xf32, #tpu.memory_space<vmem>> -> memref<128x128xf32, #tpu.memory_space<vmem>>
          %dma_wait3A_152 = arith.constant 0 : i32
          %dma_wait3A_153 = tpu.memref_slice %arg8[%add3A_117, %dma_wait3A_152] : memref<40x128xi32, #tpu.memory_space<vmem>> -> memref<1x128xi32, #tpu.memory_space<vmem>>
          %dma_wait3A_154 = tpu.memref_squeeze %dma_wait3A_153 : memref<1x128xi32, #tpu.memory_space<vmem>> -> memref<128xi32, #tpu.memory_space<vmem>>
          %dma_wait3A_155 = arith.constant 0 : i32
          %dma_wait3A_156 = arith.constant 0 : i32
          %dma_wait3A_157 = tpu.memref_slice %arg10[%dma_wait3A_155, %dma_wait3A_156] : memref<10112x128xf32, #tpu.memory_space<vmem_shared>> -> memref<10112x128xf32, #tpu.memory_space<vmem_shared>>
          tpu.wait_indirect_dma semaphore(%run_scoped3A_137 : memref<!tpu.dma_semaphore, #tpu.memory_space<semaphore_mem>>) src(%dma_wait3A_151 : memref<128x128xf32, #tpu.memory_space<vmem>>) dst(%dma_wait3A_157 : memref<10112x128xf32, #tpu.memory_space<vmem_shared>>)
          tpu.yield
        }) : () -> ()
        %add3A_130 = arith.constant 2 : i32
        %add3A_131 = arith.addi %add3A_117, %add3A_130 : i32
        %lt3A_132 = arith.constant 40 : i32
        %lt3A_133 = arith.cmpi slt, %add3A_131, %lt3A_132 : i32
        %convert_element_type3A_134 = arith.extui %lt3A_133 : i1 to i32
        %cond3A_135 = arith.constant 0 : i32
        %cond3A_136 = arith.cmpi ne, %convert_element_type3A_134, %cond3A_135 : i32
        scf.if %cond3A_136 {
          %add3A_137 = arith.constant 2 : i32
          %add3A_138 = arith.addi %add3A_117, %add3A_137 : i32
          %dma_start3A_139 = arith.constant 1 : i32
          %dma_start3A_140 = arith.constant 0 : i32
          %dma_start3A_141 = arith.constant 0 : i32
          %dma_start3A_142 = tpu.memref_slice %arg9[%dma_start3A_139, %dma_start3A_140, %dma_start3A_141] : memref<2x128x128xf32, #tpu.memory_space<vmem>> -> memref<1x128x128xf32, #tpu.memory_space<vmem>>
          %dma_start3A_143 = tpu.memref_squeeze %dma_start3A_142 : memref<1x128x128xf32, #tpu.memory_space<vmem>> -> memref<128x128xf32, #tpu.memory_space<vmem>>
          %dma_start3A_144 = arith.constant 0 : i32
          %dma_start3A_145 = tpu.memref_slice %arg7[%add3A_138, %dma_start3A_144] : memref<40x128xi32, #tpu.memory_space<vmem>> -> memref<1x128xi32, #tpu.memory_space<vmem>>
          %dma_start3A_146 = tpu.memref_squeeze %dma_start3A_145 : memref<1x128xi32, #tpu.memory_space<vmem>> -> memref<128xi32, #tpu.memory_space<vmem>>
          %dma_start3A_147 = arith.constant 0 : i32
          %dma_start3A_148 = arith.constant 0 : i32
          %dma_start3A_149 = tpu.memref_slice %arg2[%dma_start3A_147, %dma_start3A_148] : memref<10112x128xf32, #tpu.memory_space<hbm>> -> memref<10112x128xf32, #tpu.memory_space<hbm>>
          tpu.enqueue_indirect_dma source(%dma_start3A_149 : memref<10112x128xf32, #tpu.memory_space<hbm>>) target(%dma_start3A_143 : memref<128x128xf32, #tpu.memory_space<vmem>>) offsets(%dma_start3A_146 : memref<128xi32, #tpu.memory_space<vmem>>) semaphore(%arg12 : memref<!tpu.dma_semaphore, #tpu.memory_space<semaphore_mem>>)
        } else {
        }
      }
      %scan3A_52 = arith.constant 10 : i32
    }
    %barrier3A_20 = arith.constant 0 : index
    tpu.barrier barrier_id(%barrier3A_20)
    "tpu.region"() ({
      %run_scoped3A = tpu.sem_alloc : memref<!tpu.dma_semaphore, #tpu.memory_space<semaphore_mem>>
      %dma_start3A = arith.constant 0 : i32
      %dma_start3A_21 = tpu.memref_slice %arg6[%arg0, %mul3A_0, %dma_start3A] : memref<2x10112x128xf32, #tpu.memory_space<hbm>> -> memref<1x632x128xf32, #tpu.memory_space<hbm>>
      %dma_start3A_22 = tpu.memref_squeeze %dma_start3A_21 : memref<1x632x128xf32, #tpu.memory_space<hbm>> -> memref<632x128xf32, #tpu.memory_space<hbm>>
      %dma_start3A_23 = arith.constant 0 : i32
      %dma_start3A_24 = tpu.memref_slice %arg10[%mul3A_0, %dma_start3A_23] : memref<10112x128xf32, #tpu.memory_space<vmem_shared>> -> memref<632x128xf32, #tpu.memory_space<vmem_shared>>
      tpu.enqueue_dma source(%dma_start3A_24 : memref<632x128xf32, #tpu.memory_space<vmem_shared>>) target(%dma_start3A_22 : memref<632x128xf32, #tpu.memory_space<hbm>>) target_semaphore(%run_scoped3A : memref<!tpu.dma_semaphore, #tpu.memory_space<semaphore_mem>>)
      %dma_wait3A = arith.constant 0 : i32
      %dma_wait3A_25 = tpu.memref_slice %arg6[%arg0, %mul3A_0, %dma_wait3A] : memref<2x10112x128xf32, #tpu.memory_space<hbm>> -> memref<1x632x128xf32, #tpu.memory_space<hbm>>
      %dma_wait3A_26 = tpu.memref_squeeze %dma_wait3A_25 : memref<1x632x128xf32, #tpu.memory_space<hbm>> -> memref<632x128xf32, #tpu.memory_space<hbm>>
      %dma_wait3A_27 = arith.constant 0 : i32
      %dma_wait3A_28 = tpu.memref_slice %arg10[%mul3A_0, %dma_wait3A_27] : memref<10112x128xf32, #tpu.memory_space<vmem_shared>> -> memref<632x128xf32, #tpu.memory_space<vmem_shared>>
      tpu.wait_dma2 semaphore(%run_scoped3A : memref<!tpu.dma_semaphore, #tpu.memory_space<semaphore_mem>>) src(%dma_wait3A_28 : memref<632x128xf32, #tpu.memory_space<vmem_shared>>) dst(%dma_wait3A_26 : memref<632x128xf32, #tpu.memory_space<hbm>>)
      tpu.yield
    }) : () -> ()
    return
  }
}

module attributes {stable_mosaic.version = 14 : i64} {
  func.func @body(%arg0: i32, %arg1: memref<632x128xf32, #tpu.memory_space<vmem>>, %arg2: memref<632x128xf32, #tpu.memory_space<vmem>>, %arg3: memref<632x128xf32, #tpu.memory_space<vmem>>, %arg4: memref<128x128xf32, #tpu.memory_space<vmem>>, %arg5: memref<632x128xf32, #tpu.memory_space<vmem>>, %arg6: memref<632x128xf32, #tpu.memory_space<vmem>>) attributes {dimension_semantics = [#tpu.dimension_semantics<arbitrary>], iteration_bounds = array<i64: 16>, scalar_prefetch = 0 : i64, scratch_operands = 0 : i64, tpu.core_type = #tpu.core_type<tc>, window_params = [{transform_indices = @transform_0, window_bounds = array<i64: 632, 128>}, {transform_indices = @transform_1, window_bounds = array<i64: 632, 128>}, {transform_indices = @transform_2, window_bounds = array<i64: 632, 128>}, {pipeline_mode = #tpu.pipeline_mode<synchronous>, transform_indices = @transform_3, window_bounds = array<i64: 128, 128>}, {transform_indices = @transform_4, window_bounds = array<i64: 632, 128>}, {transform_indices = @transform_5, window_bounds = array<i64: 632, 128>}]} {
    %get3A = arith.constant 0 : index
    %get3A_0 = arith.constant 0 : index
    %get3A_1 = vector.load %arg2[%get3A, %get3A_0] : memref<632x128xf32, #tpu.memory_space<vmem>>, vector<632x1xf32>
    %get3A_2 = arith.constant 0 : index
    %get3A_3 = arith.constant 0 : index
    %get3A_4 = vector.load %arg3[%get3A_2, %get3A_3] : memref<632x128xf32, #tpu.memory_space<vmem>>, vector<632x1xf32>
    %add3A = arith.addf %get3A_1, %get3A_4 : vector<632x1xf32>
    %add3A_5 = arith.constant 1.000000e+00 : f32
    %add3A_6 = vector.broadcast %add3A_5 : f32 to vector<632x1xf32>
    %add3A_7 = arith.addf %add3A, %add3A_6 : vector<632x1xf32>
    %rsqrt3A = math.rsqrt %add3A_7 : vector<632x1xf32>
    %broadcast_in_dim3A = vector.shape_cast %rsqrt3A : vector<632x1xf32> to vector<632x1xf32>
    %broadcast_in_dim3A_8 = vector.broadcast %broadcast_in_dim3A : vector<632x1xf32> to vector<632x128xf32>
    %swap3A = arith.constant 0 : index
    %swap3A_9 = arith.constant 0 : index
    %swap3A_10 = vector.load %arg5[%swap3A, %swap3A_9] : memref<632x128xf32, #tpu.memory_space<vmem>>, vector<632x128xf32>
    tpu.vector_store %arg5[%swap3A, %swap3A_9], %broadcast_in_dim3A_8 {strides = array<i32>} : memref<632x128xf32, #tpu.memory_space<vmem>>, vector<632x128xf32>,
    %get3A_11 = arith.constant 0 : index
    %get3A_12 = arith.constant 0 : index
    %get3A_13 = vector.load %arg1[%get3A_11, %get3A_12] : memref<632x128xf32, #tpu.memory_space<vmem>>, vector<632x128xf32>
    %get3A_14 = arith.constant 0 : index
    %get3A_15 = arith.constant 0 : index
    %get3A_16 = vector.load %arg4[%get3A_14, %get3A_15] : memref<128x128xf32, #tpu.memory_space<vmem>>, vector<128x128xf32>
    %dot_general3A = arith.constant dense<0.000000e+00> : vector<632x128xf32>
    %dot_general3A_17 = tpu.matmul %get3A_13, %get3A_16, %dot_general3A {dimension_numbers = #tpu.dot_dimension_numbers<[1], [0], [0], [1], [0, 0, 1, 1], [], []>, transpose_lhs_hint = false} : vector<632x128xf32>, vector<128x128xf32>, vector<632x128xf32> -> vector<632x128xf32>
    %mul3A = arith.mulf %broadcast_in_dim3A_8, %dot_general3A_17 : vector<632x128xf32>
    %swap3A_18 = arith.constant 0 : index
    %swap3A_19 = arith.constant 0 : index
    %swap3A_20 = vector.load %arg6[%swap3A_18, %swap3A_19] : memref<632x128xf32, #tpu.memory_space<vmem>>, vector<632x128xf32>
    tpu.vector_store %arg6[%swap3A_18, %swap3A_19], %mul3A {strides = array<i32>} : memref<632x128xf32, #tpu.memory_space<vmem>>, vector<632x128xf32>,
    return
  }
  func.func @transform_0(%arg0: i32) -> (i32, i32) {
    %c0_i32 = arith.constant 0 : i32
    %c0_i32_0 = arith.constant 0 : i32
    return %arg0, %c0_i32 : i32, i32
  }
  func.func @transform_1(%arg0: i32) -> (i32, i32) {
    %c0_i32 = arith.constant 0 : i32
    %c0_i32_0 = arith.constant 0 : i32
    return %arg0, %c0_i32 : i32, i32
  }
  func.func @transform_2(%arg0: i32) -> (i32, i32) {
    %c0_i32 = arith.constant 0 : i32
    %c0_i32_0 = arith.constant 0 : i32
    return %arg0, %c0_i32 : i32, i32
  }
  func.func @transform_3(%arg0: i32) -> (i32, i32) {
    %c0_i32 = arith.constant 0 : i32
    %c0_i32_0 = arith.constant 0 : i32
    %c0_i32_1 = arith.constant 0 : i32
    return %c0_i32, %c0_i32_0 : i32, i32
  }
  func.func @transform_4(%arg0: i32) -> (i32, i32) {
    %c0_i32 = arith.constant 0 : i32
    %c0_i32_0 = arith.constant 0 : i32
    return %arg0, %c0_i32 : i32, i32
  }
  func.func @transform_5(%arg0: i32) -> (i32, i32) {
    %c0_i32 = arith.constant 0 : i32
    %c0_i32_0 = arith.constant 0 : i32
    return %arg0, %c0_i32 : i32, i32
  }
}

module attributes {stable_mosaic.version = 14 : i64} {
  func.func @body(%arg0: i32, %arg1: memref<632x128xf32, #tpu.memory_space<vmem>>, %arg2: memref<632x128xf32, #tpu.memory_space<vmem>>, %arg3: memref<632x128xf32, #tpu.memory_space<vmem>>, %arg4: memref<632x128xf32, #tpu.memory_space<vmem>>, %arg5: memref<1x128xf32, #tpu.memory_space<vmem>>, %arg6: memref<128x128xf32, #tpu.memory_space<vmem>>, %arg7: memref<632x128xf32, #tpu.memory_space<vmem>>) attributes {dimension_semantics = [#tpu.dimension_semantics<arbitrary>], iteration_bounds = array<i64: 16>, scalar_prefetch = 0 : i64, scratch_operands = 0 : i64, tpu.core_type = #tpu.core_type<tc>, window_params = [{transform_indices = @transform_0, window_bounds = array<i64: 632, 128>}, {transform_indices = @transform_1, window_bounds = array<i64: 632, 128>}, {transform_indices = @transform_2, window_bounds = array<i64: 632, 128>}, {transform_indices = @transform_3, window_bounds = array<i64: 632, 128>}, {pipeline_mode = #tpu.pipeline_mode<synchronous>, transform_indices = @transform_4, window_bounds = array<i64: 1, 128>}, {pipeline_mode = #tpu.pipeline_mode<synchronous>, transform_indices = @transform_5, window_bounds = array<i64: 128, 128>}, {transform_indices = @transform_6, window_bounds = array<i64: 632, 128>}]} {
    %get3A = arith.constant 0 : index
    %get3A_0 = arith.constant 0 : index
    %get3A_1 = vector.load %arg4[%get3A, %get3A_0] : memref<632x128xf32, #tpu.memory_space<vmem>>, vector<632x128xf32>
    %get3A_2 = arith.constant 0 : index
    %get3A_3 = arith.constant 0 : index
    %get3A_4 = vector.load %arg1[%get3A_2, %get3A_3] : memref<632x128xf32, #tpu.memory_space<vmem>>, vector<632x128xf32>
    %get3A_5 = arith.constant 0 : index
    %get3A_6 = arith.constant 0 : index
    %get3A_7 = vector.load %arg2[%get3A_5, %get3A_6] : memref<632x128xf32, #tpu.memory_space<vmem>>, vector<632x128xf32>
    %add3A = arith.addf %get3A_4, %get3A_7 : vector<632x128xf32>
    %get3A_8 = arith.constant 0 : index
    %get3A_9 = arith.constant 0 : index
    %get3A_10 = vector.load %arg3[%get3A_8, %get3A_9] : memref<632x128xf32, #tpu.memory_space<vmem>>, vector<632x128xf32>
    %add3A_11 = arith.addf %add3A, %get3A_10 : vector<632x128xf32>
    %mul3A = arith.mulf %get3A_1, %add3A_11 : vector<632x128xf32>
    %get3A_12 = arith.constant 0 : index
    %get3A_13 = arith.constant 0 : index
    %get3A_14 = vector.load %arg5[%get3A_12, %get3A_13] : memref<1x128xf32, #tpu.memory_space<vmem>>, vector<1x128xf32>
    %add3A_15 = vector.broadcast %get3A_14 : vector<1x128xf32> to vector<632x128xf32>
    %add3A_16 = arith.addf %mul3A, %add3A_15 : vector<632x128xf32>
    %tanh3A = math.tanh %add3A_16 : vector<632x128xf32>
    %get3A_17 = arith.constant 0 : index
    %get3A_18 = arith.constant 0 : index
    %get3A_19 = vector.load %arg6[%get3A_17, %get3A_18] : memref<128x128xf32, #tpu.memory_space<vmem>>, vector<128x128xf32>
    %dot_general3A = arith.constant dense<0.000000e+00> : vector<632x128xf32>
    %dot_general3A_20 = tpu.matmul %tanh3A, %get3A_19, %dot_general3A {dimension_numbers = #tpu.dot_dimension_numbers<[1], [0], [0], [1], [0, 0, 1, 1], [], []>, transpose_lhs_hint = false} : vector<632x128xf32>, vector<128x128xf32>, vector<632x128xf32> -> vector<632x128xf32>
    %mul3A_21 = arith.mulf %get3A_1, %dot_general3A_20 : vector<632x128xf32>
    %swap3A = arith.constant 0 : index
    %swap3A_22 = arith.constant 0 : index
    %swap3A_23 = vector.load %arg7[%swap3A, %swap3A_22] : memref<632x128xf32, #tpu.memory_space<vmem>>, vector<632x128xf32>
    tpu.vector_store %arg7[%swap3A, %swap3A_22], %mul3A_21 {strides = array<i32>} : memref<632x128xf32, #tpu.memory_space<vmem>>, vector<632x128xf32>,
    return
  }
  func.func @transform_0(%arg0: i32) -> (i32, i32) {
    %c0_i32 = arith.constant 0 : i32
    %c0_i32_0 = arith.constant 0 : i32
    return %arg0, %c0_i32 : i32, i32
  }
  func.func @transform_1(%arg0: i32) -> (i32, i32) {
    %c0_i32 = arith.constant 0 : i32
    %c0_i32_0 = arith.constant 0 : i32
    return %arg0, %c0_i32 : i32, i32
  }
  func.func @transform_2(%arg0: i32) -> (i32, i32) {
    %c0_i32 = arith.constant 0 : i32
    %c0_i32_0 = arith.constant 0 : i32
    return %arg0, %c0_i32 : i32, i32
  }
  func.func @transform_3(%arg0: i32) -> (i32, i32) {
    %c0_i32 = arith.constant 0 : i32
    %c0_i32_0 = arith.constant 0 : i32
    return %arg0, %c0_i32 : i32, i32
  }
  func.func @transform_4(%arg0: i32) -> (i32, i32) {
    %c0_i32 = arith.constant 0 : i32
    %c0_i32_0 = arith.constant 0 : i32
    %c0_i32_1 = arith.constant 0 : i32
    return %c0_i32, %c0_i32_0 : i32, i32
  }
  func.func @transform_5(%arg0: i32) -> (i32, i32) {
    %c0_i32 = arith.constant 0 : i32
    %c0_i32_0 = arith.constant 0 : i32
    %c0_i32_1 = arith.constant 0 : i32
    return %c0_i32, %c0_i32_0 : i32, i32
  }
  func.func @transform_6(%arg0: i32) -> (i32, i32) {
    %c0_i32 = arith.constant 0 : i32
    %c0_i32_0 = arith.constant 0 : i32
    return %arg0, %c0_i32 : i32, i32
  }
}

module attributes {stable_mosaic.version = 14 : i64} {
  func.func @body(%arg0: i32, %arg1: memref<632x128xf32, #tpu.memory_space<vmem>>, %arg2: memref<632x128xf32, #tpu.memory_space<vmem>>, %arg3: memref<632x128xf32, #tpu.memory_space<vmem>>, %arg4: memref<632x128xf32, #tpu.memory_space<vmem>>, %arg5: memref<1x128xf32, #tpu.memory_space<vmem>>, %arg6: memref<632x128xf32, #tpu.memory_space<vmem>>) attributes {dimension_semantics = [#tpu.dimension_semantics<arbitrary>], iteration_bounds = array<i64: 16>, scalar_prefetch = 0 : i64, scratch_operands = 0 : i64, tpu.core_type = #tpu.core_type<tc>, window_params = [{transform_indices = @transform_0, window_bounds = array<i64: 632, 128>}, {transform_indices = @transform_1, window_bounds = array<i64: 632, 128>}, {transform_indices = @transform_2, window_bounds = array<i64: 632, 128>}, {transform_indices = @transform_3, window_bounds = array<i64: 632, 128>}, {pipeline_mode = #tpu.pipeline_mode<synchronous>, transform_indices = @transform_4, window_bounds = array<i64: 1, 128>}, {transform_indices = @transform_5, window_bounds = array<i64: 632, 128>}]} {
    %get3A = arith.constant 0 : index
    %get3A_0 = arith.constant 0 : index
    %get3A_1 = vector.load %arg4[%get3A, %get3A_0] : memref<632x128xf32, #tpu.memory_space<vmem>>, vector<632x128xf32>
    %get3A_2 = arith.constant 0 : index
    %get3A_3 = arith.constant 0 : index
    %get3A_4 = vector.load %arg1[%get3A_2, %get3A_3] : memref<632x128xf32, #tpu.memory_space<vmem>>, vector<632x128xf32>
    %get3A_5 = arith.constant 0 : index
    %get3A_6 = arith.constant 0 : index
    %get3A_7 = vector.load %arg2[%get3A_5, %get3A_6] : memref<632x128xf32, #tpu.memory_space<vmem>>, vector<632x128xf32>
    %add3A = arith.addf %get3A_4, %get3A_7 : vector<632x128xf32>
    %get3A_8 = arith.constant 0 : index
    %get3A_9 = arith.constant 0 : index
    %get3A_10 = vector.load %arg3[%get3A_8, %get3A_9] : memref<632x128xf32, #tpu.memory_space<vmem>>, vector<632x128xf32>
    %add3A_11 = arith.addf %add3A, %get3A_10 : vector<632x128xf32>
    %mul3A = arith.mulf %get3A_1, %add3A_11 : vector<632x128xf32>
    %get3A_12 = arith.constant 0 : index
    %get3A_13 = arith.constant 0 : index
    %get3A_14 = vector.load %arg5[%get3A_12, %get3A_13] : memref<1x128xf32, #tpu.memory_space<vmem>>, vector<1x128xf32>
    %add3A_15 = vector.broadcast %get3A_14 : vector<1x128xf32> to vector<632x128xf32>
    %add3A_16 = arith.addf %mul3A, %add3A_15 : vector<632x128xf32>
    %tanh3A = math.tanh %add3A_16 : vector<632x128xf32>
    %swap3A = arith.constant 0 : index
    %swap3A_17 = arith.constant 0 : index
    %swap3A_18 = vector.load %arg6[%swap3A, %swap3A_17] : memref<632x128xf32, #tpu.memory_space<vmem>>, vector<632x128xf32>
    tpu.vector_store %arg6[%swap3A, %swap3A_17], %tanh3A {strides = array<i32>} : memref<632x128xf32, #tpu.memory_space<vmem>>, vector<632x128xf32>,
    return
  }
  func.func @transform_0(%arg0: i32) -> (i32, i32) {
    %c0_i32 = arith.constant 0 : i32
    %c0_i32_0 = arith.constant 0 : i32
    return %arg0, %c0_i32 : i32, i32
  }
  func.func @transform_1(%arg0: i32) -> (i32, i32) {
    %c0_i32 = arith.constant 0 : i32
    %c0_i32_0 = arith.constant 0 : i32
    return %arg0, %c0_i32 : i32, i32
  }
  func.func @transform_2(%arg0: i32) -> (i32, i32) {
    %c0_i32 = arith.constant 0 : i32
    %c0_i32_0 = arith.constant 0 : i32
    return %arg0, %c0_i32 : i32, i32
  }
  func.func @transform_3(%arg0: i32) -> (i32, i32) {
    %c0_i32 = arith.constant 0 : i32
    %c0_i32_0 = arith.constant 0 : i32
    return %arg0, %c0_i32 : i32, i32
  }
  func.func @transform_4(%arg0: i32) -> (i32, i32) {
    %c0_i32 = arith.constant 0 : i32
    %c0_i32_0 = arith.constant 0 : i32
    %c0_i32_1 = arith.constant 0 : i32
    return %c0_i32, %c0_i32_0 : i32, i32
  }
  func.func @transform_5(%arg0: i32) -> (i32, i32) {
    %c0_i32 = arith.constant 0 : i32
    %c0_i32_0 = arith.constant 0 : i32
    return %arg0, %c0_i32 : i32, i32
  }
}

module attributes {stable_mosaic.version = 14 : i64} {
  func.func @body(%arg0: i32, %arg1: memref<1000x128xf32, #tpu.memory_space<vmem>>, %arg2: memref<1x1000x1xi32, #tpu.memory_space<vmem>>, %arg3: memref<256x32xf32, #tpu.memory_space<vmem>>, %arg4: memref<1x32xf32, #tpu.memory_space<vmem>>, %arg5: memref<64x32xf32, #tpu.memory_space<vmem>>, %arg6: memref<64x128xf32, #tpu.memory_space<vmem>>, %arg7: memref<64x128xf32, #tpu.memory_space<vmem>>, %arg8: memref<64x128xf32, #tpu.memory_space<vmem>>) attributes {dimension_semantics = [#tpu.dimension_semantics<arbitrary>], iteration_bounds = array<i64: 10>, scalar_prefetch = 0 : i64, scratch_operands = 3 : i64, tpu.core_type = #tpu.core_type<tc>, window_params = [{transform_indices = @transform_0, window_bounds = array<i64: 1000, 128>}, {transform_indices = @transform_1, window_bounds = array<i64: 1, 1000, 1>}, {pipeline_mode = #tpu.pipeline_mode<synchronous>, transform_indices = @transform_2, window_bounds = array<i64: 256, 32>}, {pipeline_mode = #tpu.pipeline_mode<synchronous>, transform_indices = @transform_3, window_bounds = array<i64: 1, 32>}, {pipeline_mode = #tpu.pipeline_mode<synchronous>, transform_indices = @transform_4, window_bounds = array<i64: 64, 32>}]} {
    %eq3A = arith.constant 0 : i32
    %eq3A_0 = arith.cmpi eq, %arg0, %eq3A : i32
    %convert_element_type3A = arith.extui %eq3A_0 : i1 to i32
    %cond3A = arith.constant 0 : i32
    %cond3A_1 = arith.cmpi ne, %convert_element_type3A, %cond3A : i32
    scf.if %cond3A_1 {
      %broadcast_in_dim3A_1181 = arith.constant 0xFF800000 : f32
      %broadcast_in_dim3A_1182 = vector.broadcast %broadcast_in_dim3A_1181 : f32 to vector<64x128xf32>
      %swap3A_1183 = arith.constant 0 : index
      %swap3A_1184 = arith.constant 0 : index
      %swap3A_1185 = vector.load %arg6[%swap3A_1183, %swap3A_1184] : memref<64x128xf32, #tpu.memory_space<vmem>>, vector<64x128xf32>
      tpu.vector_store %arg6[%swap3A_1183, %swap3A_1184], %broadcast_in_dim3A_1182 {strides = array<i32>} : memref<64x128xf32, #tpu.memory_space<vmem>>, vector<64x128xf32>,
      %broadcast_in_dim3A_1186 = arith.constant 0.000000e+00 : f32
      %broadcast_in_dim3A_1187 = vector.broadcast %broadcast_in_dim3A_1186 : f32 to vector<64x128xf32>
      %swap3A_1188 = arith.constant 0 : index
      %swap3A_1189 = arith.constant 0 : index
      %swap3A_1190 = vector.load %arg7[%swap3A_1188, %swap3A_1189] : memref<64x128xf32, #tpu.memory_space<vmem>>, vector<64x128xf32>
      tpu.vector_store %arg7[%swap3A_1188, %swap3A_1189], %broadcast_in_dim3A_1187 {strides = array<i32>} : memref<64x128xf32, #tpu.memory_space<vmem>>, vector<64x128xf32>,
      %broadcast_in_dim3A_1191 = arith.constant 0.000000e+00 : f32
      %broadcast_in_dim3A_1192 = vector.broadcast %broadcast_in_dim3A_1191 : f32 to vector<64x128xf32>
      %swap3A_1193 = arith.constant 0 : index
      %swap3A_1194 = arith.constant 0 : index
      %swap3A_1195 = vector.load %arg8[%swap3A_1193, %swap3A_1194] : memref<64x128xf32, #tpu.memory_space<vmem>>, vector<64x128xf32>
      tpu.vector_store %arg8[%swap3A_1193, %swap3A_1194], %broadcast_in_dim3A_1192 {strides = array<i32>} : memref<64x128xf32, #tpu.memory_space<vmem>>, vector<64x128xf32>,
    } else {
    }
    %get3A = arith.constant 0 : index
    %get3A_2 = arith.constant 0 : index
    %get3A_3 = vector.load %arg1[%get3A, %get3A_2] : memref<1000x128xf32, #tpu.memory_space<vmem>>, vector<1000x128xf32>
    %get3A_4 = arith.constant 0 : index
    %get3A_5 = arith.constant 0 : index
    %get3A_6 = arith.constant 0 : index
    %get3A_7 = vector.load %arg2[%get3A_4, %get3A_5, %get3A_6] : memref<1x1000x1xi32, #tpu.memory_space<vmem>>, vector<1x1000x1xi32>
    %reshape3A = vector.shape_cast %get3A_7 : vector<1x1000x1xi32> to vector<1000x1xi32>
    %iota3A = tpu.iota {dimensions = array<i32: 1>} : vector<1000x64xi32>
    %eq3A_8 = vector.broadcast %reshape3A : vector<1000x1xi32> to vector<1000x64xi32>
    %eq3A_9 = arith.cmpi eq, %eq3A_8, %iota3A : vector<1000x64xi32>
    %convert_element_type3A_10 = arith.extui %eq3A_9 : vector<1000x64xi1> to vector<1000x64xi32>
    %convert_element_type3A_11 = arith.sitofp %convert_element_type3A_10 : vector<1000x64xi32> to vector<1000x64xf32>
    %get3A_12 = arith.constant 0 : index
    %get3A_13 = arith.constant 0 : index
    %get3A_14 = vector.load %arg7[%get3A_12, %get3A_13] : memref<64x128xf32, #tpu.memory_space<vmem>>, vector<64x128xf32>
    %dot_general3A = arith.constant dense<0.000000e+00> : vector<64x128xf32>
    %dot_general3A_15 = tpu.matmul %convert_element_type3A_11, %get3A_3, %dot_general3A {dimension_numbers = #tpu.dot_dimension_numbers<[0], [0], [1], [1], [0, 1, 1, 1], [], []>, transpose_lhs_hint = false} : vector<1000x64xf32>, vector<1000x128xf32>, vector<64x128xf32> -> vector<64x128xf32>
    %add3A = arith.addf %get3A_14, %dot_general3A_15 : vector<64x128xf32>
    %swap3A = arith.constant 0 : index
    %swap3A_16 = arith.constant 0 : index
    %swap3A_17 = vector.load %arg7[%swap3A, %swap3A_16] : memref<64x128xf32, #tpu.memory_space<vmem>>, vector<64x128xf32>
    tpu.vector_store %arg7[%swap3A, %swap3A_16], %add3A {strides = array<i32>} : memref<64x128xf32, #tpu.memory_space<vmem>>, vector<64x128xf32>,
    %get3A_18 = arith.constant 0 : index
    %get3A_19 = arith.constant 0 : index
    %get3A_20 = vector.load %arg8[%get3A_18, %get3A_19] : memref<64x128xf32, #tpu.memory_space<vmem>>, vector<64x128xf32>
    %broadcast_in_dim3A = arith.constant 1.000000e+00 : f32
    %broadcast_in_dim3A_21 = vector.broadcast %broadcast_in_dim3A : f32 to vector<1000x128xf32>
    %dot_general3A_22 = arith.constant dense<0.000000e+00> : vector<64x128xf32>
    %dot_general3A_23 = tpu.matmul %convert_element_type3A_11, %broadcast_in_dim3A_21, %dot_general3A_22 {dimension_numbers = #tpu.dot_dimension_numbers<[0], [0], [1], [1], [0, 1, 1, 1], [], []>, transpose_lhs_hint = false} : vector<1000x64xf32>, vector<1000x128xf32>, vector<64x128xf32> -> vector<64x128xf32>
    %add3A_24 = arith.addf %get3A_20, %dot_general3A_23 : vector<64x128xf32>
    %swap3A_25 = arith.constant 0 : index
    %swap3A_26 = arith.constant 0 : index
    %swap3A_27 = vector.load %arg8[%swap3A_25, %swap3A_26] : memref<64x128xf32, #tpu.memory_space<vmem>>, vector<64x128xf32>
    tpu.vector_store %arg8[%swap3A_25, %swap3A_26], %add3A_24 {strides = array<i32>} : memref<64x128xf32, #tpu.memory_space<vmem>>, vector<64x128xf32>,
    %eq3A_28 = arith.constant 0 : i32
    %eq3A_29 = vector.broadcast %eq3A_28 : i32 to vector<1000x1xi32>
    %eq3A_30 = arith.cmpi eq, %reshape3A, %eq3A_29 : vector<1000x1xi32>
    %jit3A = arith.constant 0xFF800000 : f32
    %broadcast_in_dim3A_31 = vector.shape_cast %eq3A_30 : vector<1000x1xi1> to vector<1000x1xi1>
    %broadcast_in_dim3A_32 = vector.broadcast %broadcast_in_dim3A_31 : vector<1000x1xi1> to vector<1000x128xi1>
    %broadcast_in_dim3A_33 = vector.broadcast %jit3A : f32 to vector<1000x128xf32>
    %select_n3A = arith.select %broadcast_in_dim3A_32, %get3A_3, %broadcast_in_dim3A_33 : vector<1000x128xi1>, vector<1000x128xf32>
    %reduce_max3A = arith.constant dense<0xFF800000> : vector<128xf32>
    %reduce_max3A_34 = vector.multi_reduction <maximumf>, %select_n3A, %reduce_max3A [0] : vector<1000x128xf32> to vector<128xf32>
    %get3A_35 = arith.constant 0 : index
    %get3A_36 = arith.constant 0 : index
    %get3A_37 = vector.load %arg6[%get3A_35, %get3A_36] : memref<64x128xf32, #tpu.memory_space<vmem>>, vector<1x128xf32>
    %broadcast_in_dim3A_38 = vector.shape_cast %reduce_max3A_34 : vector<128xf32> to vector<1x128xf32>
    %max3A = arith.maximumf %get3A_37, %broadcast_in_dim3A_38 : vector<1x128xf32>
    %swap3A_39 = arith.constant 0 : index
    %swap3A_40 = arith.constant 0 : index
    %swap3A_41 = vector.load %arg6[%swap3A_39, %swap3A_40] : memref<64x128xf32, #tpu.memory_space<vmem>>, vector<1x128xf32>
    tpu.vector_store %arg6[%swap3A_39, %swap3A_40], %max3A {strides = array<i32>} : memref<64x128xf32, #tpu.memory_space<vmem>>, vector<1x128xf32>,
    %eq3A_42 = arith.constant 1 : i32
    %eq3A_43 = vector.broadcast %eq3A_42 : i32 to vector<1000x1xi32>
    %eq3A_44 = arith.cmpi eq, %reshape3A, %eq3A_43 : vector<1000x1xi32>
    %jit3A_45 = arith.constant 0xFF800000 : f32
    %broadcast_in_dim3A_46 = vector.shape_cast %eq3A_44 : vector<1000x1xi1> to vector<1000x1xi1>
    %broadcast_in_dim3A_47 = vector.broadcast %broadcast_in_dim3A_46 : vector<1000x1xi1> to vector<1000x128xi1>
    %broadcast_in_dim3A_48 = vector.broadcast %jit3A_45 : f32 to vector<1000x128xf32>
    %select_n3A_49 = arith.select %broadcast_in_dim3A_47, %get3A_3, %broadcast_in_dim3A_48 : vector<1000x128xi1>, vector<1000x128xf32>
    %reduce_max3A_50 = arith.constant dense<0xFF800000> : vector<128xf32>
    %reduce_max3A_51 = vector.multi_reduction <maximumf>, %select_n3A_49, %reduce_max3A_50 [0] : vector<1000x128xf32> to vector<128xf32>
    %get3A_52 = arith.constant 1 : index
    %get3A_53 = arith.constant 0 : index
    %get3A_54 = vector.load %arg6[%get3A_52, %get3A_53] : memref<64x128xf32, #tpu.memory_space<vmem>>, vector<1x128xf32>
    %broadcast_in_dim3A_55 = vector.shape_cast %reduce_max3A_51 : vector<128xf32> to vector<1x128xf32>
    %max3A_56 = arith.maximumf %get3A_54, %broadcast_in_dim3A_55 : vector<1x128xf32>
    %swap3A_57 = arith.constant 1 : index
    %swap3A_58 = arith.constant 0 : index
    %swap3A_59 = vector.load %arg6[%swap3A_57, %swap3A_58] : memref<64x128xf32, #tpu.memory_space<vmem>>, vector<1x128xf32>
    tpu.vector_store %arg6[%swap3A_57, %swap3A_58], %max3A_56 {strides = array<i32>} : memref<64x128xf32, #tpu.memory_space<vmem>>, vector<1x128xf32>,
    %eq3A_60 = arith.constant 2 : i32
    %eq3A_61 = vector.broadcast %eq3A_60 : i32 to vector<1000x1xi32>
    %eq3A_62 = arith.cmpi eq, %reshape3A, %eq3A_61 : vector<1000x1xi32>
    %jit3A_63 = arith.constant 0xFF800000 : f32
    %broadcast_in_dim3A_64 = vector.shape_cast %eq3A_62 : vector<1000x1xi1> to vector<1000x1xi1>
    %broadcast_in_dim3A_65 = vector.broadcast %broadcast_in_dim3A_64 : vector<1000x1xi1> to vector<1000x128xi1>
    %broadcast_in_dim3A_66 = vector.broadcast %jit3A_63 : f32 to vector<1000x128xf32>
    %select_n3A_67 = arith.select %broadcast_in_dim3A_65, %get3A_3, %broadcast_in_dim3A_66 : vector<1000x128xi1>, vector<1000x128xf32>
    %reduce_max3A_68 = arith.constant dense<0xFF800000> : vector<128xf32>
    %reduce_max3A_69 = vector.multi_reduction <maximumf>, %select_n3A_67, %reduce_max3A_68 [0] : vector<1000x128xf32> to vector<128xf32>
    %get3A_70 = arith.constant 2 : index
    %get3A_71 = arith.constant 0 : index
    %get3A_72 = vector.load %arg6[%get3A_70, %get3A_71] : memref<64x128xf32, #tpu.memory_space<vmem>>, vector<1x128xf32>
    %broadcast_in_dim3A_73 = vector.shape_cast %reduce_max3A_69 : vector<128xf32> to vector<1x128xf32>
    %max3A_74 = arith.maximumf %get3A_72, %broadcast_in_dim3A_73 : vector<1x128xf32>
    %swap3A_75 = arith.constant 2 : index
    %swap3A_76 = arith.constant 0 : index
    %swap3A_77 = vector.load %arg6[%swap3A_75, %swap3A_76] : memref<64x128xf32, #tpu.memory_space<vmem>>, vector<1x128xf32>
    tpu.vector_store %arg6[%swap3A_75, %swap3A_76], %max3A_74 {strides = array<i32>} : memref<64x128xf32, #tpu.memory_space<vmem>>, vector<1x128xf32>,
    %eq3A_78 = arith.constant 3 : i32
    %eq3A_79 = vector.broadcast %eq3A_78 : i32 to vector<1000x1xi32>
    %eq3A_80 = arith.cmpi eq, %reshape3A, %eq3A_79 : vector<1000x1xi32>
    %jit3A_81 = arith.constant 0xFF800000 : f32
    %broadcast_in_dim3A_82 = vector.shape_cast %eq3A_80 : vector<1000x1xi1> to vector<1000x1xi1>
    %broadcast_in_dim3A_83 = vector.broadcast %broadcast_in_dim3A_82 : vector<1000x1xi1> to vector<1000x128xi1>
    %broadcast_in_dim3A_84 = vector.broadcast %jit3A_81 : f32 to vector<1000x128xf32>
    %select_n3A_85 = arith.select %broadcast_in_dim3A_83, %get3A_3, %broadcast_in_dim3A_84 : vector<1000x128xi1>, vector<1000x128xf32>
    %reduce_max3A_86 = arith.constant dense<0xFF800000> : vector<128xf32>
    %reduce_max3A_87 = vector.multi_reduction <maximumf>, %select_n3A_85, %reduce_max3A_86 [0] : vector<1000x128xf32> to vector<128xf32>
    %get3A_88 = arith.constant 3 : index
    %get3A_89 = arith.constant 0 : index
    %get3A_90 = vector.load %arg6[%get3A_88, %get3A_89] : memref<64x128xf32, #tpu.memory_space<vmem>>, vector<1x128xf32>
    %broadcast_in_dim3A_91 = vector.shape_cast %reduce_max3A_87 : vector<128xf32> to vector<1x128xf32>
    %max3A_92 = arith.maximumf %get3A_90, %broadcast_in_dim3A_91 : vector<1x128xf32>
    %swap3A_93 = arith.constant 3 : index
    %swap3A_94 = arith.constant 0 : index
    %swap3A_95 = vector.load %arg6[%swap3A_93, %swap3A_94] : memref<64x128xf32, #tpu.memory_space<vmem>>, vector<1x128xf32>
    tpu.vector_store %arg6[%swap3A_93, %swap3A_94], %max3A_92 {strides = array<i32>} : memref<64x128xf32, #tpu.memory_space<vmem>>, vector<1x128xf32>,
    %eq3A_96 = arith.constant 4 : i32
    %eq3A_97 = vector.broadcast %eq3A_96 : i32 to vector<1000x1xi32>
    %eq3A_98 = arith.cmpi eq, %reshape3A, %eq3A_97 : vector<1000x1xi32>
    %jit3A_99 = arith.constant 0xFF800000 : f32
    %broadcast_in_dim3A_100 = vector.shape_cast %eq3A_98 : vector<1000x1xi1> to vector<1000x1xi1>
    %broadcast_in_dim3A_101 = vector.broadcast %broadcast_in_dim3A_100 : vector<1000x1xi1> to vector<1000x128xi1>
    %broadcast_in_dim3A_102 = vector.broadcast %jit3A_99 : f32 to vector<1000x128xf32>
    %select_n3A_103 = arith.select %broadcast_in_dim3A_101, %get3A_3, %broadcast_in_dim3A_102 : vector<1000x128xi1>, vector<1000x128xf32>
    %reduce_max3A_104 = arith.constant dense<0xFF800000> : vector<128xf32>
    %reduce_max3A_105 = vector.multi_reduction <maximumf>, %select_n3A_103, %reduce_max3A_104 [0] : vector<1000x128xf32> to vector<128xf32>
    %get3A_106 = arith.constant 4 : index
    %get3A_107 = arith.constant 0 : index
    %get3A_108 = vector.load %arg6[%get3A_106, %get3A_107] : memref<64x128xf32, #tpu.memory_space<vmem>>, vector<1x128xf32>
    %broadcast_in_dim3A_109 = vector.shape_cast %reduce_max3A_105 : vector<128xf32> to vector<1x128xf32>
    %max3A_110 = arith.maximumf %get3A_108, %broadcast_in_dim3A_109 : vector<1x128xf32>
    %swap3A_111 = arith.constant 4 : index
    %swap3A_112 = arith.constant 0 : index
    %swap3A_113 = vector.load %arg6[%swap3A_111, %swap3A_112] : memref<64x128xf32, #tpu.memory_space<vmem>>, vector<1x128xf32>
    tpu.vector_store %arg6[%swap3A_111, %swap3A_112], %max3A_110 {strides = array<i32>} : memref<64x128xf32, #tpu.memory_space<vmem>>, vector<1x128xf32>,
    %eq3A_114 = arith.constant 5 : i32
    %eq3A_115 = vector.broadcast %eq3A_114 : i32 to vector<1000x1xi32>
    %eq3A_116 = arith.cmpi eq, %reshape3A, %eq3A_115 : vector<1000x1xi32>
    %jit3A_117 = arith.constant 0xFF800000 : f32
    %broadcast_in_dim3A_118 = vector.shape_cast %eq3A_116 : vector<1000x1xi1> to vector<1000x1xi1>
    %broadcast_in_dim3A_119 = vector.broadcast %broadcast_in_dim3A_118 : vector<1000x1xi1> to vector<1000x128xi1>
    %broadcast_in_dim3A_120 = vector.broadcast %jit3A_117 : f32 to vector<1000x128xf32>
    %select_n3A_121 = arith.select %broadcast_in_dim3A_119, %get3A_3, %broadcast_in_dim3A_120 : vector<1000x128xi1>, vector<1000x128xf32>
    %reduce_max3A_122 = arith.constant dense<0xFF800000> : vector<128xf32>
    %reduce_max3A_123 = vector.multi_reduction <maximumf>, %select_n3A_121, %reduce_max3A_122 [0] : vector<1000x128xf32> to vector<128xf32>
    %get3A_124 = arith.constant 5 : index
    %get3A_125 = arith.constant 0 : index
    %get3A_126 = vector.load %arg6[%get3A_124, %get3A_125] : memref<64x128xf32, #tpu.memory_space<vmem>>, vector<1x128xf32>
    %broadcast_in_dim3A_127 = vector.shape_cast %reduce_max3A_123 : vector<128xf32> to vector<1x128xf32>
    %max3A_128 = arith.maximumf %get3A_126, %broadcast_in_dim3A_127 : vector<1x128xf32>
    %swap3A_129 = arith.constant 5 : index
    %swap3A_130 = arith.constant 0 : index
    %swap3A_131 = vector.load %arg6[%swap3A_129, %swap3A_130] : memref<64x128xf32, #tpu.memory_space<vmem>>, vector<1x128xf32>
    tpu.vector_store %arg6[%swap3A_129, %swap3A_130], %max3A_128 {strides = array<i32>} : memref<64x128xf32, #tpu.memory_space<vmem>>, vector<1x128xf32>,
    %eq3A_132 = arith.constant 6 : i32
    %eq3A_133 = vector.broadcast %eq3A_132 : i32 to vector<1000x1xi32>
    %eq3A_134 = arith.cmpi eq, %reshape3A, %eq3A_133 : vector<1000x1xi32>
    %jit3A_135 = arith.constant 0xFF800000 : f32
    %broadcast_in_dim3A_136 = vector.shape_cast %eq3A_134 : vector<1000x1xi1> to vector<1000x1xi1>
    %broadcast_in_dim3A_137 = vector.broadcast %broadcast_in_dim3A_136 : vector<1000x1xi1> to vector<1000x128xi1>
    %broadcast_in_dim3A_138 = vector.broadcast %jit3A_135 : f32 to vector<1000x128xf32>
    %select_n3A_139 = arith.select %broadcast_in_dim3A_137, %get3A_3, %broadcast_in_dim3A_138 : vector<1000x128xi1>, vector<1000x128xf32>
    %reduce_max3A_140 = arith.constant dense<0xFF800000> : vector<128xf32>
    %reduce_max3A_141 = vector.multi_reduction <maximumf>, %select_n3A_139, %reduce_max3A_140 [0] : vector<1000x128xf32> to vector<128xf32>
    %get3A_142 = arith.constant 6 : index
    %get3A_143 = arith.constant 0 : index
    %get3A_144 = vector.load %arg6[%get3A_142, %get3A_143] : memref<64x128xf32, #tpu.memory_space<vmem>>, vector<1x128xf32>
    %broadcast_in_dim3A_145 = vector.shape_cast %reduce_max3A_141 : vector<128xf32> to vector<1x128xf32>
    %max3A_146 = arith.maximumf %get3A_144, %broadcast_in_dim3A_145 : vector<1x128xf32>
    %swap3A_147 = arith.constant 6 : index
    %swap3A_148 = arith.constant 0 : index
    %swap3A_149 = vector.load %arg6[%swap3A_147, %swap3A_148] : memref<64x128xf32, #tpu.memory_space<vmem>>, vector<1x128xf32>
    tpu.vector_store %arg6[%swap3A_147, %swap3A_148], %max3A_146 {strides = array<i32>} : memref<64x128xf32, #tpu.memory_space<vmem>>, vector<1x128xf32>,
    %eq3A_150 = arith.constant 7 : i32
    %eq3A_151 = vector.broadcast %eq3A_150 : i32 to vector<1000x1xi32>
    %eq3A_152 = arith.cmpi eq, %reshape3A, %eq3A_151 : vector<1000x1xi32>
    %jit3A_153 = arith.constant 0xFF800000 : f32
    %broadcast_in_dim3A_154 = vector.shape_cast %eq3A_152 : vector<1000x1xi1> to vector<1000x1xi1>
    %broadcast_in_dim3A_155 = vector.broadcast %broadcast_in_dim3A_154 : vector<1000x1xi1> to vector<1000x128xi1>
    %broadcast_in_dim3A_156 = vector.broadcast %jit3A_153 : f32 to vector<1000x128xf32>
    %select_n3A_157 = arith.select %broadcast_in_dim3A_155, %get3A_3, %broadcast_in_dim3A_156 : vector<1000x128xi1>, vector<1000x128xf32>
    %reduce_max3A_158 = arith.constant dense<0xFF800000> : vector<128xf32>
    %reduce_max3A_159 = vector.multi_reduction <maximumf>, %select_n3A_157, %reduce_max3A_158 [0] : vector<1000x128xf32> to vector<128xf32>
    %get3A_160 = arith.constant 7 : index
    %get3A_161 = arith.constant 0 : index
    %get3A_162 = vector.load %arg6[%get3A_160, %get3A_161] : memref<64x128xf32, #tpu.memory_space<vmem>>, vector<1x128xf32>
    %broadcast_in_dim3A_163 = vector.shape_cast %reduce_max3A_159 : vector<128xf32> to vector<1x128xf32>
    %max3A_164 = arith.maximumf %get3A_162, %broadcast_in_dim3A_163 : vector<1x128xf32>
    %swap3A_165 = arith.constant 7 : index
    %swap3A_166 = arith.constant 0 : index
    %swap3A_167 = vector.load %arg6[%swap3A_165, %swap3A_166] : memref<64x128xf32, #tpu.memory_space<vmem>>, vector<1x128xf32>
    tpu.vector_store %arg6[%swap3A_165, %swap3A_166], %max3A_164 {strides = array<i32>} : memref<64x128xf32, #tpu.memory_space<vmem>>, vector<1x128xf32>,
    %eq3A_168 = arith.constant 8 : i32
    %eq3A_169 = vector.broadcast %eq3A_168 : i32 to vector<1000x1xi32>
    %eq3A_170 = arith.cmpi eq, %reshape3A, %eq3A_169 : vector<1000x1xi32>
    %jit3A_171 = arith.constant 0xFF800000 : f32
    %broadcast_in_dim3A_172 = vector.shape_cast %eq3A_170 : vector<1000x1xi1> to vector<1000x1xi1>
    %broadcast_in_dim3A_173 = vector.broadcast %broadcast_in_dim3A_172 : vector<1000x1xi1> to vector<1000x128xi1>
    %broadcast_in_dim3A_174 = vector.broadcast %jit3A_171 : f32 to vector<1000x128xf32>
    %select_n3A_175 = arith.select %broadcast_in_dim3A_173, %get3A_3, %broadcast_in_dim3A_174 : vector<1000x128xi1>, vector<1000x128xf32>
    %reduce_max3A_176 = arith.constant dense<0xFF800000> : vector<128xf32>
    %reduce_max3A_177 = vector.multi_reduction <maximumf>, %select_n3A_175, %reduce_max3A_176 [0] : vector<1000x128xf32> to vector<128xf32>
    %get3A_178 = arith.constant 8 : index
    %get3A_179 = arith.constant 0 : index
    %get3A_180 = vector.load %arg6[%get3A_178, %get3A_179] : memref<64x128xf32, #tpu.memory_space<vmem>>, vector<1x128xf32>
    %broadcast_in_dim3A_181 = vector.shape_cast %reduce_max3A_177 : vector<128xf32> to vector<1x128xf32>
    %max3A_182 = arith.maximumf %get3A_180, %broadcast_in_dim3A_181 : vector<1x128xf32>
    %swap3A_183 = arith.constant 8 : index
    %swap3A_184 = arith.constant 0 : index
    %swap3A_185 = vector.load %arg6[%swap3A_183, %swap3A_184] : memref<64x128xf32, #tpu.memory_space<vmem>>, vector<1x128xf32>
    tpu.vector_store %arg6[%swap3A_183, %swap3A_184], %max3A_182 {strides = array<i32>} : memref<64x128xf32, #tpu.memory_space<vmem>>, vector<1x128xf32>,
    %eq3A_186 = arith.constant 9 : i32
    %eq3A_187 = vector.broadcast %eq3A_186 : i32 to vector<1000x1xi32>
    %eq3A_188 = arith.cmpi eq, %reshape3A, %eq3A_187 : vector<1000x1xi32>
    %jit3A_189 = arith.constant 0xFF800000 : f32
    %broadcast_in_dim3A_190 = vector.shape_cast %eq3A_188 : vector<1000x1xi1> to vector<1000x1xi1>
    %broadcast_in_dim3A_191 = vector.broadcast %broadcast_in_dim3A_190 : vector<1000x1xi1> to vector<1000x128xi1>
    %broadcast_in_dim3A_192 = vector.broadcast %jit3A_189 : f32 to vector<1000x128xf32>
    %select_n3A_193 = arith.select %broadcast_in_dim3A_191, %get3A_3, %broadcast_in_dim3A_192 : vector<1000x128xi1>, vector<1000x128xf32>
    %reduce_max3A_194 = arith.constant dense<0xFF800000> : vector<128xf32>
    %reduce_max3A_195 = vector.multi_reduction <maximumf>, %select_n3A_193, %reduce_max3A_194 [0] : vector<1000x128xf32> to vector<128xf32>
    %get3A_196 = arith.constant 9 : index
    %get3A_197 = arith.constant 0 : index
    %get3A_198 = vector.load %arg6[%get3A_196, %get3A_197] : memref<64x128xf32, #tpu.memory_space<vmem>>, vector<1x128xf32>
    %broadcast_in_dim3A_199 = vector.shape_cast %reduce_max3A_195 : vector<128xf32> to vector<1x128xf32>
    %max3A_200 = arith.maximumf %get3A_198, %broadcast_in_dim3A_199 : vector<1x128xf32>
    %swap3A_201 = arith.constant 9 : index
    %swap3A_202 = arith.constant 0 : index
    %swap3A_203 = vector.load %arg6[%swap3A_201, %swap3A_202] : memref<64x128xf32, #tpu.memory_space<vmem>>, vector<1x128xf32>
    tpu.vector_store %arg6[%swap3A_201, %swap3A_202], %max3A_200 {strides = array<i32>} : memref<64x128xf32, #tpu.memory_space<vmem>>, vector<1x128xf32>,
    %eq3A_204 = arith.constant 10 : i32
    %eq3A_205 = vector.broadcast %eq3A_204 : i32 to vector<1000x1xi32>
    %eq3A_206 = arith.cmpi eq, %reshape3A, %eq3A_205 : vector<1000x1xi32>
    %jit3A_207 = arith.constant 0xFF800000 : f32
    %broadcast_in_dim3A_208 = vector.shape_cast %eq3A_206 : vector<1000x1xi1> to vector<1000x1xi1>
    %broadcast_in_dim3A_209 = vector.broadcast %broadcast_in_dim3A_208 : vector<1000x1xi1> to vector<1000x128xi1>
    %broadcast_in_dim3A_210 = vector.broadcast %jit3A_207 : f32 to vector<1000x128xf32>
    %select_n3A_211 = arith.select %broadcast_in_dim3A_209, %get3A_3, %broadcast_in_dim3A_210 : vector<1000x128xi1>, vector<1000x128xf32>
    %reduce_max3A_212 = arith.constant dense<0xFF800000> : vector<128xf32>
    %reduce_max3A_213 = vector.multi_reduction <maximumf>, %select_n3A_211, %reduce_max3A_212 [0] : vector<1000x128xf32> to vector<128xf32>
    %get3A_214 = arith.constant 10 : index
    %get3A_215 = arith.constant 0 : index
    %get3A_216 = vector.load %arg6[%get3A_214, %get3A_215] : memref<64x128xf32, #tpu.memory_space<vmem>>, vector<1x128xf32>
    %broadcast_in_dim3A_217 = vector.shape_cast %reduce_max3A_213 : vector<128xf32> to vector<1x128xf32>
    %max3A_218 = arith.maximumf %get3A_216, %broadcast_in_dim3A_217 : vector<1x128xf32>
    %swap3A_219 = arith.constant 10 : index
    %swap3A_220 = arith.constant 0 : index
    %swap3A_221 = vector.load %arg6[%swap3A_219, %swap3A_220] : memref<64x128xf32, #tpu.memory_space<vmem>>, vector<1x128xf32>
    tpu.vector_store %arg6[%swap3A_219, %swap3A_220], %max3A_218 {strides = array<i32>} : memref<64x128xf32, #tpu.memory_space<vmem>>, vector<1x128xf32>,
    %eq3A_222 = arith.constant 11 : i32
    %eq3A_223 = vector.broadcast %eq3A_222 : i32 to vector<1000x1xi32>
    %eq3A_224 = arith.cmpi eq, %reshape3A, %eq3A_223 : vector<1000x1xi32>
    %jit3A_225 = arith.constant 0xFF800000 : f32
    %broadcast_in_dim3A_226 = vector.shape_cast %eq3A_224 : vector<1000x1xi1> to vector<1000x1xi1>
    %broadcast_in_dim3A_227 = vector.broadcast %broadcast_in_dim3A_226 : vector<1000x1xi1> to vector<1000x128xi1>
    %broadcast_in_dim3A_228 = vector.broadcast %jit3A_225 : f32 to vector<1000x128xf32>
    %select_n3A_229 = arith.select %broadcast_in_dim3A_227, %get3A_3, %broadcast_in_dim3A_228 : vector<1000x128xi1>, vector<1000x128xf32>
    %reduce_max3A_230 = arith.constant dense<0xFF800000> : vector<128xf32>
    %reduce_max3A_231 = vector.multi_reduction <maximumf>, %select_n3A_229, %reduce_max3A_230 [0] : vector<1000x128xf32> to vector<128xf32>
    %get3A_232 = arith.constant 11 : index
    %get3A_233 = arith.constant 0 : index
    %get3A_234 = vector.load %arg6[%get3A_232, %get3A_233] : memref<64x128xf32, #tpu.memory_space<vmem>>, vector<1x128xf32>
    %broadcast_in_dim3A_235 = vector.shape_cast %reduce_max3A_231 : vector<128xf32> to vector<1x128xf32>
    %max3A_236 = arith.maximumf %get3A_234, %broadcast_in_dim3A_235 : vector<1x128xf32>
    %swap3A_237 = arith.constant 11 : index
    %swap3A_238 = arith.constant 0 : index
    %swap3A_239 = vector.load %arg6[%swap3A_237, %swap3A_238] : memref<64x128xf32, #tpu.memory_space<vmem>>, vector<1x128xf32>
    tpu.vector_store %arg6[%swap3A_237, %swap3A_238], %max3A_236 {strides = array<i32>} : memref<64x128xf32, #tpu.memory_space<vmem>>, vector<1x128xf32>,
    %eq3A_240 = arith.constant 12 : i32
    %eq3A_241 = vector.broadcast %eq3A_240 : i32 to vector<1000x1xi32>
    %eq3A_242 = arith.cmpi eq, %reshape3A, %eq3A_241 : vector<1000x1xi32>
    %jit3A_243 = arith.constant 0xFF800000 : f32
    %broadcast_in_dim3A_244 = vector.shape_cast %eq3A_242 : vector<1000x1xi1> to vector<1000x1xi1>
    %broadcast_in_dim3A_245 = vector.broadcast %broadcast_in_dim3A_244 : vector<1000x1xi1> to vector<1000x128xi1>
    %broadcast_in_dim3A_246 = vector.broadcast %jit3A_243 : f32 to vector<1000x128xf32>
    %select_n3A_247 = arith.select %broadcast_in_dim3A_245, %get3A_3, %broadcast_in_dim3A_246 : vector<1000x128xi1>, vector<1000x128xf32>
    %reduce_max3A_248 = arith.constant dense<0xFF800000> : vector<128xf32>
    %reduce_max3A_249 = vector.multi_reduction <maximumf>, %select_n3A_247, %reduce_max3A_248 [0] : vector<1000x128xf32> to vector<128xf32>
    %get3A_250 = arith.constant 12 : index
    %get3A_251 = arith.constant 0 : index
    %get3A_252 = vector.load %arg6[%get3A_250, %get3A_251] : memref<64x128xf32, #tpu.memory_space<vmem>>, vector<1x128xf32>
    %broadcast_in_dim3A_253 = vector.shape_cast %reduce_max3A_249 : vector<128xf32> to vector<1x128xf32>
    %max3A_254 = arith.maximumf %get3A_252, %broadcast_in_dim3A_253 : vector<1x128xf32>
    %swap3A_255 = arith.constant 12 : index
    %swap3A_256 = arith.constant 0 : index
    %swap3A_257 = vector.load %arg6[%swap3A_255, %swap3A_256] : memref<64x128xf32, #tpu.memory_space<vmem>>, vector<1x128xf32>
    tpu.vector_store %arg6[%swap3A_255, %swap3A_256], %max3A_254 {strides = array<i32>} : memref<64x128xf32, #tpu.memory_space<vmem>>, vector<1x128xf32>,
    %eq3A_258 = arith.constant 13 : i32
    %eq3A_259 = vector.broadcast %eq3A_258 : i32 to vector<1000x1xi32>
    %eq3A_260 = arith.cmpi eq, %reshape3A, %eq3A_259 : vector<1000x1xi32>
    %jit3A_261 = arith.constant 0xFF800000 : f32
    %broadcast_in_dim3A_262 = vector.shape_cast %eq3A_260 : vector<1000x1xi1> to vector<1000x1xi1>
    %broadcast_in_dim3A_263 = vector.broadcast %broadcast_in_dim3A_262 : vector<1000x1xi1> to vector<1000x128xi1>
    %broadcast_in_dim3A_264 = vector.broadcast %jit3A_261 : f32 to vector<1000x128xf32>
    %select_n3A_265 = arith.select %broadcast_in_dim3A_263, %get3A_3, %broadcast_in_dim3A_264 : vector<1000x128xi1>, vector<1000x128xf32>
    %reduce_max3A_266 = arith.constant dense<0xFF800000> : vector<128xf32>
    %reduce_max3A_267 = vector.multi_reduction <maximumf>, %select_n3A_265, %reduce_max3A_266 [0] : vector<1000x128xf32> to vector<128xf32>
    %get3A_268 = arith.constant 13 : index
    %get3A_269 = arith.constant 0 : index
    %get3A_270 = vector.load %arg6[%get3A_268, %get3A_269] : memref<64x128xf32, #tpu.memory_space<vmem>>, vector<1x128xf32>
    %broadcast_in_dim3A_271 = vector.shape_cast %reduce_max3A_267 : vector<128xf32> to vector<1x128xf32>
    %max3A_272 = arith.maximumf %get3A_270, %broadcast_in_dim3A_271 : vector<1x128xf32>
    %swap3A_273 = arith.constant 13 : index
    %swap3A_274 = arith.constant 0 : index
    %swap3A_275 = vector.load %arg6[%swap3A_273, %swap3A_274] : memref<64x128xf32, #tpu.memory_space<vmem>>, vector<1x128xf32>
    tpu.vector_store %arg6[%swap3A_273, %swap3A_274], %max3A_272 {strides = array<i32>} : memref<64x128xf32, #tpu.memory_space<vmem>>, vector<1x128xf32>,
    %eq3A_276 = arith.constant 14 : i32
    %eq3A_277 = vector.broadcast %eq3A_276 : i32 to vector<1000x1xi32>
    %eq3A_278 = arith.cmpi eq, %reshape3A, %eq3A_277 : vector<1000x1xi32>
    %jit3A_279 = arith.constant 0xFF800000 : f32
    %broadcast_in_dim3A_280 = vector.shape_cast %eq3A_278 : vector<1000x1xi1> to vector<1000x1xi1>
    %broadcast_in_dim3A_281 = vector.broadcast %broadcast_in_dim3A_280 : vector<1000x1xi1> to vector<1000x128xi1>
    %broadcast_in_dim3A_282 = vector.broadcast %jit3A_279 : f32 to vector<1000x128xf32>
    %select_n3A_283 = arith.select %broadcast_in_dim3A_281, %get3A_3, %broadcast_in_dim3A_282 : vector<1000x128xi1>, vector<1000x128xf32>
    %reduce_max3A_284 = arith.constant dense<0xFF800000> : vector<128xf32>
    %reduce_max3A_285 = vector.multi_reduction <maximumf>, %select_n3A_283, %reduce_max3A_284 [0] : vector<1000x128xf32> to vector<128xf32>
    %get3A_286 = arith.constant 14 : index
    %get3A_287 = arith.constant 0 : index
    %get3A_288 = vector.load %arg6[%get3A_286, %get3A_287] : memref<64x128xf32, #tpu.memory_space<vmem>>, vector<1x128xf32>
    %broadcast_in_dim3A_289 = vector.shape_cast %reduce_max3A_285 : vector<128xf32> to vector<1x128xf32>
    %max3A_290 = arith.maximumf %get3A_288, %broadcast_in_dim3A_289 : vector<1x128xf32>
    %swap3A_291 = arith.constant 14 : index
    %swap3A_292 = arith.constant 0 : index
    %swap3A_293 = vector.load %arg6[%swap3A_291, %swap3A_292] : memref<64x128xf32, #tpu.memory_space<vmem>>, vector<1x128xf32>
    tpu.vector_store %arg6[%swap3A_291, %swap3A_292], %max3A_290 {strides = array<i32>} : memref<64x128xf32, #tpu.memory_space<vmem>>, vector<1x128xf32>,
    %eq3A_294 = arith.constant 15 : i32
    %eq3A_295 = vector.broadcast %eq3A_294 : i32 to vector<1000x1xi32>
    %eq3A_296 = arith.cmpi eq, %reshape3A, %eq3A_295 : vector<1000x1xi32>
    %jit3A_297 = arith.constant 0xFF800000 : f32
    %broadcast_in_dim3A_298 = vector.shape_cast %eq3A_296 : vector<1000x1xi1> to vector<1000x1xi1>
    %broadcast_in_dim3A_299 = vector.broadcast %broadcast_in_dim3A_298 : vector<1000x1xi1> to vector<1000x128xi1>
    %broadcast_in_dim3A_300 = vector.broadcast %jit3A_297 : f32 to vector<1000x128xf32>
    %select_n3A_301 = arith.select %broadcast_in_dim3A_299, %get3A_3, %broadcast_in_dim3A_300 : vector<1000x128xi1>, vector<1000x128xf32>
    %reduce_max3A_302 = arith.constant dense<0xFF800000> : vector<128xf32>
    %reduce_max3A_303 = vector.multi_reduction <maximumf>, %select_n3A_301, %reduce_max3A_302 [0] : vector<1000x128xf32> to vector<128xf32>
    %get3A_304 = arith.constant 15 : index
    %get3A_305 = arith.constant 0 : index
    %get3A_306 = vector.load %arg6[%get3A_304, %get3A_305] : memref<64x128xf32, #tpu.memory_space<vmem>>, vector<1x128xf32>
    %broadcast_in_dim3A_307 = vector.shape_cast %reduce_max3A_303 : vector<128xf32> to vector<1x128xf32>
    %max3A_308 = arith.maximumf %get3A_306, %broadcast_in_dim3A_307 : vector<1x128xf32>
    %swap3A_309 = arith.constant 15 : index
    %swap3A_310 = arith.constant 0 : index
    %swap3A_311 = vector.load %arg6[%swap3A_309, %swap3A_310] : memref<64x128xf32, #tpu.memory_space<vmem>>, vector<1x128xf32>
    tpu.vector_store %arg6[%swap3A_309, %swap3A_310], %max3A_308 {strides = array<i32>} : memref<64x128xf32, #tpu.memory_space<vmem>>, vector<1x128xf32>,
    %eq3A_312 = arith.constant 16 : i32
    %eq3A_313 = vector.broadcast %eq3A_312 : i32 to vector<1000x1xi32>
    %eq3A_314 = arith.cmpi eq, %reshape3A, %eq3A_313 : vector<1000x1xi32>
    %jit3A_315 = arith.constant 0xFF800000 : f32
    %broadcast_in_dim3A_316 = vector.shape_cast %eq3A_314 : vector<1000x1xi1> to vector<1000x1xi1>
    %broadcast_in_dim3A_317 = vector.broadcast %broadcast_in_dim3A_316 : vector<1000x1xi1> to vector<1000x128xi1>
    %broadcast_in_dim3A_318 = vector.broadcast %jit3A_315 : f32 to vector<1000x128xf32>
    %select_n3A_319 = arith.select %broadcast_in_dim3A_317, %get3A_3, %broadcast_in_dim3A_318 : vector<1000x128xi1>, vector<1000x128xf32>
    %reduce_max3A_320 = arith.constant dense<0xFF800000> : vector<128xf32>
    %reduce_max3A_321 = vector.multi_reduction <maximumf>, %select_n3A_319, %reduce_max3A_320 [0] : vector<1000x128xf32> to vector<128xf32>
    %get3A_322 = arith.constant 16 : index
    %get3A_323 = arith.constant 0 : index
    %get3A_324 = vector.load %arg6[%get3A_322, %get3A_323] : memref<64x128xf32, #tpu.memory_space<vmem>>, vector<1x128xf32>
    %broadcast_in_dim3A_325 = vector.shape_cast %reduce_max3A_321 : vector<128xf32> to vector<1x128xf32>
    %max3A_326 = arith.maximumf %get3A_324, %broadcast_in_dim3A_325 : vector<1x128xf32>
    %swap3A_327 = arith.constant 16 : index
    %swap3A_328 = arith.constant 0 : index
    %swap3A_329 = vector.load %arg6[%swap3A_327, %swap3A_328] : memref<64x128xf32, #tpu.memory_space<vmem>>, vector<1x128xf32>
    tpu.vector_store %arg6[%swap3A_327, %swap3A_328], %max3A_326 {strides = array<i32>} : memref<64x128xf32, #tpu.memory_space<vmem>>, vector<1x128xf32>,
    %eq3A_330 = arith.constant 17 : i32
    %eq3A_331 = vector.broadcast %eq3A_330 : i32 to vector<1000x1xi32>
    %eq3A_332 = arith.cmpi eq, %reshape3A, %eq3A_331 : vector<1000x1xi32>
    %jit3A_333 = arith.constant 0xFF800000 : f32
    %broadcast_in_dim3A_334 = vector.shape_cast %eq3A_332 : vector<1000x1xi1> to vector<1000x1xi1>
    %broadcast_in_dim3A_335 = vector.broadcast %broadcast_in_dim3A_334 : vector<1000x1xi1> to vector<1000x128xi1>
    %broadcast_in_dim3A_336 = vector.broadcast %jit3A_333 : f32 to vector<1000x128xf32>
    %select_n3A_337 = arith.select %broadcast_in_dim3A_335, %get3A_3, %broadcast_in_dim3A_336 : vector<1000x128xi1>, vector<1000x128xf32>
    %reduce_max3A_338 = arith.constant dense<0xFF800000> : vector<128xf32>
    %reduce_max3A_339 = vector.multi_reduction <maximumf>, %select_n3A_337, %reduce_max3A_338 [0] : vector<1000x128xf32> to vector<128xf32>
    %get3A_340 = arith.constant 17 : index
    %get3A_341 = arith.constant 0 : index
    %get3A_342 = vector.load %arg6[%get3A_340, %get3A_341] : memref<64x128xf32, #tpu.memory_space<vmem>>, vector<1x128xf32>
    %broadcast_in_dim3A_343 = vector.shape_cast %reduce_max3A_339 : vector<128xf32> to vector<1x128xf32>
    %max3A_344 = arith.maximumf %get3A_342, %broadcast_in_dim3A_343 : vector<1x128xf32>
    %swap3A_345 = arith.constant 17 : index
    %swap3A_346 = arith.constant 0 : index
    %swap3A_347 = vector.load %arg6[%swap3A_345, %swap3A_346] : memref<64x128xf32, #tpu.memory_space<vmem>>, vector<1x128xf32>
    tpu.vector_store %arg6[%swap3A_345, %swap3A_346], %max3A_344 {strides = array<i32>} : memref<64x128xf32, #tpu.memory_space<vmem>>, vector<1x128xf32>,
    %eq3A_348 = arith.constant 18 : i32
    %eq3A_349 = vector.broadcast %eq3A_348 : i32 to vector<1000x1xi32>
    %eq3A_350 = arith.cmpi eq, %reshape3A, %eq3A_349 : vector<1000x1xi32>
    %jit3A_351 = arith.constant 0xFF800000 : f32
    %broadcast_in_dim3A_352 = vector.shape_cast %eq3A_350 : vector<1000x1xi1> to vector<1000x1xi1>
    %broadcast_in_dim3A_353 = vector.broadcast %broadcast_in_dim3A_352 : vector<1000x1xi1> to vector<1000x128xi1>
    %broadcast_in_dim3A_354 = vector.broadcast %jit3A_351 : f32 to vector<1000x128xf32>
    %select_n3A_355 = arith.select %broadcast_in_dim3A_353, %get3A_3, %broadcast_in_dim3A_354 : vector<1000x128xi1>, vector<1000x128xf32>
    %reduce_max3A_356 = arith.constant dense<0xFF800000> : vector<128xf32>
    %reduce_max3A_357 = vector.multi_reduction <maximumf>, %select_n3A_355, %reduce_max3A_356 [0] : vector<1000x128xf32> to vector<128xf32>
    %get3A_358 = arith.constant 18 : index
    %get3A_359 = arith.constant 0 : index
    %get3A_360 = vector.load %arg6[%get3A_358, %get3A_359] : memref<64x128xf32, #tpu.memory_space<vmem>>, vector<1x128xf32>
    %broadcast_in_dim3A_361 = vector.shape_cast %reduce_max3A_357 : vector<128xf32> to vector<1x128xf32>
    %max3A_362 = arith.maximumf %get3A_360, %broadcast_in_dim3A_361 : vector<1x128xf32>
    %swap3A_363 = arith.constant 18 : index
    %swap3A_364 = arith.constant 0 : index
    %swap3A_365 = vector.load %arg6[%swap3A_363, %swap3A_364] : memref<64x128xf32, #tpu.memory_space<vmem>>, vector<1x128xf32>
    tpu.vector_store %arg6[%swap3A_363, %swap3A_364], %max3A_362 {strides = array<i32>} : memref<64x128xf32, #tpu.memory_space<vmem>>, vector<1x128xf32>,
    %eq3A_366 = arith.constant 19 : i32
    %eq3A_367 = vector.broadcast %eq3A_366 : i32 to vector<1000x1xi32>
    %eq3A_368 = arith.cmpi eq, %reshape3A, %eq3A_367 : vector<1000x1xi32>
    %jit3A_369 = arith.constant 0xFF800000 : f32
    %broadcast_in_dim3A_370 = vector.shape_cast %eq3A_368 : vector<1000x1xi1> to vector<1000x1xi1>
    %broadcast_in_dim3A_371 = vector.broadcast %broadcast_in_dim3A_370 : vector<1000x1xi1> to vector<1000x128xi1>
    %broadcast_in_dim3A_372 = vector.broadcast %jit3A_369 : f32 to vector<1000x128xf32>
    %select_n3A_373 = arith.select %broadcast_in_dim3A_371, %get3A_3, %broadcast_in_dim3A_372 : vector<1000x128xi1>, vector<1000x128xf32>
    %reduce_max3A_374 = arith.constant dense<0xFF800000> : vector<128xf32>
    %reduce_max3A_375 = vector.multi_reduction <maximumf>, %select_n3A_373, %reduce_max3A_374 [0] : vector<1000x128xf32> to vector<128xf32>
    %get3A_376 = arith.constant 19 : index
    %get3A_377 = arith.constant 0 : index
    %get3A_378 = vector.load %arg6[%get3A_376, %get3A_377] : memref<64x128xf32, #tpu.memory_space<vmem>>, vector<1x128xf32>
    %broadcast_in_dim3A_379 = vector.shape_cast %reduce_max3A_375 : vector<128xf32> to vector<1x128xf32>
    %max3A_380 = arith.maximumf %get3A_378, %broadcast_in_dim3A_379 : vector<1x128xf32>
    %swap3A_381 = arith.constant 19 : index
    %swap3A_382 = arith.constant 0 : index
    %swap3A_383 = vector.load %arg6[%swap3A_381, %swap3A_382] : memref<64x128xf32, #tpu.memory_space<vmem>>, vector<1x128xf32>
    tpu.vector_store %arg6[%swap3A_381, %swap3A_382], %max3A_380 {strides = array<i32>} : memref<64x128xf32, #tpu.memory_space<vmem>>, vector<1x128xf32>,
    %eq3A_384 = arith.constant 20 : i32
    %eq3A_385 = vector.broadcast %eq3A_384 : i32 to vector<1000x1xi32>
    %eq3A_386 = arith.cmpi eq, %reshape3A, %eq3A_385 : vector<1000x1xi32>
    %jit3A_387 = arith.constant 0xFF800000 : f32
    %broadcast_in_dim3A_388 = vector.shape_cast %eq3A_386 : vector<1000x1xi1> to vector<1000x1xi1>
    %broadcast_in_dim3A_389 = vector.broadcast %broadcast_in_dim3A_388 : vector<1000x1xi1> to vector<1000x128xi1>
    %broadcast_in_dim3A_390 = vector.broadcast %jit3A_387 : f32 to vector<1000x128xf32>
    %select_n3A_391 = arith.select %broadcast_in_dim3A_389, %get3A_3, %broadcast_in_dim3A_390 : vector<1000x128xi1>, vector<1000x128xf32>
    %reduce_max3A_392 = arith.constant dense<0xFF800000> : vector<128xf32>
    %reduce_max3A_393 = vector.multi_reduction <maximumf>, %select_n3A_391, %reduce_max3A_392 [0] : vector<1000x128xf32> to vector<128xf32>
    %get3A_394 = arith.constant 20 : index
    %get3A_395 = arith.constant 0 : index
    %get3A_396 = vector.load %arg6[%get3A_394, %get3A_395] : memref<64x128xf32, #tpu.memory_space<vmem>>, vector<1x128xf32>
    %broadcast_in_dim3A_397 = vector.shape_cast %reduce_max3A_393 : vector<128xf32> to vector<1x128xf32>
    %max3A_398 = arith.maximumf %get3A_396, %broadcast_in_dim3A_397 : vector<1x128xf32>
    %swap3A_399 = arith.constant 20 : index
    %swap3A_400 = arith.constant 0 : index
    %swap3A_401 = vector.load %arg6[%swap3A_399, %swap3A_400] : memref<64x128xf32, #tpu.memory_space<vmem>>, vector<1x128xf32>
    tpu.vector_store %arg6[%swap3A_399, %swap3A_400], %max3A_398 {strides = array<i32>} : memref<64x128xf32, #tpu.memory_space<vmem>>, vector<1x128xf32>,
    %eq3A_402 = arith.constant 21 : i32
    %eq3A_403 = vector.broadcast %eq3A_402 : i32 to vector<1000x1xi32>
    %eq3A_404 = arith.cmpi eq, %reshape3A, %eq3A_403 : vector<1000x1xi32>
    %jit3A_405 = arith.constant 0xFF800000 : f32
    %broadcast_in_dim3A_406 = vector.shape_cast %eq3A_404 : vector<1000x1xi1> to vector<1000x1xi1>
    %broadcast_in_dim3A_407 = vector.broadcast %broadcast_in_dim3A_406 : vector<1000x1xi1> to vector<1000x128xi1>
    %broadcast_in_dim3A_408 = vector.broadcast %jit3A_405 : f32 to vector<1000x128xf32>
    %select_n3A_409 = arith.select %broadcast_in_dim3A_407, %get3A_3, %broadcast_in_dim3A_408 : vector<1000x128xi1>, vector<1000x128xf32>
    %reduce_max3A_410 = arith.constant dense<0xFF800000> : vector<128xf32>
    %reduce_max3A_411 = vector.multi_reduction <maximumf>, %select_n3A_409, %reduce_max3A_410 [0] : vector<1000x128xf32> to vector<128xf32>
    %get3A_412 = arith.constant 21 : index
    %get3A_413 = arith.constant 0 : index
    %get3A_414 = vector.load %arg6[%get3A_412, %get3A_413] : memref<64x128xf32, #tpu.memory_space<vmem>>, vector<1x128xf32>
    %broadcast_in_dim3A_415 = vector.shape_cast %reduce_max3A_411 : vector<128xf32> to vector<1x128xf32>
    %max3A_416 = arith.maximumf %get3A_414, %broadcast_in_dim3A_415 : vector<1x128xf32>
    %swap3A_417 = arith.constant 21 : index
    %swap3A_418 = arith.constant 0 : index
    %swap3A_419 = vector.load %arg6[%swap3A_417, %swap3A_418] : memref<64x128xf32, #tpu.memory_space<vmem>>, vector<1x128xf32>
    tpu.vector_store %arg6[%swap3A_417, %swap3A_418], %max3A_416 {strides = array<i32>} : memref<64x128xf32, #tpu.memory_space<vmem>>, vector<1x128xf32>,
    %eq3A_420 = arith.constant 22 : i32
    %eq3A_421 = vector.broadcast %eq3A_420 : i32 to vector<1000x1xi32>
    %eq3A_422 = arith.cmpi eq, %reshape3A, %eq3A_421 : vector<1000x1xi32>
    %jit3A_423 = arith.constant 0xFF800000 : f32
    %broadcast_in_dim3A_424 = vector.shape_cast %eq3A_422 : vector<1000x1xi1> to vector<1000x1xi1>
    %broadcast_in_dim3A_425 = vector.broadcast %broadcast_in_dim3A_424 : vector<1000x1xi1> to vector<1000x128xi1>
    %broadcast_in_dim3A_426 = vector.broadcast %jit3A_423 : f32 to vector<1000x128xf32>
    %select_n3A_427 = arith.select %broadcast_in_dim3A_425, %get3A_3, %broadcast_in_dim3A_426 : vector<1000x128xi1>, vector<1000x128xf32>
    %reduce_max3A_428 = arith.constant dense<0xFF800000> : vector<128xf32>
    %reduce_max3A_429 = vector.multi_reduction <maximumf>, %select_n3A_427, %reduce_max3A_428 [0] : vector<1000x128xf32> to vector<128xf32>
    %get3A_430 = arith.constant 22 : index
    %get3A_431 = arith.constant 0 : index
    %get3A_432 = vector.load %arg6[%get3A_430, %get3A_431] : memref<64x128xf32, #tpu.memory_space<vmem>>, vector<1x128xf32>
    %broadcast_in_dim3A_433 = vector.shape_cast %reduce_max3A_429 : vector<128xf32> to vector<1x128xf32>
    %max3A_434 = arith.maximumf %get3A_432, %broadcast_in_dim3A_433 : vector<1x128xf32>
    %swap3A_435 = arith.constant 22 : index
    %swap3A_436 = arith.constant 0 : index
    %swap3A_437 = vector.load %arg6[%swap3A_435, %swap3A_436] : memref<64x128xf32, #tpu.memory_space<vmem>>, vector<1x128xf32>
    tpu.vector_store %arg6[%swap3A_435, %swap3A_436], %max3A_434 {strides = array<i32>} : memref<64x128xf32, #tpu.memory_space<vmem>>, vector<1x128xf32>,
    %eq3A_438 = arith.constant 23 : i32
    %eq3A_439 = vector.broadcast %eq3A_438 : i32 to vector<1000x1xi32>
    %eq3A_440 = arith.cmpi eq, %reshape3A, %eq3A_439 : vector<1000x1xi32>
    %jit3A_441 = arith.constant 0xFF800000 : f32
    %broadcast_in_dim3A_442 = vector.shape_cast %eq3A_440 : vector<1000x1xi1> to vector<1000x1xi1>
    %broadcast_in_dim3A_443 = vector.broadcast %broadcast_in_dim3A_442 : vector<1000x1xi1> to vector<1000x128xi1>
    %broadcast_in_dim3A_444 = vector.broadcast %jit3A_441 : f32 to vector<1000x128xf32>
    %select_n3A_445 = arith.select %broadcast_in_dim3A_443, %get3A_3, %broadcast_in_dim3A_444 : vector<1000x128xi1>, vector<1000x128xf32>
    %reduce_max3A_446 = arith.constant dense<0xFF800000> : vector<128xf32>
    %reduce_max3A_447 = vector.multi_reduction <maximumf>, %select_n3A_445, %reduce_max3A_446 [0] : vector<1000x128xf32> to vector<128xf32>
    %get3A_448 = arith.constant 23 : index
    %get3A_449 = arith.constant 0 : index
    %get3A_450 = vector.load %arg6[%get3A_448, %get3A_449] : memref<64x128xf32, #tpu.memory_space<vmem>>, vector<1x128xf32>
    %broadcast_in_dim3A_451 = vector.shape_cast %reduce_max3A_447 : vector<128xf32> to vector<1x128xf32>
    %max3A_452 = arith.maximumf %get3A_450, %broadcast_in_dim3A_451 : vector<1x128xf32>
    %swap3A_453 = arith.constant 23 : index
    %swap3A_454 = arith.constant 0 : index
    %swap3A_455 = vector.load %arg6[%swap3A_453, %swap3A_454] : memref<64x128xf32, #tpu.memory_space<vmem>>, vector<1x128xf32>
    tpu.vector_store %arg6[%swap3A_453, %swap3A_454], %max3A_452 {strides = array<i32>} : memref<64x128xf32, #tpu.memory_space<vmem>>, vector<1x128xf32>,
    %eq3A_456 = arith.constant 24 : i32
    %eq3A_457 = vector.broadcast %eq3A_456 : i32 to vector<1000x1xi32>
    %eq3A_458 = arith.cmpi eq, %reshape3A, %eq3A_457 : vector<1000x1xi32>
    %jit3A_459 = arith.constant 0xFF800000 : f32
    %broadcast_in_dim3A_460 = vector.shape_cast %eq3A_458 : vector<1000x1xi1> to vector<1000x1xi1>
    %broadcast_in_dim3A_461 = vector.broadcast %broadcast_in_dim3A_460 : vector<1000x1xi1> to vector<1000x128xi1>
    %broadcast_in_dim3A_462 = vector.broadcast %jit3A_459 : f32 to vector<1000x128xf32>
    %select_n3A_463 = arith.select %broadcast_in_dim3A_461, %get3A_3, %broadcast_in_dim3A_462 : vector<1000x128xi1>, vector<1000x128xf32>
    %reduce_max3A_464 = arith.constant dense<0xFF800000> : vector<128xf32>
    %reduce_max3A_465 = vector.multi_reduction <maximumf>, %select_n3A_463, %reduce_max3A_464 [0] : vector<1000x128xf32> to vector<128xf32>
    %get3A_466 = arith.constant 24 : index
    %get3A_467 = arith.constant 0 : index
    %get3A_468 = vector.load %arg6[%get3A_466, %get3A_467] : memref<64x128xf32, #tpu.memory_space<vmem>>, vector<1x128xf32>
    %broadcast_in_dim3A_469 = vector.shape_cast %reduce_max3A_465 : vector<128xf32> to vector<1x128xf32>
    %max3A_470 = arith.maximumf %get3A_468, %broadcast_in_dim3A_469 : vector<1x128xf32>
    %swap3A_471 = arith.constant 24 : index
    %swap3A_472 = arith.constant 0 : index
    %swap3A_473 = vector.load %arg6[%swap3A_471, %swap3A_472] : memref<64x128xf32, #tpu.memory_space<vmem>>, vector<1x128xf32>
    tpu.vector_store %arg6[%swap3A_471, %swap3A_472], %max3A_470 {strides = array<i32>} : memref<64x128xf32, #tpu.memory_space<vmem>>, vector<1x128xf32>,
    %eq3A_474 = arith.constant 25 : i32
    %eq3A_475 = vector.broadcast %eq3A_474 : i32 to vector<1000x1xi32>
    %eq3A_476 = arith.cmpi eq, %reshape3A, %eq3A_475 : vector<1000x1xi32>
    %jit3A_477 = arith.constant 0xFF800000 : f32
    %broadcast_in_dim3A_478 = vector.shape_cast %eq3A_476 : vector<1000x1xi1> to vector<1000x1xi1>
    %broadcast_in_dim3A_479 = vector.broadcast %broadcast_in_dim3A_478 : vector<1000x1xi1> to vector<1000x128xi1>
    %broadcast_in_dim3A_480 = vector.broadcast %jit3A_477 : f32 to vector<1000x128xf32>
    %select_n3A_481 = arith.select %broadcast_in_dim3A_479, %get3A_3, %broadcast_in_dim3A_480 : vector<1000x128xi1>, vector<1000x128xf32>
    %reduce_max3A_482 = arith.constant dense<0xFF800000> : vector<128xf32>
    %reduce_max3A_483 = vector.multi_reduction <maximumf>, %select_n3A_481, %reduce_max3A_482 [0] : vector<1000x128xf32> to vector<128xf32>
    %get3A_484 = arith.constant 25 : index
    %get3A_485 = arith.constant 0 : index
    %get3A_486 = vector.load %arg6[%get3A_484, %get3A_485] : memref<64x128xf32, #tpu.memory_space<vmem>>, vector<1x128xf32>
    %broadcast_in_dim3A_487 = vector.shape_cast %reduce_max3A_483 : vector<128xf32> to vector<1x128xf32>
    %max3A_488 = arith.maximumf %get3A_486, %broadcast_in_dim3A_487 : vector<1x128xf32>
    %swap3A_489 = arith.constant 25 : index
    %swap3A_490 = arith.constant 0 : index
    %swap3A_491 = vector.load %arg6[%swap3A_489, %swap3A_490] : memref<64x128xf32, #tpu.memory_space<vmem>>, vector<1x128xf32>
    tpu.vector_store %arg6[%swap3A_489, %swap3A_490], %max3A_488 {strides = array<i32>} : memref<64x128xf32, #tpu.memory_space<vmem>>, vector<1x128xf32>,
    %eq3A_492 = arith.constant 26 : i32
    %eq3A_493 = vector.broadcast %eq3A_492 : i32 to vector<1000x1xi32>
    %eq3A_494 = arith.cmpi eq, %reshape3A, %eq3A_493 : vector<1000x1xi32>
    %jit3A_495 = arith.constant 0xFF800000 : f32
    %broadcast_in_dim3A_496 = vector.shape_cast %eq3A_494 : vector<1000x1xi1> to vector<1000x1xi1>
    %broadcast_in_dim3A_497 = vector.broadcast %broadcast_in_dim3A_496 : vector<1000x1xi1> to vector<1000x128xi1>
    %broadcast_in_dim3A_498 = vector.broadcast %jit3A_495 : f32 to vector<1000x128xf32>
    %select_n3A_499 = arith.select %broadcast_in_dim3A_497, %get3A_3, %broadcast_in_dim3A_498 : vector<1000x128xi1>, vector<1000x128xf32>
    %reduce_max3A_500 = arith.constant dense<0xFF800000> : vector<128xf32>
    %reduce_max3A_501 = vector.multi_reduction <maximumf>, %select_n3A_499, %reduce_max3A_500 [0] : vector<1000x128xf32> to vector<128xf32>
    %get3A_502 = arith.constant 26 : index
    %get3A_503 = arith.constant 0 : index
    %get3A_504 = vector.load %arg6[%get3A_502, %get3A_503] : memref<64x128xf32, #tpu.memory_space<vmem>>, vector<1x128xf32>
    %broadcast_in_dim3A_505 = vector.shape_cast %reduce_max3A_501 : vector<128xf32> to vector<1x128xf32>
    %max3A_506 = arith.maximumf %get3A_504, %broadcast_in_dim3A_505 : vector<1x128xf32>
    %swap3A_507 = arith.constant 26 : index
    %swap3A_508 = arith.constant 0 : index
    %swap3A_509 = vector.load %arg6[%swap3A_507, %swap3A_508] : memref<64x128xf32, #tpu.memory_space<vmem>>, vector<1x128xf32>
    tpu.vector_store %arg6[%swap3A_507, %swap3A_508], %max3A_506 {strides = array<i32>} : memref<64x128xf32, #tpu.memory_space<vmem>>, vector<1x128xf32>,
    %eq3A_510 = arith.constant 27 : i32
    %eq3A_511 = vector.broadcast %eq3A_510 : i32 to vector<1000x1xi32>
    %eq3A_512 = arith.cmpi eq, %reshape3A, %eq3A_511 : vector<1000x1xi32>
    %jit3A_513 = arith.constant 0xFF800000 : f32
    %broadcast_in_dim3A_514 = vector.shape_cast %eq3A_512 : vector<1000x1xi1> to vector<1000x1xi1>
    %broadcast_in_dim3A_515 = vector.broadcast %broadcast_in_dim3A_514 : vector<1000x1xi1> to vector<1000x128xi1>
    %broadcast_in_dim3A_516 = vector.broadcast %jit3A_513 : f32 to vector<1000x128xf32>
    %select_n3A_517 = arith.select %broadcast_in_dim3A_515, %get3A_3, %broadcast_in_dim3A_516 : vector<1000x128xi1>, vector<1000x128xf32>
    %reduce_max3A_518 = arith.constant dense<0xFF800000> : vector<128xf32>
    %reduce_max3A_519 = vector.multi_reduction <maximumf>, %select_n3A_517, %reduce_max3A_518 [0] : vector<1000x128xf32> to vector<128xf32>
    %get3A_520 = arith.constant 27 : index
    %get3A_521 = arith.constant 0 : index
    %get3A_522 = vector.load %arg6[%get3A_520, %get3A_521] : memref<64x128xf32, #tpu.memory_space<vmem>>, vector<1x128xf32>
    %broadcast_in_dim3A_523 = vector.shape_cast %reduce_max3A_519 : vector<128xf32> to vector<1x128xf32>
    %max3A_524 = arith.maximumf %get3A_522, %broadcast_in_dim3A_523 : vector<1x128xf32>
    %swap3A_525 = arith.constant 27 : index
    %swap3A_526 = arith.constant 0 : index
    %swap3A_527 = vector.load %arg6[%swap3A_525, %swap3A_526] : memref<64x128xf32, #tpu.memory_space<vmem>>, vector<1x128xf32>
    tpu.vector_store %arg6[%swap3A_525, %swap3A_526], %max3A_524 {strides = array<i32>} : memref<64x128xf32, #tpu.memory_space<vmem>>, vector<1x128xf32>,
    %eq3A_528 = arith.constant 28 : i32
    %eq3A_529 = vector.broadcast %eq3A_528 : i32 to vector<1000x1xi32>
    %eq3A_530 = arith.cmpi eq, %reshape3A, %eq3A_529 : vector<1000x1xi32>
    %jit3A_531 = arith.constant 0xFF800000 : f32
    %broadcast_in_dim3A_532 = vector.shape_cast %eq3A_530 : vector<1000x1xi1> to vector<1000x1xi1>
    %broadcast_in_dim3A_533 = vector.broadcast %broadcast_in_dim3A_532 : vector<1000x1xi1> to vector<1000x128xi1>
    %broadcast_in_dim3A_534 = vector.broadcast %jit3A_531 : f32 to vector<1000x128xf32>
    %select_n3A_535 = arith.select %broadcast_in_dim3A_533, %get3A_3, %broadcast_in_dim3A_534 : vector<1000x128xi1>, vector<1000x128xf32>
    %reduce_max3A_536 = arith.constant dense<0xFF800000> : vector<128xf32>
    %reduce_max3A_537 = vector.multi_reduction <maximumf>, %select_n3A_535, %reduce_max3A_536 [0] : vector<1000x128xf32> to vector<128xf32>
    %get3A_538 = arith.constant 28 : index
    %get3A_539 = arith.constant 0 : index
    %get3A_540 = vector.load %arg6[%get3A_538, %get3A_539] : memref<64x128xf32, #tpu.memory_space<vmem>>, vector<1x128xf32>
    %broadcast_in_dim3A_541 = vector.shape_cast %reduce_max3A_537 : vector<128xf32> to vector<1x128xf32>
    %max3A_542 = arith.maximumf %get3A_540, %broadcast_in_dim3A_541 : vector<1x128xf32>
    %swap3A_543 = arith.constant 28 : index
    %swap3A_544 = arith.constant 0 : index
    %swap3A_545 = vector.load %arg6[%swap3A_543, %swap3A_544] : memref<64x128xf32, #tpu.memory_space<vmem>>, vector<1x128xf32>
    tpu.vector_store %arg6[%swap3A_543, %swap3A_544], %max3A_542 {strides = array<i32>} : memref<64x128xf32, #tpu.memory_space<vmem>>, vector<1x128xf32>,
    %eq3A_546 = arith.constant 29 : i32
    %eq3A_547 = vector.broadcast %eq3A_546 : i32 to vector<1000x1xi32>
    %eq3A_548 = arith.cmpi eq, %reshape3A, %eq3A_547 : vector<1000x1xi32>
    %jit3A_549 = arith.constant 0xFF800000 : f32
    %broadcast_in_dim3A_550 = vector.shape_cast %eq3A_548 : vector<1000x1xi1> to vector<1000x1xi1>
    %broadcast_in_dim3A_551 = vector.broadcast %broadcast_in_dim3A_550 : vector<1000x1xi1> to vector<1000x128xi1>
    %broadcast_in_dim3A_552 = vector.broadcast %jit3A_549 : f32 to vector<1000x128xf32>
    %select_n3A_553 = arith.select %broadcast_in_dim3A_551, %get3A_3, %broadcast_in_dim3A_552 : vector<1000x128xi1>, vector<1000x128xf32>
    %reduce_max3A_554 = arith.constant dense<0xFF800000> : vector<128xf32>
    %reduce_max3A_555 = vector.multi_reduction <maximumf>, %select_n3A_553, %reduce_max3A_554 [0] : vector<1000x128xf32> to vector<128xf32>
    %get3A_556 = arith.constant 29 : index
    %get3A_557 = arith.constant 0 : index
    %get3A_558 = vector.load %arg6[%get3A_556, %get3A_557] : memref<64x128xf32, #tpu.memory_space<vmem>>, vector<1x128xf32>
    %broadcast_in_dim3A_559 = vector.shape_cast %reduce_max3A_555 : vector<128xf32> to vector<1x128xf32>
    %max3A_560 = arith.maximumf %get3A_558, %broadcast_in_dim3A_559 : vector<1x128xf32>
    %swap3A_561 = arith.constant 29 : index
    %swap3A_562 = arith.constant 0 : index
    %swap3A_563 = vector.load %arg6[%swap3A_561, %swap3A_562] : memref<64x128xf32, #tpu.memory_space<vmem>>, vector<1x128xf32>
    tpu.vector_store %arg6[%swap3A_561, %swap3A_562], %max3A_560 {strides = array<i32>} : memref<64x128xf32, #tpu.memory_space<vmem>>, vector<1x128xf32>,
    %eq3A_564 = arith.constant 30 : i32
    %eq3A_565 = vector.broadcast %eq3A_564 : i32 to vector<1000x1xi32>
    %eq3A_566 = arith.cmpi eq, %reshape3A, %eq3A_565 : vector<1000x1xi32>
    %jit3A_567 = arith.constant 0xFF800000 : f32
    %broadcast_in_dim3A_568 = vector.shape_cast %eq3A_566 : vector<1000x1xi1> to vector<1000x1xi1>
    %broadcast_in_dim3A_569 = vector.broadcast %broadcast_in_dim3A_568 : vector<1000x1xi1> to vector<1000x128xi1>
    %broadcast_in_dim3A_570 = vector.broadcast %jit3A_567 : f32 to vector<1000x128xf32>
    %select_n3A_571 = arith.select %broadcast_in_dim3A_569, %get3A_3, %broadcast_in_dim3A_570 : vector<1000x128xi1>, vector<1000x128xf32>
    %reduce_max3A_572 = arith.constant dense<0xFF800000> : vector<128xf32>
    %reduce_max3A_573 = vector.multi_reduction <maximumf>, %select_n3A_571, %reduce_max3A_572 [0] : vector<1000x128xf32> to vector<128xf32>
    %get3A_574 = arith.constant 30 : index
    %get3A_575 = arith.constant 0 : index
    %get3A_576 = vector.load %arg6[%get3A_574, %get3A_575] : memref<64x128xf32, #tpu.memory_space<vmem>>, vector<1x128xf32>
    %broadcast_in_dim3A_577 = vector.shape_cast %reduce_max3A_573 : vector<128xf32> to vector<1x128xf32>
    %max3A_578 = arith.maximumf %get3A_576, %broadcast_in_dim3A_577 : vector<1x128xf32>
    %swap3A_579 = arith.constant 30 : index
    %swap3A_580 = arith.constant 0 : index
    %swap3A_581 = vector.load %arg6[%swap3A_579, %swap3A_580] : memref<64x128xf32, #tpu.memory_space<vmem>>, vector<1x128xf32>
    tpu.vector_store %arg6[%swap3A_579, %swap3A_580], %max3A_578 {strides = array<i32>} : memref<64x128xf32, #tpu.memory_space<vmem>>, vector<1x128xf32>,
    %eq3A_582 = arith.constant 31 : i32
    %eq3A_583 = vector.broadcast %eq3A_582 : i32 to vector<1000x1xi32>
    %eq3A_584 = arith.cmpi eq, %reshape3A, %eq3A_583 : vector<1000x1xi32>
    %jit3A_585 = arith.constant 0xFF800000 : f32
    %broadcast_in_dim3A_586 = vector.shape_cast %eq3A_584 : vector<1000x1xi1> to vector<1000x1xi1>
    %broadcast_in_dim3A_587 = vector.broadcast %broadcast_in_dim3A_586 : vector<1000x1xi1> to vector<1000x128xi1>
    %broadcast_in_dim3A_588 = vector.broadcast %jit3A_585 : f32 to vector<1000x128xf32>
    %select_n3A_589 = arith.select %broadcast_in_dim3A_587, %get3A_3, %broadcast_in_dim3A_588 : vector<1000x128xi1>, vector<1000x128xf32>
    %reduce_max3A_590 = arith.constant dense<0xFF800000> : vector<128xf32>
    %reduce_max3A_591 = vector.multi_reduction <maximumf>, %select_n3A_589, %reduce_max3A_590 [0] : vector<1000x128xf32> to vector<128xf32>
    %get3A_592 = arith.constant 31 : index
    %get3A_593 = arith.constant 0 : index
    %get3A_594 = vector.load %arg6[%get3A_592, %get3A_593] : memref<64x128xf32, #tpu.memory_space<vmem>>, vector<1x128xf32>
    %broadcast_in_dim3A_595 = vector.shape_cast %reduce_max3A_591 : vector<128xf32> to vector<1x128xf32>
    %max3A_596 = arith.maximumf %get3A_594, %broadcast_in_dim3A_595 : vector<1x128xf32>
    %swap3A_597 = arith.constant 31 : index
    %swap3A_598 = arith.constant 0 : index
    %swap3A_599 = vector.load %arg6[%swap3A_597, %swap3A_598] : memref<64x128xf32, #tpu.memory_space<vmem>>, vector<1x128xf32>
    tpu.vector_store %arg6[%swap3A_597, %swap3A_598], %max3A_596 {strides = array<i32>} : memref<64x128xf32, #tpu.memory_space<vmem>>, vector<1x128xf32>,
    %eq3A_600 = arith.constant 32 : i32
    %eq3A_601 = vector.broadcast %eq3A_600 : i32 to vector<1000x1xi32>
    %eq3A_602 = arith.cmpi eq, %reshape3A, %eq3A_601 : vector<1000x1xi32>
    %jit3A_603 = arith.constant 0xFF800000 : f32
    %broadcast_in_dim3A_604 = vector.shape_cast %eq3A_602 : vector<1000x1xi1> to vector<1000x1xi1>
    %broadcast_in_dim3A_605 = vector.broadcast %broadcast_in_dim3A_604 : vector<1000x1xi1> to vector<1000x128xi1>
    %broadcast_in_dim3A_606 = vector.broadcast %jit3A_603 : f32 to vector<1000x128xf32>
    %select_n3A_607 = arith.select %broadcast_in_dim3A_605, %get3A_3, %broadcast_in_dim3A_606 : vector<1000x128xi1>, vector<1000x128xf32>
    %reduce_max3A_608 = arith.constant dense<0xFF800000> : vector<128xf32>
    %reduce_max3A_609 = vector.multi_reduction <maximumf>, %select_n3A_607, %reduce_max3A_608 [0] : vector<1000x128xf32> to vector<128xf32>
    %get3A_610 = arith.constant 32 : index
    %get3A_611 = arith.constant 0 : index
    %get3A_612 = vector.load %arg6[%get3A_610, %get3A_611] : memref<64x128xf32, #tpu.memory_space<vmem>>, vector<1x128xf32>
    %broadcast_in_dim3A_613 = vector.shape_cast %reduce_max3A_609 : vector<128xf32> to vector<1x128xf32>
    %max3A_614 = arith.maximumf %get3A_612, %broadcast_in_dim3A_613 : vector<1x128xf32>
    %swap3A_615 = arith.constant 32 : index
    %swap3A_616 = arith.constant 0 : index
    %swap3A_617 = vector.load %arg6[%swap3A_615, %swap3A_616] : memref<64x128xf32, #tpu.memory_space<vmem>>, vector<1x128xf32>
    tpu.vector_store %arg6[%swap3A_615, %swap3A_616], %max3A_614 {strides = array<i32>} : memref<64x128xf32, #tpu.memory_space<vmem>>, vector<1x128xf32>,
    %eq3A_618 = arith.constant 33 : i32
    %eq3A_619 = vector.broadcast %eq3A_618 : i32 to vector<1000x1xi32>
    %eq3A_620 = arith.cmpi eq, %reshape3A, %eq3A_619 : vector<1000x1xi32>
    %jit3A_621 = arith.constant 0xFF800000 : f32
    %broadcast_in_dim3A_622 = vector.shape_cast %eq3A_620 : vector<1000x1xi1> to vector<1000x1xi1>
    %broadcast_in_dim3A_623 = vector.broadcast %broadcast_in_dim3A_622 : vector<1000x1xi1> to vector<1000x128xi1>
    %broadcast_in_dim3A_624 = vector.broadcast %jit3A_621 : f32 to vector<1000x128xf32>
    %select_n3A_625 = arith.select %broadcast_in_dim3A_623, %get3A_3, %broadcast_in_dim3A_624 : vector<1000x128xi1>, vector<1000x128xf32>
    %reduce_max3A_626 = arith.constant dense<0xFF800000> : vector<128xf32>
    %reduce_max3A_627 = vector.multi_reduction <maximumf>, %select_n3A_625, %reduce_max3A_626 [0] : vector<1000x128xf32> to vector<128xf32>
    %get3A_628 = arith.constant 33 : index
    %get3A_629 = arith.constant 0 : index
    %get3A_630 = vector.load %arg6[%get3A_628, %get3A_629] : memref<64x128xf32, #tpu.memory_space<vmem>>, vector<1x128xf32>
    %broadcast_in_dim3A_631 = vector.shape_cast %reduce_max3A_627 : vector<128xf32> to vector<1x128xf32>
    %max3A_632 = arith.maximumf %get3A_630, %broadcast_in_dim3A_631 : vector<1x128xf32>
    %swap3A_633 = arith.constant 33 : index
    %swap3A_634 = arith.constant 0 : index
    %swap3A_635 = vector.load %arg6[%swap3A_633, %swap3A_634] : memref<64x128xf32, #tpu.memory_space<vmem>>, vector<1x128xf32>
    tpu.vector_store %arg6[%swap3A_633, %swap3A_634], %max3A_632 {strides = array<i32>} : memref<64x128xf32, #tpu.memory_space<vmem>>, vector<1x128xf32>,
    %eq3A_636 = arith.constant 34 : i32
    %eq3A_637 = vector.broadcast %eq3A_636 : i32 to vector<1000x1xi32>
    %eq3A_638 = arith.cmpi eq, %reshape3A, %eq3A_637 : vector<1000x1xi32>
    %jit3A_639 = arith.constant 0xFF800000 : f32
    %broadcast_in_dim3A_640 = vector.shape_cast %eq3A_638 : vector<1000x1xi1> to vector<1000x1xi1>
    %broadcast_in_dim3A_641 = vector.broadcast %broadcast_in_dim3A_640 : vector<1000x1xi1> to vector<1000x128xi1>
    %broadcast_in_dim3A_642 = vector.broadcast %jit3A_639 : f32 to vector<1000x128xf32>
    %select_n3A_643 = arith.select %broadcast_in_dim3A_641, %get3A_3, %broadcast_in_dim3A_642 : vector<1000x128xi1>, vector<1000x128xf32>
    %reduce_max3A_644 = arith.constant dense<0xFF800000> : vector<128xf32>
    %reduce_max3A_645 = vector.multi_reduction <maximumf>, %select_n3A_643, %reduce_max3A_644 [0] : vector<1000x128xf32> to vector<128xf32>
    %get3A_646 = arith.constant 34 : index
    %get3A_647 = arith.constant 0 : index
    %get3A_648 = vector.load %arg6[%get3A_646, %get3A_647] : memref<64x128xf32, #tpu.memory_space<vmem>>, vector<1x128xf32>
    %broadcast_in_dim3A_649 = vector.shape_cast %reduce_max3A_645 : vector<128xf32> to vector<1x128xf32>
    %max3A_650 = arith.maximumf %get3A_648, %broadcast_in_dim3A_649 : vector<1x128xf32>
    %swap3A_651 = arith.constant 34 : index
    %swap3A_652 = arith.constant 0 : index
    %swap3A_653 = vector.load %arg6[%swap3A_651, %swap3A_652] : memref<64x128xf32, #tpu.memory_space<vmem>>, vector<1x128xf32>
    tpu.vector_store %arg6[%swap3A_651, %swap3A_652], %max3A_650 {strides = array<i32>} : memref<64x128xf32, #tpu.memory_space<vmem>>, vector<1x128xf32>,
    %eq3A_654 = arith.constant 35 : i32
    %eq3A_655 = vector.broadcast %eq3A_654 : i32 to vector<1000x1xi32>
    %eq3A_656 = arith.cmpi eq, %reshape3A, %eq3A_655 : vector<1000x1xi32>
    %jit3A_657 = arith.constant 0xFF800000 : f32
    %broadcast_in_dim3A_658 = vector.shape_cast %eq3A_656 : vector<1000x1xi1> to vector<1000x1xi1>
    %broadcast_in_dim3A_659 = vector.broadcast %broadcast_in_dim3A_658 : vector<1000x1xi1> to vector<1000x128xi1>
    %broadcast_in_dim3A_660 = vector.broadcast %jit3A_657 : f32 to vector<1000x128xf32>
    %select_n3A_661 = arith.select %broadcast_in_dim3A_659, %get3A_3, %broadcast_in_dim3A_660 : vector<1000x128xi1>, vector<1000x128xf32>
    %reduce_max3A_662 = arith.constant dense<0xFF800000> : vector<128xf32>
    %reduce_max3A_663 = vector.multi_reduction <maximumf>, %select_n3A_661, %reduce_max3A_662 [0] : vector<1000x128xf32> to vector<128xf32>
    %get3A_664 = arith.constant 35 : index
    %get3A_665 = arith.constant 0 : index
    %get3A_666 = vector.load %arg6[%get3A_664, %get3A_665] : memref<64x128xf32, #tpu.memory_space<vmem>>, vector<1x128xf32>
    %broadcast_in_dim3A_667 = vector.shape_cast %reduce_max3A_663 : vector<128xf32> to vector<1x128xf32>
    %max3A_668 = arith.maximumf %get3A_666, %broadcast_in_dim3A_667 : vector<1x128xf32>
    %swap3A_669 = arith.constant 35 : index
    %swap3A_670 = arith.constant 0 : index
    %swap3A_671 = vector.load %arg6[%swap3A_669, %swap3A_670] : memref<64x128xf32, #tpu.memory_space<vmem>>, vector<1x128xf32>
    tpu.vector_store %arg6[%swap3A_669, %swap3A_670], %max3A_668 {strides = array<i32>} : memref<64x128xf32, #tpu.memory_space<vmem>>, vector<1x128xf32>,
    %eq3A_672 = arith.constant 36 : i32
    %eq3A_673 = vector.broadcast %eq3A_672 : i32 to vector<1000x1xi32>
    %eq3A_674 = arith.cmpi eq, %reshape3A, %eq3A_673 : vector<1000x1xi32>
    %jit3A_675 = arith.constant 0xFF800000 : f32
    %broadcast_in_dim3A_676 = vector.shape_cast %eq3A_674 : vector<1000x1xi1> to vector<1000x1xi1>
    %broadcast_in_dim3A_677 = vector.broadcast %broadcast_in_dim3A_676 : vector<1000x1xi1> to vector<1000x128xi1>
    %broadcast_in_dim3A_678 = vector.broadcast %jit3A_675 : f32 to vector<1000x128xf32>
    %select_n3A_679 = arith.select %broadcast_in_dim3A_677, %get3A_3, %broadcast_in_dim3A_678 : vector<1000x128xi1>, vector<1000x128xf32>
    %reduce_max3A_680 = arith.constant dense<0xFF800000> : vector<128xf32>
    %reduce_max3A_681 = vector.multi_reduction <maximumf>, %select_n3A_679, %reduce_max3A_680 [0] : vector<1000x128xf32> to vector<128xf32>
    %get3A_682 = arith.constant 36 : index
    %get3A_683 = arith.constant 0 : index
    %get3A_684 = vector.load %arg6[%get3A_682, %get3A_683] : memref<64x128xf32, #tpu.memory_space<vmem>>, vector<1x128xf32>
    %broadcast_in_dim3A_685 = vector.shape_cast %reduce_max3A_681 : vector<128xf32> to vector<1x128xf32>
    %max3A_686 = arith.maximumf %get3A_684, %broadcast_in_dim3A_685 : vector<1x128xf32>
    %swap3A_687 = arith.constant 36 : index
    %swap3A_688 = arith.constant 0 : index
    %swap3A_689 = vector.load %arg6[%swap3A_687, %swap3A_688] : memref<64x128xf32, #tpu.memory_space<vmem>>, vector<1x128xf32>
    tpu.vector_store %arg6[%swap3A_687, %swap3A_688], %max3A_686 {strides = array<i32>} : memref<64x128xf32, #tpu.memory_space<vmem>>, vector<1x128xf32>,
    %eq3A_690 = arith.constant 37 : i32
    %eq3A_691 = vector.broadcast %eq3A_690 : i32 to vector<1000x1xi32>
    %eq3A_692 = arith.cmpi eq, %reshape3A, %eq3A_691 : vector<1000x1xi32>
    %jit3A_693 = arith.constant 0xFF800000 : f32
    %broadcast_in_dim3A_694 = vector.shape_cast %eq3A_692 : vector<1000x1xi1> to vector<1000x1xi1>
    %broadcast_in_dim3A_695 = vector.broadcast %broadcast_in_dim3A_694 : vector<1000x1xi1> to vector<1000x128xi1>
    %broadcast_in_dim3A_696 = vector.broadcast %jit3A_693 : f32 to vector<1000x128xf32>
    %select_n3A_697 = arith.select %broadcast_in_dim3A_695, %get3A_3, %broadcast_in_dim3A_696 : vector<1000x128xi1>, vector<1000x128xf32>
    %reduce_max3A_698 = arith.constant dense<0xFF800000> : vector<128xf32>
    %reduce_max3A_699 = vector.multi_reduction <maximumf>, %select_n3A_697, %reduce_max3A_698 [0] : vector<1000x128xf32> to vector<128xf32>
    %get3A_700 = arith.constant 37 : index
    %get3A_701 = arith.constant 0 : index
    %get3A_702 = vector.load %arg6[%get3A_700, %get3A_701] : memref<64x128xf32, #tpu.memory_space<vmem>>, vector<1x128xf32>
    %broadcast_in_dim3A_703 = vector.shape_cast %reduce_max3A_699 : vector<128xf32> to vector<1x128xf32>
    %max3A_704 = arith.maximumf %get3A_702, %broadcast_in_dim3A_703 : vector<1x128xf32>
    %swap3A_705 = arith.constant 37 : index
    %swap3A_706 = arith.constant 0 : index
    %swap3A_707 = vector.load %arg6[%swap3A_705, %swap3A_706] : memref<64x128xf32, #tpu.memory_space<vmem>>, vector<1x128xf32>
    tpu.vector_store %arg6[%swap3A_705, %swap3A_706], %max3A_704 {strides = array<i32>} : memref<64x128xf32, #tpu.memory_space<vmem>>, vector<1x128xf32>,
    %eq3A_708 = arith.constant 38 : i32
    %eq3A_709 = vector.broadcast %eq3A_708 : i32 to vector<1000x1xi32>
    %eq3A_710 = arith.cmpi eq, %reshape3A, %eq3A_709 : vector<1000x1xi32>
    %jit3A_711 = arith.constant 0xFF800000 : f32
    %broadcast_in_dim3A_712 = vector.shape_cast %eq3A_710 : vector<1000x1xi1> to vector<1000x1xi1>
    %broadcast_in_dim3A_713 = vector.broadcast %broadcast_in_dim3A_712 : vector<1000x1xi1> to vector<1000x128xi1>
    %broadcast_in_dim3A_714 = vector.broadcast %jit3A_711 : f32 to vector<1000x128xf32>
    %select_n3A_715 = arith.select %broadcast_in_dim3A_713, %get3A_3, %broadcast_in_dim3A_714 : vector<1000x128xi1>, vector<1000x128xf32>
    %reduce_max3A_716 = arith.constant dense<0xFF800000> : vector<128xf32>
    %reduce_max3A_717 = vector.multi_reduction <maximumf>, %select_n3A_715, %reduce_max3A_716 [0] : vector<1000x128xf32> to vector<128xf32>
    %get3A_718 = arith.constant 38 : index
    %get3A_719 = arith.constant 0 : index
    %get3A_720 = vector.load %arg6[%get3A_718, %get3A_719] : memref<64x128xf32, #tpu.memory_space<vmem>>, vector<1x128xf32>
    %broadcast_in_dim3A_721 = vector.shape_cast %reduce_max3A_717 : vector<128xf32> to vector<1x128xf32>
    %max3A_722 = arith.maximumf %get3A_720, %broadcast_in_dim3A_721 : vector<1x128xf32>
    %swap3A_723 = arith.constant 38 : index
    %swap3A_724 = arith.constant 0 : index
    %swap3A_725 = vector.load %arg6[%swap3A_723, %swap3A_724] : memref<64x128xf32, #tpu.memory_space<vmem>>, vector<1x128xf32>
    tpu.vector_store %arg6[%swap3A_723, %swap3A_724], %max3A_722 {strides = array<i32>} : memref<64x128xf32, #tpu.memory_space<vmem>>, vector<1x128xf32>,
    %eq3A_726 = arith.constant 39 : i32
    %eq3A_727 = vector.broadcast %eq3A_726 : i32 to vector<1000x1xi32>
    %eq3A_728 = arith.cmpi eq, %reshape3A, %eq3A_727 : vector<1000x1xi32>
    %jit3A_729 = arith.constant 0xFF800000 : f32
    %broadcast_in_dim3A_730 = vector.shape_cast %eq3A_728 : vector<1000x1xi1> to vector<1000x1xi1>
    %broadcast_in_dim3A_731 = vector.broadcast %broadcast_in_dim3A_730 : vector<1000x1xi1> to vector<1000x128xi1>
    %broadcast_in_dim3A_732 = vector.broadcast %jit3A_729 : f32 to vector<1000x128xf32>
    %select_n3A_733 = arith.select %broadcast_in_dim3A_731, %get3A_3, %broadcast_in_dim3A_732 : vector<1000x128xi1>, vector<1000x128xf32>
    %reduce_max3A_734 = arith.constant dense<0xFF800000> : vector<128xf32>
    %reduce_max3A_735 = vector.multi_reduction <maximumf>, %select_n3A_733, %reduce_max3A_734 [0] : vector<1000x128xf32> to vector<128xf32>
    %get3A_736 = arith.constant 39 : index
    %get3A_737 = arith.constant 0 : index
    %get3A_738 = vector.load %arg6[%get3A_736, %get3A_737] : memref<64x128xf32, #tpu.memory_space<vmem>>, vector<1x128xf32>
    %broadcast_in_dim3A_739 = vector.shape_cast %reduce_max3A_735 : vector<128xf32> to vector<1x128xf32>
    %max3A_740 = arith.maximumf %get3A_738, %broadcast_in_dim3A_739 : vector<1x128xf32>
    %swap3A_741 = arith.constant 39 : index
    %swap3A_742 = arith.constant 0 : index
    %swap3A_743 = vector.load %arg6[%swap3A_741, %swap3A_742] : memref<64x128xf32, #tpu.memory_space<vmem>>, vector<1x128xf32>
    tpu.vector_store %arg6[%swap3A_741, %swap3A_742], %max3A_740 {strides = array<i32>} : memref<64x128xf32, #tpu.memory_space<vmem>>, vector<1x128xf32>,
    %eq3A_744 = arith.constant 40 : i32
    %eq3A_745 = vector.broadcast %eq3A_744 : i32 to vector<1000x1xi32>
    %eq3A_746 = arith.cmpi eq, %reshape3A, %eq3A_745 : vector<1000x1xi32>
    %jit3A_747 = arith.constant 0xFF800000 : f32
    %broadcast_in_dim3A_748 = vector.shape_cast %eq3A_746 : vector<1000x1xi1> to vector<1000x1xi1>
    %broadcast_in_dim3A_749 = vector.broadcast %broadcast_in_dim3A_748 : vector<1000x1xi1> to vector<1000x128xi1>
    %broadcast_in_dim3A_750 = vector.broadcast %jit3A_747 : f32 to vector<1000x128xf32>
    %select_n3A_751 = arith.select %broadcast_in_dim3A_749, %get3A_3, %broadcast_in_dim3A_750 : vector<1000x128xi1>, vector<1000x128xf32>
    %reduce_max3A_752 = arith.constant dense<0xFF800000> : vector<128xf32>
    %reduce_max3A_753 = vector.multi_reduction <maximumf>, %select_n3A_751, %reduce_max3A_752 [0] : vector<1000x128xf32> to vector<128xf32>
    %get3A_754 = arith.constant 40 : index
    %get3A_755 = arith.constant 0 : index
    %get3A_756 = vector.load %arg6[%get3A_754, %get3A_755] : memref<64x128xf32, #tpu.memory_space<vmem>>, vector<1x128xf32>
    %broadcast_in_dim3A_757 = vector.shape_cast %reduce_max3A_753 : vector<128xf32> to vector<1x128xf32>
    %max3A_758 = arith.maximumf %get3A_756, %broadcast_in_dim3A_757 : vector<1x128xf32>
    %swap3A_759 = arith.constant 40 : index
    %swap3A_760 = arith.constant 0 : index
    %swap3A_761 = vector.load %arg6[%swap3A_759, %swap3A_760] : memref<64x128xf32, #tpu.memory_space<vmem>>, vector<1x128xf32>
    tpu.vector_store %arg6[%swap3A_759, %swap3A_760], %max3A_758 {strides = array<i32>} : memref<64x128xf32, #tpu.memory_space<vmem>>, vector<1x128xf32>,
    %eq3A_762 = arith.constant 41 : i32
    %eq3A_763 = vector.broadcast %eq3A_762 : i32 to vector<1000x1xi32>
    %eq3A_764 = arith.cmpi eq, %reshape3A, %eq3A_763 : vector<1000x1xi32>
    %jit3A_765 = arith.constant 0xFF800000 : f32
    %broadcast_in_dim3A_766 = vector.shape_cast %eq3A_764 : vector<1000x1xi1> to vector<1000x1xi1>
    %broadcast_in_dim3A_767 = vector.broadcast %broadcast_in_dim3A_766 : vector<1000x1xi1> to vector<1000x128xi1>
    %broadcast_in_dim3A_768 = vector.broadcast %jit3A_765 : f32 to vector<1000x128xf32>
    %select_n3A_769 = arith.select %broadcast_in_dim3A_767, %get3A_3, %broadcast_in_dim3A_768 : vector<1000x128xi1>, vector<1000x128xf32>
    %reduce_max3A_770 = arith.constant dense<0xFF800000> : vector<128xf32>
    %reduce_max3A_771 = vector.multi_reduction <maximumf>, %select_n3A_769, %reduce_max3A_770 [0] : vector<1000x128xf32> to vector<128xf32>
    %get3A_772 = arith.constant 41 : index
    %get3A_773 = arith.constant 0 : index
    %get3A_774 = vector.load %arg6[%get3A_772, %get3A_773] : memref<64x128xf32, #tpu.memory_space<vmem>>, vector<1x128xf32>
    %broadcast_in_dim3A_775 = vector.shape_cast %reduce_max3A_771 : vector<128xf32> to vector<1x128xf32>
    %max3A_776 = arith.maximumf %get3A_774, %broadcast_in_dim3A_775 : vector<1x128xf32>
    %swap3A_777 = arith.constant 41 : index
    %swap3A_778 = arith.constant 0 : index
    %swap3A_779 = vector.load %arg6[%swap3A_777, %swap3A_778] : memref<64x128xf32, #tpu.memory_space<vmem>>, vector<1x128xf32>
    tpu.vector_store %arg6[%swap3A_777, %swap3A_778], %max3A_776 {strides = array<i32>} : memref<64x128xf32, #tpu.memory_space<vmem>>, vector<1x128xf32>,
    %eq3A_780 = arith.constant 42 : i32
    %eq3A_781 = vector.broadcast %eq3A_780 : i32 to vector<1000x1xi32>
    %eq3A_782 = arith.cmpi eq, %reshape3A, %eq3A_781 : vector<1000x1xi32>
    %jit3A_783 = arith.constant 0xFF800000 : f32
    %broadcast_in_dim3A_784 = vector.shape_cast %eq3A_782 : vector<1000x1xi1> to vector<1000x1xi1>
    %broadcast_in_dim3A_785 = vector.broadcast %broadcast_in_dim3A_784 : vector<1000x1xi1> to vector<1000x128xi1>
    %broadcast_in_dim3A_786 = vector.broadcast %jit3A_783 : f32 to vector<1000x128xf32>
    %select_n3A_787 = arith.select %broadcast_in_dim3A_785, %get3A_3, %broadcast_in_dim3A_786 : vector<1000x128xi1>, vector<1000x128xf32>
    %reduce_max3A_788 = arith.constant dense<0xFF800000> : vector<128xf32>
    %reduce_max3A_789 = vector.multi_reduction <maximumf>, %select_n3A_787, %reduce_max3A_788 [0] : vector<1000x128xf32> to vector<128xf32>
    %get3A_790 = arith.constant 42 : index
    %get3A_791 = arith.constant 0 : index
    %get3A_792 = vector.load %arg6[%get3A_790, %get3A_791] : memref<64x128xf32, #tpu.memory_space<vmem>>, vector<1x128xf32>
    %broadcast_in_dim3A_793 = vector.shape_cast %reduce_max3A_789 : vector<128xf32> to vector<1x128xf32>
    %max3A_794 = arith.maximumf %get3A_792, %broadcast_in_dim3A_793 : vector<1x128xf32>
    %swap3A_795 = arith.constant 42 : index
    %swap3A_796 = arith.constant 0 : index
    %swap3A_797 = vector.load %arg6[%swap3A_795, %swap3A_796] : memref<64x128xf32, #tpu.memory_space<vmem>>, vector<1x128xf32>
    tpu.vector_store %arg6[%swap3A_795, %swap3A_796], %max3A_794 {strides = array<i32>} : memref<64x128xf32, #tpu.memory_space<vmem>>, vector<1x128xf32>,
    %eq3A_798 = arith.constant 43 : i32
    %eq3A_799 = vector.broadcast %eq3A_798 : i32 to vector<1000x1xi32>
    %eq3A_800 = arith.cmpi eq, %reshape3A, %eq3A_799 : vector<1000x1xi32>
    %jit3A_801 = arith.constant 0xFF800000 : f32
    %broadcast_in_dim3A_802 = vector.shape_cast %eq3A_800 : vector<1000x1xi1> to vector<1000x1xi1>
    %broadcast_in_dim3A_803 = vector.broadcast %broadcast_in_dim3A_802 : vector<1000x1xi1> to vector<1000x128xi1>
    %broadcast_in_dim3A_804 = vector.broadcast %jit3A_801 : f32 to vector<1000x128xf32>
    %select_n3A_805 = arith.select %broadcast_in_dim3A_803, %get3A_3, %broadcast_in_dim3A_804 : vector<1000x128xi1>, vector<1000x128xf32>
    %reduce_max3A_806 = arith.constant dense<0xFF800000> : vector<128xf32>
    %reduce_max3A_807 = vector.multi_reduction <maximumf>, %select_n3A_805, %reduce_max3A_806 [0] : vector<1000x128xf32> to vector<128xf32>
    %get3A_808 = arith.constant 43 : index
    %get3A_809 = arith.constant 0 : index
    %get3A_810 = vector.load %arg6[%get3A_808, %get3A_809] : memref<64x128xf32, #tpu.memory_space<vmem>>, vector<1x128xf32>
    %broadcast_in_dim3A_811 = vector.shape_cast %reduce_max3A_807 : vector<128xf32> to vector<1x128xf32>
    %max3A_812 = arith.maximumf %get3A_810, %broadcast_in_dim3A_811 : vector<1x128xf32>
    %swap3A_813 = arith.constant 43 : index
    %swap3A_814 = arith.constant 0 : index
    %swap3A_815 = vector.load %arg6[%swap3A_813, %swap3A_814] : memref<64x128xf32, #tpu.memory_space<vmem>>, vector<1x128xf32>
    tpu.vector_store %arg6[%swap3A_813, %swap3A_814], %max3A_812 {strides = array<i32>} : memref<64x128xf32, #tpu.memory_space<vmem>>, vector<1x128xf32>,
    %eq3A_816 = arith.constant 44 : i32
    %eq3A_817 = vector.broadcast %eq3A_816 : i32 to vector<1000x1xi32>
    %eq3A_818 = arith.cmpi eq, %reshape3A, %eq3A_817 : vector<1000x1xi32>
    %jit3A_819 = arith.constant 0xFF800000 : f32
    %broadcast_in_dim3A_820 = vector.shape_cast %eq3A_818 : vector<1000x1xi1> to vector<1000x1xi1>
    %broadcast_in_dim3A_821 = vector.broadcast %broadcast_in_dim3A_820 : vector<1000x1xi1> to vector<1000x128xi1>
    %broadcast_in_dim3A_822 = vector.broadcast %jit3A_819 : f32 to vector<1000x128xf32>
    %select_n3A_823 = arith.select %broadcast_in_dim3A_821, %get3A_3, %broadcast_in_dim3A_822 : vector<1000x128xi1>, vector<1000x128xf32>
    %reduce_max3A_824 = arith.constant dense<0xFF800000> : vector<128xf32>
    %reduce_max3A_825 = vector.multi_reduction <maximumf>, %select_n3A_823, %reduce_max3A_824 [0] : vector<1000x128xf32> to vector<128xf32>
    %get3A_826 = arith.constant 44 : index
    %get3A_827 = arith.constant 0 : index
    %get3A_828 = vector.load %arg6[%get3A_826, %get3A_827] : memref<64x128xf32, #tpu.memory_space<vmem>>, vector<1x128xf32>
    %broadcast_in_dim3A_829 = vector.shape_cast %reduce_max3A_825 : vector<128xf32> to vector<1x128xf32>
    %max3A_830 = arith.maximumf %get3A_828, %broadcast_in_dim3A_829 : vector<1x128xf32>
    %swap3A_831 = arith.constant 44 : index
    %swap3A_832 = arith.constant 0 : index
    %swap3A_833 = vector.load %arg6[%swap3A_831, %swap3A_832] : memref<64x128xf32, #tpu.memory_space<vmem>>, vector<1x128xf32>
    tpu.vector_store %arg6[%swap3A_831, %swap3A_832], %max3A_830 {strides = array<i32>} : memref<64x128xf32, #tpu.memory_space<vmem>>, vector<1x128xf32>,
    %eq3A_834 = arith.constant 45 : i32
    %eq3A_835 = vector.broadcast %eq3A_834 : i32 to vector<1000x1xi32>
    %eq3A_836 = arith.cmpi eq, %reshape3A, %eq3A_835 : vector<1000x1xi32>
    %jit3A_837 = arith.constant 0xFF800000 : f32
    %broadcast_in_dim3A_838 = vector.shape_cast %eq3A_836 : vector<1000x1xi1> to vector<1000x1xi1>
    %broadcast_in_dim3A_839 = vector.broadcast %broadcast_in_dim3A_838 : vector<1000x1xi1> to vector<1000x128xi1>
    %broadcast_in_dim3A_840 = vector.broadcast %jit3A_837 : f32 to vector<1000x128xf32>
    %select_n3A_841 = arith.select %broadcast_in_dim3A_839, %get3A_3, %broadcast_in_dim3A_840 : vector<1000x128xi1>, vector<1000x128xf32>
    %reduce_max3A_842 = arith.constant dense<0xFF800000> : vector<128xf32>
    %reduce_max3A_843 = vector.multi_reduction <maximumf>, %select_n3A_841, %reduce_max3A_842 [0] : vector<1000x128xf32> to vector<128xf32>
    %get3A_844 = arith.constant 45 : index
    %get3A_845 = arith.constant 0 : index
    %get3A_846 = vector.load %arg6[%get3A_844, %get3A_845] : memref<64x128xf32, #tpu.memory_space<vmem>>, vector<1x128xf32>
    %broadcast_in_dim3A_847 = vector.shape_cast %reduce_max3A_843 : vector<128xf32> to vector<1x128xf32>
    %max3A_848 = arith.maximumf %get3A_846, %broadcast_in_dim3A_847 : vector<1x128xf32>
    %swap3A_849 = arith.constant 45 : index
    %swap3A_850 = arith.constant 0 : index
    %swap3A_851 = vector.load %arg6[%swap3A_849, %swap3A_850] : memref<64x128xf32, #tpu.memory_space<vmem>>, vector<1x128xf32>
    tpu.vector_store %arg6[%swap3A_849, %swap3A_850], %max3A_848 {strides = array<i32>} : memref<64x128xf32, #tpu.memory_space<vmem>>, vector<1x128xf32>,
    %eq3A_852 = arith.constant 46 : i32
    %eq3A_853 = vector.broadcast %eq3A_852 : i32 to vector<1000x1xi32>
    %eq3A_854 = arith.cmpi eq, %reshape3A, %eq3A_853 : vector<1000x1xi32>
    %jit3A_855 = arith.constant 0xFF800000 : f32
    %broadcast_in_dim3A_856 = vector.shape_cast %eq3A_854 : vector<1000x1xi1> to vector<1000x1xi1>
    %broadcast_in_dim3A_857 = vector.broadcast %broadcast_in_dim3A_856 : vector<1000x1xi1> to vector<1000x128xi1>
    %broadcast_in_dim3A_858 = vector.broadcast %jit3A_855 : f32 to vector<1000x128xf32>
    %select_n3A_859 = arith.select %broadcast_in_dim3A_857, %get3A_3, %broadcast_in_dim3A_858 : vector<1000x128xi1>, vector<1000x128xf32>
    %reduce_max3A_860 = arith.constant dense<0xFF800000> : vector<128xf32>
    %reduce_max3A_861 = vector.multi_reduction <maximumf>, %select_n3A_859, %reduce_max3A_860 [0] : vector<1000x128xf32> to vector<128xf32>
    %get3A_862 = arith.constant 46 : index
    %get3A_863 = arith.constant 0 : index
    %get3A_864 = vector.load %arg6[%get3A_862, %get3A_863] : memref<64x128xf32, #tpu.memory_space<vmem>>, vector<1x128xf32>
    %broadcast_in_dim3A_865 = vector.shape_cast %reduce_max3A_861 : vector<128xf32> to vector<1x128xf32>
    %max3A_866 = arith.maximumf %get3A_864, %broadcast_in_dim3A_865 : vector<1x128xf32>
    %swap3A_867 = arith.constant 46 : index
    %swap3A_868 = arith.constant 0 : index
    %swap3A_869 = vector.load %arg6[%swap3A_867, %swap3A_868] : memref<64x128xf32, #tpu.memory_space<vmem>>, vector<1x128xf32>
    tpu.vector_store %arg6[%swap3A_867, %swap3A_868], %max3A_866 {strides = array<i32>} : memref<64x128xf32, #tpu.memory_space<vmem>>, vector<1x128xf32>,
    %eq3A_870 = arith.constant 47 : i32
    %eq3A_871 = vector.broadcast %eq3A_870 : i32 to vector<1000x1xi32>
    %eq3A_872 = arith.cmpi eq, %reshape3A, %eq3A_871 : vector<1000x1xi32>
    %jit3A_873 = arith.constant 0xFF800000 : f32
    %broadcast_in_dim3A_874 = vector.shape_cast %eq3A_872 : vector<1000x1xi1> to vector<1000x1xi1>
    %broadcast_in_dim3A_875 = vector.broadcast %broadcast_in_dim3A_874 : vector<1000x1xi1> to vector<1000x128xi1>
    %broadcast_in_dim3A_876 = vector.broadcast %jit3A_873 : f32 to vector<1000x128xf32>
    %select_n3A_877 = arith.select %broadcast_in_dim3A_875, %get3A_3, %broadcast_in_dim3A_876 : vector<1000x128xi1>, vector<1000x128xf32>
    %reduce_max3A_878 = arith.constant dense<0xFF800000> : vector<128xf32>
    %reduce_max3A_879 = vector.multi_reduction <maximumf>, %select_n3A_877, %reduce_max3A_878 [0] : vector<1000x128xf32> to vector<128xf32>
    %get3A_880 = arith.constant 47 : index
    %get3A_881 = arith.constant 0 : index
    %get3A_882 = vector.load %arg6[%get3A_880, %get3A_881] : memref<64x128xf32, #tpu.memory_space<vmem>>, vector<1x128xf32>
    %broadcast_in_dim3A_883 = vector.shape_cast %reduce_max3A_879 : vector<128xf32> to vector<1x128xf32>
    %max3A_884 = arith.maximumf %get3A_882, %broadcast_in_dim3A_883 : vector<1x128xf32>
    %swap3A_885 = arith.constant 47 : index
    %swap3A_886 = arith.constant 0 : index
    %swap3A_887 = vector.load %arg6[%swap3A_885, %swap3A_886] : memref<64x128xf32, #tpu.memory_space<vmem>>, vector<1x128xf32>
    tpu.vector_store %arg6[%swap3A_885, %swap3A_886], %max3A_884 {strides = array<i32>} : memref<64x128xf32, #tpu.memory_space<vmem>>, vector<1x128xf32>,
    %eq3A_888 = arith.constant 48 : i32
    %eq3A_889 = vector.broadcast %eq3A_888 : i32 to vector<1000x1xi32>
    %eq3A_890 = arith.cmpi eq, %reshape3A, %eq3A_889 : vector<1000x1xi32>
    %jit3A_891 = arith.constant 0xFF800000 : f32
    %broadcast_in_dim3A_892 = vector.shape_cast %eq3A_890 : vector<1000x1xi1> to vector<1000x1xi1>
    %broadcast_in_dim3A_893 = vector.broadcast %broadcast_in_dim3A_892 : vector<1000x1xi1> to vector<1000x128xi1>
    %broadcast_in_dim3A_894 = vector.broadcast %jit3A_891 : f32 to vector<1000x128xf32>
    %select_n3A_895 = arith.select %broadcast_in_dim3A_893, %get3A_3, %broadcast_in_dim3A_894 : vector<1000x128xi1>, vector<1000x128xf32>
    %reduce_max3A_896 = arith.constant dense<0xFF800000> : vector<128xf32>
    %reduce_max3A_897 = vector.multi_reduction <maximumf>, %select_n3A_895, %reduce_max3A_896 [0] : vector<1000x128xf32> to vector<128xf32>
    %get3A_898 = arith.constant 48 : index
    %get3A_899 = arith.constant 0 : index
    %get3A_900 = vector.load %arg6[%get3A_898, %get3A_899] : memref<64x128xf32, #tpu.memory_space<vmem>>, vector<1x128xf32>
    %broadcast_in_dim3A_901 = vector.shape_cast %reduce_max3A_897 : vector<128xf32> to vector<1x128xf32>
    %max3A_902 = arith.maximumf %get3A_900, %broadcast_in_dim3A_901 : vector<1x128xf32>
    %swap3A_903 = arith.constant 48 : index
    %swap3A_904 = arith.constant 0 : index
    %swap3A_905 = vector.load %arg6[%swap3A_903, %swap3A_904] : memref<64x128xf32, #tpu.memory_space<vmem>>, vector<1x128xf32>
    tpu.vector_store %arg6[%swap3A_903, %swap3A_904], %max3A_902 {strides = array<i32>} : memref<64x128xf32, #tpu.memory_space<vmem>>, vector<1x128xf32>,
    %eq3A_906 = arith.constant 49 : i32
    %eq3A_907 = vector.broadcast %eq3A_906 : i32 to vector<1000x1xi32>
    %eq3A_908 = arith.cmpi eq, %reshape3A, %eq3A_907 : vector<1000x1xi32>
    %jit3A_909 = arith.constant 0xFF800000 : f32
    %broadcast_in_dim3A_910 = vector.shape_cast %eq3A_908 : vector<1000x1xi1> to vector<1000x1xi1>
    %broadcast_in_dim3A_911 = vector.broadcast %broadcast_in_dim3A_910 : vector<1000x1xi1> to vector<1000x128xi1>
    %broadcast_in_dim3A_912 = vector.broadcast %jit3A_909 : f32 to vector<1000x128xf32>
    %select_n3A_913 = arith.select %broadcast_in_dim3A_911, %get3A_3, %broadcast_in_dim3A_912 : vector<1000x128xi1>, vector<1000x128xf32>
    %reduce_max3A_914 = arith.constant dense<0xFF800000> : vector<128xf32>
    %reduce_max3A_915 = vector.multi_reduction <maximumf>, %select_n3A_913, %reduce_max3A_914 [0] : vector<1000x128xf32> to vector<128xf32>
    %get3A_916 = arith.constant 49 : index
    %get3A_917 = arith.constant 0 : index
    %get3A_918 = vector.load %arg6[%get3A_916, %get3A_917] : memref<64x128xf32, #tpu.memory_space<vmem>>, vector<1x128xf32>
    %broadcast_in_dim3A_919 = vector.shape_cast %reduce_max3A_915 : vector<128xf32> to vector<1x128xf32>
    %max3A_920 = arith.maximumf %get3A_918, %broadcast_in_dim3A_919 : vector<1x128xf32>
    %swap3A_921 = arith.constant 49 : index
    %swap3A_922 = arith.constant 0 : index
    %swap3A_923 = vector.load %arg6[%swap3A_921, %swap3A_922] : memref<64x128xf32, #tpu.memory_space<vmem>>, vector<1x128xf32>
    tpu.vector_store %arg6[%swap3A_921, %swap3A_922], %max3A_920 {strides = array<i32>} : memref<64x128xf32, #tpu.memory_space<vmem>>, vector<1x128xf32>,
    %eq3A_924 = arith.constant 50 : i32
    %eq3A_925 = vector.broadcast %eq3A_924 : i32 to vector<1000x1xi32>
    %eq3A_926 = arith.cmpi eq, %reshape3A, %eq3A_925 : vector<1000x1xi32>
    %jit3A_927 = arith.constant 0xFF800000 : f32
    %broadcast_in_dim3A_928 = vector.shape_cast %eq3A_926 : vector<1000x1xi1> to vector<1000x1xi1>
    %broadcast_in_dim3A_929 = vector.broadcast %broadcast_in_dim3A_928 : vector<1000x1xi1> to vector<1000x128xi1>
    %broadcast_in_dim3A_930 = vector.broadcast %jit3A_927 : f32 to vector<1000x128xf32>
    %select_n3A_931 = arith.select %broadcast_in_dim3A_929, %get3A_3, %broadcast_in_dim3A_930 : vector<1000x128xi1>, vector<1000x128xf32>
    %reduce_max3A_932 = arith.constant dense<0xFF800000> : vector<128xf32>
    %reduce_max3A_933 = vector.multi_reduction <maximumf>, %select_n3A_931, %reduce_max3A_932 [0] : vector<1000x128xf32> to vector<128xf32>
    %get3A_934 = arith.constant 50 : index
    %get3A_935 = arith.constant 0 : index
    %get3A_936 = vector.load %arg6[%get3A_934, %get3A_935] : memref<64x128xf32, #tpu.memory_space<vmem>>, vector<1x128xf32>
    %broadcast_in_dim3A_937 = vector.shape_cast %reduce_max3A_933 : vector<128xf32> to vector<1x128xf32>
    %max3A_938 = arith.maximumf %get3A_936, %broadcast_in_dim3A_937 : vector<1x128xf32>
    %swap3A_939 = arith.constant 50 : index
    %swap3A_940 = arith.constant 0 : index
    %swap3A_941 = vector.load %arg6[%swap3A_939, %swap3A_940] : memref<64x128xf32, #tpu.memory_space<vmem>>, vector<1x128xf32>
    tpu.vector_store %arg6[%swap3A_939, %swap3A_940], %max3A_938 {strides = array<i32>} : memref<64x128xf32, #tpu.memory_space<vmem>>, vector<1x128xf32>,
    %eq3A_942 = arith.constant 51 : i32
    %eq3A_943 = vector.broadcast %eq3A_942 : i32 to vector<1000x1xi32>
    %eq3A_944 = arith.cmpi eq, %reshape3A, %eq3A_943 : vector<1000x1xi32>
    %jit3A_945 = arith.constant 0xFF800000 : f32
    %broadcast_in_dim3A_946 = vector.shape_cast %eq3A_944 : vector<1000x1xi1> to vector<1000x1xi1>
    %broadcast_in_dim3A_947 = vector.broadcast %broadcast_in_dim3A_946 : vector<1000x1xi1> to vector<1000x128xi1>
    %broadcast_in_dim3A_948 = vector.broadcast %jit3A_945 : f32 to vector<1000x128xf32>
    %select_n3A_949 = arith.select %broadcast_in_dim3A_947, %get3A_3, %broadcast_in_dim3A_948 : vector<1000x128xi1>, vector<1000x128xf32>
    %reduce_max3A_950 = arith.constant dense<0xFF800000> : vector<128xf32>
    %reduce_max3A_951 = vector.multi_reduction <maximumf>, %select_n3A_949, %reduce_max3A_950 [0] : vector<1000x128xf32> to vector<128xf32>
    %get3A_952 = arith.constant 51 : index
    %get3A_953 = arith.constant 0 : index
    %get3A_954 = vector.load %arg6[%get3A_952, %get3A_953] : memref<64x128xf32, #tpu.memory_space<vmem>>, vector<1x128xf32>
    %broadcast_in_dim3A_955 = vector.shape_cast %reduce_max3A_951 : vector<128xf32> to vector<1x128xf32>
    %max3A_956 = arith.maximumf %get3A_954, %broadcast_in_dim3A_955 : vector<1x128xf32>
    %swap3A_957 = arith.constant 51 : index
    %swap3A_958 = arith.constant 0 : index
    %swap3A_959 = vector.load %arg6[%swap3A_957, %swap3A_958] : memref<64x128xf32, #tpu.memory_space<vmem>>, vector<1x128xf32>
    tpu.vector_store %arg6[%swap3A_957, %swap3A_958], %max3A_956 {strides = array<i32>} : memref<64x128xf32, #tpu.memory_space<vmem>>, vector<1x128xf32>,
    %eq3A_960 = arith.constant 52 : i32
    %eq3A_961 = vector.broadcast %eq3A_960 : i32 to vector<1000x1xi32>
    %eq3A_962 = arith.cmpi eq, %reshape3A, %eq3A_961 : vector<1000x1xi32>
    %jit3A_963 = arith.constant 0xFF800000 : f32
    %broadcast_in_dim3A_964 = vector.shape_cast %eq3A_962 : vector<1000x1xi1> to vector<1000x1xi1>
    %broadcast_in_dim3A_965 = vector.broadcast %broadcast_in_dim3A_964 : vector<1000x1xi1> to vector<1000x128xi1>
    %broadcast_in_dim3A_966 = vector.broadcast %jit3A_963 : f32 to vector<1000x128xf32>
    %select_n3A_967 = arith.select %broadcast_in_dim3A_965, %get3A_3, %broadcast_in_dim3A_966 : vector<1000x128xi1>, vector<1000x128xf32>
    %reduce_max3A_968 = arith.constant dense<0xFF800000> : vector<128xf32>
    %reduce_max3A_969 = vector.multi_reduction <maximumf>, %select_n3A_967, %reduce_max3A_968 [0] : vector<1000x128xf32> to vector<128xf32>
    %get3A_970 = arith.constant 52 : index
    %get3A_971 = arith.constant 0 : index
    %get3A_972 = vector.load %arg6[%get3A_970, %get3A_971] : memref<64x128xf32, #tpu.memory_space<vmem>>, vector<1x128xf32>
    %broadcast_in_dim3A_973 = vector.shape_cast %reduce_max3A_969 : vector<128xf32> to vector<1x128xf32>
    %max3A_974 = arith.maximumf %get3A_972, %broadcast_in_dim3A_973 : vector<1x128xf32>
    %swap3A_975 = arith.constant 52 : index
    %swap3A_976 = arith.constant 0 : index
    %swap3A_977 = vector.load %arg6[%swap3A_975, %swap3A_976] : memref<64x128xf32, #tpu.memory_space<vmem>>, vector<1x128xf32>
    tpu.vector_store %arg6[%swap3A_975, %swap3A_976], %max3A_974 {strides = array<i32>} : memref<64x128xf32, #tpu.memory_space<vmem>>, vector<1x128xf32>,
    %eq3A_978 = arith.constant 53 : i32
    %eq3A_979 = vector.broadcast %eq3A_978 : i32 to vector<1000x1xi32>
    %eq3A_980 = arith.cmpi eq, %reshape3A, %eq3A_979 : vector<1000x1xi32>
    %jit3A_981 = arith.constant 0xFF800000 : f32
    %broadcast_in_dim3A_982 = vector.shape_cast %eq3A_980 : vector<1000x1xi1> to vector<1000x1xi1>
    %broadcast_in_dim3A_983 = vector.broadcast %broadcast_in_dim3A_982 : vector<1000x1xi1> to vector<1000x128xi1>
    %broadcast_in_dim3A_984 = vector.broadcast %jit3A_981 : f32 to vector<1000x128xf32>
    %select_n3A_985 = arith.select %broadcast_in_dim3A_983, %get3A_3, %broadcast_in_dim3A_984 : vector<1000x128xi1>, vector<1000x128xf32>
    %reduce_max3A_986 = arith.constant dense<0xFF800000> : vector<128xf32>
    %reduce_max3A_987 = vector.multi_reduction <maximumf>, %select_n3A_985, %reduce_max3A_986 [0] : vector<1000x128xf32> to vector<128xf32>
    %get3A_988 = arith.constant 53 : index
    %get3A_989 = arith.constant 0 : index
    %get3A_990 = vector.load %arg6[%get3A_988, %get3A_989] : memref<64x128xf32, #tpu.memory_space<vmem>>, vector<1x128xf32>
    %broadcast_in_dim3A_991 = vector.shape_cast %reduce_max3A_987 : vector<128xf32> to vector<1x128xf32>
    %max3A_992 = arith.maximumf %get3A_990, %broadcast_in_dim3A_991 : vector<1x128xf32>
    %swap3A_993 = arith.constant 53 : index
    %swap3A_994 = arith.constant 0 : index
    %swap3A_995 = vector.load %arg6[%swap3A_993, %swap3A_994] : memref<64x128xf32, #tpu.memory_space<vmem>>, vector<1x128xf32>
    tpu.vector_store %arg6[%swap3A_993, %swap3A_994], %max3A_992 {strides = array<i32>} : memref<64x128xf32, #tpu.memory_space<vmem>>, vector<1x128xf32>,
    %eq3A_996 = arith.constant 54 : i32
    %eq3A_997 = vector.broadcast %eq3A_996 : i32 to vector<1000x1xi32>
    %eq3A_998 = arith.cmpi eq, %reshape3A, %eq3A_997 : vector<1000x1xi32>
    %jit3A_999 = arith.constant 0xFF800000 : f32
    %broadcast_in_dim3A_1000 = vector.shape_cast %eq3A_998 : vector<1000x1xi1> to vector<1000x1xi1>
    %broadcast_in_dim3A_1001 = vector.broadcast %broadcast_in_dim3A_1000 : vector<1000x1xi1> to vector<1000x128xi1>
    %broadcast_in_dim3A_1002 = vector.broadcast %jit3A_999 : f32 to vector<1000x128xf32>
    %select_n3A_1003 = arith.select %broadcast_in_dim3A_1001, %get3A_3, %broadcast_in_dim3A_1002 : vector<1000x128xi1>, vector<1000x128xf32>
    %reduce_max3A_1004 = arith.constant dense<0xFF800000> : vector<128xf32>
    %reduce_max3A_1005 = vector.multi_reduction <maximumf>, %select_n3A_1003, %reduce_max3A_1004 [0] : vector<1000x128xf32> to vector<128xf32>
    %get3A_1006 = arith.constant 54 : index
    %get3A_1007 = arith.constant 0 : index
    %get3A_1008 = vector.load %arg6[%get3A_1006, %get3A_1007] : memref<64x128xf32, #tpu.memory_space<vmem>>, vector<1x128xf32>
    %broadcast_in_dim3A_1009 = vector.shape_cast %reduce_max3A_1005 : vector<128xf32> to vector<1x128xf32>
    %max3A_1010 = arith.maximumf %get3A_1008, %broadcast_in_dim3A_1009 : vector<1x128xf32>
    %swap3A_1011 = arith.constant 54 : index
    %swap3A_1012 = arith.constant 0 : index
    %swap3A_1013 = vector.load %arg6[%swap3A_1011, %swap3A_1012] : memref<64x128xf32, #tpu.memory_space<vmem>>, vector<1x128xf32>
    tpu.vector_store %arg6[%swap3A_1011, %swap3A_1012], %max3A_1010 {strides = array<i32>} : memref<64x128xf32, #tpu.memory_space<vmem>>, vector<1x128xf32>,
    %eq3A_1014 = arith.constant 55 : i32
    %eq3A_1015 = vector.broadcast %eq3A_1014 : i32 to vector<1000x1xi32>
    %eq3A_1016 = arith.cmpi eq, %reshape3A, %eq3A_1015 : vector<1000x1xi32>
    %jit3A_1017 = arith.constant 0xFF800000 : f32
    %broadcast_in_dim3A_1018 = vector.shape_cast %eq3A_1016 : vector<1000x1xi1> to vector<1000x1xi1>
    %broadcast_in_dim3A_1019 = vector.broadcast %broadcast_in_dim3A_1018 : vector<1000x1xi1> to vector<1000x128xi1>
    %broadcast_in_dim3A_1020 = vector.broadcast %jit3A_1017 : f32 to vector<1000x128xf32>
    %select_n3A_1021 = arith.select %broadcast_in_dim3A_1019, %get3A_3, %broadcast_in_dim3A_1020 : vector<1000x128xi1>, vector<1000x128xf32>
    %reduce_max3A_1022 = arith.constant dense<0xFF800000> : vector<128xf32>
    %reduce_max3A_1023 = vector.multi_reduction <maximumf>, %select_n3A_1021, %reduce_max3A_1022 [0] : vector<1000x128xf32> to vector<128xf32>
    %get3A_1024 = arith.constant 55 : index
    %get3A_1025 = arith.constant 0 : index
    %get3A_1026 = vector.load %arg6[%get3A_1024, %get3A_1025] : memref<64x128xf32, #tpu.memory_space<vmem>>, vector<1x128xf32>
    %broadcast_in_dim3A_1027 = vector.shape_cast %reduce_max3A_1023 : vector<128xf32> to vector<1x128xf32>
    %max3A_1028 = arith.maximumf %get3A_1026, %broadcast_in_dim3A_1027 : vector<1x128xf32>
    %swap3A_1029 = arith.constant 55 : index
    %swap3A_1030 = arith.constant 0 : index
    %swap3A_1031 = vector.load %arg6[%swap3A_1029, %swap3A_1030] : memref<64x128xf32, #tpu.memory_space<vmem>>, vector<1x128xf32>
    tpu.vector_store %arg6[%swap3A_1029, %swap3A_1030], %max3A_1028 {strides = array<i32>} : memref<64x128xf32, #tpu.memory_space<vmem>>, vector<1x128xf32>,
    %eq3A_1032 = arith.constant 56 : i32
    %eq3A_1033 = vector.broadcast %eq3A_1032 : i32 to vector<1000x1xi32>
    %eq3A_1034 = arith.cmpi eq, %reshape3A, %eq3A_1033 : vector<1000x1xi32>
    %jit3A_1035 = arith.constant 0xFF800000 : f32
    %broadcast_in_dim3A_1036 = vector.shape_cast %eq3A_1034 : vector<1000x1xi1> to vector<1000x1xi1>
    %broadcast_in_dim3A_1037 = vector.broadcast %broadcast_in_dim3A_1036 : vector<1000x1xi1> to vector<1000x128xi1>
    %broadcast_in_dim3A_1038 = vector.broadcast %jit3A_1035 : f32 to vector<1000x128xf32>
    %select_n3A_1039 = arith.select %broadcast_in_dim3A_1037, %get3A_3, %broadcast_in_dim3A_1038 : vector<1000x128xi1>, vector<1000x128xf32>
    %reduce_max3A_1040 = arith.constant dense<0xFF800000> : vector<128xf32>
    %reduce_max3A_1041 = vector.multi_reduction <maximumf>, %select_n3A_1039, %reduce_max3A_1040 [0] : vector<1000x128xf32> to vector<128xf32>
    %get3A_1042 = arith.constant 56 : index
    %get3A_1043 = arith.constant 0 : index
    %get3A_1044 = vector.load %arg6[%get3A_1042, %get3A_1043] : memref<64x128xf32, #tpu.memory_space<vmem>>, vector<1x128xf32>
    %broadcast_in_dim3A_1045 = vector.shape_cast %reduce_max3A_1041 : vector<128xf32> to vector<1x128xf32>
    %max3A_1046 = arith.maximumf %get3A_1044, %broadcast_in_dim3A_1045 : vector<1x128xf32>
    %swap3A_1047 = arith.constant 56 : index
    %swap3A_1048 = arith.constant 0 : index
    %swap3A_1049 = vector.load %arg6[%swap3A_1047, %swap3A_1048] : memref<64x128xf32, #tpu.memory_space<vmem>>, vector<1x128xf32>
    tpu.vector_store %arg6[%swap3A_1047, %swap3A_1048], %max3A_1046 {strides = array<i32>} : memref<64x128xf32, #tpu.memory_space<vmem>>, vector<1x128xf32>,
    %eq3A_1050 = arith.constant 57 : i32
    %eq3A_1051 = vector.broadcast %eq3A_1050 : i32 to vector<1000x1xi32>
    %eq3A_1052 = arith.cmpi eq, %reshape3A, %eq3A_1051 : vector<1000x1xi32>
    %jit3A_1053 = arith.constant 0xFF800000 : f32
    %broadcast_in_dim3A_1054 = vector.shape_cast %eq3A_1052 : vector<1000x1xi1> to vector<1000x1xi1>
    %broadcast_in_dim3A_1055 = vector.broadcast %broadcast_in_dim3A_1054 : vector<1000x1xi1> to vector<1000x128xi1>
    %broadcast_in_dim3A_1056 = vector.broadcast %jit3A_1053 : f32 to vector<1000x128xf32>
    %select_n3A_1057 = arith.select %broadcast_in_dim3A_1055, %get3A_3, %broadcast_in_dim3A_1056 : vector<1000x128xi1>, vector<1000x128xf32>
    %reduce_max3A_1058 = arith.constant dense<0xFF800000> : vector<128xf32>
    %reduce_max3A_1059 = vector.multi_reduction <maximumf>, %select_n3A_1057, %reduce_max3A_1058 [0] : vector<1000x128xf32> to vector<128xf32>
    %get3A_1060 = arith.constant 57 : index
    %get3A_1061 = arith.constant 0 : index
    %get3A_1062 = vector.load %arg6[%get3A_1060, %get3A_1061] : memref<64x128xf32, #tpu.memory_space<vmem>>, vector<1x128xf32>
    %broadcast_in_dim3A_1063 = vector.shape_cast %reduce_max3A_1059 : vector<128xf32> to vector<1x128xf32>
    %max3A_1064 = arith.maximumf %get3A_1062, %broadcast_in_dim3A_1063 : vector<1x128xf32>
    %swap3A_1065 = arith.constant 57 : index
    %swap3A_1066 = arith.constant 0 : index
    %swap3A_1067 = vector.load %arg6[%swap3A_1065, %swap3A_1066] : memref<64x128xf32, #tpu.memory_space<vmem>>, vector<1x128xf32>
    tpu.vector_store %arg6[%swap3A_1065, %swap3A_1066], %max3A_1064 {strides = array<i32>} : memref<64x128xf32, #tpu.memory_space<vmem>>, vector<1x128xf32>,
    %eq3A_1068 = arith.constant 58 : i32
    %eq3A_1069 = vector.broadcast %eq3A_1068 : i32 to vector<1000x1xi32>
    %eq3A_1070 = arith.cmpi eq, %reshape3A, %eq3A_1069 : vector<1000x1xi32>
    %jit3A_1071 = arith.constant 0xFF800000 : f32
    %broadcast_in_dim3A_1072 = vector.shape_cast %eq3A_1070 : vector<1000x1xi1> to vector<1000x1xi1>
    %broadcast_in_dim3A_1073 = vector.broadcast %broadcast_in_dim3A_1072 : vector<1000x1xi1> to vector<1000x128xi1>
    %broadcast_in_dim3A_1074 = vector.broadcast %jit3A_1071 : f32 to vector<1000x128xf32>
    %select_n3A_1075 = arith.select %broadcast_in_dim3A_1073, %get3A_3, %broadcast_in_dim3A_1074 : vector<1000x128xi1>, vector<1000x128xf32>
    %reduce_max3A_1076 = arith.constant dense<0xFF800000> : vector<128xf32>
    %reduce_max3A_1077 = vector.multi_reduction <maximumf>, %select_n3A_1075, %reduce_max3A_1076 [0] : vector<1000x128xf32> to vector<128xf32>
    %get3A_1078 = arith.constant 58 : index
    %get3A_1079 = arith.constant 0 : index
    %get3A_1080 = vector.load %arg6[%get3A_1078, %get3A_1079] : memref<64x128xf32, #tpu.memory_space<vmem>>, vector<1x128xf32>
    %broadcast_in_dim3A_1081 = vector.shape_cast %reduce_max3A_1077 : vector<128xf32> to vector<1x128xf32>
    %max3A_1082 = arith.maximumf %get3A_1080, %broadcast_in_dim3A_1081 : vector<1x128xf32>
    %swap3A_1083 = arith.constant 58 : index
    %swap3A_1084 = arith.constant 0 : index
    %swap3A_1085 = vector.load %arg6[%swap3A_1083, %swap3A_1084] : memref<64x128xf32, #tpu.memory_space<vmem>>, vector<1x128xf32>
    tpu.vector_store %arg6[%swap3A_1083, %swap3A_1084], %max3A_1082 {strides = array<i32>} : memref<64x128xf32, #tpu.memory_space<vmem>>, vector<1x128xf32>,
    %eq3A_1086 = arith.constant 59 : i32
    %eq3A_1087 = vector.broadcast %eq3A_1086 : i32 to vector<1000x1xi32>
    %eq3A_1088 = arith.cmpi eq, %reshape3A, %eq3A_1087 : vector<1000x1xi32>
    %jit3A_1089 = arith.constant 0xFF800000 : f32
    %broadcast_in_dim3A_1090 = vector.shape_cast %eq3A_1088 : vector<1000x1xi1> to vector<1000x1xi1>
    %broadcast_in_dim3A_1091 = vector.broadcast %broadcast_in_dim3A_1090 : vector<1000x1xi1> to vector<1000x128xi1>
    %broadcast_in_dim3A_1092 = vector.broadcast %jit3A_1089 : f32 to vector<1000x128xf32>
    %select_n3A_1093 = arith.select %broadcast_in_dim3A_1091, %get3A_3, %broadcast_in_dim3A_1092 : vector<1000x128xi1>, vector<1000x128xf32>
    %reduce_max3A_1094 = arith.constant dense<0xFF800000> : vector<128xf32>
    %reduce_max3A_1095 = vector.multi_reduction <maximumf>, %select_n3A_1093, %reduce_max3A_1094 [0] : vector<1000x128xf32> to vector<128xf32>
    %get3A_1096 = arith.constant 59 : index
    %get3A_1097 = arith.constant 0 : index
    %get3A_1098 = vector.load %arg6[%get3A_1096, %get3A_1097] : memref<64x128xf32, #tpu.memory_space<vmem>>, vector<1x128xf32>
    %broadcast_in_dim3A_1099 = vector.shape_cast %reduce_max3A_1095 : vector<128xf32> to vector<1x128xf32>
    %max3A_1100 = arith.maximumf %get3A_1098, %broadcast_in_dim3A_1099 : vector<1x128xf32>
    %swap3A_1101 = arith.constant 59 : index
    %swap3A_1102 = arith.constant 0 : index
    %swap3A_1103 = vector.load %arg6[%swap3A_1101, %swap3A_1102] : memref<64x128xf32, #tpu.memory_space<vmem>>, vector<1x128xf32>
    tpu.vector_store %arg6[%swap3A_1101, %swap3A_1102], %max3A_1100 {strides = array<i32>} : memref<64x128xf32, #tpu.memory_space<vmem>>, vector<1x128xf32>,
    %eq3A_1104 = arith.constant 60 : i32
    %eq3A_1105 = vector.broadcast %eq3A_1104 : i32 to vector<1000x1xi32>
    %eq3A_1106 = arith.cmpi eq, %reshape3A, %eq3A_1105 : vector<1000x1xi32>
    %jit3A_1107 = arith.constant 0xFF800000 : f32
    %broadcast_in_dim3A_1108 = vector.shape_cast %eq3A_1106 : vector<1000x1xi1> to vector<1000x1xi1>
    %broadcast_in_dim3A_1109 = vector.broadcast %broadcast_in_dim3A_1108 : vector<1000x1xi1> to vector<1000x128xi1>
    %broadcast_in_dim3A_1110 = vector.broadcast %jit3A_1107 : f32 to vector<1000x128xf32>
    %select_n3A_1111 = arith.select %broadcast_in_dim3A_1109, %get3A_3, %broadcast_in_dim3A_1110 : vector<1000x128xi1>, vector<1000x128xf32>
    %reduce_max3A_1112 = arith.constant dense<0xFF800000> : vector<128xf32>
    %reduce_max3A_1113 = vector.multi_reduction <maximumf>, %select_n3A_1111, %reduce_max3A_1112 [0] : vector<1000x128xf32> to vector<128xf32>
    %get3A_1114 = arith.constant 60 : index
    %get3A_1115 = arith.constant 0 : index
    %get3A_1116 = vector.load %arg6[%get3A_1114, %get3A_1115] : memref<64x128xf32, #tpu.memory_space<vmem>>, vector<1x128xf32>
    %broadcast_in_dim3A_1117 = vector.shape_cast %reduce_max3A_1113 : vector<128xf32> to vector<1x128xf32>
    %max3A_1118 = arith.maximumf %get3A_1116, %broadcast_in_dim3A_1117 : vector<1x128xf32>
    %swap3A_1119 = arith.constant 60 : index
    %swap3A_1120 = arith.constant 0 : index
    %swap3A_1121 = vector.load %arg6[%swap3A_1119, %swap3A_1120] : memref<64x128xf32, #tpu.memory_space<vmem>>, vector<1x128xf32>
    tpu.vector_store %arg6[%swap3A_1119, %swap3A_1120], %max3A_1118 {strides = array<i32>} : memref<64x128xf32, #tpu.memory_space<vmem>>, vector<1x128xf32>,
    %eq3A_1122 = arith.constant 61 : i32
    %eq3A_1123 = vector.broadcast %eq3A_1122 : i32 to vector<1000x1xi32>
    %eq3A_1124 = arith.cmpi eq, %reshape3A, %eq3A_1123 : vector<1000x1xi32>
    %jit3A_1125 = arith.constant 0xFF800000 : f32
    %broadcast_in_dim3A_1126 = vector.shape_cast %eq3A_1124 : vector<1000x1xi1> to vector<1000x1xi1>
    %broadcast_in_dim3A_1127 = vector.broadcast %broadcast_in_dim3A_1126 : vector<1000x1xi1> to vector<1000x128xi1>
    %broadcast_in_dim3A_1128 = vector.broadcast %jit3A_1125 : f32 to vector<1000x128xf32>
    %select_n3A_1129 = arith.select %broadcast_in_dim3A_1127, %get3A_3, %broadcast_in_dim3A_1128 : vector<1000x128xi1>, vector<1000x128xf32>
    %reduce_max3A_1130 = arith.constant dense<0xFF800000> : vector<128xf32>
    %reduce_max3A_1131 = vector.multi_reduction <maximumf>, %select_n3A_1129, %reduce_max3A_1130 [0] : vector<1000x128xf32> to vector<128xf32>
    %get3A_1132 = arith.constant 61 : index
    %get3A_1133 = arith.constant 0 : index
    %get3A_1134 = vector.load %arg6[%get3A_1132, %get3A_1133] : memref<64x128xf32, #tpu.memory_space<vmem>>, vector<1x128xf32>
    %broadcast_in_dim3A_1135 = vector.shape_cast %reduce_max3A_1131 : vector<128xf32> to vector<1x128xf32>
    %max3A_1136 = arith.maximumf %get3A_1134, %broadcast_in_dim3A_1135 : vector<1x128xf32>
    %swap3A_1137 = arith.constant 61 : index
    %swap3A_1138 = arith.constant 0 : index
    %swap3A_1139 = vector.load %arg6[%swap3A_1137, %swap3A_1138] : memref<64x128xf32, #tpu.memory_space<vmem>>, vector<1x128xf32>
    tpu.vector_store %arg6[%swap3A_1137, %swap3A_1138], %max3A_1136 {strides = array<i32>} : memref<64x128xf32, #tpu.memory_space<vmem>>, vector<1x128xf32>,
    %eq3A_1140 = arith.constant 62 : i32
    %eq3A_1141 = vector.broadcast %eq3A_1140 : i32 to vector<1000x1xi32>
    %eq3A_1142 = arith.cmpi eq, %reshape3A, %eq3A_1141 : vector<1000x1xi32>
    %jit3A_1143 = arith.constant 0xFF800000 : f32
    %broadcast_in_dim3A_1144 = vector.shape_cast %eq3A_1142 : vector<1000x1xi1> to vector<1000x1xi1>
    %broadcast_in_dim3A_1145 = vector.broadcast %broadcast_in_dim3A_1144 : vector<1000x1xi1> to vector<1000x128xi1>
    %broadcast_in_dim3A_1146 = vector.broadcast %jit3A_1143 : f32 to vector<1000x128xf32>
    %select_n3A_1147 = arith.select %broadcast_in_dim3A_1145, %get3A_3, %broadcast_in_dim3A_1146 : vector<1000x128xi1>, vector<1000x128xf32>
    %reduce_max3A_1148 = arith.constant dense<0xFF800000> : vector<128xf32>
    %reduce_max3A_1149 = vector.multi_reduction <maximumf>, %select_n3A_1147, %reduce_max3A_1148 [0] : vector<1000x128xf32> to vector<128xf32>
    %get3A_1150 = arith.constant 62 : index
    %get3A_1151 = arith.constant 0 : index
    %get3A_1152 = vector.load %arg6[%get3A_1150, %get3A_1151] : memref<64x128xf32, #tpu.memory_space<vmem>>, vector<1x128xf32>
    %broadcast_in_dim3A_1153 = vector.shape_cast %reduce_max3A_1149 : vector<128xf32> to vector<1x128xf32>
    %max3A_1154 = arith.maximumf %get3A_1152, %broadcast_in_dim3A_1153 : vector<1x128xf32>
    %swap3A_1155 = arith.constant 62 : index
    %swap3A_1156 = arith.constant 0 : index
    %swap3A_1157 = vector.load %arg6[%swap3A_1155, %swap3A_1156] : memref<64x128xf32, #tpu.memory_space<vmem>>, vector<1x128xf32>
    tpu.vector_store %arg6[%swap3A_1155, %swap3A_1156], %max3A_1154 {strides = array<i32>} : memref<64x128xf32, #tpu.memory_space<vmem>>, vector<1x128xf32>,
    %eq3A_1158 = arith.constant 63 : i32
    %eq3A_1159 = vector.broadcast %eq3A_1158 : i32 to vector<1000x1xi32>
    %eq3A_1160 = arith.cmpi eq, %reshape3A, %eq3A_1159 : vector<1000x1xi32>
    %jit3A_1161 = arith.constant 0xFF800000 : f32
    %broadcast_in_dim3A_1162 = vector.shape_cast %eq3A_1160 : vector<1000x1xi1> to vector<1000x1xi1>
    %broadcast_in_dim3A_1163 = vector.broadcast %broadcast_in_dim3A_1162 : vector<1000x1xi1> to vector<1000x128xi1>
    %broadcast_in_dim3A_1164 = vector.broadcast %jit3A_1161 : f32 to vector<1000x128xf32>
    %select_n3A_1165 = arith.select %broadcast_in_dim3A_1163, %get3A_3, %broadcast_in_dim3A_1164 : vector<1000x128xi1>, vector<1000x128xf32>
    %reduce_max3A_1166 = arith.constant dense<0xFF800000> : vector<128xf32>
    %reduce_max3A_1167 = vector.multi_reduction <maximumf>, %select_n3A_1165, %reduce_max3A_1166 [0] : vector<1000x128xf32> to vector<128xf32>
    %get3A_1168 = arith.constant 63 : index
    %get3A_1169 = arith.constant 0 : index
    %get3A_1170 = vector.load %arg6[%get3A_1168, %get3A_1169] : memref<64x128xf32, #tpu.memory_space<vmem>>, vector<1x128xf32>
    %broadcast_in_dim3A_1171 = vector.shape_cast %reduce_max3A_1167 : vector<128xf32> to vector<1x128xf32>
    %max3A_1172 = arith.maximumf %get3A_1170, %broadcast_in_dim3A_1171 : vector<1x128xf32>
    %swap3A_1173 = arith.constant 63 : index
    %swap3A_1174 = arith.constant 0 : index
    %swap3A_1175 = vector.load %arg6[%swap3A_1173, %swap3A_1174] : memref<64x128xf32, #tpu.memory_space<vmem>>, vector<1x128xf32>
    tpu.vector_store %arg6[%swap3A_1173, %swap3A_1174], %max3A_1172 {strides = array<i32>} : memref<64x128xf32, #tpu.memory_space<vmem>>, vector<1x128xf32>,
    %eq3A_1176 = arith.constant 9 : i32
    %eq3A_1177 = arith.cmpi eq, %arg0, %eq3A_1176 : i32
    %convert_element_type3A_1178 = arith.extui %eq3A_1177 : i1 to i32
    %cond3A_1179 = arith.constant 0 : i32
    %cond3A_1180 = arith.cmpi ne, %convert_element_type3A_1178, %cond3A_1179 : i32
    scf.if %cond3A_1180 {
      %get3A_1181 = arith.constant 0 : index
      %get3A_1182 = arith.constant 0 : index
      %get3A_1183 = vector.load %arg7[%get3A_1181, %get3A_1182] : memref<64x128xf32, #tpu.memory_space<vmem>>, vector<64x128xf32>
      %get3A_1184 = arith.constant 0 : index
      %get3A_1185 = arith.constant 0 : index
      %get3A_1186 = vector.load %arg8[%get3A_1184, %get3A_1185] : memref<64x128xf32, #tpu.memory_space<vmem>>, vector<64x128xf32>
      %max3A_1187 = arith.constant 1.000000e+00 : f32
      %max3A_1188 = vector.broadcast %max3A_1187 : f32 to vector<64x128xf32>
      %max3A_1189 = arith.maximumf %get3A_1186, %max3A_1188 : vector<64x128xf32>
      %div3A = arith.divf %get3A_1183, %max3A_1189 : vector<64x128xf32>
      %get3A_1190 = arith.constant 0 : index
      %get3A_1191 = arith.constant 0 : index
      %get3A_1192 = vector.load %arg6[%get3A_1190, %get3A_1191] : memref<64x128xf32, #tpu.memory_space<vmem>>, vector<64x128xf32>
      %concatenate3A = tpu.concatenate %get3A_1192, %div3A in 1 : vector<64x128xf32>, vector<64x128xf32> -> vector<64x256xf32>
      %get3A_1193 = arith.constant 0 : index
      %get3A_1194 = arith.constant 0 : index
      %get3A_1195 = vector.load %arg3[%get3A_1193, %get3A_1194] : memref<256x32xf32, #tpu.memory_space<vmem>>, vector<256x32xf32>
      %dot_general3A_1196 = arith.constant dense<0.000000e+00> : vector<64x32xf32>
      %dot_general3A_1197 = tpu.matmul %concatenate3A, %get3A_1195, %dot_general3A_1196 {dimension_numbers = #tpu.dot_dimension_numbers<[1], [0], [0], [1], [0, 0, 1, 1], [], []>, transpose_lhs_hint = false} : vector<64x256xf32>, vector<256x32xf32>, vector<64x32xf32> -> vector<64x32xf32>
      %get3A_1198 = arith.constant 0 : index
      %get3A_1199 = arith.constant 0 : index
      %get3A_1200 = vector.load %arg4[%get3A_1198, %get3A_1199] : memref<1x32xf32, #tpu.memory_space<vmem>>, vector<1x32xf32>
      %add3A_1201 = vector.broadcast %get3A_1200 : vector<1x32xf32> to vector<64x32xf32>
      %add3A_1202 = arith.addf %dot_general3A_1197, %add3A_1201 : vector<64x32xf32>
      %swap3A_1203 = arith.constant 0 : index
      %swap3A_1204 = arith.constant 0 : index
      %swap3A_1205 = vector.load %arg5[%swap3A_1203, %swap3A_1204] : memref<64x32xf32, #tpu.memory_space<vmem>>, vector<64x32xf32>
      tpu.vector_store %arg5[%swap3A_1203, %swap3A_1204], %add3A_1202 {strides = array<i32>} : memref<64x32xf32, #tpu.memory_space<vmem>>, vector<64x32xf32>,
    } else {
    }
    return
  }
  func.func @transform_0(%arg0: i32) -> (i32, i32) {
    %c0_i32 = arith.constant 0 : i32
    %c0_i32_0 = arith.constant 0 : i32
    return %arg0, %c0_i32 : i32, i32
  }
  func.func @transform_1(%arg0: i32) -> (i32, i32, i32) {
    %c0_i32 = arith.constant 0 : i32
    %c0_i32_0 = arith.constant 0 : i32
    %c0_i32_1 = arith.constant 0 : i32
    return %arg0, %c0_i32, %c0_i32_0 : i32, i32, i32
  }
  func.func @transform_2(%arg0: i32) -> (i32, i32) {
    %c0_i32 = arith.constant 0 : i32
    %c0_i32_0 = arith.constant 0 : i32
    %c0_i32_1 = arith.constant 0 : i32
    return %c0_i32, %c0_i32_0 : i32, i32
  }
  func.func @transform_3(%arg0: i32) -> (i32, i32) {
    %c0_i32 = arith.constant 0 : i32
    %c0_i32_0 = arith.constant 0 : i32
    %c0_i32_1 = arith.constant 0 : i32
    return %c0_i32, %c0_i32_0 : i32, i32
  }
  func.func @transform_4(%arg0: i32) -> (i32, i32) {
    %c0_i32 = arith.constant 0 : i32
    %c0_i32_0 = arith.constant 0 : i32
    %c0_i32_1 = arith.constant 0 : i32
    return %c0_i32, %c0_i32_0 : i32, i32
  }
}

</mosaic_0001>

<sc_bundles>
// kernel: kernel.13.cloned.1.call-start
scs
__scs_entry_jumppad:
0x0: {  	(pc) =	sbr.rel $0x88, $3  }
0x1: {  	(tag) =	ssettag $0x0;
	lr =	simm.s32 $0x1  }
0x2: {  	[smem:$0x3F94] =	sst lr;
	_ =	strace $0xD0000000  }
0x3: {  	_ = 	snop  }
0x4: {  	_ = 	snop  }
0x5: {  	_ = 	snop  }
0x6: {  	_ = 	snop  }
0x7: {  	_ = 	snop  }
__scs_overlays_trampoline_lowered:
0x8: {  	[smem:$0x3FA3] =	sst s0  }
0x9: {  	[smem:$0x3FA4] =	sst s1  }
0xa: {  	[smem:$0x3FA5] =	sst s2  }
0xb: {  	[smem:$0x3FA6] =	sst s3  }
0xc: {  	[smem:$0x3FA7] =	sst s4  }
0xd: {  	[smem:$0x3FA8] =	sst s5  }
0xe: {  	[smem:$0x3FA9] =	sst s6  }
0xf: {  	[smem:$0x3FAA] =	sst s7  }
0x10: {  	[smem:$0x3FAB] =	sst s8  }
0x11: {  	[smem:$0x3FAC] =	sst s9;
	s0 =	simm.s32 @!p0 $0x0  }
0x12: {  	s1 =	sld [smem:$0x3F92];
	s0 =	simm.s32 @p0 $0x1  }
0x13: {  	[smem:$0x3FAD] =	sst s0;
	s0 =	simm.s32 @!p1 $0x0  }
0x14: {  	s2 =	sld [smem:$0x3F91];
	s0 =	simm.s32 @p1 $0x1  }
0x15: {  	[smem:$0x3FAE] =	sst s0;
	s0 =	simm.s32 @!p2 $0x0  }
0x16: {  	s3 =	sld [smem:$0x3FDB];
	s0 =	simm.s32 @p2 $0x1  }
0x17: {  	s4 =	simm.s32 $0x1BF5;
	[smem:$0x3FB0] =	sst s0  }
0x18: {  	s0 =	sld [smem:$0x3F93];
	_ =	swait.ge [sflag:s4], $0x0  }
0x19: {  	s7 =	sld [smem:$0x3F94]  }
0x1a: {  	s8 =	sadd.s32 $0xFFFFE003, lr  }
0x1b: {  	s9 =	sadd.s32 $0xFFFFFEF7, lr;
	s5 =	simm.s32 $0xFFFFFFFF;
	p2 =	slt.u32 s8, $0xFFFFF086  }
0x1c: {  	p1 =	slt.u32 s9, $0xF7A;
	s5 =	simm.s32 @!p2 $0x0  }
0x1d: {  	s5 =	simm.s32 @p1 $0x1;
	p0 =	seq.s32 s7, s2  }
0x1e: {  	s7 =	smul.u32 @!p0 $0xF7A, s2;
	p2 =	seq.s32 @!p0 s5, $0x0  }
0x1f: {  	s9 =	smul.u32 $0xF7A, s1;
	s8 =	simm.s32 @!p0 $0x1BF5;
	p2 =	por !p2, p0  }
0x20: {  	[sflag:s8] =	ssyncset.s32 @!p0 $0xFFFFF086;
	s6 =	sadd.s32 @!p0 s3, s7;
	s7 =	simm.s32 @!p0 $0x108  }
0x21: {  	s3 =	sadd.s32 s3, s9;
	s6 =	sadd.s32 @!p0 $0x88, s6;
	s7 =	simm.s32 @p2 $0x1082  }
0x22: {  	[simem:s7], [sflag:s8] =	dma.local @!p0 [hbm:s6], $0xF7A  }
0x23: {  	s9 =	sor.u32 $0xD0000000, s2;
	s6 =	simm.s32 $0x108;
	_ =	swait.ge @!p0 [sflag:s8], $0x0  }
0x24: {  	s3 =	sadd.s32 $0x88, s3;
	s6 =	simm.s32 @!p1 $0x1082;
	[sflag:s4] =	ssyncset.s32 $0xFFFFF086  }
0x25: {  	[simem:s6], [sflag:s4] =	dma.local [hbm:s3], $0xF7A  }
0x26: {  	[smem:$0x3F94] =	sst s1;
	(tag) =	ssettag s2;
	_ =	strace s9  }
0x27: {  	s1 =	sld [smem:$0x3FA4]  }
0x28: {  	s2 =	sld [smem:$0x3FA5]  }
0x29: {  	s4 =	sld [smem:$0x3FA7]  }
0x2a: {  	p0 =	seq.s32 s5, $0x0;
	s5 =	sld [smem:$0x3FA8]  }
0x2b: {  	s6 =	sld [smem:$0x3FA9]  }
0x2c: {  	s7 =	sld [smem:$0x3FAA]  }
0x2d: {  	s3 =	simm.s32 $0x108;
	s8 =	sld [smem:$0x3FAB]  }
0x2e: {  	s3 =	simm.s32 @!p0 $0x1082;
	s9 =	sld [smem:$0x3FAC]  }
0x2f: {  	lr =	sadd.s32 s0, s3;
	s0 =	sld [smem:$0x3FA3]  }
0x30: {  	s3 =	sld [smem:$0x3FA6]  }
0x31: {  	[smem:$0x3FAF] =	sst s10  }
0x32: {  	s10 =	sld [smem:$0x3FAD];
	_ =	sdelay $0x3  }
0x33: {  	p0 =	seq.s32 s10, $0x1;
	s10 =	sld [smem:$0x3FAF];
	_ =	sdelay $0x3  }
0x34: {  	[smem:$0x3FAF] =	sst s10  }
0x35: {  	s10 =	sld [smem:$0x3FAE];
	_ =	sdelay $0x3  }
0x36: {  	p1 =	seq.s32 s10, $0x1;
	s10 =	sld [smem:$0x3FAF];
	_ =	sdelay $0x3  }
0x37: {  	[smem:$0x3FAF] =	sst s10  }
0x38: {  	s10 =	sld [smem:$0x3FB0]  }
0x39: {  	_ = 	snop;
	(pc) =	sbr.ind lr, $3  }
0x3a: {  	_ = 	snop  }
0x3b: {  	_ = 	snop  }
0x3c: {  	p2 =	seq.s32 s10, $0x1;
	s10 =	sld [smem:$0x3FAF]  }
0x3d: {  	_ =	shalt  }
0x3e: {  	_ =	shalt  }
0x3f: {  	_ =	shalt  }
0x40: {  	_ =	shalt  }
0x41: {  	_ =	shalt  }
0x42: {  	_ =	shalt  }
0x43: {  	_ =	shalt  }
0x44: {  	_ =	shalt  }
0x45: {  	_ =	shalt  }
0x46: {  	_ =	shalt  }
0x47: {  	_ =	shalt  }
0x48: {  	_ =	shalt  }
0x49: {  	_ =	shalt  }
0x4a: {  	_ =	shalt  }
0x4b: {  	_ =	shalt  }
0x4c: {  	_ =	shalt  }
0x4d: {  	_ =	shalt  }
0x4e: {  	_ =	shalt  }
0x4f: {  	_ =	shalt  }
0x50: {  	_ =	shalt  }
0x51: {  	_ =	shalt  }
0x52: {  	_ =	shalt  }
0x53: {  	_ =	shalt  }
0x54: {  	_ =	shalt  }
0x55: {  	_ =	shalt  }
0x56: {  	_ =	shalt  }
0x57: {  	_ =	shalt  }
0x58: {  	_ =	shalt  }
0x59: {  	_ =	shalt  }
0x5a: {  	_ =	shalt  }
0x5b: {  	_ =	shalt  }
0x5c: {  	_ =	shalt  }
0x5d: {  	_ =	shalt  }
0x5e: {  	_ =	shalt  }
0x5f: {  	_ =	shalt  }
0x60: {  	_ =	shalt  }
0x61: {  	_ =	shalt  }
0x62: {  	_ =	shalt  }
0x63: {  	_ =	shalt  }
0x64: {  	_ =	shalt  }
0x65: {  	_ =	shalt  }
0x66: {  	_ =	shalt  }
0x67: {  	_ =	shalt  }
0x68: {  	_ =	shalt  }
0x69: {  	_ =	shalt  }
0x6a: {  	_ =	shalt  }
0x6b: {  	_ =	shalt  }
0x6c: {  	_ =	shalt  }
0x6d: {  	_ =	shalt  }
0x6e: {  	_ =	shalt  }
0x6f: {  	_ =	shalt  }
0x70: {  	_ =	shalt  }
0x71: {  	_ =	shalt  }
0x72: {  	_ =	shalt  }
0x73: {  	_ =	shalt  }
0x74: {  	_ =	shalt  }
0x75: {  	_ =	shalt  }
0x76: {  	_ =	shalt  }
0x77: {  	_ =	shalt  }
0x78: {  	_ =	shalt  }
0x79: {  	_ =	shalt  }
0x7a: {  	_ =	shalt  }
0x7b: {  	_ =	shalt  }
0x7c: {  	_ =	shalt  }
0x7d: {  	_ =	shalt  }
0x7e: {  	_ =	shalt  }
0x7f: {  	_ =	shalt  }
0x80: {  	_ =	shalt  }
0x81: {  	_ =	shalt  }
0x82: {  	_ =	shalt  }
0x83: {  	_ =	shalt  }
0x84: {  	_ =	shalt  }
0x85: {  	_ =	shalt  }
0x86: {  	_ =	shalt  }
0x87: {  	_ =	shalt  }
.Lfunc_end0:
.L_simem_size_0:
called_computation_lowered:
.L_overlay_start_0:
0x88: {  	s2 =	sld [smem:$0x3FD9]  }
0x89: {  	s3 =	sld [smem:$0x3FFE];
	_ =	sdelay $0x1  }
0x8a: {  	s1 =	srdreg.scid  }
0x8b: {  	s0 =	sand.u32 $0x1, s1  }
0x8c: {  	s16 =	sshll.u32 s0, $0xA;
	s2 =	sadd.s32 s3, s2  }
0x8d: {  	s2 =	sadd.s32 s2, s16  }
0x8e: {  	[smem:$0x3FBB] =	sst s2  }
0x8f: {  	_ = 	snop  }
0x90: {  	(tm) =	ssettm $0x1  }
0x91: {  	s17 =	sld [smem:$0x3FFB];
	_ =	sdelay $0x3  }
0x92: {  	_ =	strace s17  }
0x93: {  	s2 =	sld [smem:$0x3FFC];
	_ =	sdelay $0x3  }
0x94: {  	_ =	strace s2  }
0x95: {  	s2 =	sld [smem:$0x3FFD];
	_ =	sdelay $0x3  }
0x96: {  	_ =	strace s2  }
0x97: {  	_ =	strace $0x8FFFFFFF  }
0x98: {  	s18 =	sld [smem:$0x3FDB];
	_ =	sdelay $0x1  }
0x99: {  	s19 =	simm.s32 $_scs_section_size  }
0x9a: {  	s4 =	simm.s32 $_size__tile_overlayer_lowered;
	s5 =	simm.s32 $_tile_overlayer_lowered  }
0x9b: {  	s22 =	simm.s32 $0x1BFF;
	s21 =	sshll.u32 s5, $0x1;
	s2 =	sadd.s32 s19, s18  }
0x9c: {  	s6 =	simm.s32 $0x0;
	s20 =	sshll.u32 s4, $0x1;
	s4 =	sadd.s32 s21, s2  }
0x9d: {  	[timem:s6], [sflag:s22] =	dma.local [hbm:s4], s20  }
0x9e: {  	_ =	swait.ge [sflag:s22], s20  }
0x9f: {  	s3 =	ssub.s32 $0x0, s20;
	[sflag:s22] =	ssyncset.done $0x0  }
0xa0: {  	[sflag:s22] =	ssyncadd.s32 s3;
	_ =	sdelay $0x1  }
0xa1: {  	s23 =	simm.s32 $0x1B8B  }
0xa2: {  	_ =	swait.ge [sflag:s23], $0x1  }
0xa3: {  	[sflag:s23] =	ssyncset.done $0x0  }
0xa4: {  	s25 =	simm.s32 $0x1B8E;
	s24 =	sld [smem:$0x3FFE];
	[sflag:s23] =	ssyncadd.s32 $0xFFFFFFFF  }
0xa5: {  	s26 =	simm.s32 $execute0_lowered;
	[smem:$0x3FD2] =	sst s25  }
0xa6: {  	s4 =	sshll.u32 s26, $0x1;
	_ =	strace $0x80000046;
	[dreg:$0x1] =	wrdreg $0xFFFFFFFF  }
0xa7: {  	s28 =	simm.s32 $_size_execute0_lowered;
	s2 =	sadd.s32 s2, s4;
	[dreg:$0x0] =	wrdreg $0x0  }
0xa8: {  	s4 =	sshll.u32 s28, $0x1;
	[dreg:$0x2] =	wrdreg s2  }
0xa9: {  	[dreg:$0x3] =	wrdreg s4  }
0xaa: {  	[dreg:$0x4] =	wrdreg $0xC0  }
0xab: {  	_ =	task [dreg:s6], $0x5FFFF  }
0xac: {  	[dreg:$0x1] =	wrdreg $0xFFFFFFFF  }
0xad: {  	[dreg:$0x0] =	wrdreg $0x60  }
0xae: {  	[dreg:$0x2] =	wrdreg s24  }
0xaf: {  	[dreg:$0x3] =	wrdreg $0x68000  }
0xb0: {  	[dreg:$0x4] =	wrdreg $0x9  }
0xb1: {  	_ =	task.clear_ibuf [dreg:s6], $0x5FFFF;
	_ =	strace $0x90000046  }
0xb2: {  	s29 =	simm.s32 $0x9;
	_ =	strace $0x80000048  }
0xb3: {  	_ =	swait.ge [sflag:s29], $0x1  }
0xb4: {  	[sflag:s29] =	ssyncadd.s32 $0xFFFFFFFF  }
0xb5: {  	_ =	strace $0x90000048  }
0xb6: {  	_ =	sfence  }
0xb7: {  	s30 =	sld [smem:$0x0];
	_ =	sdelay $0x2  }
0xb8: {  	s31 =	sshll.u32 s1, $0xD;
	s1 =	sshrl.u32 s1, $0x2  }
0xb9: {  	s3 =	sand.u32 $0x4000, s31;
	s1 =	sadd.s32 s1, s30  }
0xba: {  	s0 =	sor.u32 s3, s0;
	s1 =	sshll.u32 s1, $0x11  }
0xbb: {  	s0 =	sor.u32 s1, s0  }
0xbc: {  	s0 =	sadd.s32 $0x8F2B, s0  }
0xbd: {  	[sflag:s0] =	ssyncadd.remote.s32 $0x1  }
0xbe: {  	_ =	sfence.sel $0xFFFF  }
0xbf: {  	[dreg:$0x0] =	wrdreg $0xFFFFFFFF;
	(pc) =	sbr.abs _section_cstart, $3  }
0xc0: {  	[dreg:$0x1] =	wrdreg $0xFFFFFFFF  }
0xc1: {  	_ =	task.clear_ibuf [dreg:s6], $0x2FFFF;
	_ =	strace $0x9FFFFFFF  }
0xc2: {  	(tm) =	ssettm $0x7FFFFFFF  }
0xc3: {  	_ =	shalt  }
tec
execute0_lowered:
.L_overlay_start_1:
0x0: {  	(tag) =	ssettag $0x1  }
0x1: {  	s0 =	srdreg.scid;
	s6 =	rddreg [dreg:$0x0]  }
0x2: {  	s2 =	rddreg [dreg:$0x1];
	s5 =	sand.u32 $0x1, s0;
	s0 =	stileid.u32  }
0x3: {  	s3 =	simm.s32 $0x0;
	s14 =	simm.s32 $0x0;
	s7 =	smul.u32 $0x13C00, s0  }
0x4: {  	[smem:$0x7FF] =	sst s3;
	s1 =	sshll.u32 s5, $0x4;
	s8 =	smul.u32 $0x13C000, s5  }
0x5: {  	s5 =	ssub.s32 $0x2, s5;
	s29 =	smul.u32 $0x4F000, s0;
	s31 =	sshll.u32 s0, $0x6  }
0x6: {  	s4 =	sor.u32 s0, s1;
	s1 =	rddreg [dreg:$0x2];
	_ =	strace $0x80000047  }
0x7: {  	s11 =	sshrl.u32 s5, $0x1;
	s4 =	smul.u32 $0x500, s4;
	s10 =	sshrl.u32 s7, $0x3  }
0x8: {  	s7 =	sadd.s32 s7, s8;
	s11 =	ssub.s32 s5, s11;
	s30 =	sshrl.u32 s29, $0x2  }
0x9: {  	s10 =	sadd.s32 s10, s6;
	s7 =	sshrl.u32 s7, $0x3;
	s13 =	sadd.s32 s30, s2  }
0xa: {  	s9 =	sadd.s32 s4, s6;
	s4 =	sadd.s32 $0x41A00, s6;
	s12 =	sadd.s32 s7, s6  }
0xb: {  	s5 =	sadd.s32 $0x1A200, s10;
	s6 =	sor.u32 $0x1C01, s31;
	s10 =	sshrl.u32 s13, $0x3  }
0xc: {  	s13 =	simm.s32 $0x80;
	s7 =	sadd.s32 $0x10200, s9;
	s8 =	sadd.s32 $0x42200, s12  }
0xd: {  	s9 =	smax.u32 s11, $0x1;
	s11 =	simm.s32 $0x1;
	s12 =	simm.s32 $0x2800  }
.LBB2_1:
0xe: {  	[spmem:s10], [sflag:s6] =	dma.local [hbm:s5], $0x2780  }
0xf: {  	_ =	swait.ge [sflag:s11], $0x2780  }
0x10: {  	[sflag:s11] =	ssyncset.done $0x0  }
0x11: {  	[sflag:s11] =	ssyncadd.s32 $0xFFFFD880  }
0x12: {  	[tilespmem:s12], [sflag:$0x1] =	stream.linear.gather [hbm4b:s4+s3], $0x4000, $0x38;
	[tilespmem:$0x1A400] =	vst v63  }
0x13: {  	_ =	swait.ge [sflag:s11], $0x4000  }
0x14: {  	[sflag:s11] =	ssyncset.done $0x0  }
0x15: {  	[sflag:s11] =	ssyncadd.s32 $0xFFFFC000  }
0x16: {  	[tilespmem:s3], [sflag:$0x1] =	stream.linear.gather [hbm4b:s7+s3], $0x2800, $0x38;
	[tilespmem:$0x1A400] =	vst v63  }
0x17: {  	_ =	swait.ge [sflag:s11], $0x2800  }
0x18: {  	[sflag:s11] =	ssyncset.done $0x0  }
0x19: {  	[sflag:s11] =	ssyncadd.s32 $0xFFFFD800  }
0x1a: {  	s15 =	simm.s32 $0x0;
	[bflag:$0x0] =	sbarrier.arrive $0xFFFF  }
0x1b: {  	[spmem:s2] =	stream.indirect.scatter.add.f32 [tilespmem:s12], [sflag:$0x1], $0x80, s15, s13, $0xb8;
	[tilespmem:$0x1A400] =	vst v63  }
0x1c: {  	_ =	swait.ge [sflag:s11], $0x4000  }
0x1d: {  	s15 =	simm.s32 $0x200;
	[sflag:s11] =	ssyncset.done $0x0  }
.LBB2_2:
0x1e: {  	s16 =	sshra.s32 s15, $0x2;
	[sflag:s11] =	ssyncadd.s32 $0xFFFFC000;
	p0 =	sne.s32 s15, $0x9E00  }
0x1f: {  	[spmem:s2] =	stream.indirect.scatter.add.f32 [tilespmem:s12], [sflag:$0x1], $0x80, s16, s13, $0xb8;
	[tilespmem:$0x1A400] =	vst v63  }
.Ltmp0:
0x20: {  	_ = 	snop;
	(pc) =	sbr.rel @p0 .LBB2_2-.Ltmp0, $4  }
0x21: {  	_ = 	snop  }
0x22: {  	s15 =	sadd.s32 $0x200, s15  }
0x23: {  	_ =	swait.ge [sflag:s11], $0x4000  }
0x24: {  	[sflag:s11] =	ssyncset.done $0x0  }
0x25: {  	s14 =	sadd.s32 $0x1, s14  }
0x26: {  	[sflag:s11] =	ssyncadd.s32 $0xFFFFC000;
	p0 =	sne.s32 s14, s9  }
.Ltmp1:
0x27: {  	[bflag:$0x0] =	sbarrier.arrive $0xFFFF;
	(pc) =	sbr.rel @p0 .LBB2_1-.Ltmp1, $4  }
0x28: {  	[hbm:s8], [sflag:s6] =	dma.local [spmem:s10], $0x2780  }
0x29: {  	_ =	swait.ge [sflag:s11], $0x2780  }
0x2a: {  	[sflag:s11] =	ssyncset.done $0x0  }
0x2b: {  	[sflag:s11] =	ssyncadd.s32 $0xFFFFD880  }
0x2c: {  	_ =	sfence.sel $0x180000  }
0x2d: {  	[bflag:$0x0] =	sbarrier.arrive $0xFFFF  }
0x2e: {  	p0 =	sne.s32 s0, $0x0;
	_ =	strace $0x90000047  }
0x2f: {  	s0 =	sadd.s32 @!p0 $0x100000, s1;
	[bflag:$0x2] =	sbarrier.arrive $0xFFFF  }
0x30: {  	[sflag:s0] =	ssyncadd.tile.s32 @!p0 $0x1;
	_ =	shalt  }
.Lfunc_end2:
_tile_overlayer_lowered:
.L_overlay_start_2:
0x31: {  	(tag) =	ssettag $0x2  }
0x32: {  	s0 =	rddreg [dreg:$0x0];
	s2 =	stileid.u32  }
0x33: {  	s1 =	rddreg [dreg:$0x1];
	p0 =	sne.s32 s2, $0x0  }
0x34: {  	s3 =	rddreg [dreg:$0x2];
	[bflag:$0x3] =	sbarrier.arrive $0xFFFF;
	s2 =	simm.s32 @!p0 $0x1C01  }
0x35: {  	[timem:s3], [sflag:s2] =	dma.local @!p0 [hbm:s0], s1  }
0x36: {  	s0 =	simm.s32 @!p0 $0x1  }
0x37: {  	_ =	swait.ge @!p0 [sflag:s0], s1  }
0x38: {  	s1 =	ssub.s32 @!p0 $0x0, s1;
	[sflag:s0] =	ssyncset.done @!p0 $0x0  }
0x39: {  	[sflag:s0] =	ssyncadd.s32 @!p0 s1  }
0x3a: {  	[bflag:$0x3] =	sbarrier.arrive $0xFFFF  }
0x3b: {  	_ =	shalt  }

// kernel: kernel.16.cloned.1.call-start
scs
__scs_entry_jumppad:
0x0: {  	(pc) =	sbr.rel $0x88, $3  }
0x1: {  	(tag) =	ssettag $0x0;
	lr =	simm.s32 $0x1  }
0x2: {  	[smem:$0x3F94] =	sst lr;
	_ =	strace $0xD0000000  }
0x3: {  	_ = 	snop  }
0x4: {  	_ = 	snop  }
0x5: {  	_ = 	snop  }
0x6: {  	_ = 	snop  }
0x7: {  	_ = 	snop  }
__scs_overlays_trampoline_lowered:
0x8: {  	[smem:$0x3FA3] =	sst s0  }
0x9: {  	[smem:$0x3FA4] =	sst s1  }
0xa: {  	[smem:$0x3FA5] =	sst s2  }
0xb: {  	[smem:$0x3FA6] =	sst s3  }
0xc: {  	[smem:$0x3FA7] =	sst s4  }
0xd: {  	[smem:$0x3FA8] =	sst s5  }
0xe: {  	[smem:$0x3FA9] =	sst s6  }
0xf: {  	[smem:$0x3FAA] =	sst s7  }
0x10: {  	[smem:$0x3FAB] =	sst s8  }
0x11: {  	[smem:$0x3FAC] =	sst s9;
	s0 =	simm.s32 @!p0 $0x0  }
0x12: {  	s1 =	sld [smem:$0x3F92];
	s0 =	simm.s32 @p0 $0x1  }
0x13: {  	[smem:$0x3FAD] =	sst s0;
	s0 =	simm.s32 @!p1 $0x0  }
0x14: {  	s2 =	sld [smem:$0x3F91];
	s0 =	simm.s32 @p1 $0x1  }
0x15: {  	[smem:$0x3FAE] =	sst s0;
	s0 =	simm.s32 @!p2 $0x0  }
0x16: {  	s3 =	sld [smem:$0x3FDB];
	s0 =	simm.s32 @p2 $0x1  }
0x17: {  	s4 =	simm.s32 $0x1BF5;
	[smem:$0x3FB0] =	sst s0  }
0x18: {  	s0 =	sld [smem:$0x3F93];
	_ =	swait.ge [sflag:s4], $0x0  }
0x19: {  	s7 =	sld [smem:$0x3F94]  }
0x1a: {  	s8 =	sadd.s32 $0xFFFFE003, lr  }
0x1b: {  	s9 =	sadd.s32 $0xFFFFFEF7, lr;
	s5 =	simm.s32 $0xFFFFFFFF;
	p2 =	slt.u32 s8, $0xFFFFF086  }
0x1c: {  	p1 =	slt.u32 s9, $0xF7A;
	s5 =	simm.s32 @!p2 $0x0  }
0x1d: {  	s5 =	simm.s32 @p1 $0x1;
	p0 =	seq.s32 s7, s2  }
0x1e: {  	s7 =	smul.u32 @!p0 $0xF7A, s2;
	p2 =	seq.s32 @!p0 s5, $0x0  }
0x1f: {  	s9 =	smul.u32 $0xF7A, s1;
	s8 =	simm.s32 @!p0 $0x1BF5;
	p2 =	por !p2, p0  }
0x20: {  	[sflag:s8] =	ssyncset.s32 @!p0 $0xFFFFF086;
	s6 =	sadd.s32 @!p0 s3, s7;
	s7 =	simm.s32 @!p0 $0x108  }
0x21: {  	s3 =	sadd.s32 s3, s9;
	s6 =	sadd.s32 @!p0 $0x88, s6;
	s7 =	simm.s32 @p2 $0x1082  }
0x22: {  	[simem:s7], [sflag:s8] =	dma.local @!p0 [hbm:s6], $0xF7A  }
0x23: {  	s9 =	sor.u32 $0xD0000000, s2;
	s6 =	simm.s32 $0x108;
	_ =	swait.ge @!p0 [sflag:s8], $0x0  }
0x24: {  	s3 =	sadd.s32 $0x88, s3;
	s6 =	simm.s32 @!p1 $0x1082;
	[sflag:s4] =	ssyncset.s32 $0xFFFFF086  }
0x25: {  	[simem:s6], [sflag:s4] =	dma.local [hbm:s3], $0xF7A  }
0x26: {  	[smem:$0x3F94] =	sst s1;
	(tag) =	ssettag s2;
	_ =	strace s9  }
0x27: {  	s1 =	sld [smem:$0x3FA4]  }
0x28: {  	s2 =	sld [smem:$0x3FA5]  }
0x29: {  	s4 =	sld [smem:$0x3FA7]  }
0x2a: {  	p0 =	seq.s32 s5, $0x0;
	s5 =	sld [smem:$0x3FA8]  }
0x2b: {  	s6 =	sld [smem:$0x3FA9]  }
0x2c: {  	s7 =	sld [smem:$0x3FAA]  }
0x2d: {  	s3 =	simm.s32 $0x108;
	s8 =	sld [smem:$0x3FAB]  }
0x2e: {  	s3 =	simm.s32 @!p0 $0x1082;
	s9 =	sld [smem:$0x3FAC]  }
0x2f: {  	lr =	sadd.s32 s0, s3;
	s0 =	sld [smem:$0x3FA3]  }
0x30: {  	s3 =	sld [smem:$0x3FA6]  }
0x31: {  	[smem:$0x3FAF] =	sst s10  }
0x32: {  	s10 =	sld [smem:$0x3FAD];
	_ =	sdelay $0x3  }
0x33: {  	p0 =	seq.s32 s10, $0x1;
	s10 =	sld [smem:$0x3FAF];
	_ =	sdelay $0x3  }
0x34: {  	[smem:$0x3FAF] =	sst s10  }
0x35: {  	s10 =	sld [smem:$0x3FAE];
	_ =	sdelay $0x3  }
0x36: {  	p1 =	seq.s32 s10, $0x1;
	s10 =	sld [smem:$0x3FAF];
	_ =	sdelay $0x3  }
0x37: {  	[smem:$0x3FAF] =	sst s10  }
0x38: {  	s10 =	sld [smem:$0x3FB0]  }
0x39: {  	_ = 	snop;
	(pc) =	sbr.ind lr, $3  }
0x3a: {  	_ = 	snop  }
0x3b: {  	_ = 	snop  }
0x3c: {  	p2 =	seq.s32 s10, $0x1;
	s10 =	sld [smem:$0x3FAF]  }
0x3d: {  	_ =	shalt  }
0x3e: {  	_ =	shalt  }
0x3f: {  	_ =	shalt  }
0x40: {  	_ =	shalt  }
0x41: {  	_ =	shalt  }
0x42: {  	_ =	shalt  }
0x43: {  	_ =	shalt  }
0x44: {  	_ =	shalt  }
0x45: {  	_ =	shalt  }
0x46: {  	_ =	shalt  }
0x47: {  	_ =	shalt  }
0x48: {  	_ =	shalt  }
0x49: {  	_ =	shalt  }
0x4a: {  	_ =	shalt  }
0x4b: {  	_ =	shalt  }
0x4c: {  	_ =	shalt  }
0x4d: {  	_ =	shalt  }
0x4e: {  	_ =	shalt  }
0x4f: {  	_ =	shalt  }
0x50: {  	_ =	shalt  }
0x51: {  	_ =	shalt  }
0x52: {  	_ =	shalt  }
0x53: {  	_ =	shalt  }
0x54: {  	_ =	shalt  }
0x55: {  	_ =	shalt  }
0x56: {  	_ =	shalt  }
0x57: {  	_ =	shalt  }
0x58: {  	_ =	shalt  }
0x59: {  	_ =	shalt  }
0x5a: {  	_ =	shalt  }
0x5b: {  	_ =	shalt  }
0x5c: {  	_ =	shalt  }
0x5d: {  	_ =	shalt  }
0x5e: {  	_ =	shalt  }
0x5f: {  	_ =	shalt  }
0x60: {  	_ =	shalt  }
0x61: {  	_ =	shalt  }
0x62: {  	_ =	shalt  }
0x63: {  	_ =	shalt  }
0x64: {  	_ =	shalt  }
0x65: {  	_ =	shalt  }
0x66: {  	_ =	shalt  }
0x67: {  	_ =	shalt  }
0x68: {  	_ =	shalt  }
0x69: {  	_ =	shalt  }
0x6a: {  	_ =	shalt  }
0x6b: {  	_ =	shalt  }
0x6c: {  	_ =	shalt  }
0x6d: {  	_ =	shalt  }
0x6e: {  	_ =	shalt  }
0x6f: {  	_ =	shalt  }
0x70: {  	_ =	shalt  }
0x71: {  	_ =	shalt  }
0x72: {  	_ =	shalt  }
0x73: {  	_ =	shalt  }
0x74: {  	_ =	shalt  }
0x75: {  	_ =	shalt  }
0x76: {  	_ =	shalt  }
0x77: {  	_ =	shalt  }
0x78: {  	_ =	shalt  }
0x79: {  	_ =	shalt  }
0x7a: {  	_ =	shalt  }
0x7b: {  	_ =	shalt  }
0x7c: {  	_ =	shalt  }
0x7d: {  	_ =	shalt  }
0x7e: {  	_ =	shalt  }
0x7f: {  	_ =	shalt  }
0x80: {  	_ =	shalt  }
0x81: {  	_ =	shalt  }
0x82: {  	_ =	shalt  }
0x83: {  	_ =	shalt  }
0x84: {  	_ =	shalt  }
0x85: {  	_ =	shalt  }
0x86: {  	_ =	shalt  }
0x87: {  	_ =	shalt  }
.Lfunc_end0:
.L_simem_size_0:
called_computation.1_lowered:
.L_overlay_start_0:
0x88: {  	s2 =	sld [smem:$0x3FD9]  }
0x89: {  	s3 =	sld [smem:$0x3FFE];
	_ =	sdelay $0x1  }
0x8a: {  	s1 =	srdreg.scid  }
0x8b: {  	s0 =	sand.u32 $0x1, s1  }
0x8c: {  	s16 =	sshll.u32 s0, $0xA;
	s2 =	sadd.s32 s3, s2  }
0x8d: {  	s2 =	sadd.s32 s2, s16  }
0x8e: {  	[smem:$0x3FBB] =	sst s2  }
0x8f: {  	_ = 	snop  }
0x90: {  	(tm) =	ssettm $0x1  }
0x91: {  	s17 =	sld [smem:$0x3FFB];
	_ =	sdelay $0x3  }
0x92: {  	_ =	strace s17  }
0x93: {  	s2 =	sld [smem:$0x3FFC];
	_ =	sdelay $0x3  }
0x94: {  	_ =	strace s2  }
0x95: {  	s2 =	sld [smem:$0x3FFD];
	_ =	sdelay $0x3  }
0x96: {  	_ =	strace s2  }
0x97: {  	_ =	strace $0x8FFFFFFF  }
0x98: {  	s18 =	sld [smem:$0x3FDB];
	_ =	sdelay $0x1  }
0x99: {  	s19 =	simm.s32 $_scs_section_size  }
0x9a: {  	s4 =	simm.s32 $_size__tile_overlayer_lowered;
	s5 =	simm.s32 $_tile_overlayer_lowered  }
0x9b: {  	s22 =	simm.s32 $0x1BFF;
	s21 =	sshll.u32 s5, $0x1;
	s2 =	sadd.s32 s19, s18  }
0x9c: {  	s6 =	simm.s32 $0x0;
	s20 =	sshll.u32 s4, $0x1;
	s4 =	sadd.s32 s21, s2  }
0x9d: {  	[timem:s6], [sflag:s22] =	dma.local [hbm:s4], s20  }
0x9e: {  	_ =	swait.ge [sflag:s22], s20  }
0x9f: {  	s3 =	ssub.s32 $0x0, s20;
	[sflag:s22] =	ssyncset.done $0x0  }
0xa0: {  	[sflag:s22] =	ssyncadd.s32 s3;
	_ =	sdelay $0x1  }
0xa1: {  	s23 =	simm.s32 $0x1B8B  }
0xa2: {  	_ =	swait.ge [sflag:s23], $0x1  }
0xa3: {  	[sflag:s23] =	ssyncset.done $0x0  }
0xa4: {  	s25 =	simm.s32 $0x1B8E;
	s24 =	sld [smem:$0x3FFE];
	[sflag:s23] =	ssyncadd.s32 $0xFFFFFFFF  }
0xa5: {  	s26 =	simm.s32 $execute0_lowered;
	[smem:$0x3FD2] =	sst s25  }
0xa6: {  	s4 =	sshll.u32 s26, $0x1;
	_ =	strace $0x80000049;
	[dreg:$0x1] =	wrdreg $0xFFFFFFFF  }
0xa7: {  	s28 =	simm.s32 $_size_execute0_lowered;
	s2 =	sadd.s32 s2, s4;
	[dreg:$0x0] =	wrdreg $0x0  }
0xa8: {  	s4 =	sshll.u32 s28, $0x1;
	[dreg:$0x2] =	wrdreg s2  }
0xa9: {  	[dreg:$0x3] =	wrdreg s4  }
0xaa: {  	[dreg:$0x4] =	wrdreg $0xC0  }
0xab: {  	_ =	task [dreg:s6], $0x5FFFF  }
0xac: {  	[dreg:$0x1] =	wrdreg $0xFFFFFFFF  }
0xad: {  	[dreg:$0x0] =	wrdreg $0x60  }
0xae: {  	[dreg:$0x2] =	wrdreg s24  }
0xaf: {  	[dreg:$0x3] =	wrdreg $0xA8000  }
0xb0: {  	[dreg:$0x4] =	wrdreg $0x9  }
0xb1: {  	_ =	task.clear_ibuf [dreg:s6], $0x5FFFF;
	_ =	strace $0x90000049  }
0xb2: {  	s29 =	simm.s32 $0x9;
	_ =	strace $0x8000004B  }
0xb3: {  	_ =	swait.ge [sflag:s29], $0x1  }
0xb4: {  	[sflag:s29] =	ssyncadd.s32 $0xFFFFFFFF  }
0xb5: {  	_ =	strace $0x9000004B  }
0xb6: {  	_ =	sfence  }
0xb7: {  	s30 =	sld [smem:$0x0];
	_ =	sdelay $0x2  }
0xb8: {  	s31 =	sshll.u32 s1, $0xD;
	s1 =	sshrl.u32 s1, $0x2  }
0xb9: {  	s3 =	sand.u32 $0x4000, s31;
	s1 =	sadd.s32 s1, s30  }
0xba: {  	s0 =	sor.u32 s3, s0;
	s1 =	sshll.u32 s1, $0x11  }
0xbb: {  	s0 =	sor.u32 s1, s0  }
0xbc: {  	s0 =	sadd.s32 $0x8F2B, s0  }
0xbd: {  	[sflag:s0] =	ssyncadd.remote.s32 $0x1  }
0xbe: {  	_ =	sfence.sel $0xFFFF  }
0xbf: {  	[dreg:$0x0] =	wrdreg $0xFFFFFFFF;
	(pc) =	sbr.abs _section_cstart, $3  }
0xc0: {  	[dreg:$0x1] =	wrdreg $0xFFFFFFFF  }
0xc1: {  	_ =	task.clear_ibuf [dreg:s6], $0x2FFFF;
	_ =	strace $0x9FFFFFFF  }
0xc2: {  	(tm) =	ssettm $0x7FFFFFFF  }
0xc3: {  	_ =	shalt  }
tec
execute0_lowered:
.L_overlay_start_1:
0x0: {  	(tag) =	ssettag $0x1  }
0x1: {  	s7 =	rddreg [dreg:$0x0]  }
0x2: {  	s2 =	rddreg [dreg:$0x1];
	s3 =	simm.s32 $0x0  }
0x3: {  	s1 =	stileid.u32;
	s4 =	srdreg.scid;
	s16 =	simm.s32 $0x2800  }
0x4: {  	s17 =	simm.s32 $0x6800;
	s18 =	simm.s32 $0x1;
	s19 =	simm.s32 $0x2  }
0x5: {  	s20 =	simm.s32 $0x3;
	s21 =	simm.s32 $0x4;
	s22 =	simm.s32 $0x2600  }
0x6: {  	s23 =	simm.s32 $0x1300;
	s24 =	simm.s32 $0x2680;
	s25 =	simm.s32 $0x1380  }
0x7: {  	s26 =	simm.s32 $0x2700;
	s28 =	simm.s32 $0x2780;
	[smem:$0x7FF] =	sst s3  }
0x8: {  	s8 =	smul.u32 $0x13C00, s1;
	s12 =	sand.u32 $0x1, s4;
	s4 =	sadd.s32 $0x41A00, s7  }
0x9: {  	s5 =	sadd.s32 $0x6200, s7;
	s6 =	sadd.s32 $0x10200, s7;
	s11 =	smul.u32 $0x4F000, s1  }
0xa: {  	s31 =	sshll.u32 s1, $0x6;
	_ =	strace $0x8000004A;
	s9 =	smul.u32 $0x13C000, s12  }
0xb: {  	s29 =	ssub.s32 $0x2, s12;
	p0 =	sne.s32 s12, $0x0;
	s10 =	sshrl.u32 s8, $0x3  }
0xc: {  	s13 =	sshrl.u32 s29, $0x1;
	s30 =	sshrl.u32 s11, $0x2;
	s8 =	sadd.s32 s8, s9  }
.Ltmp0:
0xd: {  	s10 =	sadd.s32 s10, s7;
	s13 =	ssub.s32 s29, s13;
	(pc) =	sbr.rel .LBB2_1-.Ltmp0, $4  }
0xe: {  	s15 =	sadd.s32 s30, s2;
	s9 =	smul.u32 $0xA0, s1;
	s8 =	sshrl.u32 s8, $0x3  }
0xf: {  	s11 =	smax.u32 s13, $0x1;
	s12 =	sshrl.u32 s15, $0x3;
	s13 =	simm.s32 $0x5  }
0x10: {  	s15 =	simm.s32 $0x80;
	s14 =	sadd.s32 s8, s7;
	s7 =	sadd.s32 $0x1A200, s10  }
0x11: {  	s8 =	sor.u32 $0x1C05, s31;
	s10 =	sadd.s32 $0x90A00, s14;
	s14 =	simm.s32 $0x1400  }
.LBB2_5:
0x12: {  	s3 =	sadd.s32 $0x1, s3  }
0x13: {  	p1 =	sne.s32 s3, s11  }
.Ltmp1:
0x14: {  	[bflag:$0x0] =	sbarrier.arrive $0xFFFF;
	(pc) =	sbr.rel @!p1 .LBB2_6-.Ltmp1, $4  }
0x15: {  	[hbm:s10], [sflag:s8] =	dma.local [spmem:s12], $0x2780  }
0x16: {  	_ =	swait.ge [sflag:s13], $0x2780  }
0x17: {  	[sflag:s13] =	ssyncset.done $0x0  }
0x18: {  	[sflag:s13] =	ssyncadd.s32 $0xFFFFD880  }
.LBB2_1:
0x19: {  	[spmem:s12], [sflag:s8] =	dma.local [hbm:s7], $0x2780  }
.Ltmp2:
0x1a: {  	_ =	swait.ge [sflag:s13], $0x2780;
	(pc) =	sbr.rel @p0 .LBB2_5-.Ltmp2, $4  }
0x1b: {  	[sflag:s13] =	ssyncset.done $0x0  }
0x1c: {  	[sflag:s13] =	ssyncadd.s32 $0xFFFFD880  }
0x1d: {  	[bflag:$0x0] =	sbarrier.arrive $0xFFFF  }
0x1e: {  	s29 =	simm.s32 $0x0  }
.LBB2_2:
0x1f: {  	s30 =	smul.u32 $0x28, s29;
	_ =	sdelay $0x1  }
0x20: {  	s30 =	sadd.s32 s9, s30  }
0x21: {  	s30 =	sshll.u32 s30, $0x4  }
0x22: {  	s0 =	simm.s32 $0x0;
	s31 =	sadd.s32 s5, s30  }
0x23: {  	[tilespmem:s0], [sflag:$0x5] =	stream.linear.gather [hbm4b:s31+s0], $0x1400, $0x38;
	[tilespmem:$0x1E400] =	vst v63  }
0x24: {  	_ =	swait.ge [sflag:s13], $0x1400  }
0x25: {  	[sflag:s13] =	ssyncset.done $0x0  }
0x26: {  	s30 =	sadd.s32 s6, s30;
	[sflag:s13] =	ssyncadd.s32 $0xFFFFEC00  }
0x27: {  	[tilespmem:s14], [sflag:$0x5] =	stream.linear.gather [hbm4b:s30+s0], $0x1400, $0x38;
	[tilespmem:$0x1E400] =	vst v63  }
0x28: {  	_ =	swait.ge [sflag:s13], $0x1400  }
0x29: {  	[sflag:s13] =	ssyncset.done $0x0  }
0x2a: {  	[sflag:s13] =	ssyncadd.s32 $0xFFFFEC00  }
0x2b: {  	[tilespmem:s16], [sflag:$0x1] =	stream.indirect.gather [hbm4b:s4+s15], $0x80, s0, s15, $0xb8;
	[tilespmem:$0x1E400] =	vst v63  }
0x2c: {  	_ = 	snop  }
0x2d: {  	[tilespmem:s17], [sflag:$0x2] =	stream.indirect.gather [hbm4b:s4+s15], $0x80, s15, s15, $0xb8;
	[tilespmem:$0x1E400] =	vst v63  }
0x2e: {  	_ =	swait.ge [sflag:s18], $0x4000  }
0x2f: {  	[sflag:s18] =	ssyncset.done $0x0  }
0x30: {  	s0 =	simm.s32 $0x1400;
	[sflag:s18] =	ssyncadd.s32 $0xFFFFC000  }
0x31: {  	[spmem:s2] =	stream.indirect.scatter.add.f32 [tilespmem:s16], [sflag:$0x5], $0x80, s0, s15, $0xb8;
	[tilespmem:$0x1E400] =	vst v63  }
0x32: {  	_ =	swait.ge [sflag:s13], $0x4000  }
0x33: {  	[sflag:s13] =	ssyncset.done $0x0  }
0x34: {  	s0 =	simm.s32 $0x100;
	[sflag:s13] =	ssyncadd.s32 $0xFFFFC000  }
0x35: {  	[tilespmem:s16], [sflag:$0x3] =	stream.indirect.gather [hbm4b:s4+s15], $0x80, s0, s15, $0xb8;
	[tilespmem:$0x1E400] =	vst v63  }
0x36: {  	_ =	swait.ge [sflag:s19], $0x4000  }
0x37: {  	[sflag:s19] =	ssyncset.done $0x0  }
0x38: {  	s0 =	simm.s32 $0x1480;
	[sflag:s19] =	ssyncadd.s32 $0xFFFFC000  }
0x39: {  	[spmem:s2] =	stream.indirect.scatter.add.f32 [tilespmem:s17], [sflag:$0x5], $0x80, s0, s15, $0xb8;
	[tilespmem:$0x1E400] =	vst v63  }
0x3a: {  	_ =	swait.ge [sflag:s13], $0x4000  }
0x3b: {  	[sflag:s13] =	ssyncset.done $0x0  }
0x3c: {  	s0 =	simm.s32 $0x180;
	[sflag:s13] =	ssyncadd.s32 $0xFFFFC000  }
0x3d: {  	[tilespmem:s17], [sflag:$0x4] =	stream.indirect.gather [hbm4b:s4+s15], $0x80, s0, s15, $0xb8;
	[tilespmem:$0x1E400] =	vst v63  }
0x3e: {  	_ =	swait.ge [sflag:s20], $0x4000  }
0x3f: {  	[sflag:s20] =	ssyncset.done $0x0  }
0x40: {  	s0 =	simm.s32 $0x1500;
	[sflag:s20] =	ssyncadd.s32 $0xFFFFC000  }
0x41: {  	[spmem:s2] =	stream.indirect.scatter.add.f32 [tilespmem:s16], [sflag:$0x5], $0x80, s0, s15, $0xb8;
	[tilespmem:$0x1E400] =	vst v63  }
0x42: {  	_ =	swait.ge [sflag:s13], $0x4000  }
0x43: {  	[sflag:s13] =	ssyncset.done $0x0  }
0x44: {  	s0 =	simm.s32 $0x200;
	[sflag:s13] =	ssyncadd.s32 $0xFFFFC000  }
0x45: {  	[tilespmem:s16], [sflag:$0x1] =	stream.indirect.gather [hbm4b:s4+s15], $0x80, s0, s15, $0xb8;
	[tilespmem:$0x1E400] =	vst v63  }
0x46: {  	_ =	swait.ge [sflag:s21], $0x4000  }
0x47: {  	[sflag:s21] =	ssyncset.done $0x0  }
0x48: {  	s0 =	simm.s32 $0x1580;
	[sflag:s21] =	ssyncadd.s32 $0xFFFFC000  }
0x49: {  	[spmem:s2] =	stream.indirect.scatter.add.f32 [tilespmem:s17], [sflag:$0x5], $0x80, s0, s15, $0xb8;
	[tilespmem:$0x1E400] =	vst v63  }
0x4a: {  	_ =	swait.ge [sflag:s13], $0x4000  }
0x4b: {  	[sflag:s13] =	ssyncset.done $0x0  }
0x4c: {  	s31 =	simm.s32 $0x280;
	s30 =	simm.s32 $0x800;
	[sflag:s13] =	ssyncadd.s32 $0xFFFFC000  }
.LBB2_3:
0x4d: {  	[tilespmem:s17], [sflag:$0x2] =	stream.indirect.gather [hbm4b:s4+s15], $0x80, s31, s15, $0xb8;
	[tilespmem:$0x1E400] =	vst v63  }
0x4e: {  	s0 =	smov.u32 s30  }
0x4f: {  	p1 =	sne.s32 s30, $0x4000;
	s30 =	sadd.s32 $0x800, s30;
	_ =	swait.ge [sflag:s18], $0x4000  }
0x50: {  	s31 =	sshra.s32 s0, $0x2;
	[sflag:s18] =	ssyncset.done $0x0  }
0x51: {  	s0 =	sadd.s32 $0x1400, s31;
	[sflag:s18] =	ssyncadd.s32 $0xFFFFC000  }
0x52: {  	[spmem:s2] =	stream.indirect.scatter.add.f32 [tilespmem:s16], [sflag:$0x5], $0x80, s0, s15, $0xb8;
	[tilespmem:$0x1E400] =	vst v63  }
0x53: {  	_ =	swait.ge [sflag:s13], $0x4000  }
0x54: {  	[sflag:s13] =	ssyncset.done $0x0  }
0x55: {  	s0 =	sadd.s32 $0x100, s31;
	[sflag:s13] =	ssyncadd.s32 $0xFFFFC000  }
0x56: {  	[tilespmem:s16], [sflag:$0x3] =	stream.indirect.gather [hbm4b:s4+s15], $0x80, s0, s15, $0xb8;
	[tilespmem:$0x1E400] =	vst v63  }
0x57: {  	_ =	swait.ge [sflag:s19], $0x4000  }
0x58: {  	[sflag:s19] =	ssyncset.done $0x0  }
0x59: {  	s0 =	sadd.s32 $0x1480, s31;
	[sflag:s19] =	ssyncadd.s32 $0xFFFFC000  }
0x5a: {  	[spmem:s2] =	stream.indirect.scatter.add.f32 [tilespmem:s17], [sflag:$0x5], $0x80, s0, s15, $0xb8;
	[tilespmem:$0x1E400] =	vst v63  }
0x5b: {  	_ =	swait.ge [sflag:s13], $0x4000  }
0x5c: {  	[sflag:s13] =	ssyncset.done $0x0  }
0x5d: {  	s0 =	sadd.s32 $0x180, s31;
	[sflag:s13] =	ssyncadd.s32 $0xFFFFC000  }
0x5e: {  	[tilespmem:s17], [sflag:$0x4] =	stream.indirect.gather [hbm4b:s4+s15], $0x80, s0, s15, $0xb8;
	[tilespmem:$0x1E400] =	vst v63  }
0x5f: {  	_ =	swait.ge [sflag:s20], $0x4000  }
0x60: {  	[sflag:s20] =	ssyncset.done $0x0  }
0x61: {  	s0 =	sadd.s32 $0x1500, s31;
	[sflag:s20] =	ssyncadd.s32 $0xFFFFC000  }
0x62: {  	[spmem:s2] =	stream.indirect.scatter.add.f32 [tilespmem:s16], [sflag:$0x5], $0x80, s0, s15, $0xb8;
	[tilespmem:$0x1E400] =	vst v63  }
0x63: {  	_ =	swait.ge [sflag:s13], $0x4000  }
0x64: {  	[sflag:s13] =	ssyncset.done $0x0  }
0x65: {  	s0 =	sadd.s32 $0x200, s31;
	[sflag:s13] =	ssyncadd.s32 $0xFFFFC000  }
0x66: {  	[tilespmem:s16], [sflag:$0x1] =	stream.indirect.gather [hbm4b:s4+s15], $0x80, s0, s15, $0xb8;
	[tilespmem:$0x1E400] =	vst v63  }
0x67: {  	_ =	swait.ge [sflag:s21], $0x4000  }
0x68: {  	[sflag:s21] =	ssyncset.done $0x0  }
.Ltmp3:
0x69: {  	s0 =	sadd.s32 $0x1580, s31;
	[sflag:s21] =	ssyncadd.s32 $0xFFFFC000;
	(pc) =	sbr.rel @p1 .LBB2_3-.Ltmp3, $4  }
0x6a: {  	[spmem:s2] =	stream.indirect.scatter.add.f32 [tilespmem:s17], [sflag:$0x5], $0x80, s0, s15, $0xb8;
	[tilespmem:$0x1E400] =	vst v63  }
0x6b: {  	_ =	swait.ge [sflag:s13], $0x4000  }
0x6c: {  	[sflag:s13] =	ssyncset.done $0x0  }
0x6d: {  	s31 =	sadd.s32 $0x280, s31;
	[sflag:s13] =	ssyncadd.s32 $0xFFFFC000  }
0x6e: {  	[tilespmem:s17], [sflag:$0x2] =	stream.indirect.gather [hbm4b:s4+s15], $0x80, s31, s15, $0xb8;
	[tilespmem:$0x1E400] =	vst v63  }
0x6f: {  	_ =	swait.ge [sflag:s18], $0x4000  }
0x70: {  	[sflag:s18] =	ssyncset.done $0x0  }
0x71: {  	[sflag:s18] =	ssyncadd.s32 $0xFFFFC000  }
0x72: {  	[spmem:s2] =	stream.indirect.scatter.add.f32 [tilespmem:s16], [sflag:$0x5], $0x80, s22, s15, $0xb8;
	[tilespmem:$0x1E400] =	vst v63  }
0x73: {  	_ =	swait.ge [sflag:s13], $0x4000  }
0x74: {  	[sflag:s13] =	ssyncset.done $0x0  }
0x75: {  	[sflag:s13] =	ssyncadd.s32 $0xFFFFC000  }
0x76: {  	[tilespmem:s16], [sflag:$0x3] =	stream.indirect.gather [hbm4b:s4+s15], $0x80, s23, s15, $0xb8;
	[tilespmem:$0x1E400] =	vst v63  }
0x77: {  	_ =	swait.ge [sflag:s19], $0x4000  }
0x78: {  	[sflag:s19] =	ssyncset.done $0x0  }
0x79: {  	[sflag:s19] =	ssyncadd.s32 $0xFFFFC000  }
0x7a: {  	[spmem:s2] =	stream.indirect.scatter.add.f32 [tilespmem:s17], [sflag:$0x5], $0x80, s24, s15, $0xb8;
	[tilespmem:$0x1E400] =	vst v63  }
0x7b: {  	_ =	swait.ge [sflag:s13], $0x4000  }
0x7c: {  	[sflag:s13] =	ssyncset.done $0x0  }
0x7d: {  	[sflag:s13] =	ssyncadd.s32 $0xFFFFC000  }
0x7e: {  	[tilespmem:s17], [sflag:$0x4] =	stream.indirect.gather [hbm4b:s4+s15], $0x80, s25, s15, $0xb8;
	[tilespmem:$0x1E400] =	vst v63  }
0x7f: {  	_ =	swait.ge [sflag:s20], $0x4000  }
0x80: {  	[sflag:s20] =	ssyncset.done $0x0  }
0x81: {  	[sflag:s20] =	ssyncadd.s32 $0xFFFFC000  }
0x82: {  	[spmem:s2] =	stream.indirect.scatter.add.f32 [tilespmem:s16], [sflag:$0x5], $0x80, s26, s15, $0xb8;
	[tilespmem:$0x1E400] =	vst v63  }
0x83: {  	_ =	swait.ge [sflag:s13], $0x4000  }
0x84: {  	[sflag:s13] =	ssyncset.done $0x0  }
0x85: {  	[sflag:s13] =	ssyncadd.s32 $0xFFFFC000  }
0x86: {  	_ =	swait.ge [sflag:s21], $0x4000  }
0x87: {  	s29 =	sadd.s32 $0x1, s29;
	[sflag:s21] =	ssyncset.done $0x0  }
0x88: {  	p1 =	sne.s32 s29, $0x4;
	[sflag:s21] =	ssyncadd.s32 $0xFFFFC000  }
0x89: {  	[spmem:s2] =	stream.indirect.scatter.add.f32 [tilespmem:s17], [sflag:$0x5], $0x80, s28, s15, $0xb8;
	[tilespmem:$0x1E400] =	vst v63  }
.Ltmp4:
0x8a: {  	_ = 	snop;
	(pc) =	sbr.rel @p1 .LBB2_2-.Ltmp4, $4  }
.Ltmp5:
0x8b: {  	_ = 	snop;
	(pc) =	sbr.rel @!p1 .LBB2_5-.Ltmp5, $4  }
0x8c: {  	_ =	swait.ge [sflag:s13], $0x4000  }
0x8d: {  	[sflag:s13] =	ssyncset.done $0x0  }
0x8e: {  	[sflag:s13] =	ssyncadd.s32 $0xFFFFC000  }
0x8f: {  	_ = 	snop  }
.LBB2_6:
0x90: {  	_ =	sfence.sel $0x180000  }
0x91: {  	[bflag:$0x0] =	sbarrier.arrive $0xFFFF  }
0x92: {  	_ =	strace $0x9000004A  }
0x93: {  	[bflag:$0x2] =	sbarrier.arrive $0xFFFF  }
0x94: {  	p0 =	sne.s32 s1, $0x0;
	s0 =	rddreg [dreg:$0x2]  }
0x95: {  	s0 =	sadd.s32 @!p0 $0x100000, s0  }
0x96: {  	[sflag:s0] =	ssyncadd.tile.s32 @!p0 $0x1;
	_ =	shalt  }
.Lfunc_end2:
_tile_overlayer_lowered:
.L_overlay_start_2:
0x97: {  	(tag) =	ssettag $0x2  }
0x98: {  	s0 =	rddreg [dreg:$0x0];
	s2 =	stileid.u32  }
0x99: {  	s1 =	rddreg [dreg:$0x1];
	p0 =	sne.s32 s2, $0x0  }
0x9a: {  	s3 =	rddreg [dreg:$0x2];
	[bflag:$0x3] =	sbarrier.arrive $0xFFFF;
	s2 =	simm.s32 @!p0 $0x1C05  }
0x9b: {  	[timem:s3], [sflag:s2] =	dma.local @!p0 [hbm:s0], s1  }
0x9c: {  	s0 =	simm.s32 @!p0 $0x5  }
0x9d: {  	_ =	swait.ge @!p0 [sflag:s0], s1  }
0x9e: {  	s1 =	ssub.s32 @!p0 $0x0, s1;
	[sflag:s0] =	ssyncset.done @!p0 $0x0  }
0x9f: {  	[sflag:s0] =	ssyncadd.s32 @!p0 s1  }
0xa0: {  	[bflag:$0x3] =	sbarrier.arrive $0xFFFF  }
0xa1: {  	_ =	shalt  }

// kernel: kernel.19.cloned.1.call-start
scs
__scs_entry_jumppad:
0x0: {  	(pc) =	sbr.rel $0x88, $3  }
0x1: {  	(tag) =	ssettag $0x0;
	lr =	simm.s32 $0x1  }
0x2: {  	[smem:$0x3F94] =	sst lr;
	_ =	strace $0xD0000000  }
0x3: {  	_ = 	snop  }
0x4: {  	_ = 	snop  }
0x5: {  	_ = 	snop  }
0x6: {  	_ = 	snop  }
0x7: {  	_ = 	snop  }
__scs_overlays_trampoline_lowered:
0x8: {  	[smem:$0x3FA3] =	sst s0  }
0x9: {  	[smem:$0x3FA4] =	sst s1  }
0xa: {  	[smem:$0x3FA5] =	sst s2  }
0xb: {  	[smem:$0x3FA6] =	sst s3  }
0xc: {  	[smem:$0x3FA7] =	sst s4  }
0xd: {  	[smem:$0x3FA8] =	sst s5  }
0xe: {  	[smem:$0x3FA9] =	sst s6  }
0xf: {  	[smem:$0x3FAA] =	sst s7  }
0x10: {  	[smem:$0x3FAB] =	sst s8  }
0x11: {  	[smem:$0x3FAC] =	sst s9;
	s0 =	simm.s32 @!p0 $0x0  }
0x12: {  	s1 =	sld [smem:$0x3F92];
	s0 =	simm.s32 @p0 $0x1  }
0x13: {  	[smem:$0x3FAD] =	sst s0;
	s0 =	simm.s32 @!p1 $0x0  }
0x14: {  	s2 =	sld [smem:$0x3F91];
	s0 =	simm.s32 @p1 $0x1  }
0x15: {  	[smem:$0x3FAE] =	sst s0;
	s0 =	simm.s32 @!p2 $0x0  }
0x16: {  	s3 =	sld [smem:$0x3FDB];
	s0 =	simm.s32 @p2 $0x1  }
0x17: {  	s4 =	simm.s32 $0x1BF5;
	[smem:$0x3FB0] =	sst s0  }
0x18: {  	s0 =	sld [smem:$0x3F93];
	_ =	swait.ge [sflag:s4], $0x0  }
0x19: {  	s7 =	sld [smem:$0x3F94]  }
0x1a: {  	s8 =	sadd.s32 $0xFFFFE003, lr  }
0x1b: {  	s9 =	sadd.s32 $0xFFFFFEF7, lr;
	s5 =	simm.s32 $0xFFFFFFFF;
	p2 =	slt.u32 s8, $0xFFFFF086  }
0x1c: {  	p1 =	slt.u32 s9, $0xF7A;
	s5 =	simm.s32 @!p2 $0x0  }
0x1d: {  	s5 =	simm.s32 @p1 $0x1;
	p0 =	seq.s32 s7, s2  }
0x1e: {  	s7 =	smul.u32 @!p0 $0xF7A, s2;
	p2 =	seq.s32 @!p0 s5, $0x0  }
0x1f: {  	s9 =	smul.u32 $0xF7A, s1;
	s8 =	simm.s32 @!p0 $0x1BF5;
	p2 =	por !p2, p0  }
0x20: {  	[sflag:s8] =	ssyncset.s32 @!p0 $0xFFFFF086;
	s6 =	sadd.s32 @!p0 s3, s7;
	s7 =	simm.s32 @!p0 $0x108  }
0x21: {  	s3 =	sadd.s32 s3, s9;
	s6 =	sadd.s32 @!p0 $0x88, s6;
	s7 =	simm.s32 @p2 $0x1082  }
0x22: {  	[simem:s7], [sflag:s8] =	dma.local @!p0 [hbm:s6], $0xF7A  }
0x23: {  	s9 =	sor.u32 $0xD0000000, s2;
	s6 =	simm.s32 $0x108;
	_ =	swait.ge @!p0 [sflag:s8], $0x0  }
0x24: {  	s3 =	sadd.s32 $0x88, s3;
	s6 =	simm.s32 @!p1 $0x1082;
	[sflag:s4] =	ssyncset.s32 $0xFFFFF086  }
0x25: {  	[simem:s6], [sflag:s4] =	dma.local [hbm:s3], $0xF7A  }
0x26: {  	[smem:$0x3F94] =	sst s1;
	(tag) =	ssettag s2;
	_ =	strace s9  }
0x27: {  	s1 =	sld [smem:$0x3FA4]  }
0x28: {  	s2 =	sld [smem:$0x3FA5]  }
0x29: {  	s4 =	sld [smem:$0x3FA7]  }
0x2a: {  	p0 =	seq.s32 s5, $0x0;
	s5 =	sld [smem:$0x3FA8]  }
0x2b: {  	s6 =	sld [smem:$0x3FA9]  }
0x2c: {  	s7 =	sld [smem:$0x3FAA]  }
0x2d: {  	s3 =	simm.s32 $0x108;
	s8 =	sld [smem:$0x3FAB]  }
0x2e: {  	s3 =	simm.s32 @!p0 $0x1082;
	s9 =	sld [smem:$0x3FAC]  }
0x2f: {  	lr =	sadd.s32 s0, s3;
	s0 =	sld [smem:$0x3FA3]  }
0x30: {  	s3 =	sld [smem:$0x3FA6]  }
0x31: {  	[smem:$0x3FAF] =	sst s10  }
0x32: {  	s10 =	sld [smem:$0x3FAD];
	_ =	sdelay $0x3  }
0x33: {  	p0 =	seq.s32 s10, $0x1;
	s10 =	sld [smem:$0x3FAF];
	_ =	sdelay $0x3  }
0x34: {  	[smem:$0x3FAF] =	sst s10  }
0x35: {  	s10 =	sld [smem:$0x3FAE];
	_ =	sdelay $0x3  }
0x36: {  	p1 =	seq.s32 s10, $0x1;
	s10 =	sld [smem:$0x3FAF];
	_ =	sdelay $0x3  }
0x37: {  	[smem:$0x3FAF] =	sst s10  }
0x38: {  	s10 =	sld [smem:$0x3FB0]  }
0x39: {  	_ = 	snop;
	(pc) =	sbr.ind lr, $3  }
0x3a: {  	_ = 	snop  }
0x3b: {  	_ = 	snop  }
0x3c: {  	p2 =	seq.s32 s10, $0x1;
	s10 =	sld [smem:$0x3FAF]  }
0x3d: {  	_ =	shalt  }
0x3e: {  	_ =	shalt  }
0x3f: {  	_ =	shalt  }
0x40: {  	_ =	shalt  }
0x41: {  	_ =	shalt  }
0x42: {  	_ =	shalt  }
0x43: {  	_ =	shalt  }
0x44: {  	_ =	shalt  }
0x45: {  	_ =	shalt  }
0x46: {  	_ =	shalt  }
0x47: {  	_ =	shalt  }
0x48: {  	_ =	shalt  }
0x49: {  	_ =	shalt  }
0x4a: {  	_ =	shalt  }
0x4b: {  	_ =	shalt  }
0x4c: {  	_ =	shalt  }
0x4d: {  	_ =	shalt  }
0x4e: {  	_ =	shalt  }
0x4f: {  	_ =	shalt  }
0x50: {  	_ =	shalt  }
0x51: {  	_ =	shalt  }
0x52: {  	_ =	shalt  }
0x53: {  	_ =	shalt  }
0x54: {  	_ =	shalt  }
0x55: {  	_ =	shalt  }
0x56: {  	_ =	shalt  }
0x57: {  	_ =	shalt  }
0x58: {  	_ =	shalt  }
0x59: {  	_ =	shalt  }
0x5a: {  	_ =	shalt  }
0x5b: {  	_ =	shalt  }
0x5c: {  	_ =	shalt  }
0x5d: {  	_ =	shalt  }
0x5e: {  	_ =	shalt  }
0x5f: {  	_ =	shalt  }
0x60: {  	_ =	shalt  }
0x61: {  	_ =	shalt  }
0x62: {  	_ =	shalt  }
0x63: {  	_ =	shalt  }
0x64: {  	_ =	shalt  }
0x65: {  	_ =	shalt  }
0x66: {  	_ =	shalt  }
0x67: {  	_ =	shalt  }
0x68: {  	_ =	shalt  }
0x69: {  	_ =	shalt  }
0x6a: {  	_ =	shalt  }
0x6b: {  	_ =	shalt  }
0x6c: {  	_ =	shalt  }
0x6d: {  	_ =	shalt  }
0x6e: {  	_ =	shalt  }
0x6f: {  	_ =	shalt  }
0x70: {  	_ =	shalt  }
0x71: {  	_ =	shalt  }
0x72: {  	_ =	shalt  }
0x73: {  	_ =	shalt  }
0x74: {  	_ =	shalt  }
0x75: {  	_ =	shalt  }
0x76: {  	_ =	shalt  }
0x77: {  	_ =	shalt  }
0x78: {  	_ =	shalt  }
0x79: {  	_ =	shalt  }
0x7a: {  	_ =	shalt  }
0x7b: {  	_ =	shalt  }
0x7c: {  	_ =	shalt  }
0x7d: {  	_ =	shalt  }
0x7e: {  	_ =	shalt  }
0x7f: {  	_ =	shalt  }
0x80: {  	_ =	shalt  }
0x81: {  	_ =	shalt  }
0x82: {  	_ =	shalt  }
0x83: {  	_ =	shalt  }
0x84: {  	_ =	shalt  }
0x85: {  	_ =	shalt  }
0x86: {  	_ =	shalt  }
0x87: {  	_ =	shalt  }
.Lfunc_end0:
.L_simem_size_0:
called_computation.2_lowered:
.L_overlay_start_0:
0x88: {  	s2 =	sld [smem:$0x3FD9]  }
0x89: {  	s3 =	sld [smem:$0x3FFE];
	_ =	sdelay $0x1  }
0x8a: {  	s1 =	srdreg.scid  }
0x8b: {  	s0 =	sand.u32 $0x1, s1  }
0x8c: {  	s16 =	sshll.u32 s0, $0xA;
	s2 =	sadd.s32 s3, s2  }
0x8d: {  	s2 =	sadd.s32 s2, s16  }
0x8e: {  	[smem:$0x3FBB] =	sst s2  }
0x8f: {  	_ = 	snop  }
0x90: {  	(tm) =	ssettm $0x1  }
0x91: {  	s17 =	sld [smem:$0x3FFB];
	_ =	sdelay $0x3  }
0x92: {  	_ =	strace s17  }
0x93: {  	s2 =	sld [smem:$0x3FFC];
	_ =	sdelay $0x3  }
0x94: {  	_ =	strace s2  }
0x95: {  	s2 =	sld [smem:$0x3FFD];
	_ =	sdelay $0x3  }
0x96: {  	_ =	strace s2  }
0x97: {  	_ =	strace $0x8FFFFFFF  }
0x98: {  	s18 =	sld [smem:$0x3FDB];
	_ =	sdelay $0x1  }
0x99: {  	s19 =	simm.s32 $_scs_section_size  }
0x9a: {  	s4 =	simm.s32 $_size__tile_overlayer_lowered;
	s5 =	simm.s32 $_tile_overlayer_lowered  }
0x9b: {  	s22 =	simm.s32 $0x1BFF;
	s21 =	sshll.u32 s5, $0x1;
	s2 =	sadd.s32 s19, s18  }
0x9c: {  	s6 =	simm.s32 $0x0;
	s20 =	sshll.u32 s4, $0x1;
	s4 =	sadd.s32 s21, s2  }
0x9d: {  	[timem:s6], [sflag:s22] =	dma.local [hbm:s4], s20  }
0x9e: {  	_ =	swait.ge [sflag:s22], s20  }
0x9f: {  	s3 =	ssub.s32 $0x0, s20;
	[sflag:s22] =	ssyncset.done $0x0  }
0xa0: {  	[sflag:s22] =	ssyncadd.s32 s3;
	_ =	sdelay $0x1  }
0xa1: {  	s23 =	simm.s32 $0x1B8B  }
0xa2: {  	_ =	swait.ge [sflag:s23], $0x1  }
0xa3: {  	[sflag:s23] =	ssyncset.done $0x0  }
0xa4: {  	s25 =	simm.s32 $0x1B8E;
	s24 =	sld [smem:$0x3FFE];
	[sflag:s23] =	ssyncadd.s32 $0xFFFFFFFF  }
0xa5: {  	s26 =	simm.s32 $execute0_lowered;
	[smem:$0x3FD2] =	sst s25  }
0xa6: {  	s4 =	sshll.u32 s26, $0x1;
	_ =	strace $0x8000004C;
	[dreg:$0x1] =	wrdreg $0xFFFFFFFF  }
0xa7: {  	s28 =	simm.s32 $_size_execute0_lowered;
	s2 =	sadd.s32 s2, s4;
	[dreg:$0x0] =	wrdreg $0x0  }
0xa8: {  	s4 =	sshll.u32 s28, $0x1;
	[dreg:$0x2] =	wrdreg s2  }
0xa9: {  	[dreg:$0x3] =	wrdreg s4  }
0xaa: {  	[dreg:$0x4] =	wrdreg $0xC0  }
0xab: {  	_ =	task [dreg:s6], $0x5FFFF  }
0xac: {  	[dreg:$0x1] =	wrdreg $0xFFFFFFFF  }
0xad: {  	[dreg:$0x0] =	wrdreg $0x60  }
0xae: {  	[dreg:$0x2] =	wrdreg s24  }
0xaf: {  	[dreg:$0x3] =	wrdreg $0xA8000  }
0xb0: {  	[dreg:$0x4] =	wrdreg $0x9  }
0xb1: {  	_ =	task.clear_ibuf [dreg:s6], $0x5FFFF;
	_ =	strace $0x9000004C  }
0xb2: {  	s29 =	simm.s32 $0x9;
	_ =	strace $0x8000004E  }
0xb3: {  	_ =	swait.ge [sflag:s29], $0x1  }
0xb4: {  	[sflag:s29] =	ssyncadd.s32 $0xFFFFFFFF  }
0xb5: {  	_ =	strace $0x9000004E  }
0xb6: {  	_ =	sfence  }
0xb7: {  	s30 =	sld [smem:$0x0];
	_ =	sdelay $0x2  }
0xb8: {  	s31 =	sshll.u32 s1, $0xD;
	s1 =	sshrl.u32 s1, $0x2  }
0xb9: {  	s3 =	sand.u32 $0x4000, s31;
	s1 =	sadd.s32 s1, s30  }
0xba: {  	s0 =	sor.u32 s3, s0;
	s1 =	sshll.u32 s1, $0x11  }
0xbb: {  	s0 =	sor.u32 s1, s0  }
0xbc: {  	s0 =	sadd.s32 $0x8F2B, s0  }
0xbd: {  	[sflag:s0] =	ssyncadd.remote.s32 $0x1  }
0xbe: {  	_ =	sfence.sel $0xFFFF  }
0xbf: {  	[dreg:$0x0] =	wrdreg $0xFFFFFFFF;
	(pc) =	sbr.abs _section_cstart, $3  }
0xc0: {  	[dreg:$0x1] =	wrdreg $0xFFFFFFFF  }
0xc1: {  	_ =	task.clear_ibuf [dreg:s6], $0x2FFFF;
	_ =	strace $0x9FFFFFFF  }
0xc2: {  	(tm) =	ssettm $0x7FFFFFFF  }
0xc3: {  	_ =	shalt  }
tec
execute0_lowered:
.L_overlay_start_1:
0x0: {  	(tag) =	ssettag $0x1  }
0x1: {  	s7 =	rddreg [dreg:$0x0]  }
0x2: {  	s2 =	rddreg [dreg:$0x1];
	s3 =	simm.s32 $0x0  }
0x3: {  	s1 =	stileid.u32;
	s4 =	srdreg.scid;
	s16 =	simm.s32 $0x2800  }
0x4: {  	s17 =	simm.s32 $0x6800;
	s18 =	simm.s32 $0x1;
	s19 =	simm.s32 $0x2  }
0x5: {  	s20 =	simm.s32 $0x3;
	s21 =	simm.s32 $0x4;
	s22 =	simm.s32 $0x2600  }
0x6: {  	s23 =	simm.s32 $0x1300;
	s24 =	simm.s32 $0x2680;
	s25 =	simm.s32 $0x1380  }
0x7: {  	s26 =	simm.s32 $0x2700;
	s28 =	simm.s32 $0x2780;
	[smem:$0x7FF] =	sst s3  }
0x8: {  	s8 =	smul.u32 $0x13C00, s1;
	s12 =	sand.u32 $0x1, s4;
	s4 =	sadd.s32 $0x41A00, s7  }
0x9: {  	s5 =	sadd.s32 $0x6200, s7;
	s6 =	sadd.s32 $0x10200, s7;
	s11 =	smul.u32 $0x4F000, s1  }
0xa: {  	s31 =	sshll.u32 s1, $0x6;
	_ =	strace $0x8000004D;
	s9 =	smul.u32 $0x13C000, s12  }
0xb: {  	s29 =	ssub.s32 $0x2, s12;
	p0 =	sne.s32 s12, $0x0;
	s10 =	sshrl.u32 s8, $0x3  }
0xc: {  	s13 =	sshrl.u32 s29, $0x1;
	s30 =	sshrl.u32 s11, $0x2;
	s8 =	sadd.s32 s8, s9  }
.Ltmp0:
0xd: {  	s10 =	sadd.s32 s10, s7;
	s13 =	ssub.s32 s29, s13;
	(pc) =	sbr.rel .LBB2_1-.Ltmp0, $4  }
0xe: {  	s15 =	sadd.s32 s30, s2;
	s9 =	smul.u32 $0xA0, s1;
	s8 =	sshrl.u32 s8, $0x3  }
0xf: {  	s11 =	smax.u32 s13, $0x1;
	s12 =	sshrl.u32 s15, $0x3;
	s13 =	simm.s32 $0x5  }
0x10: {  	s15 =	simm.s32 $0x80;
	s14 =	sadd.s32 s8, s7;
	s7 =	sadd.s32 $0x1A200, s10  }
0x11: {  	s8 =	sor.u32 $0x1C05, s31;
	s10 =	sadd.s32 $0x90A00, s14;
	s14 =	simm.s32 $0x1400  }
.LBB2_5:
0x12: {  	s3 =	sadd.s32 $0x1, s3  }
0x13: {  	p1 =	sne.s32 s3, s11  }
.Ltmp1:
0x14: {  	[bflag:$0x0] =	sbarrier.arrive $0xFFFF;
	(pc) =	sbr.rel @!p1 .LBB2_6-.Ltmp1, $4  }
0x15: {  	[hbm:s10], [sflag:s8] =	dma.local [spmem:s12], $0x2780  }
0x16: {  	_ =	swait.ge [sflag:s13], $0x2780  }
0x17: {  	[sflag:s13] =	ssyncset.done $0x0  }
0x18: {  	[sflag:s13] =	ssyncadd.s32 $0xFFFFD880  }
.LBB2_1:
0x19: {  	[spmem:s12], [sflag:s8] =	dma.local [hbm:s7], $0x2780  }
.Ltmp2:
0x1a: {  	_ =	swait.ge [sflag:s13], $0x2780;
	(pc) =	sbr.rel @p0 .LBB2_5-.Ltmp2, $4  }
0x1b: {  	[sflag:s13] =	ssyncset.done $0x0  }
0x1c: {  	[sflag:s13] =	ssyncadd.s32 $0xFFFFD880  }
0x1d: {  	[bflag:$0x0] =	sbarrier.arrive $0xFFFF  }
0x1e: {  	s29 =	simm.s32 $0x0  }
.LBB2_2:
0x1f: {  	s30 =	smul.u32 $0x28, s29;
	_ =	sdelay $0x1  }
0x20: {  	s30 =	sadd.s32 s9, s30  }
0x21: {  	s30 =	sshll.u32 s30, $0x4  }
0x22: {  	s0 =	simm.s32 $0x0;
	s31 =	sadd.s32 s5, s30  }
0x23: {  	[tilespmem:s0], [sflag:$0x5] =	stream.linear.gather [hbm4b:s31+s0], $0x1400, $0x38;
	[tilespmem:$0x1E400] =	vst v63  }
0x24: {  	_ =	swait.ge [sflag:s13], $0x1400  }
0x25: {  	[sflag:s13] =	ssyncset.done $0x0  }
0x26: {  	s30 =	sadd.s32 s6, s30;
	[sflag:s13] =	ssyncadd.s32 $0xFFFFEC00  }
0x27: {  	[tilespmem:s14], [sflag:$0x5] =	stream.linear.gather [hbm4b:s30+s0], $0x1400, $0x38;
	[tilespmem:$0x1E400] =	vst v63  }
0x28: {  	_ =	swait.ge [sflag:s13], $0x1400  }
0x29: {  	[sflag:s13] =	ssyncset.done $0x0  }
0x2a: {  	[sflag:s13] =	ssyncadd.s32 $0xFFFFEC00  }
0x2b: {  	[tilespmem:s16], [sflag:$0x1] =	stream.indirect.gather [hbm4b:s4+s15], $0x80, s0, s15, $0xb8;
	[tilespmem:$0x1E400] =	vst v63  }
0x2c: {  	_ = 	snop  }
0x2d: {  	[tilespmem:s17], [sflag:$0x2] =	stream.indirect.gather [hbm4b:s4+s15], $0x80, s15, s15, $0xb8;
	[tilespmem:$0x1E400] =	vst v63  }
0x2e: {  	_ =	swait.ge [sflag:s18], $0x4000  }
0x2f: {  	[sflag:s18] =	ssyncset.done $0x0  }
0x30: {  	s0 =	simm.s32 $0x1400;
	[sflag:s18] =	ssyncadd.s32 $0xFFFFC000  }
0x31: {  	[spmem:s2] =	stream.indirect.scatter.add.f32 [tilespmem:s16], [sflag:$0x5], $0x80, s0, s15, $0xb8;
	[tilespmem:$0x1E400] =	vst v63  }
0x32: {  	_ =	swait.ge [sflag:s13], $0x4000  }
0x33: {  	[sflag:s13] =	ssyncset.done $0x0  }
0x34: {  	s0 =	simm.s32 $0x100;
	[sflag:s13] =	ssyncadd.s32 $0xFFFFC000  }
0x35: {  	[tilespmem:s16], [sflag:$0x3] =	stream.indirect.gather [hbm4b:s4+s15], $0x80, s0, s15, $0xb8;
	[tilespmem:$0x1E400] =	vst v63  }
0x36: {  	_ =	swait.ge [sflag:s19], $0x4000  }
0x37: {  	[sflag:s19] =	ssyncset.done $0x0  }
0x38: {  	s0 =	simm.s32 $0x1480;
	[sflag:s19] =	ssyncadd.s32 $0xFFFFC000  }
0x39: {  	[spmem:s2] =	stream.indirect.scatter.add.f32 [tilespmem:s17], [sflag:$0x5], $0x80, s0, s15, $0xb8;
	[tilespmem:$0x1E400] =	vst v63  }
0x3a: {  	_ =	swait.ge [sflag:s13], $0x4000  }
0x3b: {  	[sflag:s13] =	ssyncset.done $0x0  }
0x3c: {  	s0 =	simm.s32 $0x180;
	[sflag:s13] =	ssyncadd.s32 $0xFFFFC000  }
0x3d: {  	[tilespmem:s17], [sflag:$0x4] =	stream.indirect.gather [hbm4b:s4+s15], $0x80, s0, s15, $0xb8;
	[tilespmem:$0x1E400] =	vst v63  }
0x3e: {  	_ =	swait.ge [sflag:s20], $0x4000  }
0x3f: {  	[sflag:s20] =	ssyncset.done $0x0  }
0x40: {  	s0 =	simm.s32 $0x1500;
	[sflag:s20] =	ssyncadd.s32 $0xFFFFC000  }
0x41: {  	[spmem:s2] =	stream.indirect.scatter.add.f32 [tilespmem:s16], [sflag:$0x5], $0x80, s0, s15, $0xb8;
	[tilespmem:$0x1E400] =	vst v63  }
0x42: {  	_ =	swait.ge [sflag:s13], $0x4000  }
0x43: {  	[sflag:s13] =	ssyncset.done $0x0  }
0x44: {  	s0 =	simm.s32 $0x200;
	[sflag:s13] =	ssyncadd.s32 $0xFFFFC000  }
0x45: {  	[tilespmem:s16], [sflag:$0x1] =	stream.indirect.gather [hbm4b:s4+s15], $0x80, s0, s15, $0xb8;
	[tilespmem:$0x1E400] =	vst v63  }
0x46: {  	_ =	swait.ge [sflag:s21], $0x4000  }
0x47: {  	[sflag:s21] =	ssyncset.done $0x0  }
0x48: {  	s0 =	simm.s32 $0x1580;
	[sflag:s21] =	ssyncadd.s32 $0xFFFFC000  }
0x49: {  	[spmem:s2] =	stream.indirect.scatter.add.f32 [tilespmem:s17], [sflag:$0x5], $0x80, s0, s15, $0xb8;
	[tilespmem:$0x1E400] =	vst v63  }
0x4a: {  	_ =	swait.ge [sflag:s13], $0x4000  }
0x4b: {  	[sflag:s13] =	ssyncset.done $0x0  }
0x4c: {  	s31 =	simm.s32 $0x280;
	s30 =	simm.s32 $0x800;
	[sflag:s13] =	ssyncadd.s32 $0xFFFFC000  }
.LBB2_3:
0x4d: {  	[tilespmem:s17], [sflag:$0x2] =	stream.indirect.gather [hbm4b:s4+s15], $0x80, s31, s15, $0xb8;
	[tilespmem:$0x1E400] =	vst v63  }
0x4e: {  	s0 =	smov.u32 s30  }
0x4f: {  	p1 =	sne.s32 s30, $0x4000;
	s30 =	sadd.s32 $0x800, s30;
	_ =	swait.ge [sflag:s18], $0x4000  }
0x50: {  	s31 =	sshra.s32 s0, $0x2;
	[sflag:s18] =	ssyncset.done $0x0  }
0x51: {  	s0 =	sadd.s32 $0x1400, s31;
	[sflag:s18] =	ssyncadd.s32 $0xFFFFC000  }
0x52: {  	[spmem:s2] =	stream.indirect.scatter.add.f32 [tilespmem:s16], [sflag:$0x5], $0x80, s0, s15, $0xb8;
	[tilespmem:$0x1E400] =	vst v63  }
0x53: {  	_ =	swait.ge [sflag:s13], $0x4000  }
0x54: {  	[sflag:s13] =	ssyncset.done $0x0  }
0x55: {  	s0 =	sadd.s32 $0x100, s31;
	[sflag:s13] =	ssyncadd.s32 $0xFFFFC000  }
0x56: {  	[tilespmem:s16], [sflag:$0x3] =	stream.indirect.gather [hbm4b:s4+s15], $0x80, s0, s15, $0xb8;
	[tilespmem:$0x1E400] =	vst v63  }
0x57: {  	_ =	swait.ge [sflag:s19], $0x4000  }
0x58: {  	[sflag:s19] =	ssyncset.done $0x0  }
0x59: {  	s0 =	sadd.s32 $0x1480, s31;
	[sflag:s19] =	ssyncadd.s32 $0xFFFFC000  }
0x5a: {  	[spmem:s2] =	stream.indirect.scatter.add.f32 [tilespmem:s17], [sflag:$0x5], $0x80, s0, s15, $0xb8;
	[tilespmem:$0x1E400] =	vst v63  }
0x5b: {  	_ =	swait.ge [sflag:s13], $0x4000  }
0x5c: {  	[sflag:s13] =	ssyncset.done $0x0  }
0x5d: {  	s0 =	sadd.s32 $0x180, s31;
	[sflag:s13] =	ssyncadd.s32 $0xFFFFC000  }
0x5e: {  	[tilespmem:s17], [sflag:$0x4] =	stream.indirect.gather [hbm4b:s4+s15], $0x80, s0, s15, $0xb8;
	[tilespmem:$0x1E400] =	vst v63  }
0x5f: {  	_ =	swait.ge [sflag:s20], $0x4000  }
0x60: {  	[sflag:s20] =	ssyncset.done $0x0  }
0x61: {  	s0 =	sadd.s32 $0x1500, s31;
	[sflag:s20] =	ssyncadd.s32 $0xFFFFC000  }
0x62: {  	[spmem:s2] =	stream.indirect.scatter.add.f32 [tilespmem:s16], [sflag:$0x5], $0x80, s0, s15, $0xb8;
	[tilespmem:$0x1E400] =	vst v63  }
0x63: {  	_ =	swait.ge [sflag:s13], $0x4000  }
0x64: {  	[sflag:s13] =	ssyncset.done $0x0  }
0x65: {  	s0 =	sadd.s32 $0x200, s31;
	[sflag:s13] =	ssyncadd.s32 $0xFFFFC000  }
0x66: {  	[tilespmem:s16], [sflag:$0x1] =	stream.indirect.gather [hbm4b:s4+s15], $0x80, s0, s15, $0xb8;
	[tilespmem:$0x1E400] =	vst v63  }
0x67: {  	_ =	swait.ge [sflag:s21], $0x4000  }
0x68: {  	[sflag:s21] =	ssyncset.done $0x0  }
.Ltmp3:
0x69: {  	s0 =	sadd.s32 $0x1580, s31;
	[sflag:s21] =	ssyncadd.s32 $0xFFFFC000;
	(pc) =	sbr.rel @p1 .LBB2_3-.Ltmp3, $4  }
0x6a: {  	[spmem:s2] =	stream.indirect.scatter.add.f32 [tilespmem:s17], [sflag:$0x5], $0x80, s0, s15, $0xb8;
	[tilespmem:$0x1E400] =	vst v63  }
0x6b: {  	_ =	swait.ge [sflag:s13], $0x4000  }
0x6c: {  	[sflag:s13] =	ssyncset.done $0x0  }
0x6d: {  	s31 =	sadd.s32 $0x280, s31;
	[sflag:s13] =	ssyncadd.s32 $0xFFFFC000  }
0x6e: {  	[tilespmem:s17], [sflag:$0x2] =	stream.indirect.gather [hbm4b:s4+s15], $0x80, s31, s15, $0xb8;
	[tilespmem:$0x1E400] =	vst v63  }
0x6f: {  	_ =	swait.ge [sflag:s18], $0x4000  }
0x70: {  	[sflag:s18] =	ssyncset.done $0x0  }
0x71: {  	[sflag:s18] =	ssyncadd.s32 $0xFFFFC000  }
0x72: {  	[spmem:s2] =	stream.indirect.scatter.add.f32 [tilespmem:s16], [sflag:$0x5], $0x80, s22, s15, $0xb8;
	[tilespmem:$0x1E400] =	vst v63  }
0x73: {  	_ =	swait.ge [sflag:s13], $0x4000  }
0x74: {  	[sflag:s13] =	ssyncset.done $0x0  }
0x75: {  	[sflag:s13] =	ssyncadd.s32 $0xFFFFC000  }
0x76: {  	[tilespmem:s16], [sflag:$0x3] =	stream.indirect.gather [hbm4b:s4+s15], $0x80, s23, s15, $0xb8;
	[tilespmem:$0x1E400] =	vst v63  }
0x77: {  	_ =	swait.ge [sflag:s19], $0x4000  }
0x78: {  	[sflag:s19] =	ssyncset.done $0x0  }
0x79: {  	[sflag:s19] =	ssyncadd.s32 $0xFFFFC000  }
0x7a: {  	[spmem:s2] =	stream.indirect.scatter.add.f32 [tilespmem:s17], [sflag:$0x5], $0x80, s24, s15, $0xb8;
	[tilespmem:$0x1E400] =	vst v63  }
0x7b: {  	_ =	swait.ge [sflag:s13], $0x4000  }
0x7c: {  	[sflag:s13] =	ssyncset.done $0x0  }
0x7d: {  	[sflag:s13] =	ssyncadd.s32 $0xFFFFC000  }
0x7e: {  	[tilespmem:s17], [sflag:$0x4] =	stream.indirect.gather [hbm4b:s4+s15], $0x80, s25, s15, $0xb8;
	[tilespmem:$0x1E400] =	vst v63  }
0x7f: {  	_ =	swait.ge [sflag:s20], $0x4000  }
0x80: {  	[sflag:s20] =	ssyncset.done $0x0  }
0x81: {  	[sflag:s20] =	ssyncadd.s32 $0xFFFFC000  }
0x82: {  	[spmem:s2] =	stream.indirect.scatter.add.f32 [tilespmem:s16], [sflag:$0x5], $0x80, s26, s15, $0xb8;
	[tilespmem:$0x1E400] =	vst v63  }
0x83: {  	_ =	swait.ge [sflag:s13], $0x4000  }
0x84: {  	[sflag:s13] =	ssyncset.done $0x0  }
0x85: {  	[sflag:s13] =	ssyncadd.s32 $0xFFFFC000  }
0x86: {  	_ =	swait.ge [sflag:s21], $0x4000  }
0x87: {  	s29 =	sadd.s32 $0x1, s29;
	[sflag:s21] =	ssyncset.done $0x0  }
0x88: {  	p1 =	sne.s32 s29, $0x4;
	[sflag:s21] =	ssyncadd.s32 $0xFFFFC000  }
0x89: {  	[spmem:s2] =	stream.indirect.scatter.add.f32 [tilespmem:s17], [sflag:$0x5], $0x80, s28, s15, $0xb8;
	[tilespmem:$0x1E400] =	vst v63  }
.Ltmp4:
0x8a: {  	_ = 	snop;
	(pc) =	sbr.rel @p1 .LBB2_2-.Ltmp4, $4  }
.Ltmp5:
0x8b: {  	_ = 	snop;
	(pc) =	sbr.rel @!p1 .LBB2_5-.Ltmp5, $4  }
0x8c: {  	_ =	swait.ge [sflag:s13], $0x4000  }
0x8d: {  	[sflag:s13] =	ssyncset.done $0x0  }
0x8e: {  	[sflag:s13] =	ssyncadd.s32 $0xFFFFC000  }
0x8f: {  	_ = 	snop  }
.LBB2_6:
0x90: {  	_ =	sfence.sel $0x180000  }
0x91: {  	[bflag:$0x0] =	sbarrier.arrive $0xFFFF  }
0x92: {  	_ =	strace $0x9000004D  }
0x93: {  	[bflag:$0x2] =	sbarrier.arrive $0xFFFF  }
0x94: {  	p0 =	sne.s32 s1, $0x0;
	s0 =	rddreg [dreg:$0x2]  }
0x95: {  	s0 =	sadd.s32 @!p0 $0x100000, s0  }
0x96: {  	[sflag:s0] =	ssyncadd.tile.s32 @!p0 $0x1;
	_ =	shalt  }
.Lfunc_end2:
_tile_overlayer_lowered:
.L_overlay_start_2:
0x97: {  	(tag) =	ssettag $0x2  }
0x98: {  	s0 =	rddreg [dreg:$0x0];
	s2 =	stileid.u32  }
0x99: {  	s1 =	rddreg [dreg:$0x1];
	p0 =	sne.s32 s2, $0x0  }
0x9a: {  	s3 =	rddreg [dreg:$0x2];
	[bflag:$0x3] =	sbarrier.arrive $0xFFFF;
	s2 =	simm.s32 @!p0 $0x1C05  }
0x9b: {  	[timem:s3], [sflag:s2] =	dma.local @!p0 [hbm:s0], s1  }
0x9c: {  	s0 =	simm.s32 @!p0 $0x5  }
0x9d: {  	_ =	swait.ge @!p0 [sflag:s0], s1  }
0x9e: {  	s1 =	ssub.s32 @!p0 $0x0, s1;
	[sflag:s0] =	ssyncset.done @!p0 $0x0  }
0x9f: {  	[sflag:s0] =	ssyncadd.s32 @!p0 s1  }
0xa0: {  	[bflag:$0x3] =	sbarrier.arrive $0xFFFF  }
0xa1: {  	_ =	shalt  }

// kernel: kernel.22.cloned.1.call-start
scs
__scs_entry_jumppad:
0x0: {  	(pc) =	sbr.rel $0x88, $3  }
0x1: {  	(tag) =	ssettag $0x0;
	lr =	simm.s32 $0x1  }
0x2: {  	[smem:$0x3F94] =	sst lr;
	_ =	strace $0xD0000000  }
0x3: {  	_ = 	snop  }
0x4: {  	_ = 	snop  }
0x5: {  	_ = 	snop  }
0x6: {  	_ = 	snop  }
0x7: {  	_ = 	snop  }
__scs_overlays_trampoline_lowered:
0x8: {  	[smem:$0x3FA3] =	sst s0  }
0x9: {  	[smem:$0x3FA4] =	sst s1  }
0xa: {  	[smem:$0x3FA5] =	sst s2  }
0xb: {  	[smem:$0x3FA6] =	sst s3  }
0xc: {  	[smem:$0x3FA7] =	sst s4  }
0xd: {  	[smem:$0x3FA8] =	sst s5  }
0xe: {  	[smem:$0x3FA9] =	sst s6  }
0xf: {  	[smem:$0x3FAA] =	sst s7  }
0x10: {  	[smem:$0x3FAB] =	sst s8  }
0x11: {  	[smem:$0x3FAC] =	sst s9;
	s0 =	simm.s32 @!p0 $0x0  }
0x12: {  	s1 =	sld [smem:$0x3F92];
	s0 =	simm.s32 @p0 $0x1  }
0x13: {  	[smem:$0x3FAD] =	sst s0;
	s0 =	simm.s32 @!p1 $0x0  }
0x14: {  	s2 =	sld [smem:$0x3F91];
	s0 =	simm.s32 @p1 $0x1  }
0x15: {  	[smem:$0x3FAE] =	sst s0;
	s0 =	simm.s32 @!p2 $0x0  }
0x16: {  	s3 =	sld [smem:$0x3FDB];
	s0 =	simm.s32 @p2 $0x1  }
0x17: {  	s4 =	simm.s32 $0x1BF5;
	[smem:$0x3FB0] =	sst s0  }
0x18: {  	s0 =	sld [smem:$0x3F93];
	_ =	swait.ge [sflag:s4], $0x0  }
0x19: {  	s7 =	sld [smem:$0x3F94]  }
0x1a: {  	s8 =	sadd.s32 $0xFFFFE003, lr  }
0x1b: {  	s9 =	sadd.s32 $0xFFFFFEF7, lr;
	s5 =	simm.s32 $0xFFFFFFFF;
	p2 =	slt.u32 s8, $0xFFFFF086  }
0x1c: {  	p1 =	slt.u32 s9, $0xF7A;
	s5 =	simm.s32 @!p2 $0x0  }
0x1d: {  	s5 =	simm.s32 @p1 $0x1;
	p0 =	seq.s32 s7, s2  }
0x1e: {  	s7 =	smul.u32 @!p0 $0xF7A, s2;
	p2 =	seq.s32 @!p0 s5, $0x0  }
0x1f: {  	s9 =	smul.u32 $0xF7A, s1;
	s8 =	simm.s32 @!p0 $0x1BF5;
	p2 =	por !p2, p0  }
0x20: {  	[sflag:s8] =	ssyncset.s32 @!p0 $0xFFFFF086;
	s6 =	sadd.s32 @!p0 s3, s7;
	s7 =	simm.s32 @!p0 $0x108  }
0x21: {  	s3 =	sadd.s32 s3, s9;
	s6 =	sadd.s32 @!p0 $0x88, s6;
	s7 =	simm.s32 @p2 $0x1082  }
0x22: {  	[simem:s7], [sflag:s8] =	dma.local @!p0 [hbm:s6], $0xF7A  }
0x23: {  	s9 =	sor.u32 $0xD0000000, s2;
	s6 =	simm.s32 $0x108;
	_ =	swait.ge @!p0 [sflag:s8], $0x0  }
0x24: {  	s3 =	sadd.s32 $0x88, s3;
	s6 =	simm.s32 @!p1 $0x1082;
	[sflag:s4] =	ssyncset.s32 $0xFFFFF086  }
0x25: {  	[simem:s6], [sflag:s4] =	dma.local [hbm:s3], $0xF7A  }
0x26: {  	[smem:$0x3F94] =	sst s1;
	(tag) =	ssettag s2;
	_ =	strace s9  }
0x27: {  	s1 =	sld [smem:$0x3FA4]  }
0x28: {  	s2 =	sld [smem:$0x3FA5]  }
0x29: {  	s4 =	sld [smem:$0x3FA7]  }
0x2a: {  	p0 =	seq.s32 s5, $0x0;
	s5 =	sld [smem:$0x3FA8]  }
0x2b: {  	s6 =	sld [smem:$0x3FA9]  }
0x2c: {  	s7 =	sld [smem:$0x3FAA]  }
0x2d: {  	s3 =	simm.s32 $0x108;
	s8 =	sld [smem:$0x3FAB]  }
0x2e: {  	s3 =	simm.s32 @!p0 $0x1082;
	s9 =	sld [smem:$0x3FAC]  }
0x2f: {  	lr =	sadd.s32 s0, s3;
	s0 =	sld [smem:$0x3FA3]  }
0x30: {  	s3 =	sld [smem:$0x3FA6]  }
0x31: {  	[smem:$0x3FAF] =	sst s10  }
0x32: {  	s10 =	sld [smem:$0x3FAD];
	_ =	sdelay $0x3  }
0x33: {  	p0 =	seq.s32 s10, $0x1;
	s10 =	sld [smem:$0x3FAF];
	_ =	sdelay $0x3  }
0x34: {  	[smem:$0x3FAF] =	sst s10  }
0x35: {  	s10 =	sld [smem:$0x3FAE];
	_ =	sdelay $0x3  }
0x36: {  	p1 =	seq.s32 s10, $0x1;
	s10 =	sld [smem:$0x3FAF];
	_ =	sdelay $0x3  }
0x37: {  	[smem:$0x3FAF] =	sst s10  }
0x38: {  	s10 =	sld [smem:$0x3FB0]  }
0x39: {  	_ = 	snop;
	(pc) =	sbr.ind lr, $3  }
0x3a: {  	_ = 	snop  }
0x3b: {  	_ = 	snop  }
0x3c: {  	p2 =	seq.s32 s10, $0x1;
	s10 =	sld [smem:$0x3FAF]  }
0x3d: {  	_ =	shalt  }
0x3e: {  	_ =	shalt  }
0x3f: {  	_ =	shalt  }
0x40: {  	_ =	shalt  }
0x41: {  	_ =	shalt  }
0x42: {  	_ =	shalt  }
0x43: {  	_ =	shalt  }
0x44: {  	_ =	shalt  }
0x45: {  	_ =	shalt  }
0x46: {  	_ =	shalt  }
0x47: {  	_ =	shalt  }
0x48: {  	_ =	shalt  }
0x49: {  	_ =	shalt  }
0x4a: {  	_ =	shalt  }
0x4b: {  	_ =	shalt  }
0x4c: {  	_ =	shalt  }
0x4d: {  	_ =	shalt  }
0x4e: {  	_ =	shalt  }
0x4f: {  	_ =	shalt  }
0x50: {  	_ =	shalt  }
0x51: {  	_ =	shalt  }
0x52: {  	_ =	shalt  }
0x53: {  	_ =	shalt  }
0x54: {  	_ =	shalt  }
0x55: {  	_ =	shalt  }
0x56: {  	_ =	shalt  }
0x57: {  	_ =	shalt  }
0x58: {  	_ =	shalt  }
0x59: {  	_ =	shalt  }
0x5a: {  	_ =	shalt  }
0x5b: {  	_ =	shalt  }
0x5c: {  	_ =	shalt  }
0x5d: {  	_ =	shalt  }
0x5e: {  	_ =	shalt  }
0x5f: {  	_ =	shalt  }
0x60: {  	_ =	shalt  }
0x61: {  	_ =	shalt  }
0x62: {  	_ =	shalt  }
0x63: {  	_ =	shalt  }
0x64: {  	_ =	shalt  }
0x65: {  	_ =	shalt  }
0x66: {  	_ =	shalt  }
0x67: {  	_ =	shalt  }
0x68: {  	_ =	shalt  }
0x69: {  	_ =	shalt  }
0x6a: {  	_ =	shalt  }
0x6b: {  	_ =	shalt  }
0x6c: {  	_ =	shalt  }
0x6d: {  	_ =	shalt  }
0x6e: {  	_ =	shalt  }
0x6f: {  	_ =	shalt  }
0x70: {  	_ =	shalt  }
0x71: {  	_ =	shalt  }
0x72: {  	_ =	shalt  }
0x73: {  	_ =	shalt  }
0x74: {  	_ =	shalt  }
0x75: {  	_ =	shalt  }
0x76: {  	_ =	shalt  }
0x77: {  	_ =	shalt  }
0x78: {  	_ =	shalt  }
0x79: {  	_ =	shalt  }
0x7a: {  	_ =	shalt  }
0x7b: {  	_ =	shalt  }
0x7c: {  	_ =	shalt  }
0x7d: {  	_ =	shalt  }
0x7e: {  	_ =	shalt  }
0x7f: {  	_ =	shalt  }
0x80: {  	_ =	shalt  }
0x81: {  	_ =	shalt  }
0x82: {  	_ =	shalt  }
0x83: {  	_ =	shalt  }
0x84: {  	_ =	shalt  }
0x85: {  	_ =	shalt  }
0x86: {  	_ =	shalt  }
0x87: {  	_ =	shalt  }
.Lfunc_end0:
.L_simem_size_0:
called_computation.3_lowered:
.L_overlay_start_0:
0x88: {  	s2 =	sld [smem:$0x3FD9]  }
0x89: {  	s3 =	sld [smem:$0x3FFE];
	_ =	sdelay $0x1  }
0x8a: {  	s1 =	srdreg.scid  }
0x8b: {  	s0 =	sand.u32 $0x1, s1  }
0x8c: {  	s16 =	sshll.u32 s0, $0xA;
	s2 =	sadd.s32 s3, s2  }
0x8d: {  	s2 =	sadd.s32 s2, s16  }
0x8e: {  	[smem:$0x3FBB] =	sst s2  }
0x8f: {  	_ = 	snop  }
0x90: {  	(tm) =	ssettm $0x1  }
0x91: {  	s17 =	sld [smem:$0x3FFB];
	_ =	sdelay $0x3  }
0x92: {  	_ =	strace s17  }
0x93: {  	s2 =	sld [smem:$0x3FFC];
	_ =	sdelay $0x3  }
0x94: {  	_ =	strace s2  }
0x95: {  	s2 =	sld [smem:$0x3FFD];
	_ =	sdelay $0x3  }
0x96: {  	_ =	strace s2  }
0x97: {  	_ =	strace $0x8FFFFFFF  }
0x98: {  	s18 =	sld [smem:$0x3FDB];
	_ =	sdelay $0x1  }
0x99: {  	s19 =	simm.s32 $_scs_section_size  }
0x9a: {  	s4 =	simm.s32 $_size__tile_overlayer_lowered;
	s5 =	simm.s32 $_tile_overlayer_lowered  }
0x9b: {  	s22 =	simm.s32 $0x1BFF;
	s21 =	sshll.u32 s5, $0x1;
	s2 =	sadd.s32 s19, s18  }
0x9c: {  	s6 =	simm.s32 $0x0;
	s20 =	sshll.u32 s4, $0x1;
	s4 =	sadd.s32 s21, s2  }
0x9d: {  	[timem:s6], [sflag:s22] =	dma.local [hbm:s4], s20  }
0x9e: {  	_ =	swait.ge [sflag:s22], s20  }
0x9f: {  	s3 =	ssub.s32 $0x0, s20;
	[sflag:s22] =	ssyncset.done $0x0  }
0xa0: {  	[sflag:s22] =	ssyncadd.s32 s3;
	_ =	sdelay $0x1  }
0xa1: {  	s23 =	simm.s32 $0x1B8B  }
0xa2: {  	_ =	swait.ge [sflag:s23], $0x1  }
0xa3: {  	[sflag:s23] =	ssyncset.done $0x0  }
0xa4: {  	s25 =	simm.s32 $0x1B8E;
	s24 =	sld [smem:$0x3FFE];
	[sflag:s23] =	ssyncadd.s32 $0xFFFFFFFF  }
0xa5: {  	s26 =	simm.s32 $execute0_lowered;
	[smem:$0x3FD2] =	sst s25  }
0xa6: {  	s4 =	sshll.u32 s26, $0x1;
	_ =	strace $0x8000004F;
	[dreg:$0x1] =	wrdreg $0xFFFFFFFF  }
0xa7: {  	s28 =	simm.s32 $_size_execute0_lowered;
	s2 =	sadd.s32 s2, s4;
	[dreg:$0x0] =	wrdreg $0x0  }
0xa8: {  	s4 =	sshll.u32 s28, $0x1;
	[dreg:$0x2] =	wrdreg s2  }
0xa9: {  	[dreg:$0x3] =	wrdreg s4  }
0xaa: {  	[dreg:$0x4] =	wrdreg $0xC0  }
0xab: {  	_ =	task [dreg:s6], $0x5FFFF  }
0xac: {  	[dreg:$0x1] =	wrdreg $0xFFFFFFFF  }
0xad: {  	[dreg:$0x0] =	wrdreg $0x60  }
0xae: {  	[dreg:$0x2] =	wrdreg s24  }
0xaf: {  	[dreg:$0x3] =	wrdreg $0xA8000  }
0xb0: {  	[dreg:$0x4] =	wrdreg $0x9  }
0xb1: {  	_ =	task.clear_ibuf [dreg:s6], $0x5FFFF;
	_ =	strace $0x9000004F  }
0xb2: {  	s29 =	simm.s32 $0x9;
	_ =	strace $0x80000051  }
0xb3: {  	_ =	swait.ge [sflag:s29], $0x1  }
0xb4: {  	[sflag:s29] =	ssyncadd.s32 $0xFFFFFFFF  }
0xb5: {  	_ =	strace $0x90000051  }
0xb6: {  	_ =	sfence  }
0xb7: {  	s30 =	sld [smem:$0x0];
	_ =	sdelay $0x2  }
0xb8: {  	s31 =	sshll.u32 s1, $0xD;
	s1 =	sshrl.u32 s1, $0x2  }
0xb9: {  	s3 =	sand.u32 $0x4000, s31;
	s1 =	sadd.s32 s1, s30  }
0xba: {  	s0 =	sor.u32 s3, s0;
	s1 =	sshll.u32 s1, $0x11  }
0xbb: {  	s0 =	sor.u32 s1, s0  }
0xbc: {  	s0 =	sadd.s32 $0x8F2B, s0  }
0xbd: {  	[sflag:s0] =	ssyncadd.remote.s32 $0x1  }
0xbe: {  	_ =	sfence.sel $0xFFFF  }
0xbf: {  	[dreg:$0x0] =	wrdreg $0xFFFFFFFF;
	(pc) =	sbr.abs _section_cstart, $3  }
0xc0: {  	[dreg:$0x1] =	wrdreg $0xFFFFFFFF  }
0xc1: {  	_ =	task.clear_ibuf [dreg:s6], $0x2FFFF;
	_ =	strace $0x9FFFFFFF  }
0xc2: {  	(tm) =	ssettm $0x7FFFFFFF  }
0xc3: {  	_ =	shalt  }
tec
execute0_lowered:
.L_overlay_start_1:
0x0: {  	(tag) =	ssettag $0x1  }
0x1: {  	s7 =	rddreg [dreg:$0x0]  }
0x2: {  	s2 =	rddreg [dreg:$0x1];
	s3 =	simm.s32 $0x0  }
0x3: {  	s1 =	stileid.u32;
	s4 =	srdreg.scid;
	s16 =	simm.s32 $0x2800  }
0x4: {  	s17 =	simm.s32 $0x6800;
	s18 =	simm.s32 $0x1;
	s19 =	simm.s32 $0x2  }
0x5: {  	s20 =	simm.s32 $0x3;
	s21 =	simm.s32 $0x4;
	s22 =	simm.s32 $0x2600  }
0x6: {  	s23 =	simm.s32 $0x1300;
	s24 =	simm.s32 $0x2680;
	s25 =	simm.s32 $0x1380  }
0x7: {  	s26 =	simm.s32 $0x2700;
	s28 =	simm.s32 $0x2780;
	[smem:$0x7FF] =	sst s3  }
0x8: {  	s8 =	smul.u32 $0x13C00, s1;
	s12 =	sand.u32 $0x1, s4;
	s4 =	sadd.s32 $0x41A00, s7  }
0x9: {  	s5 =	sadd.s32 $0x6200, s7;
	s6 =	sadd.s32 $0x10200, s7;
	s11 =	smul.u32 $0x4F000, s1  }
0xa: {  	s31 =	sshll.u32 s1, $0x6;
	_ =	strace $0x80000050;
	s9 =	smul.u32 $0x13C000, s12  }
0xb: {  	s29 =	ssub.s32 $0x2, s12;
	p0 =	sne.s32 s12, $0x0;
	s10 =	sshrl.u32 s8, $0x3  }
0xc: {  	s13 =	sshrl.u32 s29, $0x1;
	s30 =	sshrl.u32 s11, $0x2;
	s8 =	sadd.s32 s8, s9  }
.Ltmp0:
0xd: {  	s10 =	sadd.s32 s10, s7;
	s13 =	ssub.s32 s29, s13;
	(pc) =	sbr.rel .LBB2_1-.Ltmp0, $4  }
0xe: {  	s15 =	sadd.s32 s30, s2;
	s9 =	smul.u32 $0xA0, s1;
	s8 =	sshrl.u32 s8, $0x3  }
0xf: {  	s11 =	smax.u32 s13, $0x1;
	s12 =	sshrl.u32 s15, $0x3;
	s13 =	simm.s32 $0x5  }
0x10: {  	s15 =	simm.s32 $0x80;
	s14 =	sadd.s32 s8, s7;
	s7 =	sadd.s32 $0x1A200, s10  }
0x11: {  	s8 =	sor.u32 $0x1C05, s31;
	s10 =	sadd.s32 $0x90A00, s14;
	s14 =	simm.s32 $0x1400  }
.LBB2_5:
0x12: {  	s3 =	sadd.s32 $0x1, s3  }
0x13: {  	p1 =	sne.s32 s3, s11  }
.Ltmp1:
0x14: {  	[bflag:$0x0] =	sbarrier.arrive $0xFFFF;
	(pc) =	sbr.rel @!p1 .LBB2_6-.Ltmp1, $4  }
0x15: {  	[hbm:s10], [sflag:s8] =	dma.local [spmem:s12], $0x2780  }
0x16: {  	_ =	swait.ge [sflag:s13], $0x2780  }
0x17: {  	[sflag:s13] =	ssyncset.done $0x0  }
0x18: {  	[sflag:s13] =	ssyncadd.s32 $0xFFFFD880  }
.LBB2_1:
0x19: {  	[spmem:s12], [sflag:s8] =	dma.local [hbm:s7], $0x2780  }
.Ltmp2:
0x1a: {  	_ =	swait.ge [sflag:s13], $0x2780;
	(pc) =	sbr.rel @p0 .LBB2_5-.Ltmp2, $4  }
0x1b: {  	[sflag:s13] =	ssyncset.done $0x0  }
0x1c: {  	[sflag:s13] =	ssyncadd.s32 $0xFFFFD880  }
0x1d: {  	[bflag:$0x0] =	sbarrier.arrive $0xFFFF  }
0x1e: {  	s29 =	simm.s32 $0x0  }
.LBB2_2:
0x1f: {  	s30 =	smul.u32 $0x28, s29;
	_ =	sdelay $0x1  }
0x20: {  	s30 =	sadd.s32 s9, s30  }
0x21: {  	s30 =	sshll.u32 s30, $0x4  }
0x22: {  	s0 =	simm.s32 $0x0;
	s31 =	sadd.s32 s5, s30  }
0x23: {  	[tilespmem:s0], [sflag:$0x5] =	stream.linear.gather [hbm4b:s31+s0], $0x1400, $0x38;
	[tilespmem:$0x1E400] =	vst v63  }
0x24: {  	_ =	swait.ge [sflag:s13], $0x1400  }
0x25: {  	[sflag:s13] =	ssyncset.done $0x0  }
0x26: {  	s30 =	sadd.s32 s6, s30;
	[sflag:s13] =	ssyncadd.s32 $0xFFFFEC00  }
0x27: {  	[tilespmem:s14], [sflag:$0x5] =	stream.linear.gather [hbm4b:s30+s0], $0x1400, $0x38;
	[tilespmem:$0x1E400] =	vst v63  }
0x28: {  	_ =	swait.ge [sflag:s13], $0x1400  }
0x29: {  	[sflag:s13] =	ssyncset.done $0x0  }
0x2a: {  	[sflag:s13] =	ssyncadd.s32 $0xFFFFEC00  }
0x2b: {  	[tilespmem:s16], [sflag:$0x1] =	stream.indirect.gather [hbm4b:s4+s15], $0x80, s0, s15, $0xb8;
	[tilespmem:$0x1E400] =	vst v63  }
0x2c: {  	_ = 	snop  }
0x2d: {  	[tilespmem:s17], [sflag:$0x2] =	stream.indirect.gather [hbm4b:s4+s15], $0x80, s15, s15, $0xb8;
	[tilespmem:$0x1E400] =	vst v63  }
0x2e: {  	_ =	swait.ge [sflag:s18], $0x4000  }
0x2f: {  	[sflag:s18] =	ssyncset.done $0x0  }
0x30: {  	s0 =	simm.s32 $0x1400;
	[sflag:s18] =	ssyncadd.s32 $0xFFFFC000  }
0x31: {  	[spmem:s2] =	stream.indirect.scatter.add.f32 [tilespmem:s16], [sflag:$0x5], $0x80, s0, s15, $0xb8;
	[tilespmem:$0x1E400] =	vst v63  }
0x32: {  	_ =	swait.ge [sflag:s13], $0x4000  }
0x33: {  	[sflag:s13] =	ssyncset.done $0x0  }
0x34: {  	s0 =	simm.s32 $0x100;
	[sflag:s13] =	ssyncadd.s32 $0xFFFFC000  }
0x35: {  	[tilespmem:s16], [sflag:$0x3] =	stream.indirect.gather [hbm4b:s4+s15], $0x80, s0, s15, $0xb8;
	[tilespmem:$0x1E400] =	vst v63  }
0x36: {  	_ =	swait.ge [sflag:s19], $0x4000  }
0x37: {  	[sflag:s19] =	ssyncset.done $0x0  }
0x38: {  	s0 =	simm.s32 $0x1480;
	[sflag:s19] =	ssyncadd.s32 $0xFFFFC000  }
0x39: {  	[spmem:s2] =	stream.indirect.scatter.add.f32 [tilespmem:s17], [sflag:$0x5], $0x80, s0, s15, $0xb8;
	[tilespmem:$0x1E400] =	vst v63  }
0x3a: {  	_ =	swait.ge [sflag:s13], $0x4000  }
0x3b: {  	[sflag:s13] =	ssyncset.done $0x0  }
0x3c: {  	s0 =	simm.s32 $0x180;
	[sflag:s13] =	ssyncadd.s32 $0xFFFFC000  }
0x3d: {  	[tilespmem:s17], [sflag:$0x4] =	stream.indirect.gather [hbm4b:s4+s15], $0x80, s0, s15, $0xb8;
	[tilespmem:$0x1E400] =	vst v63  }
0x3e: {  	_ =	swait.ge [sflag:s20], $0x4000  }
0x3f: {  	[sflag:s20] =	ssyncset.done $0x0  }
0x40: {  	s0 =	simm.s32 $0x1500;
	[sflag:s20] =	ssyncadd.s32 $0xFFFFC000  }
0x41: {  	[spmem:s2] =	stream.indirect.scatter.add.f32 [tilespmem:s16], [sflag:$0x5], $0x80, s0, s15, $0xb8;
	[tilespmem:$0x1E400] =	vst v63  }
0x42: {  	_ =	swait.ge [sflag:s13], $0x4000  }
0x43: {  	[sflag:s13] =	ssyncset.done $0x0  }
0x44: {  	s0 =	simm.s32 $0x200;
	[sflag:s13] =	ssyncadd.s32 $0xFFFFC000  }
0x45: {  	[tilespmem:s16], [sflag:$0x1] =	stream.indirect.gather [hbm4b:s4+s15], $0x80, s0, s15, $0xb8;
	[tilespmem:$0x1E400] =	vst v63  }
0x46: {  	_ =	swait.ge [sflag:s21], $0x4000  }
0x47: {  	[sflag:s21] =	ssyncset.done $0x0  }
0x48: {  	s0 =	simm.s32 $0x1580;
	[sflag:s21] =	ssyncadd.s32 $0xFFFFC000  }
0x49: {  	[spmem:s2] =	stream.indirect.scatter.add.f32 [tilespmem:s17], [sflag:$0x5], $0x80, s0, s15, $0xb8;
	[tilespmem:$0x1E400] =	vst v63  }
0x4a: {  	_ =	swait.ge [sflag:s13], $0x4000  }
0x4b: {  	[sflag:s13] =	ssyncset.done $0x0  }
0x4c: {  	s31 =	simm.s32 $0x280;
	s30 =	simm.s32 $0x800;
	[sflag:s13] =	ssyncadd.s32 $0xFFFFC000  }
.LBB2_3:
0x4d: {  	[tilespmem:s17], [sflag:$0x2] =	stream.indirect.gather [hbm4b:s4+s15], $0x80, s31, s15, $0xb8;
	[tilespmem:$0x1E400] =	vst v63  }
0x4e: {  	s0 =	smov.u32 s30  }
0x4f: {  	p1 =	sne.s32 s30, $0x4000;
	s30 =	sadd.s32 $0x800, s30;
	_ =	swait.ge [sflag:s18], $0x4000  }
0x50: {  	s31 =	sshra.s32 s0, $0x2;
	[sflag:s18] =	ssyncset.done $0x0  }
0x51: {  	s0 =	sadd.s32 $0x1400, s31;
	[sflag:s18] =	ssyncadd.s32 $0xFFFFC000  }
0x52: {  	[spmem:s2] =	stream.indirect.scatter.add.f32 [tilespmem:s16], [sflag:$0x5], $0x80, s0, s15, $0xb8;
	[tilespmem:$0x1E400] =	vst v63  }
0x53: {  	_ =	swait.ge [sflag:s13], $0x4000  }
0x54: {  	[sflag:s13] =	ssyncset.done $0x0  }
0x55: {  	s0 =	sadd.s32 $0x100, s31;
	[sflag:s13] =	ssyncadd.s32 $0xFFFFC000  }
0x56: {  	[tilespmem:s16], [sflag:$0x3] =	stream.indirect.gather [hbm4b:s4+s15], $0x80, s0, s15, $0xb8;
	[tilespmem:$0x1E400] =	vst v63  }
0x57: {  	_ =	swait.ge [sflag:s19], $0x4000  }
0x58: {  	[sflag:s19] =	ssyncset.done $0x0  }
0x59: {  	s0 =	sadd.s32 $0x1480, s31;
	[sflag:s19] =	ssyncadd.s32 $0xFFFFC000  }
0x5a: {  	[spmem:s2] =	stream.indirect.scatter.add.f32 [tilespmem:s17], [sflag:$0x5], $0x80, s0, s15, $0xb8;
	[tilespmem:$0x1E400] =	vst v63  }
0x5b: {  	_ =	swait.ge [sflag:s13], $0x4000  }
0x5c: {  	[sflag:s13] =	ssyncset.done $0x0  }
0x5d: {  	s0 =	sadd.s32 $0x180, s31;
	[sflag:s13] =	ssyncadd.s32 $0xFFFFC000  }
0x5e: {  	[tilespmem:s17], [sflag:$0x4] =	stream.indirect.gather [hbm4b:s4+s15], $0x80, s0, s15, $0xb8;
	[tilespmem:$0x1E400] =	vst v63  }
0x5f: {  	_ =	swait.ge [sflag:s20], $0x4000  }
0x60: {  	[sflag:s20] =	ssyncset.done $0x0  }
0x61: {  	s0 =	sadd.s32 $0x1500, s31;
	[sflag:s20] =	ssyncadd.s32 $0xFFFFC000  }
0x62: {  	[spmem:s2] =	stream.indirect.scatter.add.f32 [tilespmem:s16], [sflag:$0x5], $0x80, s0, s15, $0xb8;
	[tilespmem:$0x1E400] =	vst v63  }
0x63: {  	_ =	swait.ge [sflag:s13], $0x4000  }
0x64: {  	[sflag:s13] =	ssyncset.done $0x0  }
0x65: {  	s0 =	sadd.s32 $0x200, s31;
	[sflag:s13] =	ssyncadd.s32 $0xFFFFC000  }
0x66: {  	[tilespmem:s16], [sflag:$0x1] =	stream.indirect.gather [hbm4b:s4+s15], $0x80, s0, s15, $0xb8;
	[tilespmem:$0x1E400] =	vst v63  }
0x67: {  	_ =	swait.ge [sflag:s21], $0x4000  }
0x68: {  	[sflag:s21] =	ssyncset.done $0x0  }
.Ltmp3:
0x69: {  	s0 =	sadd.s32 $0x1580, s31;
	[sflag:s21] =	ssyncadd.s32 $0xFFFFC000;
	(pc) =	sbr.rel @p1 .LBB2_3-.Ltmp3, $4  }
0x6a: {  	[spmem:s2] =	stream.indirect.scatter.add.f32 [tilespmem:s17], [sflag:$0x5], $0x80, s0, s15, $0xb8;
	[tilespmem:$0x1E400] =	vst v63  }
0x6b: {  	_ =	swait.ge [sflag:s13], $0x4000  }
0x6c: {  	[sflag:s13] =	ssyncset.done $0x0  }
0x6d: {  	s31 =	sadd.s32 $0x280, s31;
	[sflag:s13] =	ssyncadd.s32 $0xFFFFC000  }
0x6e: {  	[tilespmem:s17], [sflag:$0x2] =	stream.indirect.gather [hbm4b:s4+s15], $0x80, s31, s15, $0xb8;
	[tilespmem:$0x1E400] =	vst v63  }
0x6f: {  	_ =	swait.ge [sflag:s18], $0x4000  }
0x70: {  	[sflag:s18] =	ssyncset.done $0x0  }
0x71: {  	[sflag:s18] =	ssyncadd.s32 $0xFFFFC000  }
0x72: {  	[spmem:s2] =	stream.indirect.scatter.add.f32 [tilespmem:s16], [sflag:$0x5], $0x80, s22, s15, $0xb8;
	[tilespmem:$0x1E400] =	vst v63  }
0x73: {  	_ =	swait.ge [sflag:s13], $0x4000  }
0x74: {  	[sflag:s13] =	ssyncset.done $0x0  }
0x75: {  	[sflag:s13] =	ssyncadd.s32 $0xFFFFC000  }
0x76: {  	[tilespmem:s16], [sflag:$0x3] =	stream.indirect.gather [hbm4b:s4+s15], $0x80, s23, s15, $0xb8;
	[tilespmem:$0x1E400] =	vst v63  }
0x77: {  	_ =	swait.ge [sflag:s19], $0x4000  }
0x78: {  	[sflag:s19] =	ssyncset.done $0x0  }
0x79: {  	[sflag:s19] =	ssyncadd.s32 $0xFFFFC000  }
0x7a: {  	[spmem:s2] =	stream.indirect.scatter.add.f32 [tilespmem:s17], [sflag:$0x5], $0x80, s24, s15, $0xb8;
	[tilespmem:$0x1E400] =	vst v63  }
0x7b: {  	_ =	swait.ge [sflag:s13], $0x4000  }
0x7c: {  	[sflag:s13] =	ssyncset.done $0x0  }
0x7d: {  	[sflag:s13] =	ssyncadd.s32 $0xFFFFC000  }
0x7e: {  	[tilespmem:s17], [sflag:$0x4] =	stream.indirect.gather [hbm4b:s4+s15], $0x80, s25, s15, $0xb8;
	[tilespmem:$0x1E400] =	vst v63  }
0x7f: {  	_ =	swait.ge [sflag:s20], $0x4000  }
0x80: {  	[sflag:s20] =	ssyncset.done $0x0  }
0x81: {  	[sflag:s20] =	ssyncadd.s32 $0xFFFFC000  }
0x82: {  	[spmem:s2] =	stream.indirect.scatter.add.f32 [tilespmem:s16], [sflag:$0x5], $0x80, s26, s15, $0xb8;
	[tilespmem:$0x1E400] =	vst v63  }
0x83: {  	_ =	swait.ge [sflag:s13], $0x4000  }
0x84: {  	[sflag:s13] =	ssyncset.done $0x0  }
0x85: {  	[sflag:s13] =	ssyncadd.s32 $0xFFFFC000  }
0x86: {  	_ =	swait.ge [sflag:s21], $0x4000  }
0x87: {  	s29 =	sadd.s32 $0x1, s29;
	[sflag:s21] =	ssyncset.done $0x0  }
0x88: {  	p1 =	sne.s32 s29, $0x4;
	[sflag:s21] =	ssyncadd.s32 $0xFFFFC000  }
0x89: {  	[spmem:s2] =	stream.indirect.scatter.add.f32 [tilespmem:s17], [sflag:$0x5], $0x80, s28, s15, $0xb8;
	[tilespmem:$0x1E400] =	vst v63  }
.Ltmp4:
0x8a: {  	_ = 	snop;
	(pc) =	sbr.rel @p1 .LBB2_2-.Ltmp4, $4  }
.Ltmp5:
0x8b: {  	_ = 	snop;
	(pc) =	sbr.rel @!p1 .LBB2_5-.Ltmp5, $4  }
0x8c: {  	_ =	swait.ge [sflag:s13], $0x4000  }
0x8d: {  	[sflag:s13] =	ssyncset.done $0x0  }
0x8e: {  	[sflag:s13] =	ssyncadd.s32 $0xFFFFC000  }
0x8f: {  	_ = 	snop  }
.LBB2_6:
0x90: {  	_ =	sfence.sel $0x180000  }
0x91: {  	[bflag:$0x0] =	sbarrier.arrive $0xFFFF  }
0x92: {  	_ =	strace $0x90000050  }
0x93: {  	[bflag:$0x2] =	sbarrier.arrive $0xFFFF  }
0x94: {  	p0 =	sne.s32 s1, $0x0;
	s0 =	rddreg [dreg:$0x2]  }
0x95: {  	s0 =	sadd.s32 @!p0 $0x100000, s0  }
0x96: {  	[sflag:s0] =	ssyncadd.tile.s32 @!p0 $0x1;
	_ =	shalt  }
.Lfunc_end2:
_tile_overlayer_lowered:
.L_overlay_start_2:
0x97: {  	(tag) =	ssettag $0x2  }
0x98: {  	s0 =	rddreg [dreg:$0x0];
	s2 =	stileid.u32  }
0x99: {  	s1 =	rddreg [dreg:$0x1];
	p0 =	sne.s32 s2, $0x0  }
0x9a: {  	s3 =	rddreg [dreg:$0x2];
	[bflag:$0x3] =	sbarrier.arrive $0xFFFF;
	s2 =	simm.s32 @!p0 $0x1C05  }
0x9b: {  	[timem:s3], [sflag:s2] =	dma.local @!p0 [hbm:s0], s1  }
0x9c: {  	s0 =	simm.s32 @!p0 $0x5  }
0x9d: {  	_ =	swait.ge @!p0 [sflag:s0], s1  }
0x9e: {  	s1 =	ssub.s32 @!p0 $0x0, s1;
	[sflag:s0] =	ssyncset.done @!p0 $0x0  }
0x9f: {  	[sflag:s0] =	ssyncadd.s32 @!p0 s1  }
0xa0: {  	[bflag:$0x3] =	sbarrier.arrive $0xFFFF  }
0xa1: {  	_ =	shalt  }

// kernel: kernel.25.cloned.1.call-start
scs
__scs_entry_jumppad:
0x0: {  	(pc) =	sbr.rel $0x88, $3  }
0x1: {  	(tag) =	ssettag $0x0;
	lr =	simm.s32 $0x1  }
0x2: {  	[smem:$0x3F94] =	sst lr;
	_ =	strace $0xD0000000  }
0x3: {  	_ = 	snop  }
0x4: {  	_ = 	snop  }
0x5: {  	_ = 	snop  }
0x6: {  	_ = 	snop  }
0x7: {  	_ = 	snop  }
__scs_overlays_trampoline_lowered:
0x8: {  	[smem:$0x3FA3] =	sst s0  }
0x9: {  	[smem:$0x3FA4] =	sst s1  }
0xa: {  	[smem:$0x3FA5] =	sst s2  }
0xb: {  	[smem:$0x3FA6] =	sst s3  }
0xc: {  	[smem:$0x3FA7] =	sst s4  }
0xd: {  	[smem:$0x3FA8] =	sst s5  }
0xe: {  	[smem:$0x3FA9] =	sst s6  }
0xf: {  	[smem:$0x3FAA] =	sst s7  }
0x10: {  	[smem:$0x3FAB] =	sst s8  }
0x11: {  	[smem:$0x3FAC] =	sst s9;
	s0 =	simm.s32 @!p0 $0x0  }
0x12: {  	s1 =	sld [smem:$0x3F92];
	s0 =	simm.s32 @p0 $0x1  }
0x13: {  	[smem:$0x3FAD] =	sst s0;
	s0 =	simm.s32 @!p1 $0x0  }
0x14: {  	s2 =	sld [smem:$0x3F91];
	s0 =	simm.s32 @p1 $0x1  }
0x15: {  	[smem:$0x3FAE] =	sst s0;
	s0 =	simm.s32 @!p2 $0x0  }
0x16: {  	s3 =	sld [smem:$0x3FDB];
	s0 =	simm.s32 @p2 $0x1  }
0x17: {  	s4 =	simm.s32 $0x1BF5;
	[smem:$0x3FB0] =	sst s0  }
0x18: {  	s0 =	sld [smem:$0x3F93];
	_ =	swait.ge [sflag:s4], $0x0  }
0x19: {  	s7 =	sld [smem:$0x3F94]  }
0x1a: {  	s8 =	sadd.s32 $0xFFFFE003, lr  }
0x1b: {  	s9 =	sadd.s32 $0xFFFFFEF7, lr;
	s5 =	simm.s32 $0xFFFFFFFF;
	p2 =	slt.u32 s8, $0xFFFFF086  }
0x1c: {  	p1 =	slt.u32 s9, $0xF7A;
	s5 =	simm.s32 @!p2 $0x0  }
0x1d: {  	s5 =	simm.s32 @p1 $0x1;
	p0 =	seq.s32 s7, s2  }
0x1e: {  	s7 =	smul.u32 @!p0 $0xF7A, s2;
	p2 =	seq.s32 @!p0 s5, $0x0  }
0x1f: {  	s9 =	smul.u32 $0xF7A, s1;
	s8 =	simm.s32 @!p0 $0x1BF5;
	p2 =	por !p2, p0  }
0x20: {  	[sflag:s8] =	ssyncset.s32 @!p0 $0xFFFFF086;
	s6 =	sadd.s32 @!p0 s3, s7;
	s7 =	simm.s32 @!p0 $0x108  }
0x21: {  	s3 =	sadd.s32 s3, s9;
	s6 =	sadd.s32 @!p0 $0x88, s6;
	s7 =	simm.s32 @p2 $0x1082  }
0x22: {  	[simem:s7], [sflag:s8] =	dma.local @!p0 [hbm:s6], $0xF7A  }
0x23: {  	s9 =	sor.u32 $0xD0000000, s2;
	s6 =	simm.s32 $0x108;
	_ =	swait.ge @!p0 [sflag:s8], $0x0  }
0x24: {  	s3 =	sadd.s32 $0x88, s3;
	s6 =	simm.s32 @!p1 $0x1082;
	[sflag:s4] =	ssyncset.s32 $0xFFFFF086  }
0x25: {  	[simem:s6], [sflag:s4] =	dma.local [hbm:s3], $0xF7A  }
0x26: {  	[smem:$0x3F94] =	sst s1;
	(tag) =	ssettag s2;
	_ =	strace s9  }
0x27: {  	s1 =	sld [smem:$0x3FA4]  }
0x28: {  	s2 =	sld [smem:$0x3FA5]  }
0x29: {  	s4 =	sld [smem:$0x3FA7]  }
0x2a: {  	p0 =	seq.s32 s5, $0x0;
	s5 =	sld [smem:$0x3FA8]  }
0x2b: {  	s6 =	sld [smem:$0x3FA9]  }
0x2c: {  	s7 =	sld [smem:$0x3FAA]  }
0x2d: {  	s3 =	simm.s32 $0x108;
	s8 =	sld [smem:$0x3FAB]  }
0x2e: {  	s3 =	simm.s32 @!p0 $0x1082;
	s9 =	sld [smem:$0x3FAC]  }
0x2f: {  	lr =	sadd.s32 s0, s3;
	s0 =	sld [smem:$0x3FA3]  }
0x30: {  	s3 =	sld [smem:$0x3FA6]  }
0x31: {  	[smem:$0x3FAF] =	sst s10  }
0x32: {  	s10 =	sld [smem:$0x3FAD];
	_ =	sdelay $0x3  }
0x33: {  	p0 =	seq.s32 s10, $0x1;
	s10 =	sld [smem:$0x3FAF];
	_ =	sdelay $0x3  }
0x34: {  	[smem:$0x3FAF] =	sst s10  }
0x35: {  	s10 =	sld [smem:$0x3FAE];
	_ =	sdelay $0x3  }
0x36: {  	p1 =	seq.s32 s10, $0x1;
	s10 =	sld [smem:$0x3FAF];
	_ =	sdelay $0x3  }
0x37: {  	[smem:$0x3FAF] =	sst s10  }
0x38: {  	s10 =	sld [smem:$0x3FB0]  }
0x39: {  	_ = 	snop;
	(pc) =	sbr.ind lr, $3  }
0x3a: {  	_ = 	snop  }
0x3b: {  	_ = 	snop  }
0x3c: {  	p2 =	seq.s32 s10, $0x1;
	s10 =	sld [smem:$0x3FAF]  }
0x3d: {  	_ =	shalt  }
0x3e: {  	_ =	shalt  }
0x3f: {  	_ =	shalt  }
0x40: {  	_ =	shalt  }
0x41: {  	_ =	shalt  }
0x42: {  	_ =	shalt  }
0x43: {  	_ =	shalt  }
0x44: {  	_ =	shalt  }
0x45: {  	_ =	shalt  }
0x46: {  	_ =	shalt  }
0x47: {  	_ =	shalt  }
0x48: {  	_ =	shalt  }
0x49: {  	_ =	shalt  }
0x4a: {  	_ =	shalt  }
0x4b: {  	_ =	shalt  }
0x4c: {  	_ =	shalt  }
0x4d: {  	_ =	shalt  }
0x4e: {  	_ =	shalt  }
0x4f: {  	_ =	shalt  }
0x50: {  	_ =	shalt  }
0x51: {  	_ =	shalt  }
0x52: {  	_ =	shalt  }
0x53: {  	_ =	shalt  }
0x54: {  	_ =	shalt  }
0x55: {  	_ =	shalt  }
0x56: {  	_ =	shalt  }
0x57: {  	_ =	shalt  }
0x58: {  	_ =	shalt  }
0x59: {  	_ =	shalt  }
0x5a: {  	_ =	shalt  }
0x5b: {  	_ =	shalt  }
0x5c: {  	_ =	shalt  }
0x5d: {  	_ =	shalt  }
0x5e: {  	_ =	shalt  }
0x5f: {  	_ =	shalt  }
0x60: {  	_ =	shalt  }
0x61: {  	_ =	shalt  }
0x62: {  	_ =	shalt  }
0x63: {  	_ =	shalt  }
0x64: {  	_ =	shalt  }
0x65: {  	_ =	shalt  }
0x66: {  	_ =	shalt  }
0x67: {  	_ =	shalt  }
0x68: {  	_ =	shalt  }
0x69: {  	_ =	shalt  }
0x6a: {  	_ =	shalt  }
0x6b: {  	_ =	shalt  }
0x6c: {  	_ =	shalt  }
0x6d: {  	_ =	shalt  }
0x6e: {  	_ =	shalt  }
0x6f: {  	_ =	shalt  }
0x70: {  	_ =	shalt  }
0x71: {  	_ =	shalt  }
0x72: {  	_ =	shalt  }
0x73: {  	_ =	shalt  }
0x74: {  	_ =	shalt  }
0x75: {  	_ =	shalt  }
0x76: {  	_ =	shalt  }
0x77: {  	_ =	shalt  }
0x78: {  	_ =	shalt  }
0x79: {  	_ =	shalt  }
0x7a: {  	_ =	shalt  }
0x7b: {  	_ =	shalt  }
0x7c: {  	_ =	shalt  }
0x7d: {  	_ =	shalt  }
0x7e: {  	_ =	shalt  }
0x7f: {  	_ =	shalt  }
0x80: {  	_ =	shalt  }
0x81: {  	_ =	shalt  }
0x82: {  	_ =	shalt  }
0x83: {  	_ =	shalt  }
0x84: {  	_ =	shalt  }
0x85: {  	_ =	shalt  }
0x86: {  	_ =	shalt  }
0x87: {  	_ =	shalt  }
.Lfunc_end0:
.L_simem_size_0:
called_computation.4_lowered:
.L_overlay_start_0:
0x88: {  	s2 =	sld [smem:$0x3FD9]  }
0x89: {  	s3 =	sld [smem:$0x3FFE];
	_ =	sdelay $0x1  }
0x8a: {  	s1 =	srdreg.scid  }
0x8b: {  	s0 =	sand.u32 $0x1, s1  }
0x8c: {  	s16 =	sshll.u32 s0, $0xA;
	s2 =	sadd.s32 s3, s2  }
0x8d: {  	s2 =	sadd.s32 s2, s16  }
0x8e: {  	[smem:$0x3FBB] =	sst s2  }
0x8f: {  	_ = 	snop  }
0x90: {  	(tm) =	ssettm $0x1  }
0x91: {  	s17 =	sld [smem:$0x3FFB];
	_ =	sdelay $0x3  }
0x92: {  	_ =	strace s17  }
0x93: {  	s2 =	sld [smem:$0x3FFC];
	_ =	sdelay $0x3  }
0x94: {  	_ =	strace s2  }
0x95: {  	s2 =	sld [smem:$0x3FFD];
	_ =	sdelay $0x3  }
0x96: {  	_ =	strace s2  }
0x97: {  	_ =	strace $0x8FFFFFFF  }
0x98: {  	s18 =	sld [smem:$0x3FDB];
	_ =	sdelay $0x1  }
0x99: {  	s19 =	simm.s32 $_scs_section_size  }
0x9a: {  	s4 =	simm.s32 $_size__tile_overlayer_lowered;
	s5 =	simm.s32 $_tile_overlayer_lowered  }
0x9b: {  	s22 =	simm.s32 $0x1BFF;
	s21 =	sshll.u32 s5, $0x1;
	s2 =	sadd.s32 s19, s18  }
0x9c: {  	s6 =	simm.s32 $0x0;
	s20 =	sshll.u32 s4, $0x1;
	s4 =	sadd.s32 s21, s2  }
0x9d: {  	[timem:s6], [sflag:s22] =	dma.local [hbm:s4], s20  }
0x9e: {  	_ =	swait.ge [sflag:s22], s20  }
0x9f: {  	s3 =	ssub.s32 $0x0, s20;
	[sflag:s22] =	ssyncset.done $0x0  }
0xa0: {  	[sflag:s22] =	ssyncadd.s32 s3;
	_ =	sdelay $0x1  }
0xa1: {  	s23 =	simm.s32 $0x1B8B  }
0xa2: {  	_ =	swait.ge [sflag:s23], $0x1  }
0xa3: {  	[sflag:s23] =	ssyncset.done $0x0  }
0xa4: {  	s25 =	simm.s32 $0x1B8E;
	s24 =	sld [smem:$0x3FFE];
	[sflag:s23] =	ssyncadd.s32 $0xFFFFFFFF  }
0xa5: {  	s26 =	simm.s32 $execute0_lowered;
	[smem:$0x3FD2] =	sst s25  }
0xa6: {  	s4 =	sshll.u32 s26, $0x1;
	_ =	strace $0x80000052;
	[dreg:$0x1] =	wrdreg $0xFFFFFFFF  }
0xa7: {  	s28 =	simm.s32 $_size_execute0_lowered;
	s2 =	sadd.s32 s2, s4;
	[dreg:$0x0] =	wrdreg $0x0  }
0xa8: {  	s4 =	sshll.u32 s28, $0x1;
	[dreg:$0x2] =	wrdreg s2  }
0xa9: {  	[dreg:$0x3] =	wrdreg s4  }
0xaa: {  	[dreg:$0x4] =	wrdreg $0xC0  }
0xab: {  	_ =	task [dreg:s6], $0x5FFFF  }
0xac: {  	[dreg:$0x1] =	wrdreg $0xFFFFFFFF  }
0xad: {  	[dreg:$0x0] =	wrdreg $0x60  }
0xae: {  	[dreg:$0x2] =	wrdreg s24  }
0xaf: {  	[dreg:$0x3] =	wrdreg $0xA8000  }
0xb0: {  	[dreg:$0x4] =	wrdreg $0x9  }
0xb1: {  	_ =	task.clear_ibuf [dreg:s6], $0x5FFFF;
	_ =	strace $0x90000052  }
0xb2: {  	s29 =	simm.s32 $0x9;
	_ =	strace $0x80000054  }
0xb3: {  	_ =	swait.ge [sflag:s29], $0x1  }
0xb4: {  	[sflag:s29] =	ssyncadd.s32 $0xFFFFFFFF  }
0xb5: {  	_ =	strace $0x90000054  }
0xb6: {  	_ =	sfence  }
0xb7: {  	s30 =	sld [smem:$0x0];
	_ =	sdelay $0x2  }
0xb8: {  	s31 =	sshll.u32 s1, $0xD;
	s1 =	sshrl.u32 s1, $0x2  }
0xb9: {  	s3 =	sand.u32 $0x4000, s31;
	s1 =	sadd.s32 s1, s30  }
0xba: {  	s0 =	sor.u32 s3, s0;
	s1 =	sshll.u32 s1, $0x11  }
0xbb: {  	s0 =	sor.u32 s1, s0  }
0xbc: {  	s0 =	sadd.s32 $0x8F2B, s0  }
0xbd: {  	[sflag:s0] =	ssyncadd.remote.s32 $0x1  }
0xbe: {  	_ =	sfence.sel $0xFFFF  }
0xbf: {  	[dreg:$0x0] =	wrdreg $0xFFFFFFFF;
	(pc) =	sbr.abs _section_cstart, $3  }
0xc0: {  	[dreg:$0x1] =	wrdreg $0xFFFFFFFF  }
0xc1: {  	_ =	task.clear_ibuf [dreg:s6], $0x2FFFF;
	_ =	strace $0x9FFFFFFF  }
0xc2: {  	(tm) =	ssettm $0x7FFFFFFF  }
0xc3: {  	_ =	shalt  }
tec
execute0_lowered:
.L_overlay_start_1:
0x0: {  	(tag) =	ssettag $0x1  }
0x1: {  	s7 =	rddreg [dreg:$0x0]  }
0x2: {  	s2 =	rddreg [dreg:$0x1];
	s3 =	simm.s32 $0x0  }
0x3: {  	s1 =	stileid.u32;
	s4 =	srdreg.scid;
	s16 =	simm.s32 $0x2800  }
0x4: {  	s17 =	simm.s32 $0x6800;
	s18 =	simm.s32 $0x1;
	s19 =	simm.s32 $0x2  }
0x5: {  	s20 =	simm.s32 $0x3;
	s21 =	simm.s32 $0x4;
	s22 =	simm.s32 $0x2600  }
0x6: {  	s23 =	simm.s32 $0x1300;
	s24 =	simm.s32 $0x2680;
	s25 =	simm.s32 $0x1380  }
0x7: {  	s26 =	simm.s32 $0x2700;
	s28 =	simm.s32 $0x2780;
	[smem:$0x7FF] =	sst s3  }
0x8: {  	s8 =	smul.u32 $0x13C00, s1;
	s12 =	sand.u32 $0x1, s4;
	s4 =	sadd.s32 $0x41A00, s7  }
0x9: {  	s5 =	sadd.s32 $0x6200, s7;
	s6 =	sadd.s32 $0x10200, s7;
	s11 =	smul.u32 $0x4F000, s1  }
0xa: {  	s31 =	sshll.u32 s1, $0x6;
	_ =	strace $0x80000053;
	s9 =	smul.u32 $0x13C000, s12  }
0xb: {  	s29 =	ssub.s32 $0x2, s12;
	p0 =	sne.s32 s12, $0x0;
	s10 =	sshrl.u32 s8, $0x3  }
0xc: {  	s13 =	sshrl.u32 s29, $0x1;
	s30 =	sshrl.u32 s11, $0x2;
	s8 =	sadd.s32 s8, s9  }
.Ltmp0:
0xd: {  	s10 =	sadd.s32 s10, s7;
	s13 =	ssub.s32 s29, s13;
	(pc) =	sbr.rel .LBB2_1-.Ltmp0, $4  }
0xe: {  	s15 =	sadd.s32 s30, s2;
	s9 =	smul.u32 $0xA0, s1;
	s8 =	sshrl.u32 s8, $0x3  }
0xf: {  	s11 =	smax.u32 s13, $0x1;
	s12 =	sshrl.u32 s15, $0x3;
	s13 =	simm.s32 $0x5  }
0x10: {  	s15 =	simm.s32 $0x80;
	s14 =	sadd.s32 s8, s7;
	s7 =	sadd.s32 $0x1A200, s10  }
0x11: {  	s8 =	sor.u32 $0x1C05, s31;
	s10 =	sadd.s32 $0x90A00, s14;
	s14 =	simm.s32 $0x1400  }
.LBB2_5:
0x12: {  	s3 =	sadd.s32 $0x1, s3  }
0x13: {  	p1 =	sne.s32 s3, s11  }
.Ltmp1:
0x14: {  	[bflag:$0x0] =	sbarrier.arrive $0xFFFF;
	(pc) =	sbr.rel @!p1 .LBB2_6-.Ltmp1, $4  }
0x15: {  	[hbm:s10], [sflag:s8] =	dma.local [spmem:s12], $0x2780  }
0x16: {  	_ =	swait.ge [sflag:s13], $0x2780  }
0x17: {  	[sflag:s13] =	ssyncset.done $0x0  }
0x18: {  	[sflag:s13] =	ssyncadd.s32 $0xFFFFD880  }
.LBB2_1:
0x19: {  	[spmem:s12], [sflag:s8] =	dma.local [hbm:s7], $0x2780  }
.Ltmp2:
0x1a: {  	_ =	swait.ge [sflag:s13], $0x2780;
	(pc) =	sbr.rel @p0 .LBB2_5-.Ltmp2, $4  }
0x1b: {  	[sflag:s13] =	ssyncset.done $0x0  }
0x1c: {  	[sflag:s13] =	ssyncadd.s32 $0xFFFFD880  }
0x1d: {  	[bflag:$0x0] =	sbarrier.arrive $0xFFFF  }
0x1e: {  	s29 =	simm.s32 $0x0  }
.LBB2_2:
0x1f: {  	s30 =	smul.u32 $0x28, s29;
	_ =	sdelay $0x1  }
0x20: {  	s30 =	sadd.s32 s9, s30  }
0x21: {  	s30 =	sshll.u32 s30, $0x4  }
0x22: {  	s0 =	simm.s32 $0x0;
	s31 =	sadd.s32 s5, s30  }
0x23: {  	[tilespmem:s0], [sflag:$0x5] =	stream.linear.gather [hbm4b:s31+s0], $0x1400, $0x38;
	[tilespmem:$0x1E400] =	vst v63  }
0x24: {  	_ =	swait.ge [sflag:s13], $0x1400  }
0x25: {  	[sflag:s13] =	ssyncset.done $0x0  }
0x26: {  	s30 =	sadd.s32 s6, s30;
	[sflag:s13] =	ssyncadd.s32 $0xFFFFEC00  }
0x27: {  	[tilespmem:s14], [sflag:$0x5] =	stream.linear.gather [hbm4b:s30+s0], $0x1400, $0x38;
	[tilespmem:$0x1E400] =	vst v63  }
0x28: {  	_ =	swait.ge [sflag:s13], $0x1400  }
0x29: {  	[sflag:s13] =	ssyncset.done $0x0  }
0x2a: {  	[sflag:s13] =	ssyncadd.s32 $0xFFFFEC00  }
0x2b: {  	[tilespmem:s16], [sflag:$0x1] =	stream.indirect.gather [hbm4b:s4+s15], $0x80, s0, s15, $0xb8;
	[tilespmem:$0x1E400] =	vst v63  }
0x2c: {  	_ = 	snop  }
0x2d: {  	[tilespmem:s17], [sflag:$0x2] =	stream.indirect.gather [hbm4b:s4+s15], $0x80, s15, s15, $0xb8;
	[tilespmem:$0x1E400] =	vst v63  }
0x2e: {  	_ =	swait.ge [sflag:s18], $0x4000  }
0x2f: {  	[sflag:s18] =	ssyncset.done $0x0  }
0x30: {  	s0 =	simm.s32 $0x1400;
	[sflag:s18] =	ssyncadd.s32 $0xFFFFC000  }
0x31: {  	[spmem:s2] =	stream.indirect.scatter.add.f32 [tilespmem:s16], [sflag:$0x5], $0x80, s0, s15, $0xb8;
	[tilespmem:$0x1E400] =	vst v63  }
0x32: {  	_ =	swait.ge [sflag:s13], $0x4000  }
0x33: {  	[sflag:s13] =	ssyncset.done $0x0  }
0x34: {  	s0 =	simm.s32 $0x100;
	[sflag:s13] =	ssyncadd.s32 $0xFFFFC000  }
0x35: {  	[tilespmem:s16], [sflag:$0x3] =	stream.indirect.gather [hbm4b:s4+s15], $0x80, s0, s15, $0xb8;
	[tilespmem:$0x1E400] =	vst v63  }
0x36: {  	_ =	swait.ge [sflag:s19], $0x4000  }
0x37: {  	[sflag:s19] =	ssyncset.done $0x0  }
0x38: {  	s0 =	simm.s32 $0x1480;
	[sflag:s19] =	ssyncadd.s32 $0xFFFFC000  }
0x39: {  	[spmem:s2] =	stream.indirect.scatter.add.f32 [tilespmem:s17], [sflag:$0x5], $0x80, s0, s15, $0xb8;
	[tilespmem:$0x1E400] =	vst v63  }
0x3a: {  	_ =	swait.ge [sflag:s13], $0x4000  }
0x3b: {  	[sflag:s13] =	ssyncset.done $0x0  }
0x3c: {  	s0 =	simm.s32 $0x180;
	[sflag:s13] =	ssyncadd.s32 $0xFFFFC000  }
0x3d: {  	[tilespmem:s17], [sflag:$0x4] =	stream.indirect.gather [hbm4b:s4+s15], $0x80, s0, s15, $0xb8;
	[tilespmem:$0x1E400] =	vst v63  }
0x3e: {  	_ =	swait.ge [sflag:s20], $0x4000  }
0x3f: {  	[sflag:s20] =	ssyncset.done $0x0  }
0x40: {  	s0 =	simm.s32 $0x1500;
	[sflag:s20] =	ssyncadd.s32 $0xFFFFC000  }
0x41: {  	[spmem:s2] =	stream.indirect.scatter.add.f32 [tilespmem:s16], [sflag:$0x5], $0x80, s0, s15, $0xb8;
	[tilespmem:$0x1E400] =	vst v63  }
0x42: {  	_ =	swait.ge [sflag:s13], $0x4000  }
0x43: {  	[sflag:s13] =	ssyncset.done $0x0  }
0x44: {  	s0 =	simm.s32 $0x200;
	[sflag:s13] =	ssyncadd.s32 $0xFFFFC000  }
0x45: {  	[tilespmem:s16], [sflag:$0x1] =	stream.indirect.gather [hbm4b:s4+s15], $0x80, s0, s15, $0xb8;
	[tilespmem:$0x1E400] =	vst v63  }
0x46: {  	_ =	swait.ge [sflag:s21], $0x4000  }
0x47: {  	[sflag:s21] =	ssyncset.done $0x0  }
0x48: {  	s0 =	simm.s32 $0x1580;
	[sflag:s21] =	ssyncadd.s32 $0xFFFFC000  }
0x49: {  	[spmem:s2] =	stream.indirect.scatter.add.f32 [tilespmem:s17], [sflag:$0x5], $0x80, s0, s15, $0xb8;
	[tilespmem:$0x1E400] =	vst v63  }
0x4a: {  	_ =	swait.ge [sflag:s13], $0x4000  }
0x4b: {  	[sflag:s13] =	ssyncset.done $0x0  }
0x4c: {  	s31 =	simm.s32 $0x280;
	s30 =	simm.s32 $0x800;
	[sflag:s13] =	ssyncadd.s32 $0xFFFFC000  }
.LBB2_3:
0x4d: {  	[tilespmem:s17], [sflag:$0x2] =	stream.indirect.gather [hbm4b:s4+s15], $0x80, s31, s15, $0xb8;
	[tilespmem:$0x1E400] =	vst v63  }
0x4e: {  	s0 =	smov.u32 s30  }
0x4f: {  	p1 =	sne.s32 s30, $0x4000;
	s30 =	sadd.s32 $0x800, s30;
	_ =	swait.ge [sflag:s18], $0x4000  }
0x50: {  	s31 =	sshra.s32 s0, $0x2;
	[sflag:s18] =	ssyncset.done $0x0  }
0x51: {  	s0 =	sadd.s32 $0x1400, s31;
	[sflag:s18] =	ssyncadd.s32 $0xFFFFC000  }
0x52: {  	[spmem:s2] =	stream.indirect.scatter.add.f32 [tilespmem:s16], [sflag:$0x5], $0x80, s0, s15, $0xb8;
	[tilespmem:$0x1E400] =	vst v63  }
0x53: {  	_ =	swait.ge [sflag:s13], $0x4000  }
0x54: {  	[sflag:s13] =	ssyncset.done $0x0  }
0x55: {  	s0 =	sadd.s32 $0x100, s31;
	[sflag:s13] =	ssyncadd.s32 $0xFFFFC000  }
0x56: {  	[tilespmem:s16], [sflag:$0x3] =	stream.indirect.gather [hbm4b:s4+s15], $0x80, s0, s15, $0xb8;
	[tilespmem:$0x1E400] =	vst v63  }
0x57: {  	_ =	swait.ge [sflag:s19], $0x4000  }
0x58: {  	[sflag:s19] =	ssyncset.done $0x0  }
0x59: {  	s0 =	sadd.s32 $0x1480, s31;
	[sflag:s19] =	ssyncadd.s32 $0xFFFFC000  }
0x5a: {  	[spmem:s2] =	stream.indirect.scatter.add.f32 [tilespmem:s17], [sflag:$0x5], $0x80, s0, s15, $0xb8;
	[tilespmem:$0x1E400] =	vst v63  }
0x5b: {  	_ =	swait.ge [sflag:s13], $0x4000  }
0x5c: {  	[sflag:s13] =	ssyncset.done $0x0  }
0x5d: {  	s0 =	sadd.s32 $0x180, s31;
	[sflag:s13] =	ssyncadd.s32 $0xFFFFC000  }
0x5e: {  	[tilespmem:s17], [sflag:$0x4] =	stream.indirect.gather [hbm4b:s4+s15], $0x80, s0, s15, $0xb8;
	[tilespmem:$0x1E400] =	vst v63  }
0x5f: {  	_ =	swait.ge [sflag:s20], $0x4000  }
0x60: {  	[sflag:s20] =	ssyncset.done $0x0  }
0x61: {  	s0 =	sadd.s32 $0x1500, s31;
	[sflag:s20] =	ssyncadd.s32 $0xFFFFC000  }
0x62: {  	[spmem:s2] =	stream.indirect.scatter.add.f32 [tilespmem:s16], [sflag:$0x5], $0x80, s0, s15, $0xb8;
	[tilespmem:$0x1E400] =	vst v63  }
0x63: {  	_ =	swait.ge [sflag:s13], $0x4000  }
0x64: {  	[sflag:s13] =	ssyncset.done $0x0  }
0x65: {  	s0 =	sadd.s32 $0x200, s31;
	[sflag:s13] =	ssyncadd.s32 $0xFFFFC000  }
0x66: {  	[tilespmem:s16], [sflag:$0x1] =	stream.indirect.gather [hbm4b:s4+s15], $0x80, s0, s15, $0xb8;
	[tilespmem:$0x1E400] =	vst v63  }
0x67: {  	_ =	swait.ge [sflag:s21], $0x4000  }
0x68: {  	[sflag:s21] =	ssyncset.done $0x0  }
.Ltmp3:
0x69: {  	s0 =	sadd.s32 $0x1580, s31;
	[sflag:s21] =	ssyncadd.s32 $0xFFFFC000;
	(pc) =	sbr.rel @p1 .LBB2_3-.Ltmp3, $4  }
0x6a: {  	[spmem:s2] =	stream.indirect.scatter.add.f32 [tilespmem:s17], [sflag:$0x5], $0x80, s0, s15, $0xb8;
	[tilespmem:$0x1E400] =	vst v63  }
0x6b: {  	_ =	swait.ge [sflag:s13], $0x4000  }
0x6c: {  	[sflag:s13] =	ssyncset.done $0x0  }
0x6d: {  	s31 =	sadd.s32 $0x280, s31;
	[sflag:s13] =	ssyncadd.s32 $0xFFFFC000  }
0x6e: {  	[tilespmem:s17], [sflag:$0x2] =	stream.indirect.gather [hbm4b:s4+s15], $0x80, s31, s15, $0xb8;
	[tilespmem:$0x1E400] =	vst v63  }
0x6f: {  	_ =	swait.ge [sflag:s18], $0x4000  }
0x70: {  	[sflag:s18] =	ssyncset.done $0x0  }
0x71: {  	[sflag:s18] =	ssyncadd.s32 $0xFFFFC000  }
0x72: {  	[spmem:s2] =	stream.indirect.scatter.add.f32 [tilespmem:s16], [sflag:$0x5], $0x80, s22, s15, $0xb8;
	[tilespmem:$0x1E400] =	vst v63  }
0x73: {  	_ =	swait.ge [sflag:s13], $0x4000  }
0x74: {  	[sflag:s13] =	ssyncset.done $0x0  }
0x75: {  	[sflag:s13] =	ssyncadd.s32 $0xFFFFC000  }
0x76: {  	[tilespmem:s16], [sflag:$0x3] =	stream.indirect.gather [hbm4b:s4+s15], $0x80, s23, s15, $0xb8;
	[tilespmem:$0x1E400] =	vst v63  }
0x77: {  	_ =	swait.ge [sflag:s19], $0x4000  }
0x78: {  	[sflag:s19] =	ssyncset.done $0x0  }
0x79: {  	[sflag:s19] =	ssyncadd.s32 $0xFFFFC000  }
0x7a: {  	[spmem:s2] =	stream.indirect.scatter.add.f32 [tilespmem:s17], [sflag:$0x5], $0x80, s24, s15, $0xb8;
	[tilespmem:$0x1E400] =	vst v63  }
0x7b: {  	_ =	swait.ge [sflag:s13], $0x4000  }
0x7c: {  	[sflag:s13] =	ssyncset.done $0x0  }
0x7d: {  	[sflag:s13] =	ssyncadd.s32 $0xFFFFC000  }
0x7e: {  	[tilespmem:s17], [sflag:$0x4] =	stream.indirect.gather [hbm4b:s4+s15], $0x80, s25, s15, $0xb8;
	[tilespmem:$0x1E400] =	vst v63  }
0x7f: {  	_ =	swait.ge [sflag:s20], $0x4000  }
0x80: {  	[sflag:s20] =	ssyncset.done $0x0  }
0x81: {  	[sflag:s20] =	ssyncadd.s32 $0xFFFFC000  }
0x82: {  	[spmem:s2] =	stream.indirect.scatter.add.f32 [tilespmem:s16], [sflag:$0x5], $0x80, s26, s15, $0xb8;
	[tilespmem:$0x1E400] =	vst v63  }
0x83: {  	_ =	swait.ge [sflag:s13], $0x4000  }
0x84: {  	[sflag:s13] =	ssyncset.done $0x0  }
0x85: {  	[sflag:s13] =	ssyncadd.s32 $0xFFFFC000  }
0x86: {  	_ =	swait.ge [sflag:s21], $0x4000  }
0x87: {  	s29 =	sadd.s32 $0x1, s29;
	[sflag:s21] =	ssyncset.done $0x0  }
0x88: {  	p1 =	sne.s32 s29, $0x4;
	[sflag:s21] =	ssyncadd.s32 $0xFFFFC000  }
0x89: {  	[spmem:s2] =	stream.indirect.scatter.add.f32 [tilespmem:s17], [sflag:$0x5], $0x80, s28, s15, $0xb8;
	[tilespmem:$0x1E400] =	vst v63  }
.Ltmp4:
0x8a: {  	_ = 	snop;
	(pc) =	sbr.rel @p1 .LBB2_2-.Ltmp4, $4  }
.Ltmp5:
0x8b: {  	_ = 	snop;
	(pc) =	sbr.rel @!p1 .LBB2_5-.Ltmp5, $4  }
0x8c: {  	_ =	swait.ge [sflag:s13], $0x4000  }
0x8d: {  	[sflag:s13] =	ssyncset.done $0x0  }
0x8e: {  	[sflag:s13] =	ssyncadd.s32 $0xFFFFC000  }
0x8f: {  	_ = 	snop  }
.LBB2_6:
0x90: {  	_ =	sfence.sel $0x180000  }
0x91: {  	[bflag:$0x0] =	sbarrier.arrive $0xFFFF  }
0x92: {  	_ =	strace $0x90000053  }
0x93: {  	[bflag:$0x2] =	sbarrier.arrive $0xFFFF  }
0x94: {  	p0 =	sne.s32 s1, $0x0;
	s0 =	rddreg [dreg:$0x2]  }
0x95: {  	s0 =	sadd.s32 @!p0 $0x100000, s0  }
0x96: {  	[sflag:s0] =	ssyncadd.tile.s32 @!p0 $0x1;
	_ =	shalt  }
.Lfunc_end2:
_tile_overlayer_lowered:
.L_overlay_start_2:
0x97: {  	(tag) =	ssettag $0x2  }
0x98: {  	s0 =	rddreg [dreg:$0x0];
	s2 =	stileid.u32  }
0x99: {  	s1 =	rddreg [dreg:$0x1];
	p0 =	sne.s32 s2, $0x0  }
0x9a: {  	s3 =	rddreg [dreg:$0x2];
	[bflag:$0x3] =	sbarrier.arrive $0xFFFF;
	s2 =	simm.s32 @!p0 $0x1C05  }
0x9b: {  	[timem:s3], [sflag:s2] =	dma.local @!p0 [hbm:s0], s1  }
0x9c: {  	s0 =	simm.s32 @!p0 $0x5  }
0x9d: {  	_ =	swait.ge @!p0 [sflag:s0], s1  }
0x9e: {  	s1 =	ssub.s32 @!p0 $0x0, s1;
	[sflag:s0] =	ssyncset.done @!p0 $0x0  }
0x9f: {  	[sflag:s0] =	ssyncadd.s32 @!p0 s1  }
0xa0: {  	[bflag:$0x3] =	sbarrier.arrive $0xFFFF  }
0xa1: {  	_ =	shalt  }

</sc_bundles>
